<compile_context>
chip_gen: v7x
topology: tpu7x:2x2x1
jax: 0.10.2.dev20260603
libtpu: 0.0.44.dev20260713+nightly
codegen_flags: <defaults>
</compile_context>

<pallas_src>
import functools

import jax
import jax.numpy as jnp
from jax import lax
from jax.experimental import pallas as pl
from jax.experimental.pallas import tpu as pltpu
from jax.experimental.pallas import tpu_sc as plsc

_MAX_DISTANCE = 128
_NUM_CORES = 2
_NUM_SUBCORES = 16
_LANES = 16

_NT_COLS = 4224
_PH_STRIDE = 4232


def _bias_body(q_len, heads, tab_hbm, out_hbm, t_vmem, row8, nt8, sem):
    num_w = _NUM_CORES * _NUM_SUBCORES
    rows_per_w = q_len // num_w
    t_rows = 2 * _MAX_DISTANCE - 1
    lo_base = q_len - _MAX_DISTANCE

    sid = lax.axis_index("s")
    cid = lax.axis_index("c")
    wid = sid * _NUM_CORES + cid

    pltpu.sync_copy(tab_hbm, t_vmem)

    hi_vec = plsc.load_gather(
        t_vmem, [jnp.full((_LANES,), (t_rows - 1) * heads + sid, jnp.int32)])
    lo_vec = plsc.load_gather(
        t_vmem, [jnp.full((_LANES,), sid, jnp.int32)])
    lane = lax.iota(jnp.int32, _LANES)

    for p in range(8):
        base = p * _PH_STRIDE

        def left_body(k, carry, base=base):
            off = base + k * 128
            for u in range(8):
                row8[pl.ds(off + u * _LANES, _LANES)] = hi_vec
            return carry

        lax.fori_loop(0, 15, left_body, 0)

        for c in range(16):
            t_idx = jnp.maximum(t_rows - 1 - (c * _LANES + lane), 0)
            vals = plsc.load_gather(t_vmem, [t_idx * heads + sid])
            row8[pl.ds(base + lo_base - p + c * _LANES, _LANES)] = vals

        rstart = base + lo_base + 256 - p

        def right_body(k, carry, rstart=rstart):
            off = rstart + k * 128
            for u in range(8):
                row8[pl.ds(off + u * _LANES, _LANES)] = lo_vec
            return carry

        lax.fori_loop(0, 16, right_body, 0)

    for p in range(8):
        pltpu.sync_copy(
            row8.at[pl.ds(p * _PH_STRIDE, _NT_COLS)], nt8.at[p, sid])

    plsc.subcore_barrier()

    row0 = wid * rows_per_w

    def emit(r, carry):
        i = row0 + r
        s = q_len - 1 - i
        p = lax.bitwise_and(s, 7)
        sal = s - p
        handles = []
        for ht in range(2):
            for jt in range(16):
                src = nt8.at[
                    p,
                    pl.ds(ht * 8, 8),
                    pl.ds(pl.multiple_of(sal + jt * 128, 8), 128)]
                dst = out_hbm.at[i, pl.ds(ht * 128 + jt * 8, 8), :]
                handles.append(pltpu.async_copy(src, dst, sem))
        for h_ in handles:
            h_.wait()
        return carry

    lax.fori_loop(0, rows_per_w, emit, 0)


def kernel(x, relative_attention_bias_table):
    q_len = x.shape[1]
    t_rows, heads = relative_attention_bias_table.shape
    assert t_rows == 2 * _MAX_DISTANCE - 1 and heads == _LANES
    assert q_len == 2048

    mesh = plsc.VectorSubcoreMesh(core_axis_name="c", subcore_axis_name="s")
    grid_kernel = functools.partial(
        pl.kernel,
        out_type=jax.ShapeDtypeStruct((q_len, 256, 128), jnp.float32),
        mesh=mesh,
        scratch_types=[
            pltpu.VMEM((t_rows * heads,), jnp.float32),
            pltpu.VMEM((8 * _PH_STRIDE + _LANES,), jnp.float32),
            pltpu.VMEM_SHARED((8, heads, _NT_COLS), jnp.float32),
            pltpu.SemaphoreType.DMA,
        ],
        compiler_params=pltpu.CompilerParams(
            use_tc_tiling_on_sc=False, needs_layout_passes=False),
    )(functools.partial(_bias_body, q_len, heads))

    out5 = grid_kernel(relative_attention_bias_table.reshape(-1))
    return (out5.reshape(q_len, 2, 16, 8, 128)
            .transpose(0, 2, 4, 1, 3)
            .reshape(q_len, q_len, heads))

# --- scband reference (transcript-rebuilt; emitter-appended) ---
"""Pipeline reference for scband-relative-position-bias-31817117729356 (READ-ONLY COPY).

The authoritative reference and input builder live on the scoring server;
editing this copy changes nothing except your own understanding.
"""

import jax, jax.numpy as jnp
import numpy as np

NUM_HEADS = 16
MAX_DISTANCE = 128

def setup_inputs(seed: int = 0) -> dict:
    key = jax.random.key(seed)
    k1, k2 = jax.random.split(key)
    x = jax.random.normal(k1, (2, 2048, 1024), dtype=jnp.float32)
    # Layer initializes the table to zeros; use small random values so the
    # gather is numerically meaningful while staying faithful to shapes.
    relative_attention_bias_table = jax.random.normal(k2, (2 * MAX_DISTANCE - 1, NUM_HEADS), dtype=jnp.float32) * 0.02
    return {"x": x, "relative_attention_bias_table": relative_attention_bias_table}

def reference(x, relative_attention_bias_table):
    q_len = x.shape[1]
    k_len = x.shape[1]
    relative_position = jnp.arange(q_len)[:, None] - jnp.arange(k_len)[None, :]
    relative_position_clipped = jnp.clip(relative_position, -MAX_DISTANCE + 1, MAX_DISTANCE - 1)
    idx = relative_position_clipped + MAX_DISTANCE - 1
    relative_position_bias = jnp.take(relative_attention_bias_table, idx, axis=0)
    return relative_position_bias

if __name__ == "__main__":
    import jax
    _d = setup_inputs()
    print(jax.jit(kernel)(*tuple(_d.values())))

</pallas_src>

<mosaic_0001>
#map = affine_map<(d0, d1) -> (0)>
#map1 = affine_map<(d0, d1) -> (0, 0, 0)>
module attributes {stable_mosaic.version = 14 : i64} {
  func.func @_bias_body(%arg0: i32, %arg1: i32, %arg2: memref<4080xf32, #tpu.memory_space<hbm>>, %arg3: memref<2048x256x128xf32, #tpu.memory_space<hbm>>, %arg4: memref<4080xf32, #tpu.memory_space<vmem>>, %arg5: memref<33872xf32, #tpu.memory_space<vmem>>, %arg6: memref<8x16x4224xf32, #tpu.memory_space<vmem_shared>>, %arg7: memref<!tpu.dma_semaphore, #tpu.memory_space<semaphore_mem>>) attributes {dimension_semantics = [#tpu.dimension_semantics<core_parallel>, #tpu.dimension_semantics<subcore_parallel>], iteration_bounds = array<i64: 2, 16>, scalar_prefetch = 0 : i64, scratch_operands = 4 : i64, tpu.core_type = #tpu.core_type<sc_vector_subcore>, window_params = [{transform_indices = #map}, {transform_indices = #map1}]} {
    %mul3A = arith.constant 2 : i32
    %mul3A_0 = arith.muli %arg1, %mul3A : i32
    %add3A = arith.addi %mul3A_0, %arg0 : i32
    "tpu.region"() ({
      %run_scoped3A_2288 = tpu.sem_alloc : memref<!tpu.dma_semaphore, #tpu.memory_space<semaphore_mem>>
      tpu.enqueue_dma source(%arg2 : memref<4080xf32, #tpu.memory_space<hbm>>) target(%arg4 : memref<4080xf32, #tpu.memory_space<vmem>>) target_semaphore(%run_scoped3A_2288 : memref<!tpu.dma_semaphore, #tpu.memory_space<semaphore_mem>>)
      tpu.wait_dma2 semaphore(%run_scoped3A_2288 : memref<!tpu.dma_semaphore, #tpu.memory_space<semaphore_mem>>) src(%arg2 : memref<4080xf32, #tpu.memory_space<hbm>>) dst(%arg4 : memref<4080xf32, #tpu.memory_space<vmem>>)
      tpu.yield
    }) : () -> ()
    %add3A_1 = arith.constant 4064 : i32
    %add3A_2 = arith.addi %add3A_1, %arg1 : i32
    %broadcast_in_dim3A = vector.broadcast %add3A_2 : i32 to vector<16xi32>
    %gather3A = tpu.vector_load_idx %arg4[%broadcast_in_dim3A] : memref<4080xf32, #tpu.memory_space<vmem>>[vector<16xi32>], vector<16xf32>,
    %broadcast_in_dim3A_3 = vector.broadcast %arg1 : i32 to vector<16xi32>
    %gather3A_4 = tpu.vector_load_idx %arg4[%broadcast_in_dim3A_3] : memref<4080xf32, #tpu.memory_space<vmem>>[vector<16xi32>], vector<16xf32>,
    %iota3A = tpu.iota {dimensions = array<i32: 0>} : vector<16xi32>
    %scan3A = arith.constant 0 : i32
    %scan3A_5 = arith.constant 0 : i32
    %scan3A_6 = arith.constant 15 : i32
    %scan3A_7 = arith.addi %scan3A_5, %scan3A_6 : i32
    %scan3A_8 = arith.constant 1 : i32
    scf.for %scan3A_2288 = %scan3A_5 to %scan3A_7 step %scan3A_8  : i32 {
      %mul3A_2289 = arith.constant 128 : i32
      %mul3A_2290 = arith.muli %scan3A_2288, %mul3A_2289 : i32
      %add3A_2291 = arith.constant 0 : i32
      %add3A_2292 = arith.addi %add3A_2291, %mul3A_2290 : i32
      %add3A_2293 = arith.constant 0 : i32
      %add3A_2294 = arith.addi %add3A_2292, %add3A_2293 : i32
      %swap3A_2295 = arith.index_cast %add3A_2294 : i32 to index
      %swap3A_2296 = tpu.vector_load %arg5[%swap3A_2295] {strides = array<i32>} : memref<33872xf32, #tpu.memory_space<vmem>>, vector<16xf32>,
      tpu.vector_store %arg5[%swap3A_2295], %gather3A {strides = array<i32>} : memref<33872xf32, #tpu.memory_space<vmem>>, vector<16xf32>,
      %add3A_2297 = arith.constant 16 : i32
      %add3A_2298 = arith.addi %add3A_2292, %add3A_2297 : i32
      %swap3A_2299 = arith.index_cast %add3A_2298 : i32 to index
      %swap3A_2300 = tpu.vector_load %arg5[%swap3A_2299] {strides = array<i32>} : memref<33872xf32, #tpu.memory_space<vmem>>, vector<16xf32>,
      tpu.vector_store %arg5[%swap3A_2299], %gather3A {strides = array<i32>} : memref<33872xf32, #tpu.memory_space<vmem>>, vector<16xf32>,
      %add3A_2301 = arith.constant 32 : i32
      %add3A_2302 = arith.addi %add3A_2292, %add3A_2301 : i32
      %swap3A_2303 = arith.index_cast %add3A_2302 : i32 to index
      %swap3A_2304 = tpu.vector_load %arg5[%swap3A_2303] {strides = array<i32>} : memref<33872xf32, #tpu.memory_space<vmem>>, vector<16xf32>,
      tpu.vector_store %arg5[%swap3A_2303], %gather3A {strides = array<i32>} : memref<33872xf32, #tpu.memory_space<vmem>>, vector<16xf32>,
      %add3A_2305 = arith.constant 48 : i32
      %add3A_2306 = arith.addi %add3A_2292, %add3A_2305 : i32
      %swap3A_2307 = arith.index_cast %add3A_2306 : i32 to index
      %swap3A_2308 = tpu.vector_load %arg5[%swap3A_2307] {strides = array<i32>} : memref<33872xf32, #tpu.memory_space<vmem>>, vector<16xf32>,
      tpu.vector_store %arg5[%swap3A_2307], %gather3A {strides = array<i32>} : memref<33872xf32, #tpu.memory_space<vmem>>, vector<16xf32>,
      %add3A_2309 = arith.constant 64 : i32
      %add3A_2310 = arith.addi %add3A_2292, %add3A_2309 : i32
      %swap3A_2311 = arith.index_cast %add3A_2310 : i32 to index
      %swap3A_2312 = tpu.vector_load %arg5[%swap3A_2311] {strides = array<i32>} : memref<33872xf32, #tpu.memory_space<vmem>>, vector<16xf32>,
      tpu.vector_store %arg5[%swap3A_2311], %gather3A {strides = array<i32>} : memref<33872xf32, #tpu.memory_space<vmem>>, vector<16xf32>,
      %add3A_2313 = arith.constant 80 : i32
      %add3A_2314 = arith.addi %add3A_2292, %add3A_2313 : i32
      %swap3A_2315 = arith.index_cast %add3A_2314 : i32 to index
      %swap3A_2316 = tpu.vector_load %arg5[%swap3A_2315] {strides = array<i32>} : memref<33872xf32, #tpu.memory_space<vmem>>, vector<16xf32>,
      tpu.vector_store %arg5[%swap3A_2315], %gather3A {strides = array<i32>} : memref<33872xf32, #tpu.memory_space<vmem>>, vector<16xf32>,
      %add3A_2317 = arith.constant 96 : i32
      %add3A_2318 = arith.addi %add3A_2292, %add3A_2317 : i32
      %swap3A_2319 = arith.index_cast %add3A_2318 : i32 to index
      %swap3A_2320 = tpu.vector_load %arg5[%swap3A_2319] {strides = array<i32>} : memref<33872xf32, #tpu.memory_space<vmem>>, vector<16xf32>,
      tpu.vector_store %arg5[%swap3A_2319], %gather3A {strides = array<i32>} : memref<33872xf32, #tpu.memory_space<vmem>>, vector<16xf32>,
      %add3A_2321 = arith.constant 112 : i32
      %add3A_2322 = arith.addi %add3A_2292, %add3A_2321 : i32
      %swap3A_2323 = arith.index_cast %add3A_2322 : i32 to index
      %swap3A_2324 = tpu.vector_load %arg5[%swap3A_2323] {strides = array<i32>} : memref<33872xf32, #tpu.memory_space<vmem>>, vector<16xf32>,
      tpu.vector_store %arg5[%swap3A_2323], %gather3A {strides = array<i32>} : memref<33872xf32, #tpu.memory_space<vmem>>, vector<16xf32>,
    }
    %scan3A_9 = arith.constant 15 : i32
    %add3A_10 = arith.constant 0 : i32
    %add3A_11 = vector.broadcast %add3A_10 : i32 to vector<16xi32>
    %add3A_12 = arith.addi %add3A_11, %iota3A : vector<16xi32>
    %sub3A = arith.constant 254 : i32
    %sub3A_13 = vector.broadcast %sub3A : i32 to vector<16xi32>
    %sub3A_14 = arith.subi %sub3A_13, %add3A_12 : vector<16xi32>
    %max3A = arith.constant 0 : i32
    %max3A_15 = vector.broadcast %max3A : i32 to vector<16xi32>
    %max3A_16 = arith.maxsi %sub3A_14, %max3A_15 : vector<16xi32>
    %mul3A_17 = arith.constant 16 : i32
    %mul3A_18 = vector.broadcast %mul3A_17 : i32 to vector<16xi32>
    %mul3A_19 = arith.muli %max3A_16, %mul3A_18 : vector<16xi32>
    %add3A_20 = vector.broadcast %arg1 : i32 to vector<16xi32>
    %add3A_21 = arith.addi %mul3A_19, %add3A_20 : vector<16xi32>
    %gather3A_22 = tpu.vector_load_idx %arg4[%add3A_21] : memref<4080xf32, #tpu.memory_space<vmem>>[vector<16xi32>], vector<16xf32>,
    %swap3A = arith.constant 1920 : index
    %swap3A_23 = tpu.vector_load %arg5[%swap3A] {strides = array<i32>} : memref<33872xf32, #tpu.memory_space<vmem>>, vector<16xf32>,
    tpu.vector_store %arg5[%swap3A], %gather3A_22 {strides = array<i32>} : memref<33872xf32, #tpu.memory_space<vmem>>, vector<16xf32>,
    %add3A_24 = arith.constant 16 : i32
    %add3A_25 = vector.broadcast %add3A_24 : i32 to vector<16xi32>
    %add3A_26 = arith.addi %add3A_25, %iota3A : vector<16xi32>
    %sub3A_27 = arith.constant 254 : i32
    %sub3A_28 = vector.broadcast %sub3A_27 : i32 to vector<16xi32>
    %sub3A_29 = arith.subi %sub3A_28, %add3A_26 : vector<16xi32>
    %max3A_30 = arith.constant 0 : i32
    %max3A_31 = vector.broadcast %max3A_30 : i32 to vector<16xi32>
    %max3A_32 = arith.maxsi %sub3A_29, %max3A_31 : vector<16xi32>
    %mul3A_33 = arith.constant 16 : i32
    %mul3A_34 = vector.broadcast %mul3A_33 : i32 to vector<16xi32>
    %mul3A_35 = arith.muli %max3A_32, %mul3A_34 : vector<16xi32>
    %add3A_36 = vector.broadcast %arg1 : i32 to vector<16xi32>
    %add3A_37 = arith.addi %mul3A_35, %add3A_36 : vector<16xi32>
    %gather3A_38 = tpu.vector_load_idx %arg4[%add3A_37] : memref<4080xf32, #tpu.memory_space<vmem>>[vector<16xi32>], vector<16xf32>,
    %swap3A_39 = arith.constant 1936 : index
    %swap3A_40 = tpu.vector_load %arg5[%swap3A_39] {strides = array<i32>} : memref<33872xf32, #tpu.memory_space<vmem>>, vector<16xf32>,
    tpu.vector_store %arg5[%swap3A_39], %gather3A_38 {strides = array<i32>} : memref<33872xf32, #tpu.memory_space<vmem>>, vector<16xf32>,
    %add3A_41 = arith.constant 32 : i32
    %add3A_42 = vector.broadcast %add3A_41 : i32 to vector<16xi32>
    %add3A_43 = arith.addi %add3A_42, %iota3A : vector<16xi32>
    %sub3A_44 = arith.constant 254 : i32
    %sub3A_45 = vector.broadcast %sub3A_44 : i32 to vector<16xi32>
    %sub3A_46 = arith.subi %sub3A_45, %add3A_43 : vector<16xi32>
    %max3A_47 = arith.constant 0 : i32
    %max3A_48 = vector.broadcast %max3A_47 : i32 to vector<16xi32>
    %max3A_49 = arith.maxsi %sub3A_46, %max3A_48 : vector<16xi32>
    %mul3A_50 = arith.constant 16 : i32
    %mul3A_51 = vector.broadcast %mul3A_50 : i32 to vector<16xi32>
    %mul3A_52 = arith.muli %max3A_49, %mul3A_51 : vector<16xi32>
    %add3A_53 = vector.broadcast %arg1 : i32 to vector<16xi32>
    %add3A_54 = arith.addi %mul3A_52, %add3A_53 : vector<16xi32>
    %gather3A_55 = tpu.vector_load_idx %arg4[%add3A_54] : memref<4080xf32, #tpu.memory_space<vmem>>[vector<16xi32>], vector<16xf32>,
    %swap3A_56 = arith.constant 1952 : index
    %swap3A_57 = tpu.vector_load %arg5[%swap3A_56] {strides = array<i32>} : memref<33872xf32, #tpu.memory_space<vmem>>, vector<16xf32>,
    tpu.vector_store %arg5[%swap3A_56], %gather3A_55 {strides = array<i32>} : memref<33872xf32, #tpu.memory_space<vmem>>, vector<16xf32>,
    %add3A_58 = arith.constant 48 : i32
    %add3A_59 = vector.broadcast %add3A_58 : i32 to vector<16xi32>
    %add3A_60 = arith.addi %add3A_59, %iota3A : vector<16xi32>
    %sub3A_61 = arith.constant 254 : i32
    %sub3A_62 = vector.broadcast %sub3A_61 : i32 to vector<16xi32>
    %sub3A_63 = arith.subi %sub3A_62, %add3A_60 : vector<16xi32>
    %max3A_64 = arith.constant 0 : i32
    %max3A_65 = vector.broadcast %max3A_64 : i32 to vector<16xi32>
    %max3A_66 = arith.maxsi %sub3A_63, %max3A_65 : vector<16xi32>
    %mul3A_67 = arith.constant 16 : i32
    %mul3A_68 = vector.broadcast %mul3A_67 : i32 to vector<16xi32>
    %mul3A_69 = arith.muli %max3A_66, %mul3A_68 : vector<16xi32>
    %add3A_70 = vector.broadcast %arg1 : i32 to vector<16xi32>
    %add3A_71 = arith.addi %mul3A_69, %add3A_70 : vector<16xi32>
    %gather3A_72 = tpu.vector_load_idx %arg4[%add3A_71] : memref<4080xf32, #tpu.memory_space<vmem>>[vector<16xi32>], vector<16xf32>,
    %swap3A_73 = arith.constant 1968 : index
    %swap3A_74 = tpu.vector_load %arg5[%swap3A_73] {strides = array<i32>} : memref<33872xf32, #tpu.memory_space<vmem>>, vector<16xf32>,
    tpu.vector_store %arg5[%swap3A_73], %gather3A_72 {strides = array<i32>} : memref<33872xf32, #tpu.memory_space<vmem>>, vector<16xf32>,
    %add3A_75 = arith.constant 64 : i32
    %add3A_76 = vector.broadcast %add3A_75 : i32 to vector<16xi32>
    %add3A_77 = arith.addi %add3A_76, %iota3A : vector<16xi32>
    %sub3A_78 = arith.constant 254 : i32
    %sub3A_79 = vector.broadcast %sub3A_78 : i32 to vector<16xi32>
    %sub3A_80 = arith.subi %sub3A_79, %add3A_77 : vector<16xi32>
    %max3A_81 = arith.constant 0 : i32
    %max3A_82 = vector.broadcast %max3A_81 : i32 to vector<16xi32>
    %max3A_83 = arith.maxsi %sub3A_80, %max3A_82 : vector<16xi32>
    %mul3A_84 = arith.constant 16 : i32
    %mul3A_85 = vector.broadcast %mul3A_84 : i32 to vector<16xi32>
    %mul3A_86 = arith.muli %max3A_83, %mul3A_85 : vector<16xi32>
    %add3A_87 = vector.broadcast %arg1 : i32 to vector<16xi32>
    %add3A_88 = arith.addi %mul3A_86, %add3A_87 : vector<16xi32>
    %gather3A_89 = tpu.vector_load_idx %arg4[%add3A_88] : memref<4080xf32, #tpu.memory_space<vmem>>[vector<16xi32>], vector<16xf32>,
    %swap3A_90 = arith.constant 1984 : index
    %swap3A_91 = tpu.vector_load %arg5[%swap3A_90] {strides = array<i32>} : memref<33872xf32, #tpu.memory_space<vmem>>, vector<16xf32>,
    tpu.vector_store %arg5[%swap3A_90], %gather3A_89 {strides = array<i32>} : memref<33872xf32, #tpu.memory_space<vmem>>, vector<16xf32>,
    %add3A_92 = arith.constant 80 : i32
    %add3A_93 = vector.broadcast %add3A_92 : i32 to vector<16xi32>
    %add3A_94 = arith.addi %add3A_93, %iota3A : vector<16xi32>
    %sub3A_95 = arith.constant 254 : i32
    %sub3A_96 = vector.broadcast %sub3A_95 : i32 to vector<16xi32>
    %sub3A_97 = arith.subi %sub3A_96, %add3A_94 : vector<16xi32>
    %max3A_98 = arith.constant 0 : i32
    %max3A_99 = vector.broadcast %max3A_98 : i32 to vector<16xi32>
    %max3A_100 = arith.maxsi %sub3A_97, %max3A_99 : vector<16xi32>
    %mul3A_101 = arith.constant 16 : i32
    %mul3A_102 = vector.broadcast %mul3A_101 : i32 to vector<16xi32>
    %mul3A_103 = arith.muli %max3A_100, %mul3A_102 : vector<16xi32>
    %add3A_104 = vector.broadcast %arg1 : i32 to vector<16xi32>
    %add3A_105 = arith.addi %mul3A_103, %add3A_104 : vector<16xi32>
    %gather3A_106 = tpu.vector_load_idx %arg4[%add3A_105] : memref<4080xf32, #tpu.memory_space<vmem>>[vector<16xi32>], vector<16xf32>,
    %swap3A_107 = arith.constant 2000 : index
    %swap3A_108 = tpu.vector_load %arg5[%swap3A_107] {strides = array<i32>} : memref<33872xf32, #tpu.memory_space<vmem>>, vector<16xf32>,
    tpu.vector_store %arg5[%swap3A_107], %gather3A_106 {strides = array<i32>} : memref<33872xf32, #tpu.memory_space<vmem>>, vector<16xf32>,
    %add3A_109 = arith.constant 96 : i32
    %add3A_110 = vector.broadcast %add3A_109 : i32 to vector<16xi32>
    %add3A_111 = arith.addi %add3A_110, %iota3A : vector<16xi32>
    %sub3A_112 = arith.constant 254 : i32
    %sub3A_113 = vector.broadcast %sub3A_112 : i32 to vector<16xi32>
    %sub3A_114 = arith.subi %sub3A_113, %add3A_111 : vector<16xi32>
    %max3A_115 = arith.constant 0 : i32
    %max3A_116 = vector.broadcast %max3A_115 : i32 to vector<16xi32>
    %max3A_117 = arith.maxsi %sub3A_114, %max3A_116 : vector<16xi32>
    %mul3A_118 = arith.constant 16 : i32
    %mul3A_119 = vector.broadcast %mul3A_118 : i32 to vector<16xi32>
    %mul3A_120 = arith.muli %max3A_117, %mul3A_119 : vector<16xi32>
    %add3A_121 = vector.broadcast %arg1 : i32 to vector<16xi32>
    %add3A_122 = arith.addi %mul3A_120, %add3A_121 : vector<16xi32>
    %gather3A_123 = tpu.vector_load_idx %arg4[%add3A_122] : memref<4080xf32, #tpu.memory_space<vmem>>[vector<16xi32>], vector<16xf32>,
    %swap3A_124 = arith.constant 2016 : index
    %swap3A_125 = tpu.vector_load %arg5[%swap3A_124] {strides = array<i32>} : memref<33872xf32, #tpu.memory_space<vmem>>, vector<16xf32>,
    tpu.vector_store %arg5[%swap3A_124], %gather3A_123 {strides = array<i32>} : memref<33872xf32, #tpu.memory_space<vmem>>, vector<16xf32>,
    %add3A_126 = arith.constant 112 : i32
    %add3A_127 = vector.broadcast %add3A_126 : i32 to vector<16xi32>
    %add3A_128 = arith.addi %add3A_127, %iota3A : vector<16xi32>
    %sub3A_129 = arith.constant 254 : i32
    %sub3A_130 = vector.broadcast %sub3A_129 : i32 to vector<16xi32>
    %sub3A_131 = arith.subi %sub3A_130, %add3A_128 : vector<16xi32>
    %max3A_132 = arith.constant 0 : i32
    %max3A_133 = vector.broadcast %max3A_132 : i32 to vector<16xi32>
    %max3A_134 = arith.maxsi %sub3A_131, %max3A_133 : vector<16xi32>
    %mul3A_135 = arith.constant 16 : i32
    %mul3A_136 = vector.broadcast %mul3A_135 : i32 to vector<16xi32>
    %mul3A_137 = arith.muli %max3A_134, %mul3A_136 : vector<16xi32>
    %add3A_138 = vector.broadcast %arg1 : i32 to vector<16xi32>
    %add3A_139 = arith.addi %mul3A_137, %add3A_138 : vector<16xi32>
    %gather3A_140 = tpu.vector_load_idx %arg4[%add3A_139] : memref<4080xf32, #tpu.memory_space<vmem>>[vector<16xi32>], vector<16xf32>,
    %swap3A_141 = arith.constant 2032 : index
    %swap3A_142 = tpu.vector_load %arg5[%swap3A_141] {strides = array<i32>} : memref<33872xf32, #tpu.memory_space<vmem>>, vector<16xf32>,
    tpu.vector_store %arg5[%swap3A_141], %gather3A_140 {strides = array<i32>} : memref<33872xf32, #tpu.memory_space<vmem>>, vector<16xf32>,
    %add3A_143 = arith.constant 128 : i32
    %add3A_144 = vector.broadcast %add3A_143 : i32 to vector<16xi32>
    %add3A_145 = arith.addi %add3A_144, %iota3A : vector<16xi32>
    %sub3A_146 = arith.constant 254 : i32
    %sub3A_147 = vector.broadcast %sub3A_146 : i32 to vector<16xi32>
    %sub3A_148 = arith.subi %sub3A_147, %add3A_145 : vector<16xi32>
    %max3A_149 = arith.constant 0 : i32
    %max3A_150 = vector.broadcast %max3A_149 : i32 to vector<16xi32>
    %max3A_151 = arith.maxsi %sub3A_148, %max3A_150 : vector<16xi32>
    %mul3A_152 = arith.constant 16 : i32
    %mul3A_153 = vector.broadcast %mul3A_152 : i32 to vector<16xi32>
    %mul3A_154 = arith.muli %max3A_151, %mul3A_153 : vector<16xi32>
    %add3A_155 = vector.broadcast %arg1 : i32 to vector<16xi32>
    %add3A_156 = arith.addi %mul3A_154, %add3A_155 : vector<16xi32>
    %gather3A_157 = tpu.vector_load_idx %arg4[%add3A_156] : memref<4080xf32, #tpu.memory_space<vmem>>[vector<16xi32>], vector<16xf32>,
    %swap3A_158 = arith.constant 2048 : index
    %swap3A_159 = tpu.vector_load %arg5[%swap3A_158] {strides = array<i32>} : memref<33872xf32, #tpu.memory_space<vmem>>, vector<16xf32>,
    tpu.vector_store %arg5[%swap3A_158], %gather3A_157 {strides = array<i32>} : memref<33872xf32, #tpu.memory_space<vmem>>, vector<16xf32>,
    %add3A_160 = arith.constant 144 : i32
    %add3A_161 = vector.broadcast %add3A_160 : i32 to vector<16xi32>
    %add3A_162 = arith.addi %add3A_161, %iota3A : vector<16xi32>
    %sub3A_163 = arith.constant 254 : i32
    %sub3A_164 = vector.broadcast %sub3A_163 : i32 to vector<16xi32>
    %sub3A_165 = arith.subi %sub3A_164, %add3A_162 : vector<16xi32>
    %max3A_166 = arith.constant 0 : i32
    %max3A_167 = vector.broadcast %max3A_166 : i32 to vector<16xi32>
    %max3A_168 = arith.maxsi %sub3A_165, %max3A_167 : vector<16xi32>
    %mul3A_169 = arith.constant 16 : i32
    %mul3A_170 = vector.broadcast %mul3A_169 : i32 to vector<16xi32>
    %mul3A_171 = arith.muli %max3A_168, %mul3A_170 : vector<16xi32>
    %add3A_172 = vector.broadcast %arg1 : i32 to vector<16xi32>
    %add3A_173 = arith.addi %mul3A_171, %add3A_172 : vector<16xi32>
    %gather3A_174 = tpu.vector_load_idx %arg4[%add3A_173] : memref<4080xf32, #tpu.memory_space<vmem>>[vector<16xi32>], vector<16xf32>,
    %swap3A_175 = arith.constant 2064 : index
    %swap3A_176 = tpu.vector_load %arg5[%swap3A_175] {strides = array<i32>} : memref<33872xf32, #tpu.memory_space<vmem>>, vector<16xf32>,
    tpu.vector_store %arg5[%swap3A_175], %gather3A_174 {strides = array<i32>} : memref<33872xf32, #tpu.memory_space<vmem>>, vector<16xf32>,
    %add3A_177 = arith.constant 160 : i32
    %add3A_178 = vector.broadcast %add3A_177 : i32 to vector<16xi32>
    %add3A_179 = arith.addi %add3A_178, %iota3A : vector<16xi32>
    %sub3A_180 = arith.constant 254 : i32
    %sub3A_181 = vector.broadcast %sub3A_180 : i32 to vector<16xi32>
    %sub3A_182 = arith.subi %sub3A_181, %add3A_179 : vector<16xi32>
    %max3A_183 = arith.constant 0 : i32
    %max3A_184 = vector.broadcast %max3A_183 : i32 to vector<16xi32>
    %max3A_185 = arith.maxsi %sub3A_182, %max3A_184 : vector<16xi32>
    %mul3A_186 = arith.constant 16 : i32
    %mul3A_187 = vector.broadcast %mul3A_186 : i32 to vector<16xi32>
    %mul3A_188 = arith.muli %max3A_185, %mul3A_187 : vector<16xi32>
    %add3A_189 = vector.broadcast %arg1 : i32 to vector<16xi32>
    %add3A_190 = arith.addi %mul3A_188, %add3A_189 : vector<16xi32>
    %gather3A_191 = tpu.vector_load_idx %arg4[%add3A_190] : memref<4080xf32, #tpu.memory_space<vmem>>[vector<16xi32>], vector<16xf32>,
    %swap3A_192 = arith.constant 2080 : index
    %swap3A_193 = tpu.vector_load %arg5[%swap3A_192] {strides = array<i32>} : memref<33872xf32, #tpu.memory_space<vmem>>, vector<16xf32>,
    tpu.vector_store %arg5[%swap3A_192], %gather3A_191 {strides = array<i32>} : memref<33872xf32, #tpu.memory_space<vmem>>, vector<16xf32>,
    %add3A_194 = arith.constant 176 : i32
    %add3A_195 = vector.broadcast %add3A_194 : i32 to vector<16xi32>
    %add3A_196 = arith.addi %add3A_195, %iota3A : vector<16xi32>
    %sub3A_197 = arith.constant 254 : i32
    %sub3A_198 = vector.broadcast %sub3A_197 : i32 to vector<16xi32>
    %sub3A_199 = arith.subi %sub3A_198, %add3A_196 : vector<16xi32>
    %max3A_200 = arith.constant 0 : i32
    %max3A_201 = vector.broadcast %max3A_200 : i32 to vector<16xi32>
    %max3A_202 = arith.maxsi %sub3A_199, %max3A_201 : vector<16xi32>
    %mul3A_203 = arith.constant 16 : i32
    %mul3A_204 = vector.broadcast %mul3A_203 : i32 to vector<16xi32>
    %mul3A_205 = arith.muli %max3A_202, %mul3A_204 : vector<16xi32>
    %add3A_206 = vector.broadcast %arg1 : i32 to vector<16xi32>
    %add3A_207 = arith.addi %mul3A_205, %add3A_206 : vector<16xi32>
    %gather3A_208 = tpu.vector_load_idx %arg4[%add3A_207] : memref<4080xf32, #tpu.memory_space<vmem>>[vector<16xi32>], vector<16xf32>,
    %swap3A_209 = arith.constant 2096 : index
    %swap3A_210 = tpu.vector_load %arg5[%swap3A_209] {strides = array<i32>} : memref<33872xf32, #tpu.memory_space<vmem>>, vector<16xf32>,
    tpu.vector_store %arg5[%swap3A_209], %gather3A_208 {strides = array<i32>} : memref<33872xf32, #tpu.memory_space<vmem>>, vector<16xf32>,
    %add3A_211 = arith.constant 192 : i32
    %add3A_212 = vector.broadcast %add3A_211 : i32 to vector<16xi32>
    %add3A_213 = arith.addi %add3A_212, %iota3A : vector<16xi32>
    %sub3A_214 = arith.constant 254 : i32
    %sub3A_215 = vector.broadcast %sub3A_214 : i32 to vector<16xi32>
    %sub3A_216 = arith.subi %sub3A_215, %add3A_213 : vector<16xi32>
    %max3A_217 = arith.constant 0 : i32
    %max3A_218 = vector.broadcast %max3A_217 : i32 to vector<16xi32>
    %max3A_219 = arith.maxsi %sub3A_216, %max3A_218 : vector<16xi32>
    %mul3A_220 = arith.constant 16 : i32
    %mul3A_221 = vector.broadcast %mul3A_220 : i32 to vector<16xi32>
    %mul3A_222 = arith.muli %max3A_219, %mul3A_221 : vector<16xi32>
    %add3A_223 = vector.broadcast %arg1 : i32 to vector<16xi32>
    %add3A_224 = arith.addi %mul3A_222, %add3A_223 : vector<16xi32>
    %gather3A_225 = tpu.vector_load_idx %arg4[%add3A_224] : memref<4080xf32, #tpu.memory_space<vmem>>[vector<16xi32>], vector<16xf32>,
    %swap3A_226 = arith.constant 2112 : index
    %swap3A_227 = tpu.vector_load %arg5[%swap3A_226] {strides = array<i32>} : memref<33872xf32, #tpu.memory_space<vmem>>, vector<16xf32>,
    tpu.vector_store %arg5[%swap3A_226], %gather3A_225 {strides = array<i32>} : memref<33872xf32, #tpu.memory_space<vmem>>, vector<16xf32>,
    %add3A_228 = arith.constant 208 : i32
    %add3A_229 = vector.broadcast %add3A_228 : i32 to vector<16xi32>
    %add3A_230 = arith.addi %add3A_229, %iota3A : vector<16xi32>
    %sub3A_231 = arith.constant 254 : i32
    %sub3A_232 = vector.broadcast %sub3A_231 : i32 to vector<16xi32>
    %sub3A_233 = arith.subi %sub3A_232, %add3A_230 : vector<16xi32>
    %max3A_234 = arith.constant 0 : i32
    %max3A_235 = vector.broadcast %max3A_234 : i32 to vector<16xi32>
    %max3A_236 = arith.maxsi %sub3A_233, %max3A_235 : vector<16xi32>
    %mul3A_237 = arith.constant 16 : i32
    %mul3A_238 = vector.broadcast %mul3A_237 : i32 to vector<16xi32>
    %mul3A_239 = arith.muli %max3A_236, %mul3A_238 : vector<16xi32>
    %add3A_240 = vector.broadcast %arg1 : i32 to vector<16xi32>
    %add3A_241 = arith.addi %mul3A_239, %add3A_240 : vector<16xi32>
    %gather3A_242 = tpu.vector_load_idx %arg4[%add3A_241] : memref<4080xf32, #tpu.memory_space<vmem>>[vector<16xi32>], vector<16xf32>,
    %swap3A_243 = arith.constant 2128 : index
    %swap3A_244 = tpu.vector_load %arg5[%swap3A_243] {strides = array<i32>} : memref<33872xf32, #tpu.memory_space<vmem>>, vector<16xf32>,
    tpu.vector_store %arg5[%swap3A_243], %gather3A_242 {strides = array<i32>} : memref<33872xf32, #tpu.memory_space<vmem>>, vector<16xf32>,
    %add3A_245 = arith.constant 224 : i32
    %add3A_246 = vector.broadcast %add3A_245 : i32 to vector<16xi32>
    %add3A_247 = arith.addi %add3A_246, %iota3A : vector<16xi32>
    %sub3A_248 = arith.constant 254 : i32
    %sub3A_249 = vector.broadcast %sub3A_248 : i32 to vector<16xi32>
    %sub3A_250 = arith.subi %sub3A_249, %add3A_247 : vector<16xi32>
    %max3A_251 = arith.constant 0 : i32
    %max3A_252 = vector.broadcast %max3A_251 : i32 to vector<16xi32>
    %max3A_253 = arith.maxsi %sub3A_250, %max3A_252 : vector<16xi32>
    %mul3A_254 = arith.constant 16 : i32
    %mul3A_255 = vector.broadcast %mul3A_254 : i32 to vector<16xi32>
    %mul3A_256 = arith.muli %max3A_253, %mul3A_255 : vector<16xi32>
    %add3A_257 = vector.broadcast %arg1 : i32 to vector<16xi32>
    %add3A_258 = arith.addi %mul3A_256, %add3A_257 : vector<16xi32>
    %gather3A_259 = tpu.vector_load_idx %arg4[%add3A_258] : memref<4080xf32, #tpu.memory_space<vmem>>[vector<16xi32>], vector<16xf32>,
    %swap3A_260 = arith.constant 2144 : index
    %swap3A_261 = tpu.vector_load %arg5[%swap3A_260] {strides = array<i32>} : memref<33872xf32, #tpu.memory_space<vmem>>, vector<16xf32>,
    tpu.vector_store %arg5[%swap3A_260], %gather3A_259 {strides = array<i32>} : memref<33872xf32, #tpu.memory_space<vmem>>, vector<16xf32>,
    %add3A_262 = arith.constant 240 : i32
    %add3A_263 = vector.broadcast %add3A_262 : i32 to vector<16xi32>
    %add3A_264 = arith.addi %add3A_263, %iota3A : vector<16xi32>
    %sub3A_265 = arith.constant 254 : i32
    %sub3A_266 = vector.broadcast %sub3A_265 : i32 to vector<16xi32>
    %sub3A_267 = arith.subi %sub3A_266, %add3A_264 : vector<16xi32>
    %max3A_268 = arith.constant 0 : i32
    %max3A_269 = vector.broadcast %max3A_268 : i32 to vector<16xi32>
    %max3A_270 = arith.maxsi %sub3A_267, %max3A_269 : vector<16xi32>
    %mul3A_271 = arith.constant 16 : i32
    %mul3A_272 = vector.broadcast %mul3A_271 : i32 to vector<16xi32>
    %mul3A_273 = arith.muli %max3A_270, %mul3A_272 : vector<16xi32>
    %add3A_274 = vector.broadcast %arg1 : i32 to vector<16xi32>
    %add3A_275 = arith.addi %mul3A_273, %add3A_274 : vector<16xi32>
    %gather3A_276 = tpu.vector_load_idx %arg4[%add3A_275] : memref<4080xf32, #tpu.memory_space<vmem>>[vector<16xi32>], vector<16xf32>,
    %swap3A_277 = arith.constant 2160 : index
    %swap3A_278 = tpu.vector_load %arg5[%swap3A_277] {strides = array<i32>} : memref<33872xf32, #tpu.memory_space<vmem>>, vector<16xf32>,
    tpu.vector_store %arg5[%swap3A_277], %gather3A_276 {strides = array<i32>} : memref<33872xf32, #tpu.memory_space<vmem>>, vector<16xf32>,
    %scan3A_279 = arith.constant 0 : i32
    %scan3A_280 = arith.constant 0 : i32
    %scan3A_281 = arith.constant 16 : i32
    %scan3A_282 = arith.addi %scan3A_280, %scan3A_281 : i32
    %scan3A_283 = arith.constant 1 : i32
    scf.for %scan3A_2288 = %scan3A_280 to %scan3A_282 step %scan3A_283  : i32 {
      %mul3A_2289 = arith.constant 128 : i32
      %mul3A_2290 = arith.muli %scan3A_2288, %mul3A_2289 : i32
      %add3A_2291 = arith.constant 2176 : i32
      %add3A_2292 = arith.addi %add3A_2291, %mul3A_2290 : i32
      %add3A_2293 = arith.constant 0 : i32
      %add3A_2294 = arith.addi %add3A_2292, %add3A_2293 : i32
      %swap3A_2295 = arith.index_cast %add3A_2294 : i32 to index
      %swap3A_2296 = tpu.vector_load %arg5[%swap3A_2295] {strides = array<i32>} : memref<33872xf32, #tpu.memory_space<vmem>>, vector<16xf32>,
      tpu.vector_store %arg5[%swap3A_2295], %gather3A_4 {strides = array<i32>} : memref<33872xf32, #tpu.memory_space<vmem>>, vector<16xf32>,
      %add3A_2297 = arith.constant 16 : i32
      %add3A_2298 = arith.addi %add3A_2292, %add3A_2297 : i32
      %swap3A_2299 = arith.index_cast %add3A_2298 : i32 to index
      %swap3A_2300 = tpu.vector_load %arg5[%swap3A_2299] {strides = array<i32>} : memref<33872xf32, #tpu.memory_space<vmem>>, vector<16xf32>,
      tpu.vector_store %arg5[%swap3A_2299], %gather3A_4 {strides = array<i32>} : memref<33872xf32, #tpu.memory_space<vmem>>, vector<16xf32>,
      %add3A_2301 = arith.constant 32 : i32
      %add3A_2302 = arith.addi %add3A_2292, %add3A_2301 : i32
      %swap3A_2303 = arith.index_cast %add3A_2302 : i32 to index
      %swap3A_2304 = tpu.vector_load %arg5[%swap3A_2303] {strides = array<i32>} : memref<33872xf32, #tpu.memory_space<vmem>>, vector<16xf32>,
      tpu.vector_store %arg5[%swap3A_2303], %gather3A_4 {strides = array<i32>} : memref<33872xf32, #tpu.memory_space<vmem>>, vector<16xf32>,
      %add3A_2305 = arith.constant 48 : i32
      %add3A_2306 = arith.addi %add3A_2292, %add3A_2305 : i32
      %swap3A_2307 = arith.index_cast %add3A_2306 : i32 to index
      %swap3A_2308 = tpu.vector_load %arg5[%swap3A_2307] {strides = array<i32>} : memref<33872xf32, #tpu.memory_space<vmem>>, vector<16xf32>,
      tpu.vector_store %arg5[%swap3A_2307], %gather3A_4 {strides = array<i32>} : memref<33872xf32, #tpu.memory_space<vmem>>, vector<16xf32>,
      %add3A_2309 = arith.constant 64 : i32
      %add3A_2310 = arith.addi %add3A_2292, %add3A_2309 : i32
      %swap3A_2311 = arith.index_cast %add3A_2310 : i32 to index
      %swap3A_2312 = tpu.vector_load %arg5[%swap3A_2311] {strides = array<i32>} : memref<33872xf32, #tpu.memory_space<vmem>>, vector<16xf32>,
      tpu.vector_store %arg5[%swap3A_2311], %gather3A_4 {strides = array<i32>} : memref<33872xf32, #tpu.memory_space<vmem>>, vector<16xf32>,
      %add3A_2313 = arith.constant 80 : i32
      %add3A_2314 = arith.addi %add3A_2292, %add3A_2313 : i32
      %swap3A_2315 = arith.index_cast %add3A_2314 : i32 to index
      %swap3A_2316 = tpu.vector_load %arg5[%swap3A_2315] {strides = array<i32>} : memref<33872xf32, #tpu.memory_space<vmem>>, vector<16xf32>,
      tpu.vector_store %arg5[%swap3A_2315], %gather3A_4 {strides = array<i32>} : memref<33872xf32, #tpu.memory_space<vmem>>, vector<16xf32>,
      %add3A_2317 = arith.constant 96 : i32
      %add3A_2318 = arith.addi %add3A_2292, %add3A_2317 : i32
      %swap3A_2319 = arith.index_cast %add3A_2318 : i32 to index
      %swap3A_2320 = tpu.vector_load %arg5[%swap3A_2319] {strides = array<i32>} : memref<33872xf32, #tpu.memory_space<vmem>>, vector<16xf32>,
      tpu.vector_store %arg5[%swap3A_2319], %gather3A_4 {strides = array<i32>} : memref<33872xf32, #tpu.memory_space<vmem>>, vector<16xf32>,
      %add3A_2321 = arith.constant 112 : i32
      %add3A_2322 = arith.addi %add3A_2292, %add3A_2321 : i32
      %swap3A_2323 = arith.index_cast %add3A_2322 : i32 to index
      %swap3A_2324 = tpu.vector_load %arg5[%swap3A_2323] {strides = array<i32>} : memref<33872xf32, #tpu.memory_space<vmem>>, vector<16xf32>,
      tpu.vector_store %arg5[%swap3A_2323], %gather3A_4 {strides = array<i32>} : memref<33872xf32, #tpu.memory_space<vmem>>, vector<16xf32>,
    }
    %scan3A_284 = arith.constant 16 : i32
    %scan3A_285 = arith.constant 0 : i32
    %scan3A_286 = arith.constant 0 : i32
    %scan3A_287 = arith.constant 15 : i32
    %scan3A_288 = arith.addi %scan3A_286, %scan3A_287 : i32
    %scan3A_289 = arith.constant 1 : i32
    scf.for %scan3A_2288 = %scan3A_286 to %scan3A_288 step %scan3A_289  : i32 {
      %mul3A_2289 = arith.constant 128 : i32
      %mul3A_2290 = arith.muli %scan3A_2288, %mul3A_2289 : i32
      %add3A_2291 = arith.constant 4232 : i32
      %add3A_2292 = arith.addi %add3A_2291, %mul3A_2290 : i32
      %add3A_2293 = arith.constant 0 : i32
      %add3A_2294 = arith.addi %add3A_2292, %add3A_2293 : i32
      %swap3A_2295 = arith.index_cast %add3A_2294 : i32 to index
      %swap3A_2296 = tpu.vector_load %arg5[%swap3A_2295] {strides = array<i32>} : memref<33872xf32, #tpu.memory_space<vmem>>, vector<16xf32>,
      tpu.vector_store %arg5[%swap3A_2295], %gather3A {strides = array<i32>} : memref<33872xf32, #tpu.memory_space<vmem>>, vector<16xf32>,
      %add3A_2297 = arith.constant 16 : i32
      %add3A_2298 = arith.addi %add3A_2292, %add3A_2297 : i32
      %swap3A_2299 = arith.index_cast %add3A_2298 : i32 to index
      %swap3A_2300 = tpu.vector_load %arg5[%swap3A_2299] {strides = array<i32>} : memref<33872xf32, #tpu.memory_space<vmem>>, vector<16xf32>,
      tpu.vector_store %arg5[%swap3A_2299], %gather3A {strides = array<i32>} : memref<33872xf32, #tpu.memory_space<vmem>>, vector<16xf32>,
      %add3A_2301 = arith.constant 32 : i32
      %add3A_2302 = arith.addi %add3A_2292, %add3A_2301 : i32
      %swap3A_2303 = arith.index_cast %add3A_2302 : i32 to index
      %swap3A_2304 = tpu.vector_load %arg5[%swap3A_2303] {strides = array<i32>} : memref<33872xf32, #tpu.memory_space<vmem>>, vector<16xf32>,
      tpu.vector_store %arg5[%swap3A_2303], %gather3A {strides = array<i32>} : memref<33872xf32, #tpu.memory_space<vmem>>, vector<16xf32>,
      %add3A_2305 = arith.constant 48 : i32
      %add3A_2306 = arith.addi %add3A_2292, %add3A_2305 : i32
      %swap3A_2307 = arith.index_cast %add3A_2306 : i32 to index
      %swap3A_2308 = tpu.vector_load %arg5[%swap3A_2307] {strides = array<i32>} : memref<33872xf32, #tpu.memory_space<vmem>>, vector<16xf32>,
      tpu.vector_store %arg5[%swap3A_2307], %gather3A {strides = array<i32>} : memref<33872xf32, #tpu.memory_space<vmem>>, vector<16xf32>,
      %add3A_2309 = arith.constant 64 : i32
      %add3A_2310 = arith.addi %add3A_2292, %add3A_2309 : i32
      %swap3A_2311 = arith.index_cast %add3A_2310 : i32 to index
      %swap3A_2312 = tpu.vector_load %arg5[%swap3A_2311] {strides = array<i32>} : memref<33872xf32, #tpu.memory_space<vmem>>, vector<16xf32>,
      tpu.vector_store %arg5[%swap3A_2311], %gather3A {strides = array<i32>} : memref<33872xf32, #tpu.memory_space<vmem>>, vector<16xf32>,
      %add3A_2313 = arith.constant 80 : i32
      %add3A_2314 = arith.addi %add3A_2292, %add3A_2313 : i32
      %swap3A_2315 = arith.index_cast %add3A_2314 : i32 to index
      %swap3A_2316 = tpu.vector_load %arg5[%swap3A_2315] {strides = array<i32>} : memref<33872xf32, #tpu.memory_space<vmem>>, vector<16xf32>,
      tpu.vector_store %arg5[%swap3A_2315], %gather3A {strides = array<i32>} : memref<33872xf32, #tpu.memory_space<vmem>>, vector<16xf32>,
      %add3A_2317 = arith.constant 96 : i32
      %add3A_2318 = arith.addi %add3A_2292, %add3A_2317 : i32
      %swap3A_2319 = arith.index_cast %add3A_2318 : i32 to index
      %swap3A_2320 = tpu.vector_load %arg5[%swap3A_2319] {strides = array<i32>} : memref<33872xf32, #tpu.memory_space<vmem>>, vector<16xf32>,
      tpu.vector_store %arg5[%swap3A_2319], %gather3A {strides = array<i32>} : memref<33872xf32, #tpu.memory_space<vmem>>, vector<16xf32>,
      %add3A_2321 = arith.constant 112 : i32
      %add3A_2322 = arith.addi %add3A_2292, %add3A_2321 : i32
      %swap3A_2323 = arith.index_cast %add3A_2322 : i32 to index
      %swap3A_2324 = tpu.vector_load %arg5[%swap3A_2323] {strides = array<i32>} : memref<33872xf32, #tpu.memory_space<vmem>>, vector<16xf32>,
      tpu.vector_store %arg5[%swap3A_2323], %gather3A {strides = array<i32>} : memref<33872xf32, #tpu.memory_space<vmem>>, vector<16xf32>,
    }
    %scan3A_290 = arith.constant 15 : i32
    %add3A_291 = arith.constant 0 : i32
    %add3A_292 = vector.broadcast %add3A_291 : i32 to vector<16xi32>
    %add3A_293 = arith.addi %add3A_292, %iota3A : vector<16xi32>
    %sub3A_294 = arith.constant 254 : i32
    %sub3A_295 = vector.broadcast %sub3A_294 : i32 to vector<16xi32>
    %sub3A_296 = arith.subi %sub3A_295, %add3A_293 : vector<16xi32>
    %max3A_297 = arith.constant 0 : i32
    %max3A_298 = vector.broadcast %max3A_297 : i32 to vector<16xi32>
    %max3A_299 = arith.maxsi %sub3A_296, %max3A_298 : vector<16xi32>
    %mul3A_300 = arith.constant 16 : i32
    %mul3A_301 = vector.broadcast %mul3A_300 : i32 to vector<16xi32>
    %mul3A_302 = arith.muli %max3A_299, %mul3A_301 : vector<16xi32>
    %add3A_303 = vector.broadcast %arg1 : i32 to vector<16xi32>
    %add3A_304 = arith.addi %mul3A_302, %add3A_303 : vector<16xi32>
    %gather3A_305 = tpu.vector_load_idx %arg4[%add3A_304] : memref<4080xf32, #tpu.memory_space<vmem>>[vector<16xi32>], vector<16xf32>,
    %swap3A_306 = arith.constant 6151 : index
    %swap3A_307 = tpu.vector_load %arg5[%swap3A_306] {strides = array<i32>} : memref<33872xf32, #tpu.memory_space<vmem>>, vector<16xf32>,
    tpu.vector_store %arg5[%swap3A_306], %gather3A_305 {strides = array<i32>} : memref<33872xf32, #tpu.memory_space<vmem>>, vector<16xf32>,
    %add3A_308 = arith.constant 16 : i32
    %add3A_309 = vector.broadcast %add3A_308 : i32 to vector<16xi32>
    %add3A_310 = arith.addi %add3A_309, %iota3A : vector<16xi32>
    %sub3A_311 = arith.constant 254 : i32
    %sub3A_312 = vector.broadcast %sub3A_311 : i32 to vector<16xi32>
    %sub3A_313 = arith.subi %sub3A_312, %add3A_310 : vector<16xi32>
    %max3A_314 = arith.constant 0 : i32
    %max3A_315 = vector.broadcast %max3A_314 : i32 to vector<16xi32>
    %max3A_316 = arith.maxsi %sub3A_313, %max3A_315 : vector<16xi32>
    %mul3A_317 = arith.constant 16 : i32
    %mul3A_318 = vector.broadcast %mul3A_317 : i32 to vector<16xi32>
    %mul3A_319 = arith.muli %max3A_316, %mul3A_318 : vector<16xi32>
    %add3A_320 = vector.broadcast %arg1 : i32 to vector<16xi32>
    %add3A_321 = arith.addi %mul3A_319, %add3A_320 : vector<16xi32>
    %gather3A_322 = tpu.vector_load_idx %arg4[%add3A_321] : memref<4080xf32, #tpu.memory_space<vmem>>[vector<16xi32>], vector<16xf32>,
    %swap3A_323 = arith.constant 6167 : index
    %swap3A_324 = tpu.vector_load %arg5[%swap3A_323] {strides = array<i32>} : memref<33872xf32, #tpu.memory_space<vmem>>, vector<16xf32>,
    tpu.vector_store %arg5[%swap3A_323], %gather3A_322 {strides = array<i32>} : memref<33872xf32, #tpu.memory_space<vmem>>, vector<16xf32>,
    %add3A_325 = arith.constant 32 : i32
    %add3A_326 = vector.broadcast %add3A_325 : i32 to vector<16xi32>
    %add3A_327 = arith.addi %add3A_326, %iota3A : vector<16xi32>
    %sub3A_328 = arith.constant 254 : i32
    %sub3A_329 = vector.broadcast %sub3A_328 : i32 to vector<16xi32>
    %sub3A_330 = arith.subi %sub3A_329, %add3A_327 : vector<16xi32>
    %max3A_331 = arith.constant 0 : i32
    %max3A_332 = vector.broadcast %max3A_331 : i32 to vector<16xi32>
    %max3A_333 = arith.maxsi %sub3A_330, %max3A_332 : vector<16xi32>
    %mul3A_334 = arith.constant 16 : i32
    %mul3A_335 = vector.broadcast %mul3A_334 : i32 to vector<16xi32>
    %mul3A_336 = arith.muli %max3A_333, %mul3A_335 : vector<16xi32>
    %add3A_337 = vector.broadcast %arg1 : i32 to vector<16xi32>
    %add3A_338 = arith.addi %mul3A_336, %add3A_337 : vector<16xi32>
    %gather3A_339 = tpu.vector_load_idx %arg4[%add3A_338] : memref<4080xf32, #tpu.memory_space<vmem>>[vector<16xi32>], vector<16xf32>,
    %swap3A_340 = arith.constant 6183 : index
    %swap3A_341 = tpu.vector_load %arg5[%swap3A_340] {strides = array<i32>} : memref<33872xf32, #tpu.memory_space<vmem>>, vector<16xf32>,
    tpu.vector_store %arg5[%swap3A_340], %gather3A_339 {strides = array<i32>} : memref<33872xf32, #tpu.memory_space<vmem>>, vector<16xf32>,
    %add3A_342 = arith.constant 48 : i32
    %add3A_343 = vector.broadcast %add3A_342 : i32 to vector<16xi32>
    %add3A_344 = arith.addi %add3A_343, %iota3A : vector<16xi32>
    %sub3A_345 = arith.constant 254 : i32
    %sub3A_346 = vector.broadcast %sub3A_345 : i32 to vector<16xi32>
    %sub3A_347 = arith.subi %sub3A_346, %add3A_344 : vector<16xi32>
    %max3A_348 = arith.constant 0 : i32
    %max3A_349 = vector.broadcast %max3A_348 : i32 to vector<16xi32>
    %max3A_350 = arith.maxsi %sub3A_347, %max3A_349 : vector<16xi32>
    %mul3A_351 = arith.constant 16 : i32
    %mul3A_352 = vector.broadcast %mul3A_351 : i32 to vector<16xi32>
    %mul3A_353 = arith.muli %max3A_350, %mul3A_352 : vector<16xi32>
    %add3A_354 = vector.broadcast %arg1 : i32 to vector<16xi32>
    %add3A_355 = arith.addi %mul3A_353, %add3A_354 : vector<16xi32>
    %gather3A_356 = tpu.vector_load_idx %arg4[%add3A_355] : memref<4080xf32, #tpu.memory_space<vmem>>[vector<16xi32>], vector<16xf32>,
    %swap3A_357 = arith.constant 6199 : index
    %swap3A_358 = tpu.vector_load %arg5[%swap3A_357] {strides = array<i32>} : memref<33872xf32, #tpu.memory_space<vmem>>, vector<16xf32>,
    tpu.vector_store %arg5[%swap3A_357], %gather3A_356 {strides = array<i32>} : memref<33872xf32, #tpu.memory_space<vmem>>, vector<16xf32>,
    %add3A_359 = arith.constant 64 : i32
    %add3A_360 = vector.broadcast %add3A_359 : i32 to vector<16xi32>
    %add3A_361 = arith.addi %add3A_360, %iota3A : vector<16xi32>
    %sub3A_362 = arith.constant 254 : i32
    %sub3A_363 = vector.broadcast %sub3A_362 : i32 to vector<16xi32>
    %sub3A_364 = arith.subi %sub3A_363, %add3A_361 : vector<16xi32>
    %max3A_365 = arith.constant 0 : i32
    %max3A_366 = vector.broadcast %max3A_365 : i32 to vector<16xi32>
    %max3A_367 = arith.maxsi %sub3A_364, %max3A_366 : vector<16xi32>
    %mul3A_368 = arith.constant 16 : i32
    %mul3A_369 = vector.broadcast %mul3A_368 : i32 to vector<16xi32>
    %mul3A_370 = arith.muli %max3A_367, %mul3A_369 : vector<16xi32>
    %add3A_371 = vector.broadcast %arg1 : i32 to vector<16xi32>
    %add3A_372 = arith.addi %mul3A_370, %add3A_371 : vector<16xi32>
    %gather3A_373 = tpu.vector_load_idx %arg4[%add3A_372] : memref<4080xf32, #tpu.memory_space<vmem>>[vector<16xi32>], vector<16xf32>,
    %swap3A_374 = arith.constant 6215 : index
    %swap3A_375 = tpu.vector_load %arg5[%swap3A_374] {strides = array<i32>} : memref<33872xf32, #tpu.memory_space<vmem>>, vector<16xf32>,
    tpu.vector_store %arg5[%swap3A_374], %gather3A_373 {strides = array<i32>} : memref<33872xf32, #tpu.memory_space<vmem>>, vector<16xf32>,
    %add3A_376 = arith.constant 80 : i32
    %add3A_377 = vector.broadcast %add3A_376 : i32 to vector<16xi32>
    %add3A_378 = arith.addi %add3A_377, %iota3A : vector<16xi32>
    %sub3A_379 = arith.constant 254 : i32
    %sub3A_380 = vector.broadcast %sub3A_379 : i32 to vector<16xi32>
    %sub3A_381 = arith.subi %sub3A_380, %add3A_378 : vector<16xi32>
    %max3A_382 = arith.constant 0 : i32
    %max3A_383 = vector.broadcast %max3A_382 : i32 to vector<16xi32>
    %max3A_384 = arith.maxsi %sub3A_381, %max3A_383 : vector<16xi32>
    %mul3A_385 = arith.constant 16 : i32
    %mul3A_386 = vector.broadcast %mul3A_385 : i32 to vector<16xi32>
    %mul3A_387 = arith.muli %max3A_384, %mul3A_386 : vector<16xi32>
    %add3A_388 = vector.broadcast %arg1 : i32 to vector<16xi32>
    %add3A_389 = arith.addi %mul3A_387, %add3A_388 : vector<16xi32>
    %gather3A_390 = tpu.vector_load_idx %arg4[%add3A_389] : memref<4080xf32, #tpu.memory_space<vmem>>[vector<16xi32>], vector<16xf32>,
    %swap3A_391 = arith.constant 6231 : index
    %swap3A_392 = tpu.vector_load %arg5[%swap3A_391] {strides = array<i32>} : memref<33872xf32, #tpu.memory_space<vmem>>, vector<16xf32>,
    tpu.vector_store %arg5[%swap3A_391], %gather3A_390 {strides = array<i32>} : memref<33872xf32, #tpu.memory_space<vmem>>, vector<16xf32>,
    %add3A_393 = arith.constant 96 : i32
    %add3A_394 = vector.broadcast %add3A_393 : i32 to vector<16xi32>
    %add3A_395 = arith.addi %add3A_394, %iota3A : vector<16xi32>
    %sub3A_396 = arith.constant 254 : i32
    %sub3A_397 = vector.broadcast %sub3A_396 : i32 to vector<16xi32>
    %sub3A_398 = arith.subi %sub3A_397, %add3A_395 : vector<16xi32>
    %max3A_399 = arith.constant 0 : i32
    %max3A_400 = vector.broadcast %max3A_399 : i32 to vector<16xi32>
    %max3A_401 = arith.maxsi %sub3A_398, %max3A_400 : vector<16xi32>
    %mul3A_402 = arith.constant 16 : i32
    %mul3A_403 = vector.broadcast %mul3A_402 : i32 to vector<16xi32>
    %mul3A_404 = arith.muli %max3A_401, %mul3A_403 : vector<16xi32>
    %add3A_405 = vector.broadcast %arg1 : i32 to vector<16xi32>
    %add3A_406 = arith.addi %mul3A_404, %add3A_405 : vector<16xi32>
    %gather3A_407 = tpu.vector_load_idx %arg4[%add3A_406] : memref<4080xf32, #tpu.memory_space<vmem>>[vector<16xi32>], vector<16xf32>,
    %swap3A_408 = arith.constant 6247 : index
    %swap3A_409 = tpu.vector_load %arg5[%swap3A_408] {strides = array<i32>} : memref<33872xf32, #tpu.memory_space<vmem>>, vector<16xf32>,
    tpu.vector_store %arg5[%swap3A_408], %gather3A_407 {strides = array<i32>} : memref<33872xf32, #tpu.memory_space<vmem>>, vector<16xf32>,
    %add3A_410 = arith.constant 112 : i32
    %add3A_411 = vector.broadcast %add3A_410 : i32 to vector<16xi32>
    %add3A_412 = arith.addi %add3A_411, %iota3A : vector<16xi32>
    %sub3A_413 = arith.constant 254 : i32
    %sub3A_414 = vector.broadcast %sub3A_413 : i32 to vector<16xi32>
    %sub3A_415 = arith.subi %sub3A_414, %add3A_412 : vector<16xi32>
    %max3A_416 = arith.constant 0 : i32
    %max3A_417 = vector.broadcast %max3A_416 : i32 to vector<16xi32>
    %max3A_418 = arith.maxsi %sub3A_415, %max3A_417 : vector<16xi32>
    %mul3A_419 = arith.constant 16 : i32
    %mul3A_420 = vector.broadcast %mul3A_419 : i32 to vector<16xi32>
    %mul3A_421 = arith.muli %max3A_418, %mul3A_420 : vector<16xi32>
    %add3A_422 = vector.broadcast %arg1 : i32 to vector<16xi32>
    %add3A_423 = arith.addi %mul3A_421, %add3A_422 : vector<16xi32>
    %gather3A_424 = tpu.vector_load_idx %arg4[%add3A_423] : memref<4080xf32, #tpu.memory_space<vmem>>[vector<16xi32>], vector<16xf32>,
    %swap3A_425 = arith.constant 6263 : index
    %swap3A_426 = tpu.vector_load %arg5[%swap3A_425] {strides = array<i32>} : memref<33872xf32, #tpu.memory_space<vmem>>, vector<16xf32>,
    tpu.vector_store %arg5[%swap3A_425], %gather3A_424 {strides = array<i32>} : memref<33872xf32, #tpu.memory_space<vmem>>, vector<16xf32>,
    %add3A_427 = arith.constant 128 : i32
    %add3A_428 = vector.broadcast %add3A_427 : i32 to vector<16xi32>
    %add3A_429 = arith.addi %add3A_428, %iota3A : vector<16xi32>
    %sub3A_430 = arith.constant 254 : i32
    %sub3A_431 = vector.broadcast %sub3A_430 : i32 to vector<16xi32>
    %sub3A_432 = arith.subi %sub3A_431, %add3A_429 : vector<16xi32>
    %max3A_433 = arith.constant 0 : i32
    %max3A_434 = vector.broadcast %max3A_433 : i32 to vector<16xi32>
    %max3A_435 = arith.maxsi %sub3A_432, %max3A_434 : vector<16xi32>
    %mul3A_436 = arith.constant 16 : i32
    %mul3A_437 = vector.broadcast %mul3A_436 : i32 to vector<16xi32>
    %mul3A_438 = arith.muli %max3A_435, %mul3A_437 : vector<16xi32>
    %add3A_439 = vector.broadcast %arg1 : i32 to vector<16xi32>
    %add3A_440 = arith.addi %mul3A_438, %add3A_439 : vector<16xi32>
    %gather3A_441 = tpu.vector_load_idx %arg4[%add3A_440] : memref<4080xf32, #tpu.memory_space<vmem>>[vector<16xi32>], vector<16xf32>,
    %swap3A_442 = arith.constant 6279 : index
    %swap3A_443 = tpu.vector_load %arg5[%swap3A_442] {strides = array<i32>} : memref<33872xf32, #tpu.memory_space<vmem>>, vector<16xf32>,
    tpu.vector_store %arg5[%swap3A_442], %gather3A_441 {strides = array<i32>} : memref<33872xf32, #tpu.memory_space<vmem>>, vector<16xf32>,
    %add3A_444 = arith.constant 144 : i32
    %add3A_445 = vector.broadcast %add3A_444 : i32 to vector<16xi32>
    %add3A_446 = arith.addi %add3A_445, %iota3A : vector<16xi32>
    %sub3A_447 = arith.constant 254 : i32
    %sub3A_448 = vector.broadcast %sub3A_447 : i32 to vector<16xi32>
    %sub3A_449 = arith.subi %sub3A_448, %add3A_446 : vector<16xi32>
    %max3A_450 = arith.constant 0 : i32
    %max3A_451 = vector.broadcast %max3A_450 : i32 to vector<16xi32>
    %max3A_452 = arith.maxsi %sub3A_449, %max3A_451 : vector<16xi32>
    %mul3A_453 = arith.constant 16 : i32
    %mul3A_454 = vector.broadcast %mul3A_453 : i32 to vector<16xi32>
    %mul3A_455 = arith.muli %max3A_452, %mul3A_454 : vector<16xi32>
    %add3A_456 = vector.broadcast %arg1 : i32 to vector<16xi32>
    %add3A_457 = arith.addi %mul3A_455, %add3A_456 : vector<16xi32>
    %gather3A_458 = tpu.vector_load_idx %arg4[%add3A_457] : memref<4080xf32, #tpu.memory_space<vmem>>[vector<16xi32>], vector<16xf32>,
    %swap3A_459 = arith.constant 6295 : index
    %swap3A_460 = tpu.vector_load %arg5[%swap3A_459] {strides = array<i32>} : memref<33872xf32, #tpu.memory_space<vmem>>, vector<16xf32>,
    tpu.vector_store %arg5[%swap3A_459], %gather3A_458 {strides = array<i32>} : memref<33872xf32, #tpu.memory_space<vmem>>, vector<16xf32>,
    %add3A_461 = arith.constant 160 : i32
    %add3A_462 = vector.broadcast %add3A_461 : i32 to vector<16xi32>
    %add3A_463 = arith.addi %add3A_462, %iota3A : vector<16xi32>
    %sub3A_464 = arith.constant 254 : i32
    %sub3A_465 = vector.broadcast %sub3A_464 : i32 to vector<16xi32>
    %sub3A_466 = arith.subi %sub3A_465, %add3A_463 : vector<16xi32>
    %max3A_467 = arith.constant 0 : i32
    %max3A_468 = vector.broadcast %max3A_467 : i32 to vector<16xi32>
    %max3A_469 = arith.maxsi %sub3A_466, %max3A_468 : vector<16xi32>
    %mul3A_470 = arith.constant 16 : i32
    %mul3A_471 = vector.broadcast %mul3A_470 : i32 to vector<16xi32>
    %mul3A_472 = arith.muli %max3A_469, %mul3A_471 : vector<16xi32>
    %add3A_473 = vector.broadcast %arg1 : i32 to vector<16xi32>
    %add3A_474 = arith.addi %mul3A_472, %add3A_473 : vector<16xi32>
    %gather3A_475 = tpu.vector_load_idx %arg4[%add3A_474] : memref<4080xf32, #tpu.memory_space<vmem>>[vector<16xi32>], vector<16xf32>,
    %swap3A_476 = arith.constant 6311 : index
    %swap3A_477 = tpu.vector_load %arg5[%swap3A_476] {strides = array<i32>} : memref<33872xf32, #tpu.memory_space<vmem>>, vector<16xf32>,
    tpu.vector_store %arg5[%swap3A_476], %gather3A_475 {strides = array<i32>} : memref<33872xf32, #tpu.memory_space<vmem>>, vector<16xf32>,
    %add3A_478 = arith.constant 176 : i32
    %add3A_479 = vector.broadcast %add3A_478 : i32 to vector<16xi32>
    %add3A_480 = arith.addi %add3A_479, %iota3A : vector<16xi32>
    %sub3A_481 = arith.constant 254 : i32
    %sub3A_482 = vector.broadcast %sub3A_481 : i32 to vector<16xi32>
    %sub3A_483 = arith.subi %sub3A_482, %add3A_480 : vector<16xi32>
    %max3A_484 = arith.constant 0 : i32
    %max3A_485 = vector.broadcast %max3A_484 : i32 to vector<16xi32>
    %max3A_486 = arith.maxsi %sub3A_483, %max3A_485 : vector<16xi32>
    %mul3A_487 = arith.constant 16 : i32
    %mul3A_488 = vector.broadcast %mul3A_487 : i32 to vector<16xi32>
    %mul3A_489 = arith.muli %max3A_486, %mul3A_488 : vector<16xi32>
    %add3A_490 = vector.broadcast %arg1 : i32 to vector<16xi32>
    %add3A_491 = arith.addi %mul3A_489, %add3A_490 : vector<16xi32>
    %gather3A_492 = tpu.vector_load_idx %arg4[%add3A_491] : memref<4080xf32, #tpu.memory_space<vmem>>[vector<16xi32>], vector<16xf32>,
    %swap3A_493 = arith.constant 6327 : index
    %swap3A_494 = tpu.vector_load %arg5[%swap3A_493] {strides = array<i32>} : memref<33872xf32, #tpu.memory_space<vmem>>, vector<16xf32>,
    tpu.vector_store %arg5[%swap3A_493], %gather3A_492 {strides = array<i32>} : memref<33872xf32, #tpu.memory_space<vmem>>, vector<16xf32>,
    %add3A_495 = arith.constant 192 : i32
    %add3A_496 = vector.broadcast %add3A_495 : i32 to vector<16xi32>
    %add3A_497 = arith.addi %add3A_496, %iota3A : vector<16xi32>
    %sub3A_498 = arith.constant 254 : i32
    %sub3A_499 = vector.broadcast %sub3A_498 : i32 to vector<16xi32>
    %sub3A_500 = arith.subi %sub3A_499, %add3A_497 : vector<16xi32>
    %max3A_501 = arith.constant 0 : i32
    %max3A_502 = vector.broadcast %max3A_501 : i32 to vector<16xi32>
    %max3A_503 = arith.maxsi %sub3A_500, %max3A_502 : vector<16xi32>
    %mul3A_504 = arith.constant 16 : i32
    %mul3A_505 = vector.broadcast %mul3A_504 : i32 to vector<16xi32>
    %mul3A_506 = arith.muli %max3A_503, %mul3A_505 : vector<16xi32>
    %add3A_507 = vector.broadcast %arg1 : i32 to vector<16xi32>
    %add3A_508 = arith.addi %mul3A_506, %add3A_507 : vector<16xi32>
    %gather3A_509 = tpu.vector_load_idx %arg4[%add3A_508] : memref<4080xf32, #tpu.memory_space<vmem>>[vector<16xi32>], vector<16xf32>,
    %swap3A_510 = arith.constant 6343 : index
    %swap3A_511 = tpu.vector_load %arg5[%swap3A_510] {strides = array<i32>} : memref<33872xf32, #tpu.memory_space<vmem>>, vector<16xf32>,
    tpu.vector_store %arg5[%swap3A_510], %gather3A_509 {strides = array<i32>} : memref<33872xf32, #tpu.memory_space<vmem>>, vector<16xf32>,
    %add3A_512 = arith.constant 208 : i32
    %add3A_513 = vector.broadcast %add3A_512 : i32 to vector<16xi32>
    %add3A_514 = arith.addi %add3A_513, %iota3A : vector<16xi32>
    %sub3A_515 = arith.constant 254 : i32
    %sub3A_516 = vector.broadcast %sub3A_515 : i32 to vector<16xi32>
    %sub3A_517 = arith.subi %sub3A_516, %add3A_514 : vector<16xi32>
    %max3A_518 = arith.constant 0 : i32
    %max3A_519 = vector.broadcast %max3A_518 : i32 to vector<16xi32>
    %max3A_520 = arith.maxsi %sub3A_517, %max3A_519 : vector<16xi32>
    %mul3A_521 = arith.constant 16 : i32
    %mul3A_522 = vector.broadcast %mul3A_521 : i32 to vector<16xi32>
    %mul3A_523 = arith.muli %max3A_520, %mul3A_522 : vector<16xi32>
    %add3A_524 = vector.broadcast %arg1 : i32 to vector<16xi32>
    %add3A_525 = arith.addi %mul3A_523, %add3A_524 : vector<16xi32>
    %gather3A_526 = tpu.vector_load_idx %arg4[%add3A_525] : memref<4080xf32, #tpu.memory_space<vmem>>[vector<16xi32>], vector<16xf32>,
    %swap3A_527 = arith.constant 6359 : index
    %swap3A_528 = tpu.vector_load %arg5[%swap3A_527] {strides = array<i32>} : memref<33872xf32, #tpu.memory_space<vmem>>, vector<16xf32>,
    tpu.vector_store %arg5[%swap3A_527], %gather3A_526 {strides = array<i32>} : memref<33872xf32, #tpu.memory_space<vmem>>, vector<16xf32>,
    %add3A_529 = arith.constant 224 : i32
    %add3A_530 = vector.broadcast %add3A_529 : i32 to vector<16xi32>
    %add3A_531 = arith.addi %add3A_530, %iota3A : vector<16xi32>
    %sub3A_532 = arith.constant 254 : i32
    %sub3A_533 = vector.broadcast %sub3A_532 : i32 to vector<16xi32>
    %sub3A_534 = arith.subi %sub3A_533, %add3A_531 : vector<16xi32>
    %max3A_535 = arith.constant 0 : i32
    %max3A_536 = vector.broadcast %max3A_535 : i32 to vector<16xi32>
    %max3A_537 = arith.maxsi %sub3A_534, %max3A_536 : vector<16xi32>
    %mul3A_538 = arith.constant 16 : i32
    %mul3A_539 = vector.broadcast %mul3A_538 : i32 to vector<16xi32>
    %mul3A_540 = arith.muli %max3A_537, %mul3A_539 : vector<16xi32>
    %add3A_541 = vector.broadcast %arg1 : i32 to vector<16xi32>
    %add3A_542 = arith.addi %mul3A_540, %add3A_541 : vector<16xi32>
    %gather3A_543 = tpu.vector_load_idx %arg4[%add3A_542] : memref<4080xf32, #tpu.memory_space<vmem>>[vector<16xi32>], vector<16xf32>,
    %swap3A_544 = arith.constant 6375 : index
    %swap3A_545 = tpu.vector_load %arg5[%swap3A_544] {strides = array<i32>} : memref<33872xf32, #tpu.memory_space<vmem>>, vector<16xf32>,
    tpu.vector_store %arg5[%swap3A_544], %gather3A_543 {strides = array<i32>} : memref<33872xf32, #tpu.memory_space<vmem>>, vector<16xf32>,
    %add3A_546 = arith.constant 240 : i32
    %add3A_547 = vector.broadcast %add3A_546 : i32 to vector<16xi32>
    %add3A_548 = arith.addi %add3A_547, %iota3A : vector<16xi32>
    %sub3A_549 = arith.constant 254 : i32
    %sub3A_550 = vector.broadcast %sub3A_549 : i32 to vector<16xi32>
    %sub3A_551 = arith.subi %sub3A_550, %add3A_548 : vector<16xi32>
    %max3A_552 = arith.constant 0 : i32
    %max3A_553 = vector.broadcast %max3A_552 : i32 to vector<16xi32>
    %max3A_554 = arith.maxsi %sub3A_551, %max3A_553 : vector<16xi32>
    %mul3A_555 = arith.constant 16 : i32
    %mul3A_556 = vector.broadcast %mul3A_555 : i32 to vector<16xi32>
    %mul3A_557 = arith.muli %max3A_554, %mul3A_556 : vector<16xi32>
    %add3A_558 = vector.broadcast %arg1 : i32 to vector<16xi32>
    %add3A_559 = arith.addi %mul3A_557, %add3A_558 : vector<16xi32>
    %gather3A_560 = tpu.vector_load_idx %arg4[%add3A_559] : memref<4080xf32, #tpu.memory_space<vmem>>[vector<16xi32>], vector<16xf32>,
    %swap3A_561 = arith.constant 6391 : index
    %swap3A_562 = tpu.vector_load %arg5[%swap3A_561] {strides = array<i32>} : memref<33872xf32, #tpu.memory_space<vmem>>, vector<16xf32>,
    tpu.vector_store %arg5[%swap3A_561], %gather3A_560 {strides = array<i32>} : memref<33872xf32, #tpu.memory_space<vmem>>, vector<16xf32>,
    %scan3A_563 = arith.constant 0 : i32
    %scan3A_564 = arith.constant 0 : i32
    %scan3A_565 = arith.constant 16 : i32
    %scan3A_566 = arith.addi %scan3A_564, %scan3A_565 : i32
    %scan3A_567 = arith.constant 1 : i32
    scf.for %scan3A_2288 = %scan3A_564 to %scan3A_566 step %scan3A_567  : i32 {
      %mul3A_2289 = arith.constant 128 : i32
      %mul3A_2290 = arith.muli %scan3A_2288, %mul3A_2289 : i32
      %add3A_2291 = arith.constant 6407 : i32
      %add3A_2292 = arith.addi %add3A_2291, %mul3A_2290 : i32
      %add3A_2293 = arith.constant 0 : i32
      %add3A_2294 = arith.addi %add3A_2292, %add3A_2293 : i32
      %swap3A_2295 = arith.index_cast %add3A_2294 : i32 to index
      %swap3A_2296 = tpu.vector_load %arg5[%swap3A_2295] {strides = array<i32>} : memref<33872xf32, #tpu.memory_space<vmem>>, vector<16xf32>,
      tpu.vector_store %arg5[%swap3A_2295], %gather3A_4 {strides = array<i32>} : memref<33872xf32, #tpu.memory_space<vmem>>, vector<16xf32>,
      %add3A_2297 = arith.constant 16 : i32
      %add3A_2298 = arith.addi %add3A_2292, %add3A_2297 : i32
      %swap3A_2299 = arith.index_cast %add3A_2298 : i32 to index
      %swap3A_2300 = tpu.vector_load %arg5[%swap3A_2299] {strides = array<i32>} : memref<33872xf32, #tpu.memory_space<vmem>>, vector<16xf32>,
      tpu.vector_store %arg5[%swap3A_2299], %gather3A_4 {strides = array<i32>} : memref<33872xf32, #tpu.memory_space<vmem>>, vector<16xf32>,
      %add3A_2301 = arith.constant 32 : i32
      %add3A_2302 = arith.addi %add3A_2292, %add3A_2301 : i32
      %swap3A_2303 = arith.index_cast %add3A_2302 : i32 to index
      %swap3A_2304 = tpu.vector_load %arg5[%swap3A_2303] {strides = array<i32>} : memref<33872xf32, #tpu.memory_space<vmem>>, vector<16xf32>,
      tpu.vector_store %arg5[%swap3A_2303], %gather3A_4 {strides = array<i32>} : memref<33872xf32, #tpu.memory_space<vmem>>, vector<16xf32>,
      %add3A_2305 = arith.constant 48 : i32
      %add3A_2306 = arith.addi %add3A_2292, %add3A_2305 : i32
      %swap3A_2307 = arith.index_cast %add3A_2306 : i32 to index
      %swap3A_2308 = tpu.vector_load %arg5[%swap3A_2307] {strides = array<i32>} : memref<33872xf32, #tpu.memory_space<vmem>>, vector<16xf32>,
      tpu.vector_store %arg5[%swap3A_2307], %gather3A_4 {strides = array<i32>} : memref<33872xf32, #tpu.memory_space<vmem>>, vector<16xf32>,
      %add3A_2309 = arith.constant 64 : i32
      %add3A_2310 = arith.addi %add3A_2292, %add3A_2309 : i32
      %swap3A_2311 = arith.index_cast %add3A_2310 : i32 to index
      %swap3A_2312 = tpu.vector_load %arg5[%swap3A_2311] {strides = array<i32>} : memref<33872xf32, #tpu.memory_space<vmem>>, vector<16xf32>,
      tpu.vector_store %arg5[%swap3A_2311], %gather3A_4 {strides = array<i32>} : memref<33872xf32, #tpu.memory_space<vmem>>, vector<16xf32>,
      %add3A_2313 = arith.constant 80 : i32
      %add3A_2314 = arith.addi %add3A_2292, %add3A_2313 : i32
      %swap3A_2315 = arith.index_cast %add3A_2314 : i32 to index
      %swap3A_2316 = tpu.vector_load %arg5[%swap3A_2315] {strides = array<i32>} : memref<33872xf32, #tpu.memory_space<vmem>>, vector<16xf32>,
      tpu.vector_store %arg5[%swap3A_2315], %gather3A_4 {strides = array<i32>} : memref<33872xf32, #tpu.memory_space<vmem>>, vector<16xf32>,
      %add3A_2317 = arith.constant 96 : i32
      %add3A_2318 = arith.addi %add3A_2292, %add3A_2317 : i32
      %swap3A_2319 = arith.index_cast %add3A_2318 : i32 to index
      %swap3A_2320 = tpu.vector_load %arg5[%swap3A_2319] {strides = array<i32>} : memref<33872xf32, #tpu.memory_space<vmem>>, vector<16xf32>,
      tpu.vector_store %arg5[%swap3A_2319], %gather3A_4 {strides = array<i32>} : memref<33872xf32, #tpu.memory_space<vmem>>, vector<16xf32>,
      %add3A_2321 = arith.constant 112 : i32
      %add3A_2322 = arith.addi %add3A_2292, %add3A_2321 : i32
      %swap3A_2323 = arith.index_cast %add3A_2322 : i32 to index
      %swap3A_2324 = tpu.vector_load %arg5[%swap3A_2323] {strides = array<i32>} : memref<33872xf32, #tpu.memory_space<vmem>>, vector<16xf32>,
      tpu.vector_store %arg5[%swap3A_2323], %gather3A_4 {strides = array<i32>} : memref<33872xf32, #tpu.memory_space<vmem>>, vector<16xf32>,
    }
    %scan3A_568 = arith.constant 16 : i32
    %scan3A_569 = arith.constant 0 : i32
    %scan3A_570 = arith.constant 0 : i32
    %scan3A_571 = arith.constant 15 : i32
    %scan3A_572 = arith.addi %scan3A_570, %scan3A_571 : i32
    %scan3A_573 = arith.constant 1 : i32
    scf.for %scan3A_2288 = %scan3A_570 to %scan3A_572 step %scan3A_573  : i32 {
      %mul3A_2289 = arith.constant 128 : i32
      %mul3A_2290 = arith.muli %scan3A_2288, %mul3A_2289 : i32
      %add3A_2291 = arith.constant 8464 : i32
      %add3A_2292 = arith.addi %add3A_2291, %mul3A_2290 : i32
      %add3A_2293 = arith.constant 0 : i32
      %add3A_2294 = arith.addi %add3A_2292, %add3A_2293 : i32
      %swap3A_2295 = arith.index_cast %add3A_2294 : i32 to index
      %swap3A_2296 = tpu.vector_load %arg5[%swap3A_2295] {strides = array<i32>} : memref<33872xf32, #tpu.memory_space<vmem>>, vector<16xf32>,
      tpu.vector_store %arg5[%swap3A_2295], %gather3A {strides = array<i32>} : memref<33872xf32, #tpu.memory_space<vmem>>, vector<16xf32>,
      %add3A_2297 = arith.constant 16 : i32
      %add3A_2298 = arith.addi %add3A_2292, %add3A_2297 : i32
      %swap3A_2299 = arith.index_cast %add3A_2298 : i32 to index
      %swap3A_2300 = tpu.vector_load %arg5[%swap3A_2299] {strides = array<i32>} : memref<33872xf32, #tpu.memory_space<vmem>>, vector<16xf32>,
      tpu.vector_store %arg5[%swap3A_2299], %gather3A {strides = array<i32>} : memref<33872xf32, #tpu.memory_space<vmem>>, vector<16xf32>,
      %add3A_2301 = arith.constant 32 : i32
      %add3A_2302 = arith.addi %add3A_2292, %add3A_2301 : i32
      %swap3A_2303 = arith.index_cast %add3A_2302 : i32 to index
      %swap3A_2304 = tpu.vector_load %arg5[%swap3A_2303] {strides = array<i32>} : memref<33872xf32, #tpu.memory_space<vmem>>, vector<16xf32>,
      tpu.vector_store %arg5[%swap3A_2303], %gather3A {strides = array<i32>} : memref<33872xf32, #tpu.memory_space<vmem>>, vector<16xf32>,
      %add3A_2305 = arith.constant 48 : i32
      %add3A_2306 = arith.addi %add3A_2292, %add3A_2305 : i32
      %swap3A_2307 = arith.index_cast %add3A_2306 : i32 to index
      %swap3A_2308 = tpu.vector_load %arg5[%swap3A_2307] {strides = array<i32>} : memref<33872xf32, #tpu.memory_space<vmem>>, vector<16xf32>,
      tpu.vector_store %arg5[%swap3A_2307], %gather3A {strides = array<i32>} : memref<33872xf32, #tpu.memory_space<vmem>>, vector<16xf32>,
      %add3A_2309 = arith.constant 64 : i32
      %add3A_2310 = arith.addi %add3A_2292, %add3A_2309 : i32
      %swap3A_2311 = arith.index_cast %add3A_2310 : i32 to index
      %swap3A_2312 = tpu.vector_load %arg5[%swap3A_2311] {strides = array<i32>} : memref<33872xf32, #tpu.memory_space<vmem>>, vector<16xf32>,
      tpu.vector_store %arg5[%swap3A_2311], %gather3A {strides = array<i32>} : memref<33872xf32, #tpu.memory_space<vmem>>, vector<16xf32>,
      %add3A_2313 = arith.constant 80 : i32
      %add3A_2314 = arith.addi %add3A_2292, %add3A_2313 : i32
      %swap3A_2315 = arith.index_cast %add3A_2314 : i32 to index
      %swap3A_2316 = tpu.vector_load %arg5[%swap3A_2315] {strides = array<i32>} : memref<33872xf32, #tpu.memory_space<vmem>>, vector<16xf32>,
      tpu.vector_store %arg5[%swap3A_2315], %gather3A {strides = array<i32>} : memref<33872xf32, #tpu.memory_space<vmem>>, vector<16xf32>,
      %add3A_2317 = arith.constant 96 : i32
      %add3A_2318 = arith.addi %add3A_2292, %add3A_2317 : i32
      %swap3A_2319 = arith.index_cast %add3A_2318 : i32 to index
      %swap3A_2320 = tpu.vector_load %arg5[%swap3A_2319] {strides = array<i32>} : memref<33872xf32, #tpu.memory_space<vmem>>, vector<16xf32>,
      tpu.vector_store %arg5[%swap3A_2319], %gather3A {strides = array<i32>} : memref<33872xf32, #tpu.memory_space<vmem>>, vector<16xf32>,
      %add3A_2321 = arith.constant 112 : i32
      %add3A_2322 = arith.addi %add3A_2292, %add3A_2321 : i32
      %swap3A_2323 = arith.index_cast %add3A_2322 : i32 to index
      %swap3A_2324 = tpu.vector_load %arg5[%swap3A_2323] {strides = array<i32>} : memref<33872xf32, #tpu.memory_space<vmem>>, vector<16xf32>,
      tpu.vector_store %arg5[%swap3A_2323], %gather3A {strides = array<i32>} : memref<33872xf32, #tpu.memory_space<vmem>>, vector<16xf32>,
    }
    %scan3A_574 = arith.constant 15 : i32
    %add3A_575 = arith.constant 0 : i32
    %add3A_576 = vector.broadcast %add3A_575 : i32 to vector<16xi32>
    %add3A_577 = arith.addi %add3A_576, %iota3A : vector<16xi32>
    %sub3A_578 = arith.constant 254 : i32
    %sub3A_579 = vector.broadcast %sub3A_578 : i32 to vector<16xi32>
    %sub3A_580 = arith.subi %sub3A_579, %add3A_577 : vector<16xi32>
    %max3A_581 = arith.constant 0 : i32
    %max3A_582 = vector.broadcast %max3A_581 : i32 to vector<16xi32>
    %max3A_583 = arith.maxsi %sub3A_580, %max3A_582 : vector<16xi32>
    %mul3A_584 = arith.constant 16 : i32
    %mul3A_585 = vector.broadcast %mul3A_584 : i32 to vector<16xi32>
    %mul3A_586 = arith.muli %max3A_583, %mul3A_585 : vector<16xi32>
    %add3A_587 = vector.broadcast %arg1 : i32 to vector<16xi32>
    %add3A_588 = arith.addi %mul3A_586, %add3A_587 : vector<16xi32>
    %gather3A_589 = tpu.vector_load_idx %arg4[%add3A_588] : memref<4080xf32, #tpu.memory_space<vmem>>[vector<16xi32>], vector<16xf32>,
    %swap3A_590 = arith.constant 10382 : index
    %swap3A_591 = tpu.vector_load %arg5[%swap3A_590] {strides = array<i32>} : memref<33872xf32, #tpu.memory_space<vmem>>, vector<16xf32>,
    tpu.vector_store %arg5[%swap3A_590], %gather3A_589 {strides = array<i32>} : memref<33872xf32, #tpu.memory_space<vmem>>, vector<16xf32>,
    %add3A_592 = arith.constant 16 : i32
    %add3A_593 = vector.broadcast %add3A_592 : i32 to vector<16xi32>
    %add3A_594 = arith.addi %add3A_593, %iota3A : vector<16xi32>
    %sub3A_595 = arith.constant 254 : i32
    %sub3A_596 = vector.broadcast %sub3A_595 : i32 to vector<16xi32>
    %sub3A_597 = arith.subi %sub3A_596, %add3A_594 : vector<16xi32>
    %max3A_598 = arith.constant 0 : i32
    %max3A_599 = vector.broadcast %max3A_598 : i32 to vector<16xi32>
    %max3A_600 = arith.maxsi %sub3A_597, %max3A_599 : vector<16xi32>
    %mul3A_601 = arith.constant 16 : i32
    %mul3A_602 = vector.broadcast %mul3A_601 : i32 to vector<16xi32>
    %mul3A_603 = arith.muli %max3A_600, %mul3A_602 : vector<16xi32>
    %add3A_604 = vector.broadcast %arg1 : i32 to vector<16xi32>
    %add3A_605 = arith.addi %mul3A_603, %add3A_604 : vector<16xi32>
    %gather3A_606 = tpu.vector_load_idx %arg4[%add3A_605] : memref<4080xf32, #tpu.memory_space<vmem>>[vector<16xi32>], vector<16xf32>,
    %swap3A_607 = arith.constant 10398 : index
    %swap3A_608 = tpu.vector_load %arg5[%swap3A_607] {strides = array<i32>} : memref<33872xf32, #tpu.memory_space<vmem>>, vector<16xf32>,
    tpu.vector_store %arg5[%swap3A_607], %gather3A_606 {strides = array<i32>} : memref<33872xf32, #tpu.memory_space<vmem>>, vector<16xf32>,
    %add3A_609 = arith.constant 32 : i32
    %add3A_610 = vector.broadcast %add3A_609 : i32 to vector<16xi32>
    %add3A_611 = arith.addi %add3A_610, %iota3A : vector<16xi32>
    %sub3A_612 = arith.constant 254 : i32
    %sub3A_613 = vector.broadcast %sub3A_612 : i32 to vector<16xi32>
    %sub3A_614 = arith.subi %sub3A_613, %add3A_611 : vector<16xi32>
    %max3A_615 = arith.constant 0 : i32
    %max3A_616 = vector.broadcast %max3A_615 : i32 to vector<16xi32>
    %max3A_617 = arith.maxsi %sub3A_614, %max3A_616 : vector<16xi32>
    %mul3A_618 = arith.constant 16 : i32
    %mul3A_619 = vector.broadcast %mul3A_618 : i32 to vector<16xi32>
    %mul3A_620 = arith.muli %max3A_617, %mul3A_619 : vector<16xi32>
    %add3A_621 = vector.broadcast %arg1 : i32 to vector<16xi32>
    %add3A_622 = arith.addi %mul3A_620, %add3A_621 : vector<16xi32>
    %gather3A_623 = tpu.vector_load_idx %arg4[%add3A_622] : memref<4080xf32, #tpu.memory_space<vmem>>[vector<16xi32>], vector<16xf32>,
    %swap3A_624 = arith.constant 10414 : index
    %swap3A_625 = tpu.vector_load %arg5[%swap3A_624] {strides = array<i32>} : memref<33872xf32, #tpu.memory_space<vmem>>, vector<16xf32>,
    tpu.vector_store %arg5[%swap3A_624], %gather3A_623 {strides = array<i32>} : memref<33872xf32, #tpu.memory_space<vmem>>, vector<16xf32>,
    %add3A_626 = arith.constant 48 : i32
    %add3A_627 = vector.broadcast %add3A_626 : i32 to vector<16xi32>
    %add3A_628 = arith.addi %add3A_627, %iota3A : vector<16xi32>
    %sub3A_629 = arith.constant 254 : i32
    %sub3A_630 = vector.broadcast %sub3A_629 : i32 to vector<16xi32>
    %sub3A_631 = arith.subi %sub3A_630, %add3A_628 : vector<16xi32>
    %max3A_632 = arith.constant 0 : i32
    %max3A_633 = vector.broadcast %max3A_632 : i32 to vector<16xi32>
    %max3A_634 = arith.maxsi %sub3A_631, %max3A_633 : vector<16xi32>
    %mul3A_635 = arith.constant 16 : i32
    %mul3A_636 = vector.broadcast %mul3A_635 : i32 to vector<16xi32>
    %mul3A_637 = arith.muli %max3A_634, %mul3A_636 : vector<16xi32>
    %add3A_638 = vector.broadcast %arg1 : i32 to vector<16xi32>
    %add3A_639 = arith.addi %mul3A_637, %add3A_638 : vector<16xi32>
    %gather3A_640 = tpu.vector_load_idx %arg4[%add3A_639] : memref<4080xf32, #tpu.memory_space<vmem>>[vector<16xi32>], vector<16xf32>,
    %swap3A_641 = arith.constant 10430 : index
    %swap3A_642 = tpu.vector_load %arg5[%swap3A_641] {strides = array<i32>} : memref<33872xf32, #tpu.memory_space<vmem>>, vector<16xf32>,
    tpu.vector_store %arg5[%swap3A_641], %gather3A_640 {strides = array<i32>} : memref<33872xf32, #tpu.memory_space<vmem>>, vector<16xf32>,
    %add3A_643 = arith.constant 64 : i32
    %add3A_644 = vector.broadcast %add3A_643 : i32 to vector<16xi32>
    %add3A_645 = arith.addi %add3A_644, %iota3A : vector<16xi32>
    %sub3A_646 = arith.constant 254 : i32
    %sub3A_647 = vector.broadcast %sub3A_646 : i32 to vector<16xi32>
    %sub3A_648 = arith.subi %sub3A_647, %add3A_645 : vector<16xi32>
    %max3A_649 = arith.constant 0 : i32
    %max3A_650 = vector.broadcast %max3A_649 : i32 to vector<16xi32>
    %max3A_651 = arith.maxsi %sub3A_648, %max3A_650 : vector<16xi32>
    %mul3A_652 = arith.constant 16 : i32
    %mul3A_653 = vector.broadcast %mul3A_652 : i32 to vector<16xi32>
    %mul3A_654 = arith.muli %max3A_651, %mul3A_653 : vector<16xi32>
    %add3A_655 = vector.broadcast %arg1 : i32 to vector<16xi32>
    %add3A_656 = arith.addi %mul3A_654, %add3A_655 : vector<16xi32>
    %gather3A_657 = tpu.vector_load_idx %arg4[%add3A_656] : memref<4080xf32, #tpu.memory_space<vmem>>[vector<16xi32>], vector<16xf32>,
    %swap3A_658 = arith.constant 10446 : index
    %swap3A_659 = tpu.vector_load %arg5[%swap3A_658] {strides = array<i32>} : memref<33872xf32, #tpu.memory_space<vmem>>, vector<16xf32>,
    tpu.vector_store %arg5[%swap3A_658], %gather3A_657 {strides = array<i32>} : memref<33872xf32, #tpu.memory_space<vmem>>, vector<16xf32>,
    %add3A_660 = arith.constant 80 : i32
    %add3A_661 = vector.broadcast %add3A_660 : i32 to vector<16xi32>
    %add3A_662 = arith.addi %add3A_661, %iota3A : vector<16xi32>
    %sub3A_663 = arith.constant 254 : i32
    %sub3A_664 = vector.broadcast %sub3A_663 : i32 to vector<16xi32>
    %sub3A_665 = arith.subi %sub3A_664, %add3A_662 : vector<16xi32>
    %max3A_666 = arith.constant 0 : i32
    %max3A_667 = vector.broadcast %max3A_666 : i32 to vector<16xi32>
    %max3A_668 = arith.maxsi %sub3A_665, %max3A_667 : vector<16xi32>
    %mul3A_669 = arith.constant 16 : i32
    %mul3A_670 = vector.broadcast %mul3A_669 : i32 to vector<16xi32>
    %mul3A_671 = arith.muli %max3A_668, %mul3A_670 : vector<16xi32>
    %add3A_672 = vector.broadcast %arg1 : i32 to vector<16xi32>
    %add3A_673 = arith.addi %mul3A_671, %add3A_672 : vector<16xi32>
    %gather3A_674 = tpu.vector_load_idx %arg4[%add3A_673] : memref<4080xf32, #tpu.memory_space<vmem>>[vector<16xi32>], vector<16xf32>,
    %swap3A_675 = arith.constant 10462 : index
    %swap3A_676 = tpu.vector_load %arg5[%swap3A_675] {strides = array<i32>} : memref<33872xf32, #tpu.memory_space<vmem>>, vector<16xf32>,
    tpu.vector_store %arg5[%swap3A_675], %gather3A_674 {strides = array<i32>} : memref<33872xf32, #tpu.memory_space<vmem>>, vector<16xf32>,
    %add3A_677 = arith.constant 96 : i32
    %add3A_678 = vector.broadcast %add3A_677 : i32 to vector<16xi32>
    %add3A_679 = arith.addi %add3A_678, %iota3A : vector<16xi32>
    %sub3A_680 = arith.constant 254 : i32
    %sub3A_681 = vector.broadcast %sub3A_680 : i32 to vector<16xi32>
    %sub3A_682 = arith.subi %sub3A_681, %add3A_679 : vector<16xi32>
    %max3A_683 = arith.constant 0 : i32
    %max3A_684 = vector.broadcast %max3A_683 : i32 to vector<16xi32>
    %max3A_685 = arith.maxsi %sub3A_682, %max3A_684 : vector<16xi32>
    %mul3A_686 = arith.constant 16 : i32
    %mul3A_687 = vector.broadcast %mul3A_686 : i32 to vector<16xi32>
    %mul3A_688 = arith.muli %max3A_685, %mul3A_687 : vector<16xi32>
    %add3A_689 = vector.broadcast %arg1 : i32 to vector<16xi32>
    %add3A_690 = arith.addi %mul3A_688, %add3A_689 : vector<16xi32>
    %gather3A_691 = tpu.vector_load_idx %arg4[%add3A_690] : memref<4080xf32, #tpu.memory_space<vmem>>[vector<16xi32>], vector<16xf32>,
    %swap3A_692 = arith.constant 10478 : index
    %swap3A_693 = tpu.vector_load %arg5[%swap3A_692] {strides = array<i32>} : memref<33872xf32, #tpu.memory_space<vmem>>, vector<16xf32>,
    tpu.vector_store %arg5[%swap3A_692], %gather3A_691 {strides = array<i32>} : memref<33872xf32, #tpu.memory_space<vmem>>, vector<16xf32>,
    %add3A_694 = arith.constant 112 : i32
    %add3A_695 = vector.broadcast %add3A_694 : i32 to vector<16xi32>
    %add3A_696 = arith.addi %add3A_695, %iota3A : vector<16xi32>
    %sub3A_697 = arith.constant 254 : i32
    %sub3A_698 = vector.broadcast %sub3A_697 : i32 to vector<16xi32>
    %sub3A_699 = arith.subi %sub3A_698, %add3A_696 : vector<16xi32>
    %max3A_700 = arith.constant 0 : i32
    %max3A_701 = vector.broadcast %max3A_700 : i32 to vector<16xi32>
    %max3A_702 = arith.maxsi %sub3A_699, %max3A_701 : vector<16xi32>
    %mul3A_703 = arith.constant 16 : i32
    %mul3A_704 = vector.broadcast %mul3A_703 : i32 to vector<16xi32>
    %mul3A_705 = arith.muli %max3A_702, %mul3A_704 : vector<16xi32>
    %add3A_706 = vector.broadcast %arg1 : i32 to vector<16xi32>
    %add3A_707 = arith.addi %mul3A_705, %add3A_706 : vector<16xi32>
    %gather3A_708 = tpu.vector_load_idx %arg4[%add3A_707] : memref<4080xf32, #tpu.memory_space<vmem>>[vector<16xi32>], vector<16xf32>,
    %swap3A_709 = arith.constant 10494 : index
    %swap3A_710 = tpu.vector_load %arg5[%swap3A_709] {strides = array<i32>} : memref<33872xf32, #tpu.memory_space<vmem>>, vector<16xf32>,
    tpu.vector_store %arg5[%swap3A_709], %gather3A_708 {strides = array<i32>} : memref<33872xf32, #tpu.memory_space<vmem>>, vector<16xf32>,
    %add3A_711 = arith.constant 128 : i32
    %add3A_712 = vector.broadcast %add3A_711 : i32 to vector<16xi32>
    %add3A_713 = arith.addi %add3A_712, %iota3A : vector<16xi32>
    %sub3A_714 = arith.constant 254 : i32
    %sub3A_715 = vector.broadcast %sub3A_714 : i32 to vector<16xi32>
    %sub3A_716 = arith.subi %sub3A_715, %add3A_713 : vector<16xi32>
    %max3A_717 = arith.constant 0 : i32
    %max3A_718 = vector.broadcast %max3A_717 : i32 to vector<16xi32>
    %max3A_719 = arith.maxsi %sub3A_716, %max3A_718 : vector<16xi32>
    %mul3A_720 = arith.constant 16 : i32
    %mul3A_721 = vector.broadcast %mul3A_720 : i32 to vector<16xi32>
    %mul3A_722 = arith.muli %max3A_719, %mul3A_721 : vector<16xi32>
    %add3A_723 = vector.broadcast %arg1 : i32 to vector<16xi32>
    %add3A_724 = arith.addi %mul3A_722, %add3A_723 : vector<16xi32>
    %gather3A_725 = tpu.vector_load_idx %arg4[%add3A_724] : memref<4080xf32, #tpu.memory_space<vmem>>[vector<16xi32>], vector<16xf32>,
    %swap3A_726 = arith.constant 10510 : index
    %swap3A_727 = tpu.vector_load %arg5[%swap3A_726] {strides = array<i32>} : memref<33872xf32, #tpu.memory_space<vmem>>, vector<16xf32>,
    tpu.vector_store %arg5[%swap3A_726], %gather3A_725 {strides = array<i32>} : memref<33872xf32, #tpu.memory_space<vmem>>, vector<16xf32>,
    %add3A_728 = arith.constant 144 : i32
    %add3A_729 = vector.broadcast %add3A_728 : i32 to vector<16xi32>
    %add3A_730 = arith.addi %add3A_729, %iota3A : vector<16xi32>
    %sub3A_731 = arith.constant 254 : i32
    %sub3A_732 = vector.broadcast %sub3A_731 : i32 to vector<16xi32>
    %sub3A_733 = arith.subi %sub3A_732, %add3A_730 : vector<16xi32>
    %max3A_734 = arith.constant 0 : i32
    %max3A_735 = vector.broadcast %max3A_734 : i32 to vector<16xi32>
    %max3A_736 = arith.maxsi %sub3A_733, %max3A_735 : vector<16xi32>
    %mul3A_737 = arith.constant 16 : i32
    %mul3A_738 = vector.broadcast %mul3A_737 : i32 to vector<16xi32>
    %mul3A_739 = arith.muli %max3A_736, %mul3A_738 : vector<16xi32>
    %add3A_740 = vector.broadcast %arg1 : i32 to vector<16xi32>
    %add3A_741 = arith.addi %mul3A_739, %add3A_740 : vector<16xi32>
    %gather3A_742 = tpu.vector_load_idx %arg4[%add3A_741] : memref<4080xf32, #tpu.memory_space<vmem>>[vector<16xi32>], vector<16xf32>,
    %swap3A_743 = arith.constant 10526 : index
    %swap3A_744 = tpu.vector_load %arg5[%swap3A_743] {strides = array<i32>} : memref<33872xf32, #tpu.memory_space<vmem>>, vector<16xf32>,
    tpu.vector_store %arg5[%swap3A_743], %gather3A_742 {strides = array<i32>} : memref<33872xf32, #tpu.memory_space<vmem>>, vector<16xf32>,
    %add3A_745 = arith.constant 160 : i32
    %add3A_746 = vector.broadcast %add3A_745 : i32 to vector<16xi32>
    %add3A_747 = arith.addi %add3A_746, %iota3A : vector<16xi32>
    %sub3A_748 = arith.constant 254 : i32
    %sub3A_749 = vector.broadcast %sub3A_748 : i32 to vector<16xi32>
    %sub3A_750 = arith.subi %sub3A_749, %add3A_747 : vector<16xi32>
    %max3A_751 = arith.constant 0 : i32
    %max3A_752 = vector.broadcast %max3A_751 : i32 to vector<16xi32>
    %max3A_753 = arith.maxsi %sub3A_750, %max3A_752 : vector<16xi32>
    %mul3A_754 = arith.constant 16 : i32
    %mul3A_755 = vector.broadcast %mul3A_754 : i32 to vector<16xi32>
    %mul3A_756 = arith.muli %max3A_753, %mul3A_755 : vector<16xi32>
    %add3A_757 = vector.broadcast %arg1 : i32 to vector<16xi32>
    %add3A_758 = arith.addi %mul3A_756, %add3A_757 : vector<16xi32>
    %gather3A_759 = tpu.vector_load_idx %arg4[%add3A_758] : memref<4080xf32, #tpu.memory_space<vmem>>[vector<16xi32>], vector<16xf32>,
    %swap3A_760 = arith.constant 10542 : index
    %swap3A_761 = tpu.vector_load %arg5[%swap3A_760] {strides = array<i32>} : memref<33872xf32, #tpu.memory_space<vmem>>, vector<16xf32>,
    tpu.vector_store %arg5[%swap3A_760], %gather3A_759 {strides = array<i32>} : memref<33872xf32, #tpu.memory_space<vmem>>, vector<16xf32>,
    %add3A_762 = arith.constant 176 : i32
    %add3A_763 = vector.broadcast %add3A_762 : i32 to vector<16xi32>
    %add3A_764 = arith.addi %add3A_763, %iota3A : vector<16xi32>
    %sub3A_765 = arith.constant 254 : i32
    %sub3A_766 = vector.broadcast %sub3A_765 : i32 to vector<16xi32>
    %sub3A_767 = arith.subi %sub3A_766, %add3A_764 : vector<16xi32>
    %max3A_768 = arith.constant 0 : i32
    %max3A_769 = vector.broadcast %max3A_768 : i32 to vector<16xi32>
    %max3A_770 = arith.maxsi %sub3A_767, %max3A_769 : vector<16xi32>
    %mul3A_771 = arith.constant 16 : i32
    %mul3A_772 = vector.broadcast %mul3A_771 : i32 to vector<16xi32>
    %mul3A_773 = arith.muli %max3A_770, %mul3A_772 : vector<16xi32>
    %add3A_774 = vector.broadcast %arg1 : i32 to vector<16xi32>
    %add3A_775 = arith.addi %mul3A_773, %add3A_774 : vector<16xi32>
    %gather3A_776 = tpu.vector_load_idx %arg4[%add3A_775] : memref<4080xf32, #tpu.memory_space<vmem>>[vector<16xi32>], vector<16xf32>,
    %swap3A_777 = arith.constant 10558 : index
    %swap3A_778 = tpu.vector_load %arg5[%swap3A_777] {strides = array<i32>} : memref<33872xf32, #tpu.memory_space<vmem>>, vector<16xf32>,
    tpu.vector_store %arg5[%swap3A_777], %gather3A_776 {strides = array<i32>} : memref<33872xf32, #tpu.memory_space<vmem>>, vector<16xf32>,
    %add3A_779 = arith.constant 192 : i32
    %add3A_780 = vector.broadcast %add3A_779 : i32 to vector<16xi32>
    %add3A_781 = arith.addi %add3A_780, %iota3A : vector<16xi32>
    %sub3A_782 = arith.constant 254 : i32
    %sub3A_783 = vector.broadcast %sub3A_782 : i32 to vector<16xi32>
    %sub3A_784 = arith.subi %sub3A_783, %add3A_781 : vector<16xi32>
    %max3A_785 = arith.constant 0 : i32
    %max3A_786 = vector.broadcast %max3A_785 : i32 to vector<16xi32>
    %max3A_787 = arith.maxsi %sub3A_784, %max3A_786 : vector<16xi32>
    %mul3A_788 = arith.constant 16 : i32
    %mul3A_789 = vector.broadcast %mul3A_788 : i32 to vector<16xi32>
    %mul3A_790 = arith.muli %max3A_787, %mul3A_789 : vector<16xi32>
    %add3A_791 = vector.broadcast %arg1 : i32 to vector<16xi32>
    %add3A_792 = arith.addi %mul3A_790, %add3A_791 : vector<16xi32>
    %gather3A_793 = tpu.vector_load_idx %arg4[%add3A_792] : memref<4080xf32, #tpu.memory_space<vmem>>[vector<16xi32>], vector<16xf32>,
    %swap3A_794 = arith.constant 10574 : index
    %swap3A_795 = tpu.vector_load %arg5[%swap3A_794] {strides = array<i32>} : memref<33872xf32, #tpu.memory_space<vmem>>, vector<16xf32>,
    tpu.vector_store %arg5[%swap3A_794], %gather3A_793 {strides = array<i32>} : memref<33872xf32, #tpu.memory_space<vmem>>, vector<16xf32>,
    %add3A_796 = arith.constant 208 : i32
    %add3A_797 = vector.broadcast %add3A_796 : i32 to vector<16xi32>
    %add3A_798 = arith.addi %add3A_797, %iota3A : vector<16xi32>
    %sub3A_799 = arith.constant 254 : i32
    %sub3A_800 = vector.broadcast %sub3A_799 : i32 to vector<16xi32>
    %sub3A_801 = arith.subi %sub3A_800, %add3A_798 : vector<16xi32>
    %max3A_802 = arith.constant 0 : i32
    %max3A_803 = vector.broadcast %max3A_802 : i32 to vector<16xi32>
    %max3A_804 = arith.maxsi %sub3A_801, %max3A_803 : vector<16xi32>
    %mul3A_805 = arith.constant 16 : i32
    %mul3A_806 = vector.broadcast %mul3A_805 : i32 to vector<16xi32>
    %mul3A_807 = arith.muli %max3A_804, %mul3A_806 : vector<16xi32>
    %add3A_808 = vector.broadcast %arg1 : i32 to vector<16xi32>
    %add3A_809 = arith.addi %mul3A_807, %add3A_808 : vector<16xi32>
    %gather3A_810 = tpu.vector_load_idx %arg4[%add3A_809] : memref<4080xf32, #tpu.memory_space<vmem>>[vector<16xi32>], vector<16xf32>,
    %swap3A_811 = arith.constant 10590 : index
    %swap3A_812 = tpu.vector_load %arg5[%swap3A_811] {strides = array<i32>} : memref<33872xf32, #tpu.memory_space<vmem>>, vector<16xf32>,
    tpu.vector_store %arg5[%swap3A_811], %gather3A_810 {strides = array<i32>} : memref<33872xf32, #tpu.memory_space<vmem>>, vector<16xf32>,
    %add3A_813 = arith.constant 224 : i32
    %add3A_814 = vector.broadcast %add3A_813 : i32 to vector<16xi32>
    %add3A_815 = arith.addi %add3A_814, %iota3A : vector<16xi32>
    %sub3A_816 = arith.constant 254 : i32
    %sub3A_817 = vector.broadcast %sub3A_816 : i32 to vector<16xi32>
    %sub3A_818 = arith.subi %sub3A_817, %add3A_815 : vector<16xi32>
    %max3A_819 = arith.constant 0 : i32
    %max3A_820 = vector.broadcast %max3A_819 : i32 to vector<16xi32>
    %max3A_821 = arith.maxsi %sub3A_818, %max3A_820 : vector<16xi32>
    %mul3A_822 = arith.constant 16 : i32
    %mul3A_823 = vector.broadcast %mul3A_822 : i32 to vector<16xi32>
    %mul3A_824 = arith.muli %max3A_821, %mul3A_823 : vector<16xi32>
    %add3A_825 = vector.broadcast %arg1 : i32 to vector<16xi32>
    %add3A_826 = arith.addi %mul3A_824, %add3A_825 : vector<16xi32>
    %gather3A_827 = tpu.vector_load_idx %arg4[%add3A_826] : memref<4080xf32, #tpu.memory_space<vmem>>[vector<16xi32>], vector<16xf32>,
    %swap3A_828 = arith.constant 10606 : index
    %swap3A_829 = tpu.vector_load %arg5[%swap3A_828] {strides = array<i32>} : memref<33872xf32, #tpu.memory_space<vmem>>, vector<16xf32>,
    tpu.vector_store %arg5[%swap3A_828], %gather3A_827 {strides = array<i32>} : memref<33872xf32, #tpu.memory_space<vmem>>, vector<16xf32>,
    %add3A_830 = arith.constant 240 : i32
    %add3A_831 = vector.broadcast %add3A_830 : i32 to vector<16xi32>
    %add3A_832 = arith.addi %add3A_831, %iota3A : vector<16xi32>
    %sub3A_833 = arith.constant 254 : i32
    %sub3A_834 = vector.broadcast %sub3A_833 : i32 to vector<16xi32>
    %sub3A_835 = arith.subi %sub3A_834, %add3A_832 : vector<16xi32>
    %max3A_836 = arith.constant 0 : i32
    %max3A_837 = vector.broadcast %max3A_836 : i32 to vector<16xi32>
    %max3A_838 = arith.maxsi %sub3A_835, %max3A_837 : vector<16xi32>
    %mul3A_839 = arith.constant 16 : i32
    %mul3A_840 = vector.broadcast %mul3A_839 : i32 to vector<16xi32>
    %mul3A_841 = arith.muli %max3A_838, %mul3A_840 : vector<16xi32>
    %add3A_842 = vector.broadcast %arg1 : i32 to vector<16xi32>
    %add3A_843 = arith.addi %mul3A_841, %add3A_842 : vector<16xi32>
    %gather3A_844 = tpu.vector_load_idx %arg4[%add3A_843] : memref<4080xf32, #tpu.memory_space<vmem>>[vector<16xi32>], vector<16xf32>,
    %swap3A_845 = arith.constant 10622 : index
    %swap3A_846 = tpu.vector_load %arg5[%swap3A_845] {strides = array<i32>} : memref<33872xf32, #tpu.memory_space<vmem>>, vector<16xf32>,
    tpu.vector_store %arg5[%swap3A_845], %gather3A_844 {strides = array<i32>} : memref<33872xf32, #tpu.memory_space<vmem>>, vector<16xf32>,
    %scan3A_847 = arith.constant 0 : i32
    %scan3A_848 = arith.constant 0 : i32
    %scan3A_849 = arith.constant 16 : i32
    %scan3A_850 = arith.addi %scan3A_848, %scan3A_849 : i32
    %scan3A_851 = arith.constant 1 : i32
    scf.for %scan3A_2288 = %scan3A_848 to %scan3A_850 step %scan3A_851  : i32 {
      %mul3A_2289 = arith.constant 128 : i32
      %mul3A_2290 = arith.muli %scan3A_2288, %mul3A_2289 : i32
      %add3A_2291 = arith.constant 10638 : i32
      %add3A_2292 = arith.addi %add3A_2291, %mul3A_2290 : i32
      %add3A_2293 = arith.constant 0 : i32
      %add3A_2294 = arith.addi %add3A_2292, %add3A_2293 : i32
      %swap3A_2295 = arith.index_cast %add3A_2294 : i32 to index
      %swap3A_2296 = tpu.vector_load %arg5[%swap3A_2295] {strides = array<i32>} : memref<33872xf32, #tpu.memory_space<vmem>>, vector<16xf32>,
      tpu.vector_store %arg5[%swap3A_2295], %gather3A_4 {strides = array<i32>} : memref<33872xf32, #tpu.memory_space<vmem>>, vector<16xf32>,
      %add3A_2297 = arith.constant 16 : i32
      %add3A_2298 = arith.addi %add3A_2292, %add3A_2297 : i32
      %swap3A_2299 = arith.index_cast %add3A_2298 : i32 to index
      %swap3A_2300 = tpu.vector_load %arg5[%swap3A_2299] {strides = array<i32>} : memref<33872xf32, #tpu.memory_space<vmem>>, vector<16xf32>,
      tpu.vector_store %arg5[%swap3A_2299], %gather3A_4 {strides = array<i32>} : memref<33872xf32, #tpu.memory_space<vmem>>, vector<16xf32>,
      %add3A_2301 = arith.constant 32 : i32
      %add3A_2302 = arith.addi %add3A_2292, %add3A_2301 : i32
      %swap3A_2303 = arith.index_cast %add3A_2302 : i32 to index
      %swap3A_2304 = tpu.vector_load %arg5[%swap3A_2303] {strides = array<i32>} : memref<33872xf32, #tpu.memory_space<vmem>>, vector<16xf32>,
      tpu.vector_store %arg5[%swap3A_2303], %gather3A_4 {strides = array<i32>} : memref<33872xf32, #tpu.memory_space<vmem>>, vector<16xf32>,
      %add3A_2305 = arith.constant 48 : i32
      %add3A_2306 = arith.addi %add3A_2292, %add3A_2305 : i32
      %swap3A_2307 = arith.index_cast %add3A_2306 : i32 to index
      %swap3A_2308 = tpu.vector_load %arg5[%swap3A_2307] {strides = array<i32>} : memref<33872xf32, #tpu.memory_space<vmem>>, vector<16xf32>,
      tpu.vector_store %arg5[%swap3A_2307], %gather3A_4 {strides = array<i32>} : memref<33872xf32, #tpu.memory_space<vmem>>, vector<16xf32>,
      %add3A_2309 = arith.constant 64 : i32
      %add3A_2310 = arith.addi %add3A_2292, %add3A_2309 : i32
      %swap3A_2311 = arith.index_cast %add3A_2310 : i32 to index
      %swap3A_2312 = tpu.vector_load %arg5[%swap3A_2311] {strides = array<i32>} : memref<33872xf32, #tpu.memory_space<vmem>>, vector<16xf32>,
      tpu.vector_store %arg5[%swap3A_2311], %gather3A_4 {strides = array<i32>} : memref<33872xf32, #tpu.memory_space<vmem>>, vector<16xf32>,
      %add3A_2313 = arith.constant 80 : i32
      %add3A_2314 = arith.addi %add3A_2292, %add3A_2313 : i32
      %swap3A_2315 = arith.index_cast %add3A_2314 : i32 to index
      %swap3A_2316 = tpu.vector_load %arg5[%swap3A_2315] {strides = array<i32>} : memref<33872xf32, #tpu.memory_space<vmem>>, vector<16xf32>,
      tpu.vector_store %arg5[%swap3A_2315], %gather3A_4 {strides = array<i32>} : memref<33872xf32, #tpu.memory_space<vmem>>, vector<16xf32>,
      %add3A_2317 = arith.constant 96 : i32
      %add3A_2318 = arith.addi %add3A_2292, %add3A_2317 : i32
      %swap3A_2319 = arith.index_cast %add3A_2318 : i32 to index
      %swap3A_2320 = tpu.vector_load %arg5[%swap3A_2319] {strides = array<i32>} : memref<33872xf32, #tpu.memory_space<vmem>>, vector<16xf32>,
      tpu.vector_store %arg5[%swap3A_2319], %gather3A_4 {strides = array<i32>} : memref<33872xf32, #tpu.memory_space<vmem>>, vector<16xf32>,
      %add3A_2321 = arith.constant 112 : i32
      %add3A_2322 = arith.addi %add3A_2292, %add3A_2321 : i32
      %swap3A_2323 = arith.index_cast %add3A_2322 : i32 to index
      %swap3A_2324 = tpu.vector_load %arg5[%swap3A_2323] {strides = array<i32>} : memref<33872xf32, #tpu.memory_space<vmem>>, vector<16xf32>,
      tpu.vector_store %arg5[%swap3A_2323], %gather3A_4 {strides = array<i32>} : memref<33872xf32, #tpu.memory_space<vmem>>, vector<16xf32>,
    }
    %scan3A_852 = arith.constant 16 : i32
    %scan3A_853 = arith.constant 0 : i32
    %scan3A_854 = arith.constant 0 : i32
    %scan3A_855 = arith.constant 15 : i32
    %scan3A_856 = arith.addi %scan3A_854, %scan3A_855 : i32
    %scan3A_857 = arith.constant 1 : i32
    scf.for %scan3A_2288 = %scan3A_854 to %scan3A_856 step %scan3A_857  : i32 {
      %mul3A_2289 = arith.constant 128 : i32
      %mul3A_2290 = arith.muli %scan3A_2288, %mul3A_2289 : i32
      %add3A_2291 = arith.constant 12696 : i32
      %add3A_2292 = arith.addi %add3A_2291, %mul3A_2290 : i32
      %add3A_2293 = arith.constant 0 : i32
      %add3A_2294 = arith.addi %add3A_2292, %add3A_2293 : i32
      %swap3A_2295 = arith.index_cast %add3A_2294 : i32 to index
      %swap3A_2296 = tpu.vector_load %arg5[%swap3A_2295] {strides = array<i32>} : memref<33872xf32, #tpu.memory_space<vmem>>, vector<16xf32>,
      tpu.vector_store %arg5[%swap3A_2295], %gather3A {strides = array<i32>} : memref<33872xf32, #tpu.memory_space<vmem>>, vector<16xf32>,
      %add3A_2297 = arith.constant 16 : i32
      %add3A_2298 = arith.addi %add3A_2292, %add3A_2297 : i32
      %swap3A_2299 = arith.index_cast %add3A_2298 : i32 to index
      %swap3A_2300 = tpu.vector_load %arg5[%swap3A_2299] {strides = array<i32>} : memref<33872xf32, #tpu.memory_space<vmem>>, vector<16xf32>,
      tpu.vector_store %arg5[%swap3A_2299], %gather3A {strides = array<i32>} : memref<33872xf32, #tpu.memory_space<vmem>>, vector<16xf32>,
      %add3A_2301 = arith.constant 32 : i32
      %add3A_2302 = arith.addi %add3A_2292, %add3A_2301 : i32
      %swap3A_2303 = arith.index_cast %add3A_2302 : i32 to index
      %swap3A_2304 = tpu.vector_load %arg5[%swap3A_2303] {strides = array<i32>} : memref<33872xf32, #tpu.memory_space<vmem>>, vector<16xf32>,
      tpu.vector_store %arg5[%swap3A_2303], %gather3A {strides = array<i32>} : memref<33872xf32, #tpu.memory_space<vmem>>, vector<16xf32>,
      %add3A_2305 = arith.constant 48 : i32
      %add3A_2306 = arith.addi %add3A_2292, %add3A_2305 : i32
      %swap3A_2307 = arith.index_cast %add3A_2306 : i32 to index
      %swap3A_2308 = tpu.vector_load %arg5[%swap3A_2307] {strides = array<i32>} : memref<33872xf32, #tpu.memory_space<vmem>>, vector<16xf32>,
      tpu.vector_store %arg5[%swap3A_2307], %gather3A {strides = array<i32>} : memref<33872xf32, #tpu.memory_space<vmem>>, vector<16xf32>,
      %add3A_2309 = arith.constant 64 : i32
      %add3A_2310 = arith.addi %add3A_2292, %add3A_2309 : i32
      %swap3A_2311 = arith.index_cast %add3A_2310 : i32 to index
      %swap3A_2312 = tpu.vector_load %arg5[%swap3A_2311] {strides = array<i32>} : memref<33872xf32, #tpu.memory_space<vmem>>, vector<16xf32>,
      tpu.vector_store %arg5[%swap3A_2311], %gather3A {strides = array<i32>} : memref<33872xf32, #tpu.memory_space<vmem>>, vector<16xf32>,
      %add3A_2313 = arith.constant 80 : i32
      %add3A_2314 = arith.addi %add3A_2292, %add3A_2313 : i32
      %swap3A_2315 = arith.index_cast %add3A_2314 : i32 to index
      %swap3A_2316 = tpu.vector_load %arg5[%swap3A_2315] {strides = array<i32>} : memref<33872xf32, #tpu.memory_space<vmem>>, vector<16xf32>,
      tpu.vector_store %arg5[%swap3A_2315], %gather3A {strides = array<i32>} : memref<33872xf32, #tpu.memory_space<vmem>>, vector<16xf32>,
      %add3A_2317 = arith.constant 96 : i32
      %add3A_2318 = arith.addi %add3A_2292, %add3A_2317 : i32
      %swap3A_2319 = arith.index_cast %add3A_2318 : i32 to index
      %swap3A_2320 = tpu.vector_load %arg5[%swap3A_2319] {strides = array<i32>} : memref<33872xf32, #tpu.memory_space<vmem>>, vector<16xf32>,
      tpu.vector_store %arg5[%swap3A_2319], %gather3A {strides = array<i32>} : memref<33872xf32, #tpu.memory_space<vmem>>, vector<16xf32>,
      %add3A_2321 = arith.constant 112 : i32
      %add3A_2322 = arith.addi %add3A_2292, %add3A_2321 : i32
      %swap3A_2323 = arith.index_cast %add3A_2322 : i32 to index
      %swap3A_2324 = tpu.vector_load %arg5[%swap3A_2323] {strides = array<i32>} : memref<33872xf32, #tpu.memory_space<vmem>>, vector<16xf32>,
      tpu.vector_store %arg5[%swap3A_2323], %gather3A {strides = array<i32>} : memref<33872xf32, #tpu.memory_space<vmem>>, vector<16xf32>,
    }
    %scan3A_858 = arith.constant 15 : i32
    %add3A_859 = arith.constant 0 : i32
    %add3A_860 = vector.broadcast %add3A_859 : i32 to vector<16xi32>
    %add3A_861 = arith.addi %add3A_860, %iota3A : vector<16xi32>
    %sub3A_862 = arith.constant 254 : i32
    %sub3A_863 = vector.broadcast %sub3A_862 : i32 to vector<16xi32>
    %sub3A_864 = arith.subi %sub3A_863, %add3A_861 : vector<16xi32>
    %max3A_865 = arith.constant 0 : i32
    %max3A_866 = vector.broadcast %max3A_865 : i32 to vector<16xi32>
    %max3A_867 = arith.maxsi %sub3A_864, %max3A_866 : vector<16xi32>
    %mul3A_868 = arith.constant 16 : i32
    %mul3A_869 = vector.broadcast %mul3A_868 : i32 to vector<16xi32>
    %mul3A_870 = arith.muli %max3A_867, %mul3A_869 : vector<16xi32>
    %add3A_871 = vector.broadcast %arg1 : i32 to vector<16xi32>
    %add3A_872 = arith.addi %mul3A_870, %add3A_871 : vector<16xi32>
    %gather3A_873 = tpu.vector_load_idx %arg4[%add3A_872] : memref<4080xf32, #tpu.memory_space<vmem>>[vector<16xi32>], vector<16xf32>,
    %swap3A_874 = arith.constant 14613 : index
    %swap3A_875 = tpu.vector_load %arg5[%swap3A_874] {strides = array<i32>} : memref<33872xf32, #tpu.memory_space<vmem>>, vector<16xf32>,
    tpu.vector_store %arg5[%swap3A_874], %gather3A_873 {strides = array<i32>} : memref<33872xf32, #tpu.memory_space<vmem>>, vector<16xf32>,
    %add3A_876 = arith.constant 16 : i32
    %add3A_877 = vector.broadcast %add3A_876 : i32 to vector<16xi32>
    %add3A_878 = arith.addi %add3A_877, %iota3A : vector<16xi32>
    %sub3A_879 = arith.constant 254 : i32
    %sub3A_880 = vector.broadcast %sub3A_879 : i32 to vector<16xi32>
    %sub3A_881 = arith.subi %sub3A_880, %add3A_878 : vector<16xi32>
    %max3A_882 = arith.constant 0 : i32
    %max3A_883 = vector.broadcast %max3A_882 : i32 to vector<16xi32>
    %max3A_884 = arith.maxsi %sub3A_881, %max3A_883 : vector<16xi32>
    %mul3A_885 = arith.constant 16 : i32
    %mul3A_886 = vector.broadcast %mul3A_885 : i32 to vector<16xi32>
    %mul3A_887 = arith.muli %max3A_884, %mul3A_886 : vector<16xi32>
    %add3A_888 = vector.broadcast %arg1 : i32 to vector<16xi32>
    %add3A_889 = arith.addi %mul3A_887, %add3A_888 : vector<16xi32>
    %gather3A_890 = tpu.vector_load_idx %arg4[%add3A_889] : memref<4080xf32, #tpu.memory_space<vmem>>[vector<16xi32>], vector<16xf32>,
    %swap3A_891 = arith.constant 14629 : index
    %swap3A_892 = tpu.vector_load %arg5[%swap3A_891] {strides = array<i32>} : memref<33872xf32, #tpu.memory_space<vmem>>, vector<16xf32>,
    tpu.vector_store %arg5[%swap3A_891], %gather3A_890 {strides = array<i32>} : memref<33872xf32, #tpu.memory_space<vmem>>, vector<16xf32>,
    %add3A_893 = arith.constant 32 : i32
    %add3A_894 = vector.broadcast %add3A_893 : i32 to vector<16xi32>
    %add3A_895 = arith.addi %add3A_894, %iota3A : vector<16xi32>
    %sub3A_896 = arith.constant 254 : i32
    %sub3A_897 = vector.broadcast %sub3A_896 : i32 to vector<16xi32>
    %sub3A_898 = arith.subi %sub3A_897, %add3A_895 : vector<16xi32>
    %max3A_899 = arith.constant 0 : i32
    %max3A_900 = vector.broadcast %max3A_899 : i32 to vector<16xi32>
    %max3A_901 = arith.maxsi %sub3A_898, %max3A_900 : vector<16xi32>
    %mul3A_902 = arith.constant 16 : i32
    %mul3A_903 = vector.broadcast %mul3A_902 : i32 to vector<16xi32>
    %mul3A_904 = arith.muli %max3A_901, %mul3A_903 : vector<16xi32>
    %add3A_905 = vector.broadcast %arg1 : i32 to vector<16xi32>
    %add3A_906 = arith.addi %mul3A_904, %add3A_905 : vector<16xi32>
    %gather3A_907 = tpu.vector_load_idx %arg4[%add3A_906] : memref<4080xf32, #tpu.memory_space<vmem>>[vector<16xi32>], vector<16xf32>,
    %swap3A_908 = arith.constant 14645 : index
    %swap3A_909 = tpu.vector_load %arg5[%swap3A_908] {strides = array<i32>} : memref<33872xf32, #tpu.memory_space<vmem>>, vector<16xf32>,
    tpu.vector_store %arg5[%swap3A_908], %gather3A_907 {strides = array<i32>} : memref<33872xf32, #tpu.memory_space<vmem>>, vector<16xf32>,
    %add3A_910 = arith.constant 48 : i32
    %add3A_911 = vector.broadcast %add3A_910 : i32 to vector<16xi32>
    %add3A_912 = arith.addi %add3A_911, %iota3A : vector<16xi32>
    %sub3A_913 = arith.constant 254 : i32
    %sub3A_914 = vector.broadcast %sub3A_913 : i32 to vector<16xi32>
    %sub3A_915 = arith.subi %sub3A_914, %add3A_912 : vector<16xi32>
    %max3A_916 = arith.constant 0 : i32
    %max3A_917 = vector.broadcast %max3A_916 : i32 to vector<16xi32>
    %max3A_918 = arith.maxsi %sub3A_915, %max3A_917 : vector<16xi32>
    %mul3A_919 = arith.constant 16 : i32
    %mul3A_920 = vector.broadcast %mul3A_919 : i32 to vector<16xi32>
    %mul3A_921 = arith.muli %max3A_918, %mul3A_920 : vector<16xi32>
    %add3A_922 = vector.broadcast %arg1 : i32 to vector<16xi32>
    %add3A_923 = arith.addi %mul3A_921, %add3A_922 : vector<16xi32>
    %gather3A_924 = tpu.vector_load_idx %arg4[%add3A_923] : memref<4080xf32, #tpu.memory_space<vmem>>[vector<16xi32>], vector<16xf32>,
    %swap3A_925 = arith.constant 14661 : index
    %swap3A_926 = tpu.vector_load %arg5[%swap3A_925] {strides = array<i32>} : memref<33872xf32, #tpu.memory_space<vmem>>, vector<16xf32>,
    tpu.vector_store %arg5[%swap3A_925], %gather3A_924 {strides = array<i32>} : memref<33872xf32, #tpu.memory_space<vmem>>, vector<16xf32>,
    %add3A_927 = arith.constant 64 : i32
    %add3A_928 = vector.broadcast %add3A_927 : i32 to vector<16xi32>
    %add3A_929 = arith.addi %add3A_928, %iota3A : vector<16xi32>
    %sub3A_930 = arith.constant 254 : i32
    %sub3A_931 = vector.broadcast %sub3A_930 : i32 to vector<16xi32>
    %sub3A_932 = arith.subi %sub3A_931, %add3A_929 : vector<16xi32>
    %max3A_933 = arith.constant 0 : i32
    %max3A_934 = vector.broadcast %max3A_933 : i32 to vector<16xi32>
    %max3A_935 = arith.maxsi %sub3A_932, %max3A_934 : vector<16xi32>
    %mul3A_936 = arith.constant 16 : i32
    %mul3A_937 = vector.broadcast %mul3A_936 : i32 to vector<16xi32>
    %mul3A_938 = arith.muli %max3A_935, %mul3A_937 : vector<16xi32>
    %add3A_939 = vector.broadcast %arg1 : i32 to vector<16xi32>
    %add3A_940 = arith.addi %mul3A_938, %add3A_939 : vector<16xi32>
    %gather3A_941 = tpu.vector_load_idx %arg4[%add3A_940] : memref<4080xf32, #tpu.memory_space<vmem>>[vector<16xi32>], vector<16xf32>,
    %swap3A_942 = arith.constant 14677 : index
    %swap3A_943 = tpu.vector_load %arg5[%swap3A_942] {strides = array<i32>} : memref<33872xf32, #tpu.memory_space<vmem>>, vector<16xf32>,
    tpu.vector_store %arg5[%swap3A_942], %gather3A_941 {strides = array<i32>} : memref<33872xf32, #tpu.memory_space<vmem>>, vector<16xf32>,
    %add3A_944 = arith.constant 80 : i32
    %add3A_945 = vector.broadcast %add3A_944 : i32 to vector<16xi32>
    %add3A_946 = arith.addi %add3A_945, %iota3A : vector<16xi32>
    %sub3A_947 = arith.constant 254 : i32
    %sub3A_948 = vector.broadcast %sub3A_947 : i32 to vector<16xi32>
    %sub3A_949 = arith.subi %sub3A_948, %add3A_946 : vector<16xi32>
    %max3A_950 = arith.constant 0 : i32
    %max3A_951 = vector.broadcast %max3A_950 : i32 to vector<16xi32>
    %max3A_952 = arith.maxsi %sub3A_949, %max3A_951 : vector<16xi32>
    %mul3A_953 = arith.constant 16 : i32
    %mul3A_954 = vector.broadcast %mul3A_953 : i32 to vector<16xi32>
    %mul3A_955 = arith.muli %max3A_952, %mul3A_954 : vector<16xi32>
    %add3A_956 = vector.broadcast %arg1 : i32 to vector<16xi32>
    %add3A_957 = arith.addi %mul3A_955, %add3A_956 : vector<16xi32>
    %gather3A_958 = tpu.vector_load_idx %arg4[%add3A_957] : memref<4080xf32, #tpu.memory_space<vmem>>[vector<16xi32>], vector<16xf32>,
    %swap3A_959 = arith.constant 14693 : index
    %swap3A_960 = tpu.vector_load %arg5[%swap3A_959] {strides = array<i32>} : memref<33872xf32, #tpu.memory_space<vmem>>, vector<16xf32>,
    tpu.vector_store %arg5[%swap3A_959], %gather3A_958 {strides = array<i32>} : memref<33872xf32, #tpu.memory_space<vmem>>, vector<16xf32>,
    %add3A_961 = arith.constant 96 : i32
    %add3A_962 = vector.broadcast %add3A_961 : i32 to vector<16xi32>
    %add3A_963 = arith.addi %add3A_962, %iota3A : vector<16xi32>
    %sub3A_964 = arith.constant 254 : i32
    %sub3A_965 = vector.broadcast %sub3A_964 : i32 to vector<16xi32>
    %sub3A_966 = arith.subi %sub3A_965, %add3A_963 : vector<16xi32>
    %max3A_967 = arith.constant 0 : i32
    %max3A_968 = vector.broadcast %max3A_967 : i32 to vector<16xi32>
    %max3A_969 = arith.maxsi %sub3A_966, %max3A_968 : vector<16xi32>
    %mul3A_970 = arith.constant 16 : i32
    %mul3A_971 = vector.broadcast %mul3A_970 : i32 to vector<16xi32>
    %mul3A_972 = arith.muli %max3A_969, %mul3A_971 : vector<16xi32>
    %add3A_973 = vector.broadcast %arg1 : i32 to vector<16xi32>
    %add3A_974 = arith.addi %mul3A_972, %add3A_973 : vector<16xi32>
    %gather3A_975 = tpu.vector_load_idx %arg4[%add3A_974] : memref<4080xf32, #tpu.memory_space<vmem>>[vector<16xi32>], vector<16xf32>,
    %swap3A_976 = arith.constant 14709 : index
    %swap3A_977 = tpu.vector_load %arg5[%swap3A_976] {strides = array<i32>} : memref<33872xf32, #tpu.memory_space<vmem>>, vector<16xf32>,
    tpu.vector_store %arg5[%swap3A_976], %gather3A_975 {strides = array<i32>} : memref<33872xf32, #tpu.memory_space<vmem>>, vector<16xf32>,
    %add3A_978 = arith.constant 112 : i32
    %add3A_979 = vector.broadcast %add3A_978 : i32 to vector<16xi32>
    %add3A_980 = arith.addi %add3A_979, %iota3A : vector<16xi32>
    %sub3A_981 = arith.constant 254 : i32
    %sub3A_982 = vector.broadcast %sub3A_981 : i32 to vector<16xi32>
    %sub3A_983 = arith.subi %sub3A_982, %add3A_980 : vector<16xi32>
    %max3A_984 = arith.constant 0 : i32
    %max3A_985 = vector.broadcast %max3A_984 : i32 to vector<16xi32>
    %max3A_986 = arith.maxsi %sub3A_983, %max3A_985 : vector<16xi32>
    %mul3A_987 = arith.constant 16 : i32
    %mul3A_988 = vector.broadcast %mul3A_987 : i32 to vector<16xi32>
    %mul3A_989 = arith.muli %max3A_986, %mul3A_988 : vector<16xi32>
    %add3A_990 = vector.broadcast %arg1 : i32 to vector<16xi32>
    %add3A_991 = arith.addi %mul3A_989, %add3A_990 : vector<16xi32>
    %gather3A_992 = tpu.vector_load_idx %arg4[%add3A_991] : memref<4080xf32, #tpu.memory_space<vmem>>[vector<16xi32>], vector<16xf32>,
    %swap3A_993 = arith.constant 14725 : index
    %swap3A_994 = tpu.vector_load %arg5[%swap3A_993] {strides = array<i32>} : memref<33872xf32, #tpu.memory_space<vmem>>, vector<16xf32>,
    tpu.vector_store %arg5[%swap3A_993], %gather3A_992 {strides = array<i32>} : memref<33872xf32, #tpu.memory_space<vmem>>, vector<16xf32>,
    %add3A_995 = arith.constant 128 : i32
    %add3A_996 = vector.broadcast %add3A_995 : i32 to vector<16xi32>
    %add3A_997 = arith.addi %add3A_996, %iota3A : vector<16xi32>
    %sub3A_998 = arith.constant 254 : i32
    %sub3A_999 = vector.broadcast %sub3A_998 : i32 to vector<16xi32>
    %sub3A_1000 = arith.subi %sub3A_999, %add3A_997 : vector<16xi32>
    %max3A_1001 = arith.constant 0 : i32
    %max3A_1002 = vector.broadcast %max3A_1001 : i32 to vector<16xi32>
    %max3A_1003 = arith.maxsi %sub3A_1000, %max3A_1002 : vector<16xi32>
    %mul3A_1004 = arith.constant 16 : i32
    %mul3A_1005 = vector.broadcast %mul3A_1004 : i32 to vector<16xi32>
    %mul3A_1006 = arith.muli %max3A_1003, %mul3A_1005 : vector<16xi32>
    %add3A_1007 = vector.broadcast %arg1 : i32 to vector<16xi32>
    %add3A_1008 = arith.addi %mul3A_1006, %add3A_1007 : vector<16xi32>
    %gather3A_1009 = tpu.vector_load_idx %arg4[%add3A_1008] : memref<4080xf32, #tpu.memory_space<vmem>>[vector<16xi32>], vector<16xf32>,
    %swap3A_1010 = arith.constant 14741 : index
    %swap3A_1011 = tpu.vector_load %arg5[%swap3A_1010] {strides = array<i32>} : memref<33872xf32, #tpu.memory_space<vmem>>, vector<16xf32>,
    tpu.vector_store %arg5[%swap3A_1010], %gather3A_1009 {strides = array<i32>} : memref<33872xf32, #tpu.memory_space<vmem>>, vector<16xf32>,
    %add3A_1012 = arith.constant 144 : i32
    %add3A_1013 = vector.broadcast %add3A_1012 : i32 to vector<16xi32>
    %add3A_1014 = arith.addi %add3A_1013, %iota3A : vector<16xi32>
    %sub3A_1015 = arith.constant 254 : i32
    %sub3A_1016 = vector.broadcast %sub3A_1015 : i32 to vector<16xi32>
    %sub3A_1017 = arith.subi %sub3A_1016, %add3A_1014 : vector<16xi32>
    %max3A_1018 = arith.constant 0 : i32
    %max3A_1019 = vector.broadcast %max3A_1018 : i32 to vector<16xi32>
    %max3A_1020 = arith.maxsi %sub3A_1017, %max3A_1019 : vector<16xi32>
    %mul3A_1021 = arith.constant 16 : i32
    %mul3A_1022 = vector.broadcast %mul3A_1021 : i32 to vector<16xi32>
    %mul3A_1023 = arith.muli %max3A_1020, %mul3A_1022 : vector<16xi32>
    %add3A_1024 = vector.broadcast %arg1 : i32 to vector<16xi32>
    %add3A_1025 = arith.addi %mul3A_1023, %add3A_1024 : vector<16xi32>
    %gather3A_1026 = tpu.vector_load_idx %arg4[%add3A_1025] : memref<4080xf32, #tpu.memory_space<vmem>>[vector<16xi32>], vector<16xf32>,
    %swap3A_1027 = arith.constant 14757 : index
    %swap3A_1028 = tpu.vector_load %arg5[%swap3A_1027] {strides = array<i32>} : memref<33872xf32, #tpu.memory_space<vmem>>, vector<16xf32>,
    tpu.vector_store %arg5[%swap3A_1027], %gather3A_1026 {strides = array<i32>} : memref<33872xf32, #tpu.memory_space<vmem>>, vector<16xf32>,
    %add3A_1029 = arith.constant 160 : i32
    %add3A_1030 = vector.broadcast %add3A_1029 : i32 to vector<16xi32>
    %add3A_1031 = arith.addi %add3A_1030, %iota3A : vector<16xi32>
    %sub3A_1032 = arith.constant 254 : i32
    %sub3A_1033 = vector.broadcast %sub3A_1032 : i32 to vector<16xi32>
    %sub3A_1034 = arith.subi %sub3A_1033, %add3A_1031 : vector<16xi32>
    %max3A_1035 = arith.constant 0 : i32
    %max3A_1036 = vector.broadcast %max3A_1035 : i32 to vector<16xi32>
    %max3A_1037 = arith.maxsi %sub3A_1034, %max3A_1036 : vector<16xi32>
    %mul3A_1038 = arith.constant 16 : i32
    %mul3A_1039 = vector.broadcast %mul3A_1038 : i32 to vector<16xi32>
    %mul3A_1040 = arith.muli %max3A_1037, %mul3A_1039 : vector<16xi32>
    %add3A_1041 = vector.broadcast %arg1 : i32 to vector<16xi32>
    %add3A_1042 = arith.addi %mul3A_1040, %add3A_1041 : vector<16xi32>
    %gather3A_1043 = tpu.vector_load_idx %arg4[%add3A_1042] : memref<4080xf32, #tpu.memory_space<vmem>>[vector<16xi32>], vector<16xf32>,
    %swap3A_1044 = arith.constant 14773 : index
    %swap3A_1045 = tpu.vector_load %arg5[%swap3A_1044] {strides = array<i32>} : memref<33872xf32, #tpu.memory_space<vmem>>, vector<16xf32>,
    tpu.vector_store %arg5[%swap3A_1044], %gather3A_1043 {strides = array<i32>} : memref<33872xf32, #tpu.memory_space<vmem>>, vector<16xf32>,
    %add3A_1046 = arith.constant 176 : i32
    %add3A_1047 = vector.broadcast %add3A_1046 : i32 to vector<16xi32>
    %add3A_1048 = arith.addi %add3A_1047, %iota3A : vector<16xi32>
    %sub3A_1049 = arith.constant 254 : i32
    %sub3A_1050 = vector.broadcast %sub3A_1049 : i32 to vector<16xi32>
    %sub3A_1051 = arith.subi %sub3A_1050, %add3A_1048 : vector<16xi32>
    %max3A_1052 = arith.constant 0 : i32
    %max3A_1053 = vector.broadcast %max3A_1052 : i32 to vector<16xi32>
    %max3A_1054 = arith.maxsi %sub3A_1051, %max3A_1053 : vector<16xi32>
    %mul3A_1055 = arith.constant 16 : i32
    %mul3A_1056 = vector.broadcast %mul3A_1055 : i32 to vector<16xi32>
    %mul3A_1057 = arith.muli %max3A_1054, %mul3A_1056 : vector<16xi32>
    %add3A_1058 = vector.broadcast %arg1 : i32 to vector<16xi32>
    %add3A_1059 = arith.addi %mul3A_1057, %add3A_1058 : vector<16xi32>
    %gather3A_1060 = tpu.vector_load_idx %arg4[%add3A_1059] : memref<4080xf32, #tpu.memory_space<vmem>>[vector<16xi32>], vector<16xf32>,
    %swap3A_1061 = arith.constant 14789 : index
    %swap3A_1062 = tpu.vector_load %arg5[%swap3A_1061] {strides = array<i32>} : memref<33872xf32, #tpu.memory_space<vmem>>, vector<16xf32>,
    tpu.vector_store %arg5[%swap3A_1061], %gather3A_1060 {strides = array<i32>} : memref<33872xf32, #tpu.memory_space<vmem>>, vector<16xf32>,
    %add3A_1063 = arith.constant 192 : i32
    %add3A_1064 = vector.broadcast %add3A_1063 : i32 to vector<16xi32>
    %add3A_1065 = arith.addi %add3A_1064, %iota3A : vector<16xi32>
    %sub3A_1066 = arith.constant 254 : i32
    %sub3A_1067 = vector.broadcast %sub3A_1066 : i32 to vector<16xi32>
    %sub3A_1068 = arith.subi %sub3A_1067, %add3A_1065 : vector<16xi32>
    %max3A_1069 = arith.constant 0 : i32
    %max3A_1070 = vector.broadcast %max3A_1069 : i32 to vector<16xi32>
    %max3A_1071 = arith.maxsi %sub3A_1068, %max3A_1070 : vector<16xi32>
    %mul3A_1072 = arith.constant 16 : i32
    %mul3A_1073 = vector.broadcast %mul3A_1072 : i32 to vector<16xi32>
    %mul3A_1074 = arith.muli %max3A_1071, %mul3A_1073 : vector<16xi32>
    %add3A_1075 = vector.broadcast %arg1 : i32 to vector<16xi32>
    %add3A_1076 = arith.addi %mul3A_1074, %add3A_1075 : vector<16xi32>
    %gather3A_1077 = tpu.vector_load_idx %arg4[%add3A_1076] : memref<4080xf32, #tpu.memory_space<vmem>>[vector<16xi32>], vector<16xf32>,
    %swap3A_1078 = arith.constant 14805 : index
    %swap3A_1079 = tpu.vector_load %arg5[%swap3A_1078] {strides = array<i32>} : memref<33872xf32, #tpu.memory_space<vmem>>, vector<16xf32>,
    tpu.vector_store %arg5[%swap3A_1078], %gather3A_1077 {strides = array<i32>} : memref<33872xf32, #tpu.memory_space<vmem>>, vector<16xf32>,
    %add3A_1080 = arith.constant 208 : i32
    %add3A_1081 = vector.broadcast %add3A_1080 : i32 to vector<16xi32>
    %add3A_1082 = arith.addi %add3A_1081, %iota3A : vector<16xi32>
    %sub3A_1083 = arith.constant 254 : i32
    %sub3A_1084 = vector.broadcast %sub3A_1083 : i32 to vector<16xi32>
    %sub3A_1085 = arith.subi %sub3A_1084, %add3A_1082 : vector<16xi32>
    %max3A_1086 = arith.constant 0 : i32
    %max3A_1087 = vector.broadcast %max3A_1086 : i32 to vector<16xi32>
    %max3A_1088 = arith.maxsi %sub3A_1085, %max3A_1087 : vector<16xi32>
    %mul3A_1089 = arith.constant 16 : i32
    %mul3A_1090 = vector.broadcast %mul3A_1089 : i32 to vector<16xi32>
    %mul3A_1091 = arith.muli %max3A_1088, %mul3A_1090 : vector<16xi32>
    %add3A_1092 = vector.broadcast %arg1 : i32 to vector<16xi32>
    %add3A_1093 = arith.addi %mul3A_1091, %add3A_1092 : vector<16xi32>
    %gather3A_1094 = tpu.vector_load_idx %arg4[%add3A_1093] : memref<4080xf32, #tpu.memory_space<vmem>>[vector<16xi32>], vector<16xf32>,
    %swap3A_1095 = arith.constant 14821 : index
    %swap3A_1096 = tpu.vector_load %arg5[%swap3A_1095] {strides = array<i32>} : memref<33872xf32, #tpu.memory_space<vmem>>, vector<16xf32>,
    tpu.vector_store %arg5[%swap3A_1095], %gather3A_1094 {strides = array<i32>} : memref<33872xf32, #tpu.memory_space<vmem>>, vector<16xf32>,
    %add3A_1097 = arith.constant 224 : i32
    %add3A_1098 = vector.broadcast %add3A_1097 : i32 to vector<16xi32>
    %add3A_1099 = arith.addi %add3A_1098, %iota3A : vector<16xi32>
    %sub3A_1100 = arith.constant 254 : i32
    %sub3A_1101 = vector.broadcast %sub3A_1100 : i32 to vector<16xi32>
    %sub3A_1102 = arith.subi %sub3A_1101, %add3A_1099 : vector<16xi32>
    %max3A_1103 = arith.constant 0 : i32
    %max3A_1104 = vector.broadcast %max3A_1103 : i32 to vector<16xi32>
    %max3A_1105 = arith.maxsi %sub3A_1102, %max3A_1104 : vector<16xi32>
    %mul3A_1106 = arith.constant 16 : i32
    %mul3A_1107 = vector.broadcast %mul3A_1106 : i32 to vector<16xi32>
    %mul3A_1108 = arith.muli %max3A_1105, %mul3A_1107 : vector<16xi32>
    %add3A_1109 = vector.broadcast %arg1 : i32 to vector<16xi32>
    %add3A_1110 = arith.addi %mul3A_1108, %add3A_1109 : vector<16xi32>
    %gather3A_1111 = tpu.vector_load_idx %arg4[%add3A_1110] : memref<4080xf32, #tpu.memory_space<vmem>>[vector<16xi32>], vector<16xf32>,
    %swap3A_1112 = arith.constant 14837 : index
    %swap3A_1113 = tpu.vector_load %arg5[%swap3A_1112] {strides = array<i32>} : memref<33872xf32, #tpu.memory_space<vmem>>, vector<16xf32>,
    tpu.vector_store %arg5[%swap3A_1112], %gather3A_1111 {strides = array<i32>} : memref<33872xf32, #tpu.memory_space<vmem>>, vector<16xf32>,
    %add3A_1114 = arith.constant 240 : i32
    %add3A_1115 = vector.broadcast %add3A_1114 : i32 to vector<16xi32>
    %add3A_1116 = arith.addi %add3A_1115, %iota3A : vector<16xi32>
    %sub3A_1117 = arith.constant 254 : i32
    %sub3A_1118 = vector.broadcast %sub3A_1117 : i32 to vector<16xi32>
    %sub3A_1119 = arith.subi %sub3A_1118, %add3A_1116 : vector<16xi32>
    %max3A_1120 = arith.constant 0 : i32
    %max3A_1121 = vector.broadcast %max3A_1120 : i32 to vector<16xi32>
    %max3A_1122 = arith.maxsi %sub3A_1119, %max3A_1121 : vector<16xi32>
    %mul3A_1123 = arith.constant 16 : i32
    %mul3A_1124 = vector.broadcast %mul3A_1123 : i32 to vector<16xi32>
    %mul3A_1125 = arith.muli %max3A_1122, %mul3A_1124 : vector<16xi32>
    %add3A_1126 = vector.broadcast %arg1 : i32 to vector<16xi32>
    %add3A_1127 = arith.addi %mul3A_1125, %add3A_1126 : vector<16xi32>
    %gather3A_1128 = tpu.vector_load_idx %arg4[%add3A_1127] : memref<4080xf32, #tpu.memory_space<vmem>>[vector<16xi32>], vector<16xf32>,
    %swap3A_1129 = arith.constant 14853 : index
    %swap3A_1130 = tpu.vector_load %arg5[%swap3A_1129] {strides = array<i32>} : memref<33872xf32, #tpu.memory_space<vmem>>, vector<16xf32>,
    tpu.vector_store %arg5[%swap3A_1129], %gather3A_1128 {strides = array<i32>} : memref<33872xf32, #tpu.memory_space<vmem>>, vector<16xf32>,
    %scan3A_1131 = arith.constant 0 : i32
    %scan3A_1132 = arith.constant 0 : i32
    %scan3A_1133 = arith.constant 16 : i32
    %scan3A_1134 = arith.addi %scan3A_1132, %scan3A_1133 : i32
    %scan3A_1135 = arith.constant 1 : i32
    scf.for %scan3A_2288 = %scan3A_1132 to %scan3A_1134 step %scan3A_1135  : i32 {
      %mul3A_2289 = arith.constant 128 : i32
      %mul3A_2290 = arith.muli %scan3A_2288, %mul3A_2289 : i32
      %add3A_2291 = arith.constant 14869 : i32
      %add3A_2292 = arith.addi %add3A_2291, %mul3A_2290 : i32
      %add3A_2293 = arith.constant 0 : i32
      %add3A_2294 = arith.addi %add3A_2292, %add3A_2293 : i32
      %swap3A_2295 = arith.index_cast %add3A_2294 : i32 to index
      %swap3A_2296 = tpu.vector_load %arg5[%swap3A_2295] {strides = array<i32>} : memref<33872xf32, #tpu.memory_space<vmem>>, vector<16xf32>,
      tpu.vector_store %arg5[%swap3A_2295], %gather3A_4 {strides = array<i32>} : memref<33872xf32, #tpu.memory_space<vmem>>, vector<16xf32>,
      %add3A_2297 = arith.constant 16 : i32
      %add3A_2298 = arith.addi %add3A_2292, %add3A_2297 : i32
      %swap3A_2299 = arith.index_cast %add3A_2298 : i32 to index
      %swap3A_2300 = tpu.vector_load %arg5[%swap3A_2299] {strides = array<i32>} : memref<33872xf32, #tpu.memory_space<vmem>>, vector<16xf32>,
      tpu.vector_store %arg5[%swap3A_2299], %gather3A_4 {strides = array<i32>} : memref<33872xf32, #tpu.memory_space<vmem>>, vector<16xf32>,
      %add3A_2301 = arith.constant 32 : i32
      %add3A_2302 = arith.addi %add3A_2292, %add3A_2301 : i32
      %swap3A_2303 = arith.index_cast %add3A_2302 : i32 to index
      %swap3A_2304 = tpu.vector_load %arg5[%swap3A_2303] {strides = array<i32>} : memref<33872xf32, #tpu.memory_space<vmem>>, vector<16xf32>,
      tpu.vector_store %arg5[%swap3A_2303], %gather3A_4 {strides = array<i32>} : memref<33872xf32, #tpu.memory_space<vmem>>, vector<16xf32>,
      %add3A_2305 = arith.constant 48 : i32
      %add3A_2306 = arith.addi %add3A_2292, %add3A_2305 : i32
      %swap3A_2307 = arith.index_cast %add3A_2306 : i32 to index
      %swap3A_2308 = tpu.vector_load %arg5[%swap3A_2307] {strides = array<i32>} : memref<33872xf32, #tpu.memory_space<vmem>>, vector<16xf32>,
      tpu.vector_store %arg5[%swap3A_2307], %gather3A_4 {strides = array<i32>} : memref<33872xf32, #tpu.memory_space<vmem>>, vector<16xf32>,
      %add3A_2309 = arith.constant 64 : i32
      %add3A_2310 = arith.addi %add3A_2292, %add3A_2309 : i32
      %swap3A_2311 = arith.index_cast %add3A_2310 : i32 to index
      %swap3A_2312 = tpu.vector_load %arg5[%swap3A_2311] {strides = array<i32>} : memref<33872xf32, #tpu.memory_space<vmem>>, vector<16xf32>,
      tpu.vector_store %arg5[%swap3A_2311], %gather3A_4 {strides = array<i32>} : memref<33872xf32, #tpu.memory_space<vmem>>, vector<16xf32>,
      %add3A_2313 = arith.constant 80 : i32
      %add3A_2314 = arith.addi %add3A_2292, %add3A_2313 : i32
      %swap3A_2315 = arith.index_cast %add3A_2314 : i32 to index
      %swap3A_2316 = tpu.vector_load %arg5[%swap3A_2315] {strides = array<i32>} : memref<33872xf32, #tpu.memory_space<vmem>>, vector<16xf32>,
      tpu.vector_store %arg5[%swap3A_2315], %gather3A_4 {strides = array<i32>} : memref<33872xf32, #tpu.memory_space<vmem>>, vector<16xf32>,
      %add3A_2317 = arith.constant 96 : i32
      %add3A_2318 = arith.addi %add3A_2292, %add3A_2317 : i32
      %swap3A_2319 = arith.index_cast %add3A_2318 : i32 to index
      %swap3A_2320 = tpu.vector_load %arg5[%swap3A_2319] {strides = array<i32>} : memref<33872xf32, #tpu.memory_space<vmem>>, vector<16xf32>,
      tpu.vector_store %arg5[%swap3A_2319], %gather3A_4 {strides = array<i32>} : memref<33872xf32, #tpu.memory_space<vmem>>, vector<16xf32>,
      %add3A_2321 = arith.constant 112 : i32
      %add3A_2322 = arith.addi %add3A_2292, %add3A_2321 : i32
      %swap3A_2323 = arith.index_cast %add3A_2322 : i32 to index
      %swap3A_2324 = tpu.vector_load %arg5[%swap3A_2323] {strides = array<i32>} : memref<33872xf32, #tpu.memory_space<vmem>>, vector<16xf32>,
      tpu.vector_store %arg5[%swap3A_2323], %gather3A_4 {strides = array<i32>} : memref<33872xf32, #tpu.memory_space<vmem>>, vector<16xf32>,
    }
    %scan3A_1136 = arith.constant 16 : i32
    %scan3A_1137 = arith.constant 0 : i32
    %scan3A_1138 = arith.constant 0 : i32
    %scan3A_1139 = arith.constant 15 : i32
    %scan3A_1140 = arith.addi %scan3A_1138, %scan3A_1139 : i32
    %scan3A_1141 = arith.constant 1 : i32
    scf.for %scan3A_2288 = %scan3A_1138 to %scan3A_1140 step %scan3A_1141  : i32 {
      %mul3A_2289 = arith.constant 128 : i32
      %mul3A_2290 = arith.muli %scan3A_2288, %mul3A_2289 : i32
      %add3A_2291 = arith.constant 16928 : i32
      %add3A_2292 = arith.addi %add3A_2291, %mul3A_2290 : i32
      %add3A_2293 = arith.constant 0 : i32
      %add3A_2294 = arith.addi %add3A_2292, %add3A_2293 : i32
      %swap3A_2295 = arith.index_cast %add3A_2294 : i32 to index
      %swap3A_2296 = tpu.vector_load %arg5[%swap3A_2295] {strides = array<i32>} : memref<33872xf32, #tpu.memory_space<vmem>>, vector<16xf32>,
      tpu.vector_store %arg5[%swap3A_2295], %gather3A {strides = array<i32>} : memref<33872xf32, #tpu.memory_space<vmem>>, vector<16xf32>,
      %add3A_2297 = arith.constant 16 : i32
      %add3A_2298 = arith.addi %add3A_2292, %add3A_2297 : i32
      %swap3A_2299 = arith.index_cast %add3A_2298 : i32 to index
      %swap3A_2300 = tpu.vector_load %arg5[%swap3A_2299] {strides = array<i32>} : memref<33872xf32, #tpu.memory_space<vmem>>, vector<16xf32>,
      tpu.vector_store %arg5[%swap3A_2299], %gather3A {strides = array<i32>} : memref<33872xf32, #tpu.memory_space<vmem>>, vector<16xf32>,
      %add3A_2301 = arith.constant 32 : i32
      %add3A_2302 = arith.addi %add3A_2292, %add3A_2301 : i32
      %swap3A_2303 = arith.index_cast %add3A_2302 : i32 to index
      %swap3A_2304 = tpu.vector_load %arg5[%swap3A_2303] {strides = array<i32>} : memref<33872xf32, #tpu.memory_space<vmem>>, vector<16xf32>,
      tpu.vector_store %arg5[%swap3A_2303], %gather3A {strides = array<i32>} : memref<33872xf32, #tpu.memory_space<vmem>>, vector<16xf32>,
      %add3A_2305 = arith.constant 48 : i32
      %add3A_2306 = arith.addi %add3A_2292, %add3A_2305 : i32
      %swap3A_2307 = arith.index_cast %add3A_2306 : i32 to index
      %swap3A_2308 = tpu.vector_load %arg5[%swap3A_2307] {strides = array<i32>} : memref<33872xf32, #tpu.memory_space<vmem>>, vector<16xf32>,
      tpu.vector_store %arg5[%swap3A_2307], %gather3A {strides = array<i32>} : memref<33872xf32, #tpu.memory_space<vmem>>, vector<16xf32>,
      %add3A_2309 = arith.constant 64 : i32
      %add3A_2310 = arith.addi %add3A_2292, %add3A_2309 : i32
      %swap3A_2311 = arith.index_cast %add3A_2310 : i32 to index
      %swap3A_2312 = tpu.vector_load %arg5[%swap3A_2311] {strides = array<i32>} : memref<33872xf32, #tpu.memory_space<vmem>>, vector<16xf32>,
      tpu.vector_store %arg5[%swap3A_2311], %gather3A {strides = array<i32>} : memref<33872xf32, #tpu.memory_space<vmem>>, vector<16xf32>,
      %add3A_2313 = arith.constant 80 : i32
      %add3A_2314 = arith.addi %add3A_2292, %add3A_2313 : i32
      %swap3A_2315 = arith.index_cast %add3A_2314 : i32 to index
      %swap3A_2316 = tpu.vector_load %arg5[%swap3A_2315] {strides = array<i32>} : memref<33872xf32, #tpu.memory_space<vmem>>, vector<16xf32>,
      tpu.vector_store %arg5[%swap3A_2315], %gather3A {strides = array<i32>} : memref<33872xf32, #tpu.memory_space<vmem>>, vector<16xf32>,
      %add3A_2317 = arith.constant 96 : i32
      %add3A_2318 = arith.addi %add3A_2292, %add3A_2317 : i32
      %swap3A_2319 = arith.index_cast %add3A_2318 : i32 to index
      %swap3A_2320 = tpu.vector_load %arg5[%swap3A_2319] {strides = array<i32>} : memref<33872xf32, #tpu.memory_space<vmem>>, vector<16xf32>,
      tpu.vector_store %arg5[%swap3A_2319], %gather3A {strides = array<i32>} : memref<33872xf32, #tpu.memory_space<vmem>>, vector<16xf32>,
      %add3A_2321 = arith.constant 112 : i32
      %add3A_2322 = arith.addi %add3A_2292, %add3A_2321 : i32
      %swap3A_2323 = arith.index_cast %add3A_2322 : i32 to index
      %swap3A_2324 = tpu.vector_load %arg5[%swap3A_2323] {strides = array<i32>} : memref<33872xf32, #tpu.memory_space<vmem>>, vector<16xf32>,
      tpu.vector_store %arg5[%swap3A_2323], %gather3A {strides = array<i32>} : memref<33872xf32, #tpu.memory_space<vmem>>, vector<16xf32>,
    }
    %scan3A_1142 = arith.constant 15 : i32
    %add3A_1143 = arith.constant 0 : i32
    %add3A_1144 = vector.broadcast %add3A_1143 : i32 to vector<16xi32>
    %add3A_1145 = arith.addi %add3A_1144, %iota3A : vector<16xi32>
    %sub3A_1146 = arith.constant 254 : i32
    %sub3A_1147 = vector.broadcast %sub3A_1146 : i32 to vector<16xi32>
    %sub3A_1148 = arith.subi %sub3A_1147, %add3A_1145 : vector<16xi32>
    %max3A_1149 = arith.constant 0 : i32
    %max3A_1150 = vector.broadcast %max3A_1149 : i32 to vector<16xi32>
    %max3A_1151 = arith.maxsi %sub3A_1148, %max3A_1150 : vector<16xi32>
    %mul3A_1152 = arith.constant 16 : i32
    %mul3A_1153 = vector.broadcast %mul3A_1152 : i32 to vector<16xi32>
    %mul3A_1154 = arith.muli %max3A_1151, %mul3A_1153 : vector<16xi32>
    %add3A_1155 = vector.broadcast %arg1 : i32 to vector<16xi32>
    %add3A_1156 = arith.addi %mul3A_1154, %add3A_1155 : vector<16xi32>
    %gather3A_1157 = tpu.vector_load_idx %arg4[%add3A_1156] : memref<4080xf32, #tpu.memory_space<vmem>>[vector<16xi32>], vector<16xf32>,
    %swap3A_1158 = arith.constant 18844 : index
    %swap3A_1159 = tpu.vector_load %arg5[%swap3A_1158] {strides = array<i32>} : memref<33872xf32, #tpu.memory_space<vmem>>, vector<16xf32>,
    tpu.vector_store %arg5[%swap3A_1158], %gather3A_1157 {strides = array<i32>} : memref<33872xf32, #tpu.memory_space<vmem>>, vector<16xf32>,
    %add3A_1160 = arith.constant 16 : i32
    %add3A_1161 = vector.broadcast %add3A_1160 : i32 to vector<16xi32>
    %add3A_1162 = arith.addi %add3A_1161, %iota3A : vector<16xi32>
    %sub3A_1163 = arith.constant 254 : i32
    %sub3A_1164 = vector.broadcast %sub3A_1163 : i32 to vector<16xi32>
    %sub3A_1165 = arith.subi %sub3A_1164, %add3A_1162 : vector<16xi32>
    %max3A_1166 = arith.constant 0 : i32
    %max3A_1167 = vector.broadcast %max3A_1166 : i32 to vector<16xi32>
    %max3A_1168 = arith.maxsi %sub3A_1165, %max3A_1167 : vector<16xi32>
    %mul3A_1169 = arith.constant 16 : i32
    %mul3A_1170 = vector.broadcast %mul3A_1169 : i32 to vector<16xi32>
    %mul3A_1171 = arith.muli %max3A_1168, %mul3A_1170 : vector<16xi32>
    %add3A_1172 = vector.broadcast %arg1 : i32 to vector<16xi32>
    %add3A_1173 = arith.addi %mul3A_1171, %add3A_1172 : vector<16xi32>
    %gather3A_1174 = tpu.vector_load_idx %arg4[%add3A_1173] : memref<4080xf32, #tpu.memory_space<vmem>>[vector<16xi32>], vector<16xf32>,
    %swap3A_1175 = arith.constant 18860 : index
    %swap3A_1176 = tpu.vector_load %arg5[%swap3A_1175] {strides = array<i32>} : memref<33872xf32, #tpu.memory_space<vmem>>, vector<16xf32>,
    tpu.vector_store %arg5[%swap3A_1175], %gather3A_1174 {strides = array<i32>} : memref<33872xf32, #tpu.memory_space<vmem>>, vector<16xf32>,
    %add3A_1177 = arith.constant 32 : i32
    %add3A_1178 = vector.broadcast %add3A_1177 : i32 to vector<16xi32>
    %add3A_1179 = arith.addi %add3A_1178, %iota3A : vector<16xi32>
    %sub3A_1180 = arith.constant 254 : i32
    %sub3A_1181 = vector.broadcast %sub3A_1180 : i32 to vector<16xi32>
    %sub3A_1182 = arith.subi %sub3A_1181, %add3A_1179 : vector<16xi32>
    %max3A_1183 = arith.constant 0 : i32
    %max3A_1184 = vector.broadcast %max3A_1183 : i32 to vector<16xi32>
    %max3A_1185 = arith.maxsi %sub3A_1182, %max3A_1184 : vector<16xi32>
    %mul3A_1186 = arith.constant 16 : i32
    %mul3A_1187 = vector.broadcast %mul3A_1186 : i32 to vector<16xi32>
    %mul3A_1188 = arith.muli %max3A_1185, %mul3A_1187 : vector<16xi32>
    %add3A_1189 = vector.broadcast %arg1 : i32 to vector<16xi32>
    %add3A_1190 = arith.addi %mul3A_1188, %add3A_1189 : vector<16xi32>
    %gather3A_1191 = tpu.vector_load_idx %arg4[%add3A_1190] : memref<4080xf32, #tpu.memory_space<vmem>>[vector<16xi32>], vector<16xf32>,
    %swap3A_1192 = arith.constant 18876 : index
    %swap3A_1193 = tpu.vector_load %arg5[%swap3A_1192] {strides = array<i32>} : memref<33872xf32, #tpu.memory_space<vmem>>, vector<16xf32>,
    tpu.vector_store %arg5[%swap3A_1192], %gather3A_1191 {strides = array<i32>} : memref<33872xf32, #tpu.memory_space<vmem>>, vector<16xf32>,
    %add3A_1194 = arith.constant 48 : i32
    %add3A_1195 = vector.broadcast %add3A_1194 : i32 to vector<16xi32>
    %add3A_1196 = arith.addi %add3A_1195, %iota3A : vector<16xi32>
    %sub3A_1197 = arith.constant 254 : i32
    %sub3A_1198 = vector.broadcast %sub3A_1197 : i32 to vector<16xi32>
    %sub3A_1199 = arith.subi %sub3A_1198, %add3A_1196 : vector<16xi32>
    %max3A_1200 = arith.constant 0 : i32
    %max3A_1201 = vector.broadcast %max3A_1200 : i32 to vector<16xi32>
    %max3A_1202 = arith.maxsi %sub3A_1199, %max3A_1201 : vector<16xi32>
    %mul3A_1203 = arith.constant 16 : i32
    %mul3A_1204 = vector.broadcast %mul3A_1203 : i32 to vector<16xi32>
    %mul3A_1205 = arith.muli %max3A_1202, %mul3A_1204 : vector<16xi32>
    %add3A_1206 = vector.broadcast %arg1 : i32 to vector<16xi32>
    %add3A_1207 = arith.addi %mul3A_1205, %add3A_1206 : vector<16xi32>
    %gather3A_1208 = tpu.vector_load_idx %arg4[%add3A_1207] : memref<4080xf32, #tpu.memory_space<vmem>>[vector<16xi32>], vector<16xf32>,
    %swap3A_1209 = arith.constant 18892 : index
    %swap3A_1210 = tpu.vector_load %arg5[%swap3A_1209] {strides = array<i32>} : memref<33872xf32, #tpu.memory_space<vmem>>, vector<16xf32>,
    tpu.vector_store %arg5[%swap3A_1209], %gather3A_1208 {strides = array<i32>} : memref<33872xf32, #tpu.memory_space<vmem>>, vector<16xf32>,
    %add3A_1211 = arith.constant 64 : i32
    %add3A_1212 = vector.broadcast %add3A_1211 : i32 to vector<16xi32>
    %add3A_1213 = arith.addi %add3A_1212, %iota3A : vector<16xi32>
    %sub3A_1214 = arith.constant 254 : i32
    %sub3A_1215 = vector.broadcast %sub3A_1214 : i32 to vector<16xi32>
    %sub3A_1216 = arith.subi %sub3A_1215, %add3A_1213 : vector<16xi32>
    %max3A_1217 = arith.constant 0 : i32
    %max3A_1218 = vector.broadcast %max3A_1217 : i32 to vector<16xi32>
    %max3A_1219 = arith.maxsi %sub3A_1216, %max3A_1218 : vector<16xi32>
    %mul3A_1220 = arith.constant 16 : i32
    %mul3A_1221 = vector.broadcast %mul3A_1220 : i32 to vector<16xi32>
    %mul3A_1222 = arith.muli %max3A_1219, %mul3A_1221 : vector<16xi32>
    %add3A_1223 = vector.broadcast %arg1 : i32 to vector<16xi32>
    %add3A_1224 = arith.addi %mul3A_1222, %add3A_1223 : vector<16xi32>
    %gather3A_1225 = tpu.vector_load_idx %arg4[%add3A_1224] : memref<4080xf32, #tpu.memory_space<vmem>>[vector<16xi32>], vector<16xf32>,
    %swap3A_1226 = arith.constant 18908 : index
    %swap3A_1227 = tpu.vector_load %arg5[%swap3A_1226] {strides = array<i32>} : memref<33872xf32, #tpu.memory_space<vmem>>, vector<16xf32>,
    tpu.vector_store %arg5[%swap3A_1226], %gather3A_1225 {strides = array<i32>} : memref<33872xf32, #tpu.memory_space<vmem>>, vector<16xf32>,
    %add3A_1228 = arith.constant 80 : i32
    %add3A_1229 = vector.broadcast %add3A_1228 : i32 to vector<16xi32>
    %add3A_1230 = arith.addi %add3A_1229, %iota3A : vector<16xi32>
    %sub3A_1231 = arith.constant 254 : i32
    %sub3A_1232 = vector.broadcast %sub3A_1231 : i32 to vector<16xi32>
    %sub3A_1233 = arith.subi %sub3A_1232, %add3A_1230 : vector<16xi32>
    %max3A_1234 = arith.constant 0 : i32
    %max3A_1235 = vector.broadcast %max3A_1234 : i32 to vector<16xi32>
    %max3A_1236 = arith.maxsi %sub3A_1233, %max3A_1235 : vector<16xi32>
    %mul3A_1237 = arith.constant 16 : i32
    %mul3A_1238 = vector.broadcast %mul3A_1237 : i32 to vector<16xi32>
    %mul3A_1239 = arith.muli %max3A_1236, %mul3A_1238 : vector<16xi32>
    %add3A_1240 = vector.broadcast %arg1 : i32 to vector<16xi32>
    %add3A_1241 = arith.addi %mul3A_1239, %add3A_1240 : vector<16xi32>
    %gather3A_1242 = tpu.vector_load_idx %arg4[%add3A_1241] : memref<4080xf32, #tpu.memory_space<vmem>>[vector<16xi32>], vector<16xf32>,
    %swap3A_1243 = arith.constant 18924 : index
    %swap3A_1244 = tpu.vector_load %arg5[%swap3A_1243] {strides = array<i32>} : memref<33872xf32, #tpu.memory_space<vmem>>, vector<16xf32>,
    tpu.vector_store %arg5[%swap3A_1243], %gather3A_1242 {strides = array<i32>} : memref<33872xf32, #tpu.memory_space<vmem>>, vector<16xf32>,
    %add3A_1245 = arith.constant 96 : i32
    %add3A_1246 = vector.broadcast %add3A_1245 : i32 to vector<16xi32>
    %add3A_1247 = arith.addi %add3A_1246, %iota3A : vector<16xi32>
    %sub3A_1248 = arith.constant 254 : i32
    %sub3A_1249 = vector.broadcast %sub3A_1248 : i32 to vector<16xi32>
    %sub3A_1250 = arith.subi %sub3A_1249, %add3A_1247 : vector<16xi32>
    %max3A_1251 = arith.constant 0 : i32
    %max3A_1252 = vector.broadcast %max3A_1251 : i32 to vector<16xi32>
    %max3A_1253 = arith.maxsi %sub3A_1250, %max3A_1252 : vector<16xi32>
    %mul3A_1254 = arith.constant 16 : i32
    %mul3A_1255 = vector.broadcast %mul3A_1254 : i32 to vector<16xi32>
    %mul3A_1256 = arith.muli %max3A_1253, %mul3A_1255 : vector<16xi32>
    %add3A_1257 = vector.broadcast %arg1 : i32 to vector<16xi32>
    %add3A_1258 = arith.addi %mul3A_1256, %add3A_1257 : vector<16xi32>
    %gather3A_1259 = tpu.vector_load_idx %arg4[%add3A_1258] : memref<4080xf32, #tpu.memory_space<vmem>>[vector<16xi32>], vector<16xf32>,
    %swap3A_1260 = arith.constant 18940 : index
    %swap3A_1261 = tpu.vector_load %arg5[%swap3A_1260] {strides = array<i32>} : memref<33872xf32, #tpu.memory_space<vmem>>, vector<16xf32>,
    tpu.vector_store %arg5[%swap3A_1260], %gather3A_1259 {strides = array<i32>} : memref<33872xf32, #tpu.memory_space<vmem>>, vector<16xf32>,
    %add3A_1262 = arith.constant 112 : i32
    %add3A_1263 = vector.broadcast %add3A_1262 : i32 to vector<16xi32>
    %add3A_1264 = arith.addi %add3A_1263, %iota3A : vector<16xi32>
    %sub3A_1265 = arith.constant 254 : i32
    %sub3A_1266 = vector.broadcast %sub3A_1265 : i32 to vector<16xi32>
    %sub3A_1267 = arith.subi %sub3A_1266, %add3A_1264 : vector<16xi32>
    %max3A_1268 = arith.constant 0 : i32
    %max3A_1269 = vector.broadcast %max3A_1268 : i32 to vector<16xi32>
    %max3A_1270 = arith.maxsi %sub3A_1267, %max3A_1269 : vector<16xi32>
    %mul3A_1271 = arith.constant 16 : i32
    %mul3A_1272 = vector.broadcast %mul3A_1271 : i32 to vector<16xi32>
    %mul3A_1273 = arith.muli %max3A_1270, %mul3A_1272 : vector<16xi32>
    %add3A_1274 = vector.broadcast %arg1 : i32 to vector<16xi32>
    %add3A_1275 = arith.addi %mul3A_1273, %add3A_1274 : vector<16xi32>
    %gather3A_1276 = tpu.vector_load_idx %arg4[%add3A_1275] : memref<4080xf32, #tpu.memory_space<vmem>>[vector<16xi32>], vector<16xf32>,
    %swap3A_1277 = arith.constant 18956 : index
    %swap3A_1278 = tpu.vector_load %arg5[%swap3A_1277] {strides = array<i32>} : memref<33872xf32, #tpu.memory_space<vmem>>, vector<16xf32>,
    tpu.vector_store %arg5[%swap3A_1277], %gather3A_1276 {strides = array<i32>} : memref<33872xf32, #tpu.memory_space<vmem>>, vector<16xf32>,
    %add3A_1279 = arith.constant 128 : i32
    %add3A_1280 = vector.broadcast %add3A_1279 : i32 to vector<16xi32>
    %add3A_1281 = arith.addi %add3A_1280, %iota3A : vector<16xi32>
    %sub3A_1282 = arith.constant 254 : i32
    %sub3A_1283 = vector.broadcast %sub3A_1282 : i32 to vector<16xi32>
    %sub3A_1284 = arith.subi %sub3A_1283, %add3A_1281 : vector<16xi32>
    %max3A_1285 = arith.constant 0 : i32
    %max3A_1286 = vector.broadcast %max3A_1285 : i32 to vector<16xi32>
    %max3A_1287 = arith.maxsi %sub3A_1284, %max3A_1286 : vector<16xi32>
    %mul3A_1288 = arith.constant 16 : i32
    %mul3A_1289 = vector.broadcast %mul3A_1288 : i32 to vector<16xi32>
    %mul3A_1290 = arith.muli %max3A_1287, %mul3A_1289 : vector<16xi32>
    %add3A_1291 = vector.broadcast %arg1 : i32 to vector<16xi32>
    %add3A_1292 = arith.addi %mul3A_1290, %add3A_1291 : vector<16xi32>
    %gather3A_1293 = tpu.vector_load_idx %arg4[%add3A_1292] : memref<4080xf32, #tpu.memory_space<vmem>>[vector<16xi32>], vector<16xf32>,
    %swap3A_1294 = arith.constant 18972 : index
    %swap3A_1295 = tpu.vector_load %arg5[%swap3A_1294] {strides = array<i32>} : memref<33872xf32, #tpu.memory_space<vmem>>, vector<16xf32>,
    tpu.vector_store %arg5[%swap3A_1294], %gather3A_1293 {strides = array<i32>} : memref<33872xf32, #tpu.memory_space<vmem>>, vector<16xf32>,
    %add3A_1296 = arith.constant 144 : i32
    %add3A_1297 = vector.broadcast %add3A_1296 : i32 to vector<16xi32>
    %add3A_1298 = arith.addi %add3A_1297, %iota3A : vector<16xi32>
    %sub3A_1299 = arith.constant 254 : i32
    %sub3A_1300 = vector.broadcast %sub3A_1299 : i32 to vector<16xi32>
    %sub3A_1301 = arith.subi %sub3A_1300, %add3A_1298 : vector<16xi32>
    %max3A_1302 = arith.constant 0 : i32
    %max3A_1303 = vector.broadcast %max3A_1302 : i32 to vector<16xi32>
    %max3A_1304 = arith.maxsi %sub3A_1301, %max3A_1303 : vector<16xi32>
    %mul3A_1305 = arith.constant 16 : i32
    %mul3A_1306 = vector.broadcast %mul3A_1305 : i32 to vector<16xi32>
    %mul3A_1307 = arith.muli %max3A_1304, %mul3A_1306 : vector<16xi32>
    %add3A_1308 = vector.broadcast %arg1 : i32 to vector<16xi32>
    %add3A_1309 = arith.addi %mul3A_1307, %add3A_1308 : vector<16xi32>
    %gather3A_1310 = tpu.vector_load_idx %arg4[%add3A_1309] : memref<4080xf32, #tpu.memory_space<vmem>>[vector<16xi32>], vector<16xf32>,
    %swap3A_1311 = arith.constant 18988 : index
    %swap3A_1312 = tpu.vector_load %arg5[%swap3A_1311] {strides = array<i32>} : memref<33872xf32, #tpu.memory_space<vmem>>, vector<16xf32>,
    tpu.vector_store %arg5[%swap3A_1311], %gather3A_1310 {strides = array<i32>} : memref<33872xf32, #tpu.memory_space<vmem>>, vector<16xf32>,
    %add3A_1313 = arith.constant 160 : i32
    %add3A_1314 = vector.broadcast %add3A_1313 : i32 to vector<16xi32>
    %add3A_1315 = arith.addi %add3A_1314, %iota3A : vector<16xi32>
    %sub3A_1316 = arith.constant 254 : i32
    %sub3A_1317 = vector.broadcast %sub3A_1316 : i32 to vector<16xi32>
    %sub3A_1318 = arith.subi %sub3A_1317, %add3A_1315 : vector<16xi32>
    %max3A_1319 = arith.constant 0 : i32
    %max3A_1320 = vector.broadcast %max3A_1319 : i32 to vector<16xi32>
    %max3A_1321 = arith.maxsi %sub3A_1318, %max3A_1320 : vector<16xi32>
    %mul3A_1322 = arith.constant 16 : i32
    %mul3A_1323 = vector.broadcast %mul3A_1322 : i32 to vector<16xi32>
    %mul3A_1324 = arith.muli %max3A_1321, %mul3A_1323 : vector<16xi32>
    %add3A_1325 = vector.broadcast %arg1 : i32 to vector<16xi32>
    %add3A_1326 = arith.addi %mul3A_1324, %add3A_1325 : vector<16xi32>
    %gather3A_1327 = tpu.vector_load_idx %arg4[%add3A_1326] : memref<4080xf32, #tpu.memory_space<vmem>>[vector<16xi32>], vector<16xf32>,
    %swap3A_1328 = arith.constant 19004 : index
    %swap3A_1329 = tpu.vector_load %arg5[%swap3A_1328] {strides = array<i32>} : memref<33872xf32, #tpu.memory_space<vmem>>, vector<16xf32>,
    tpu.vector_store %arg5[%swap3A_1328], %gather3A_1327 {strides = array<i32>} : memref<33872xf32, #tpu.memory_space<vmem>>, vector<16xf32>,
    %add3A_1330 = arith.constant 176 : i32
    %add3A_1331 = vector.broadcast %add3A_1330 : i32 to vector<16xi32>
    %add3A_1332 = arith.addi %add3A_1331, %iota3A : vector<16xi32>
    %sub3A_1333 = arith.constant 254 : i32
    %sub3A_1334 = vector.broadcast %sub3A_1333 : i32 to vector<16xi32>
    %sub3A_1335 = arith.subi %sub3A_1334, %add3A_1332 : vector<16xi32>
    %max3A_1336 = arith.constant 0 : i32
    %max3A_1337 = vector.broadcast %max3A_1336 : i32 to vector<16xi32>
    %max3A_1338 = arith.maxsi %sub3A_1335, %max3A_1337 : vector<16xi32>
    %mul3A_1339 = arith.constant 16 : i32
    %mul3A_1340 = vector.broadcast %mul3A_1339 : i32 to vector<16xi32>
    %mul3A_1341 = arith.muli %max3A_1338, %mul3A_1340 : vector<16xi32>
    %add3A_1342 = vector.broadcast %arg1 : i32 to vector<16xi32>
    %add3A_1343 = arith.addi %mul3A_1341, %add3A_1342 : vector<16xi32>
    %gather3A_1344 = tpu.vector_load_idx %arg4[%add3A_1343] : memref<4080xf32, #tpu.memory_space<vmem>>[vector<16xi32>], vector<16xf32>,
    %swap3A_1345 = arith.constant 19020 : index
    %swap3A_1346 = tpu.vector_load %arg5[%swap3A_1345] {strides = array<i32>} : memref<33872xf32, #tpu.memory_space<vmem>>, vector<16xf32>,
    tpu.vector_store %arg5[%swap3A_1345], %gather3A_1344 {strides = array<i32>} : memref<33872xf32, #tpu.memory_space<vmem>>, vector<16xf32>,
    %add3A_1347 = arith.constant 192 : i32
    %add3A_1348 = vector.broadcast %add3A_1347 : i32 to vector<16xi32>
    %add3A_1349 = arith.addi %add3A_1348, %iota3A : vector<16xi32>
    %sub3A_1350 = arith.constant 254 : i32
    %sub3A_1351 = vector.broadcast %sub3A_1350 : i32 to vector<16xi32>
    %sub3A_1352 = arith.subi %sub3A_1351, %add3A_1349 : vector<16xi32>
    %max3A_1353 = arith.constant 0 : i32
    %max3A_1354 = vector.broadcast %max3A_1353 : i32 to vector<16xi32>
    %max3A_1355 = arith.maxsi %sub3A_1352, %max3A_1354 : vector<16xi32>
    %mul3A_1356 = arith.constant 16 : i32
    %mul3A_1357 = vector.broadcast %mul3A_1356 : i32 to vector<16xi32>
    %mul3A_1358 = arith.muli %max3A_1355, %mul3A_1357 : vector<16xi32>
    %add3A_1359 = vector.broadcast %arg1 : i32 to vector<16xi32>
    %add3A_1360 = arith.addi %mul3A_1358, %add3A_1359 : vector<16xi32>
    %gather3A_1361 = tpu.vector_load_idx %arg4[%add3A_1360] : memref<4080xf32, #tpu.memory_space<vmem>>[vector<16xi32>], vector<16xf32>,
    %swap3A_1362 = arith.constant 19036 : index
    %swap3A_1363 = tpu.vector_load %arg5[%swap3A_1362] {strides = array<i32>} : memref<33872xf32, #tpu.memory_space<vmem>>, vector<16xf32>,
    tpu.vector_store %arg5[%swap3A_1362], %gather3A_1361 {strides = array<i32>} : memref<33872xf32, #tpu.memory_space<vmem>>, vector<16xf32>,
    %add3A_1364 = arith.constant 208 : i32
    %add3A_1365 = vector.broadcast %add3A_1364 : i32 to vector<16xi32>
    %add3A_1366 = arith.addi %add3A_1365, %iota3A : vector<16xi32>
    %sub3A_1367 = arith.constant 254 : i32
    %sub3A_1368 = vector.broadcast %sub3A_1367 : i32 to vector<16xi32>
    %sub3A_1369 = arith.subi %sub3A_1368, %add3A_1366 : vector<16xi32>
    %max3A_1370 = arith.constant 0 : i32
    %max3A_1371 = vector.broadcast %max3A_1370 : i32 to vector<16xi32>
    %max3A_1372 = arith.maxsi %sub3A_1369, %max3A_1371 : vector<16xi32>
    %mul3A_1373 = arith.constant 16 : i32
    %mul3A_1374 = vector.broadcast %mul3A_1373 : i32 to vector<16xi32>
    %mul3A_1375 = arith.muli %max3A_1372, %mul3A_1374 : vector<16xi32>
    %add3A_1376 = vector.broadcast %arg1 : i32 to vector<16xi32>
    %add3A_1377 = arith.addi %mul3A_1375, %add3A_1376 : vector<16xi32>
    %gather3A_1378 = tpu.vector_load_idx %arg4[%add3A_1377] : memref<4080xf32, #tpu.memory_space<vmem>>[vector<16xi32>], vector<16xf32>,
    %swap3A_1379 = arith.constant 19052 : index
    %swap3A_1380 = tpu.vector_load %arg5[%swap3A_1379] {strides = array<i32>} : memref<33872xf32, #tpu.memory_space<vmem>>, vector<16xf32>,
    tpu.vector_store %arg5[%swap3A_1379], %gather3A_1378 {strides = array<i32>} : memref<33872xf32, #tpu.memory_space<vmem>>, vector<16xf32>,
    %add3A_1381 = arith.constant 224 : i32
    %add3A_1382 = vector.broadcast %add3A_1381 : i32 to vector<16xi32>
    %add3A_1383 = arith.addi %add3A_1382, %iota3A : vector<16xi32>
    %sub3A_1384 = arith.constant 254 : i32
    %sub3A_1385 = vector.broadcast %sub3A_1384 : i32 to vector<16xi32>
    %sub3A_1386 = arith.subi %sub3A_1385, %add3A_1383 : vector<16xi32>
    %max3A_1387 = arith.constant 0 : i32
    %max3A_1388 = vector.broadcast %max3A_1387 : i32 to vector<16xi32>
    %max3A_1389 = arith.maxsi %sub3A_1386, %max3A_1388 : vector<16xi32>
    %mul3A_1390 = arith.constant 16 : i32
    %mul3A_1391 = vector.broadcast %mul3A_1390 : i32 to vector<16xi32>
    %mul3A_1392 = arith.muli %max3A_1389, %mul3A_1391 : vector<16xi32>
    %add3A_1393 = vector.broadcast %arg1 : i32 to vector<16xi32>
    %add3A_1394 = arith.addi %mul3A_1392, %add3A_1393 : vector<16xi32>
    %gather3A_1395 = tpu.vector_load_idx %arg4[%add3A_1394] : memref<4080xf32, #tpu.memory_space<vmem>>[vector<16xi32>], vector<16xf32>,
    %swap3A_1396 = arith.constant 19068 : index
    %swap3A_1397 = tpu.vector_load %arg5[%swap3A_1396] {strides = array<i32>} : memref<33872xf32, #tpu.memory_space<vmem>>, vector<16xf32>,
    tpu.vector_store %arg5[%swap3A_1396], %gather3A_1395 {strides = array<i32>} : memref<33872xf32, #tpu.memory_space<vmem>>, vector<16xf32>,
    %add3A_1398 = arith.constant 240 : i32
    %add3A_1399 = vector.broadcast %add3A_1398 : i32 to vector<16xi32>
    %add3A_1400 = arith.addi %add3A_1399, %iota3A : vector<16xi32>
    %sub3A_1401 = arith.constant 254 : i32
    %sub3A_1402 = vector.broadcast %sub3A_1401 : i32 to vector<16xi32>
    %sub3A_1403 = arith.subi %sub3A_1402, %add3A_1400 : vector<16xi32>
    %max3A_1404 = arith.constant 0 : i32
    %max3A_1405 = vector.broadcast %max3A_1404 : i32 to vector<16xi32>
    %max3A_1406 = arith.maxsi %sub3A_1403, %max3A_1405 : vector<16xi32>
    %mul3A_1407 = arith.constant 16 : i32
    %mul3A_1408 = vector.broadcast %mul3A_1407 : i32 to vector<16xi32>
    %mul3A_1409 = arith.muli %max3A_1406, %mul3A_1408 : vector<16xi32>
    %add3A_1410 = vector.broadcast %arg1 : i32 to vector<16xi32>
    %add3A_1411 = arith.addi %mul3A_1409, %add3A_1410 : vector<16xi32>
    %gather3A_1412 = tpu.vector_load_idx %arg4[%add3A_1411] : memref<4080xf32, #tpu.memory_space<vmem>>[vector<16xi32>], vector<16xf32>,
    %swap3A_1413 = arith.constant 19084 : index
    %swap3A_1414 = tpu.vector_load %arg5[%swap3A_1413] {strides = array<i32>} : memref<33872xf32, #tpu.memory_space<vmem>>, vector<16xf32>,
    tpu.vector_store %arg5[%swap3A_1413], %gather3A_1412 {strides = array<i32>} : memref<33872xf32, #tpu.memory_space<vmem>>, vector<16xf32>,
    %scan3A_1415 = arith.constant 0 : i32
    %scan3A_1416 = arith.constant 0 : i32
    %scan3A_1417 = arith.constant 16 : i32
    %scan3A_1418 = arith.addi %scan3A_1416, %scan3A_1417 : i32
    %scan3A_1419 = arith.constant 1 : i32
    scf.for %scan3A_2288 = %scan3A_1416 to %scan3A_1418 step %scan3A_1419  : i32 {
      %mul3A_2289 = arith.constant 128 : i32
      %mul3A_2290 = arith.muli %scan3A_2288, %mul3A_2289 : i32
      %add3A_2291 = arith.constant 19100 : i32
      %add3A_2292 = arith.addi %add3A_2291, %mul3A_2290 : i32
      %add3A_2293 = arith.constant 0 : i32
      %add3A_2294 = arith.addi %add3A_2292, %add3A_2293 : i32
      %swap3A_2295 = arith.index_cast %add3A_2294 : i32 to index
      %swap3A_2296 = tpu.vector_load %arg5[%swap3A_2295] {strides = array<i32>} : memref<33872xf32, #tpu.memory_space<vmem>>, vector<16xf32>,
      tpu.vector_store %arg5[%swap3A_2295], %gather3A_4 {strides = array<i32>} : memref<33872xf32, #tpu.memory_space<vmem>>, vector<16xf32>,
      %add3A_2297 = arith.constant 16 : i32
      %add3A_2298 = arith.addi %add3A_2292, %add3A_2297 : i32
      %swap3A_2299 = arith.index_cast %add3A_2298 : i32 to index
      %swap3A_2300 = tpu.vector_load %arg5[%swap3A_2299] {strides = array<i32>} : memref<33872xf32, #tpu.memory_space<vmem>>, vector<16xf32>,
      tpu.vector_store %arg5[%swap3A_2299], %gather3A_4 {strides = array<i32>} : memref<33872xf32, #tpu.memory_space<vmem>>, vector<16xf32>,
      %add3A_2301 = arith.constant 32 : i32
      %add3A_2302 = arith.addi %add3A_2292, %add3A_2301 : i32
      %swap3A_2303 = arith.index_cast %add3A_2302 : i32 to index
      %swap3A_2304 = tpu.vector_load %arg5[%swap3A_2303] {strides = array<i32>} : memref<33872xf32, #tpu.memory_space<vmem>>, vector<16xf32>,
      tpu.vector_store %arg5[%swap3A_2303], %gather3A_4 {strides = array<i32>} : memref<33872xf32, #tpu.memory_space<vmem>>, vector<16xf32>,
      %add3A_2305 = arith.constant 48 : i32
      %add3A_2306 = arith.addi %add3A_2292, %add3A_2305 : i32
      %swap3A_2307 = arith.index_cast %add3A_2306 : i32 to index
      %swap3A_2308 = tpu.vector_load %arg5[%swap3A_2307] {strides = array<i32>} : memref<33872xf32, #tpu.memory_space<vmem>>, vector<16xf32>,
      tpu.vector_store %arg5[%swap3A_2307], %gather3A_4 {strides = array<i32>} : memref<33872xf32, #tpu.memory_space<vmem>>, vector<16xf32>,
      %add3A_2309 = arith.constant 64 : i32
      %add3A_2310 = arith.addi %add3A_2292, %add3A_2309 : i32
      %swap3A_2311 = arith.index_cast %add3A_2310 : i32 to index
      %swap3A_2312 = tpu.vector_load %arg5[%swap3A_2311] {strides = array<i32>} : memref<33872xf32, #tpu.memory_space<vmem>>, vector<16xf32>,
      tpu.vector_store %arg5[%swap3A_2311], %gather3A_4 {strides = array<i32>} : memref<33872xf32, #tpu.memory_space<vmem>>, vector<16xf32>,
      %add3A_2313 = arith.constant 80 : i32
      %add3A_2314 = arith.addi %add3A_2292, %add3A_2313 : i32
      %swap3A_2315 = arith.index_cast %add3A_2314 : i32 to index
      %swap3A_2316 = tpu.vector_load %arg5[%swap3A_2315] {strides = array<i32>} : memref<33872xf32, #tpu.memory_space<vmem>>, vector<16xf32>,
      tpu.vector_store %arg5[%swap3A_2315], %gather3A_4 {strides = array<i32>} : memref<33872xf32, #tpu.memory_space<vmem>>, vector<16xf32>,
      %add3A_2317 = arith.constant 96 : i32
      %add3A_2318 = arith.addi %add3A_2292, %add3A_2317 : i32
      %swap3A_2319 = arith.index_cast %add3A_2318 : i32 to index
      %swap3A_2320 = tpu.vector_load %arg5[%swap3A_2319] {strides = array<i32>} : memref<33872xf32, #tpu.memory_space<vmem>>, vector<16xf32>,
      tpu.vector_store %arg5[%swap3A_2319], %gather3A_4 {strides = array<i32>} : memref<33872xf32, #tpu.memory_space<vmem>>, vector<16xf32>,
      %add3A_2321 = arith.constant 112 : i32
      %add3A_2322 = arith.addi %add3A_2292, %add3A_2321 : i32
      %swap3A_2323 = arith.index_cast %add3A_2322 : i32 to index
      %swap3A_2324 = tpu.vector_load %arg5[%swap3A_2323] {strides = array<i32>} : memref<33872xf32, #tpu.memory_space<vmem>>, vector<16xf32>,
      tpu.vector_store %arg5[%swap3A_2323], %gather3A_4 {strides = array<i32>} : memref<33872xf32, #tpu.memory_space<vmem>>, vector<16xf32>,
    }
    %scan3A_1420 = arith.constant 16 : i32
    %scan3A_1421 = arith.constant 0 : i32
    %scan3A_1422 = arith.constant 0 : i32
    %scan3A_1423 = arith.constant 15 : i32
    %scan3A_1424 = arith.addi %scan3A_1422, %scan3A_1423 : i32
    %scan3A_1425 = arith.constant 1 : i32
    scf.for %scan3A_2288 = %scan3A_1422 to %scan3A_1424 step %scan3A_1425  : i32 {
      %mul3A_2289 = arith.constant 128 : i32
      %mul3A_2290 = arith.muli %scan3A_2288, %mul3A_2289 : i32
      %add3A_2291 = arith.constant 21160 : i32
      %add3A_2292 = arith.addi %add3A_2291, %mul3A_2290 : i32
      %add3A_2293 = arith.constant 0 : i32
      %add3A_2294 = arith.addi %add3A_2292, %add3A_2293 : i32
      %swap3A_2295 = arith.index_cast %add3A_2294 : i32 to index
      %swap3A_2296 = tpu.vector_load %arg5[%swap3A_2295] {strides = array<i32>} : memref<33872xf32, #tpu.memory_space<vmem>>, vector<16xf32>,
      tpu.vector_store %arg5[%swap3A_2295], %gather3A {strides = array<i32>} : memref<33872xf32, #tpu.memory_space<vmem>>, vector<16xf32>,
      %add3A_2297 = arith.constant 16 : i32
      %add3A_2298 = arith.addi %add3A_2292, %add3A_2297 : i32
      %swap3A_2299 = arith.index_cast %add3A_2298 : i32 to index
      %swap3A_2300 = tpu.vector_load %arg5[%swap3A_2299] {strides = array<i32>} : memref<33872xf32, #tpu.memory_space<vmem>>, vector<16xf32>,
      tpu.vector_store %arg5[%swap3A_2299], %gather3A {strides = array<i32>} : memref<33872xf32, #tpu.memory_space<vmem>>, vector<16xf32>,
      %add3A_2301 = arith.constant 32 : i32
      %add3A_2302 = arith.addi %add3A_2292, %add3A_2301 : i32
      %swap3A_2303 = arith.index_cast %add3A_2302 : i32 to index
      %swap3A_2304 = tpu.vector_load %arg5[%swap3A_2303] {strides = array<i32>} : memref<33872xf32, #tpu.memory_space<vmem>>, vector<16xf32>,
      tpu.vector_store %arg5[%swap3A_2303], %gather3A {strides = array<i32>} : memref<33872xf32, #tpu.memory_space<vmem>>, vector<16xf32>,
      %add3A_2305 = arith.constant 48 : i32
      %add3A_2306 = arith.addi %add3A_2292, %add3A_2305 : i32
      %swap3A_2307 = arith.index_cast %add3A_2306 : i32 to index
      %swap3A_2308 = tpu.vector_load %arg5[%swap3A_2307] {strides = array<i32>} : memref<33872xf32, #tpu.memory_space<vmem>>, vector<16xf32>,
      tpu.vector_store %arg5[%swap3A_2307], %gather3A {strides = array<i32>} : memref<33872xf32, #tpu.memory_space<vmem>>, vector<16xf32>,
      %add3A_2309 = arith.constant 64 : i32
      %add3A_2310 = arith.addi %add3A_2292, %add3A_2309 : i32
      %swap3A_2311 = arith.index_cast %add3A_2310 : i32 to index
      %swap3A_2312 = tpu.vector_load %arg5[%swap3A_2311] {strides = array<i32>} : memref<33872xf32, #tpu.memory_space<vmem>>, vector<16xf32>,
      tpu.vector_store %arg5[%swap3A_2311], %gather3A {strides = array<i32>} : memref<33872xf32, #tpu.memory_space<vmem>>, vector<16xf32>,
      %add3A_2313 = arith.constant 80 : i32
      %add3A_2314 = arith.addi %add3A_2292, %add3A_2313 : i32
      %swap3A_2315 = arith.index_cast %add3A_2314 : i32 to index
      %swap3A_2316 = tpu.vector_load %arg5[%swap3A_2315] {strides = array<i32>} : memref<33872xf32, #tpu.memory_space<vmem>>, vector<16xf32>,
      tpu.vector_store %arg5[%swap3A_2315], %gather3A {strides = array<i32>} : memref<33872xf32, #tpu.memory_space<vmem>>, vector<16xf32>,
      %add3A_2317 = arith.constant 96 : i32
      %add3A_2318 = arith.addi %add3A_2292, %add3A_2317 : i32
      %swap3A_2319 = arith.index_cast %add3A_2318 : i32 to index
      %swap3A_2320 = tpu.vector_load %arg5[%swap3A_2319] {strides = array<i32>} : memref<33872xf32, #tpu.memory_space<vmem>>, vector<16xf32>,
      tpu.vector_store %arg5[%swap3A_2319], %gather3A {strides = array<i32>} : memref<33872xf32, #tpu.memory_space<vmem>>, vector<16xf32>,
      %add3A_2321 = arith.constant 112 : i32
      %add3A_2322 = arith.addi %add3A_2292, %add3A_2321 : i32
      %swap3A_2323 = arith.index_cast %add3A_2322 : i32 to index
      %swap3A_2324 = tpu.vector_load %arg5[%swap3A_2323] {strides = array<i32>} : memref<33872xf32, #tpu.memory_space<vmem>>, vector<16xf32>,
      tpu.vector_store %arg5[%swap3A_2323], %gather3A {strides = array<i32>} : memref<33872xf32, #tpu.memory_space<vmem>>, vector<16xf32>,
    }
    %scan3A_1426 = arith.constant 15 : i32
    %add3A_1427 = arith.constant 0 : i32
    %add3A_1428 = vector.broadcast %add3A_1427 : i32 to vector<16xi32>
    %add3A_1429 = arith.addi %add3A_1428, %iota3A : vector<16xi32>
    %sub3A_1430 = arith.constant 254 : i32
    %sub3A_1431 = vector.broadcast %sub3A_1430 : i32 to vector<16xi32>
    %sub3A_1432 = arith.subi %sub3A_1431, %add3A_1429 : vector<16xi32>
    %max3A_1433 = arith.constant 0 : i32
    %max3A_1434 = vector.broadcast %max3A_1433 : i32 to vector<16xi32>
    %max3A_1435 = arith.maxsi %sub3A_1432, %max3A_1434 : vector<16xi32>
    %mul3A_1436 = arith.constant 16 : i32
    %mul3A_1437 = vector.broadcast %mul3A_1436 : i32 to vector<16xi32>
    %mul3A_1438 = arith.muli %max3A_1435, %mul3A_1437 : vector<16xi32>
    %add3A_1439 = vector.broadcast %arg1 : i32 to vector<16xi32>
    %add3A_1440 = arith.addi %mul3A_1438, %add3A_1439 : vector<16xi32>
    %gather3A_1441 = tpu.vector_load_idx %arg4[%add3A_1440] : memref<4080xf32, #tpu.memory_space<vmem>>[vector<16xi32>], vector<16xf32>,
    %swap3A_1442 = arith.constant 23075 : index
    %swap3A_1443 = tpu.vector_load %arg5[%swap3A_1442] {strides = array<i32>} : memref<33872xf32, #tpu.memory_space<vmem>>, vector<16xf32>,
    tpu.vector_store %arg5[%swap3A_1442], %gather3A_1441 {strides = array<i32>} : memref<33872xf32, #tpu.memory_space<vmem>>, vector<16xf32>,
    %add3A_1444 = arith.constant 16 : i32
    %add3A_1445 = vector.broadcast %add3A_1444 : i32 to vector<16xi32>
    %add3A_1446 = arith.addi %add3A_1445, %iota3A : vector<16xi32>
    %sub3A_1447 = arith.constant 254 : i32
    %sub3A_1448 = vector.broadcast %sub3A_1447 : i32 to vector<16xi32>
    %sub3A_1449 = arith.subi %sub3A_1448, %add3A_1446 : vector<16xi32>
    %max3A_1450 = arith.constant 0 : i32
    %max3A_1451 = vector.broadcast %max3A_1450 : i32 to vector<16xi32>
    %max3A_1452 = arith.maxsi %sub3A_1449, %max3A_1451 : vector<16xi32>
    %mul3A_1453 = arith.constant 16 : i32
    %mul3A_1454 = vector.broadcast %mul3A_1453 : i32 to vector<16xi32>
    %mul3A_1455 = arith.muli %max3A_1452, %mul3A_1454 : vector<16xi32>
    %add3A_1456 = vector.broadcast %arg1 : i32 to vector<16xi32>
    %add3A_1457 = arith.addi %mul3A_1455, %add3A_1456 : vector<16xi32>
    %gather3A_1458 = tpu.vector_load_idx %arg4[%add3A_1457] : memref<4080xf32, #tpu.memory_space<vmem>>[vector<16xi32>], vector<16xf32>,
    %swap3A_1459 = arith.constant 23091 : index
    %swap3A_1460 = tpu.vector_load %arg5[%swap3A_1459] {strides = array<i32>} : memref<33872xf32, #tpu.memory_space<vmem>>, vector<16xf32>,
    tpu.vector_store %arg5[%swap3A_1459], %gather3A_1458 {strides = array<i32>} : memref<33872xf32, #tpu.memory_space<vmem>>, vector<16xf32>,
    %add3A_1461 = arith.constant 32 : i32
    %add3A_1462 = vector.broadcast %add3A_1461 : i32 to vector<16xi32>
    %add3A_1463 = arith.addi %add3A_1462, %iota3A : vector<16xi32>
    %sub3A_1464 = arith.constant 254 : i32
    %sub3A_1465 = vector.broadcast %sub3A_1464 : i32 to vector<16xi32>
    %sub3A_1466 = arith.subi %sub3A_1465, %add3A_1463 : vector<16xi32>
    %max3A_1467 = arith.constant 0 : i32
    %max3A_1468 = vector.broadcast %max3A_1467 : i32 to vector<16xi32>
    %max3A_1469 = arith.maxsi %sub3A_1466, %max3A_1468 : vector<16xi32>
    %mul3A_1470 = arith.constant 16 : i32
    %mul3A_1471 = vector.broadcast %mul3A_1470 : i32 to vector<16xi32>
    %mul3A_1472 = arith.muli %max3A_1469, %mul3A_1471 : vector<16xi32>
    %add3A_1473 = vector.broadcast %arg1 : i32 to vector<16xi32>
    %add3A_1474 = arith.addi %mul3A_1472, %add3A_1473 : vector<16xi32>
    %gather3A_1475 = tpu.vector_load_idx %arg4[%add3A_1474] : memref<4080xf32, #tpu.memory_space<vmem>>[vector<16xi32>], vector<16xf32>,
    %swap3A_1476 = arith.constant 23107 : index
    %swap3A_1477 = tpu.vector_load %arg5[%swap3A_1476] {strides = array<i32>} : memref<33872xf32, #tpu.memory_space<vmem>>, vector<16xf32>,
    tpu.vector_store %arg5[%swap3A_1476], %gather3A_1475 {strides = array<i32>} : memref<33872xf32, #tpu.memory_space<vmem>>, vector<16xf32>,
    %add3A_1478 = arith.constant 48 : i32
    %add3A_1479 = vector.broadcast %add3A_1478 : i32 to vector<16xi32>
    %add3A_1480 = arith.addi %add3A_1479, %iota3A : vector<16xi32>
    %sub3A_1481 = arith.constant 254 : i32
    %sub3A_1482 = vector.broadcast %sub3A_1481 : i32 to vector<16xi32>
    %sub3A_1483 = arith.subi %sub3A_1482, %add3A_1480 : vector<16xi32>
    %max3A_1484 = arith.constant 0 : i32
    %max3A_1485 = vector.broadcast %max3A_1484 : i32 to vector<16xi32>
    %max3A_1486 = arith.maxsi %sub3A_1483, %max3A_1485 : vector<16xi32>
    %mul3A_1487 = arith.constant 16 : i32
    %mul3A_1488 = vector.broadcast %mul3A_1487 : i32 to vector<16xi32>
    %mul3A_1489 = arith.muli %max3A_1486, %mul3A_1488 : vector<16xi32>
    %add3A_1490 = vector.broadcast %arg1 : i32 to vector<16xi32>
    %add3A_1491 = arith.addi %mul3A_1489, %add3A_1490 : vector<16xi32>
    %gather3A_1492 = tpu.vector_load_idx %arg4[%add3A_1491] : memref<4080xf32, #tpu.memory_space<vmem>>[vector<16xi32>], vector<16xf32>,
    %swap3A_1493 = arith.constant 23123 : index
    %swap3A_1494 = tpu.vector_load %arg5[%swap3A_1493] {strides = array<i32>} : memref<33872xf32, #tpu.memory_space<vmem>>, vector<16xf32>,
    tpu.vector_store %arg5[%swap3A_1493], %gather3A_1492 {strides = array<i32>} : memref<33872xf32, #tpu.memory_space<vmem>>, vector<16xf32>,
    %add3A_1495 = arith.constant 64 : i32
    %add3A_1496 = vector.broadcast %add3A_1495 : i32 to vector<16xi32>
    %add3A_1497 = arith.addi %add3A_1496, %iota3A : vector<16xi32>
    %sub3A_1498 = arith.constant 254 : i32
    %sub3A_1499 = vector.broadcast %sub3A_1498 : i32 to vector<16xi32>
    %sub3A_1500 = arith.subi %sub3A_1499, %add3A_1497 : vector<16xi32>
    %max3A_1501 = arith.constant 0 : i32
    %max3A_1502 = vector.broadcast %max3A_1501 : i32 to vector<16xi32>
    %max3A_1503 = arith.maxsi %sub3A_1500, %max3A_1502 : vector<16xi32>
    %mul3A_1504 = arith.constant 16 : i32
    %mul3A_1505 = vector.broadcast %mul3A_1504 : i32 to vector<16xi32>
    %mul3A_1506 = arith.muli %max3A_1503, %mul3A_1505 : vector<16xi32>
    %add3A_1507 = vector.broadcast %arg1 : i32 to vector<16xi32>
    %add3A_1508 = arith.addi %mul3A_1506, %add3A_1507 : vector<16xi32>
    %gather3A_1509 = tpu.vector_load_idx %arg4[%add3A_1508] : memref<4080xf32, #tpu.memory_space<vmem>>[vector<16xi32>], vector<16xf32>,
    %swap3A_1510 = arith.constant 23139 : index
    %swap3A_1511 = tpu.vector_load %arg5[%swap3A_1510] {strides = array<i32>} : memref<33872xf32, #tpu.memory_space<vmem>>, vector<16xf32>,
    tpu.vector_store %arg5[%swap3A_1510], %gather3A_1509 {strides = array<i32>} : memref<33872xf32, #tpu.memory_space<vmem>>, vector<16xf32>,
    %add3A_1512 = arith.constant 80 : i32
    %add3A_1513 = vector.broadcast %add3A_1512 : i32 to vector<16xi32>
    %add3A_1514 = arith.addi %add3A_1513, %iota3A : vector<16xi32>
    %sub3A_1515 = arith.constant 254 : i32
    %sub3A_1516 = vector.broadcast %sub3A_1515 : i32 to vector<16xi32>
    %sub3A_1517 = arith.subi %sub3A_1516, %add3A_1514 : vector<16xi32>
    %max3A_1518 = arith.constant 0 : i32
    %max3A_1519 = vector.broadcast %max3A_1518 : i32 to vector<16xi32>
    %max3A_1520 = arith.maxsi %sub3A_1517, %max3A_1519 : vector<16xi32>
    %mul3A_1521 = arith.constant 16 : i32
    %mul3A_1522 = vector.broadcast %mul3A_1521 : i32 to vector<16xi32>
    %mul3A_1523 = arith.muli %max3A_1520, %mul3A_1522 : vector<16xi32>
    %add3A_1524 = vector.broadcast %arg1 : i32 to vector<16xi32>
    %add3A_1525 = arith.addi %mul3A_1523, %add3A_1524 : vector<16xi32>
    %gather3A_1526 = tpu.vector_load_idx %arg4[%add3A_1525] : memref<4080xf32, #tpu.memory_space<vmem>>[vector<16xi32>], vector<16xf32>,
    %swap3A_1527 = arith.constant 23155 : index
    %swap3A_1528 = tpu.vector_load %arg5[%swap3A_1527] {strides = array<i32>} : memref<33872xf32, #tpu.memory_space<vmem>>, vector<16xf32>,
    tpu.vector_store %arg5[%swap3A_1527], %gather3A_1526 {strides = array<i32>} : memref<33872xf32, #tpu.memory_space<vmem>>, vector<16xf32>,
    %add3A_1529 = arith.constant 96 : i32
    %add3A_1530 = vector.broadcast %add3A_1529 : i32 to vector<16xi32>
    %add3A_1531 = arith.addi %add3A_1530, %iota3A : vector<16xi32>
    %sub3A_1532 = arith.constant 254 : i32
    %sub3A_1533 = vector.broadcast %sub3A_1532 : i32 to vector<16xi32>
    %sub3A_1534 = arith.subi %sub3A_1533, %add3A_1531 : vector<16xi32>
    %max3A_1535 = arith.constant 0 : i32
    %max3A_1536 = vector.broadcast %max3A_1535 : i32 to vector<16xi32>
    %max3A_1537 = arith.maxsi %sub3A_1534, %max3A_1536 : vector<16xi32>
    %mul3A_1538 = arith.constant 16 : i32
    %mul3A_1539 = vector.broadcast %mul3A_1538 : i32 to vector<16xi32>
    %mul3A_1540 = arith.muli %max3A_1537, %mul3A_1539 : vector<16xi32>
    %add3A_1541 = vector.broadcast %arg1 : i32 to vector<16xi32>
    %add3A_1542 = arith.addi %mul3A_1540, %add3A_1541 : vector<16xi32>
    %gather3A_1543 = tpu.vector_load_idx %arg4[%add3A_1542] : memref<4080xf32, #tpu.memory_space<vmem>>[vector<16xi32>], vector<16xf32>,
    %swap3A_1544 = arith.constant 23171 : index
    %swap3A_1545 = tpu.vector_load %arg5[%swap3A_1544] {strides = array<i32>} : memref<33872xf32, #tpu.memory_space<vmem>>, vector<16xf32>,
    tpu.vector_store %arg5[%swap3A_1544], %gather3A_1543 {strides = array<i32>} : memref<33872xf32, #tpu.memory_space<vmem>>, vector<16xf32>,
    %add3A_1546 = arith.constant 112 : i32
    %add3A_1547 = vector.broadcast %add3A_1546 : i32 to vector<16xi32>
    %add3A_1548 = arith.addi %add3A_1547, %iota3A : vector<16xi32>
    %sub3A_1549 = arith.constant 254 : i32
    %sub3A_1550 = vector.broadcast %sub3A_1549 : i32 to vector<16xi32>
    %sub3A_1551 = arith.subi %sub3A_1550, %add3A_1548 : vector<16xi32>
    %max3A_1552 = arith.constant 0 : i32
    %max3A_1553 = vector.broadcast %max3A_1552 : i32 to vector<16xi32>
    %max3A_1554 = arith.maxsi %sub3A_1551, %max3A_1553 : vector<16xi32>
    %mul3A_1555 = arith.constant 16 : i32
    %mul3A_1556 = vector.broadcast %mul3A_1555 : i32 to vector<16xi32>
    %mul3A_1557 = arith.muli %max3A_1554, %mul3A_1556 : vector<16xi32>
    %add3A_1558 = vector.broadcast %arg1 : i32 to vector<16xi32>
    %add3A_1559 = arith.addi %mul3A_1557, %add3A_1558 : vector<16xi32>
    %gather3A_1560 = tpu.vector_load_idx %arg4[%add3A_1559] : memref<4080xf32, #tpu.memory_space<vmem>>[vector<16xi32>], vector<16xf32>,
    %swap3A_1561 = arith.constant 23187 : index
    %swap3A_1562 = tpu.vector_load %arg5[%swap3A_1561] {strides = array<i32>} : memref<33872xf32, #tpu.memory_space<vmem>>, vector<16xf32>,
    tpu.vector_store %arg5[%swap3A_1561], %gather3A_1560 {strides = array<i32>} : memref<33872xf32, #tpu.memory_space<vmem>>, vector<16xf32>,
    %add3A_1563 = arith.constant 128 : i32
    %add3A_1564 = vector.broadcast %add3A_1563 : i32 to vector<16xi32>
    %add3A_1565 = arith.addi %add3A_1564, %iota3A : vector<16xi32>
    %sub3A_1566 = arith.constant 254 : i32
    %sub3A_1567 = vector.broadcast %sub3A_1566 : i32 to vector<16xi32>
    %sub3A_1568 = arith.subi %sub3A_1567, %add3A_1565 : vector<16xi32>
    %max3A_1569 = arith.constant 0 : i32
    %max3A_1570 = vector.broadcast %max3A_1569 : i32 to vector<16xi32>
    %max3A_1571 = arith.maxsi %sub3A_1568, %max3A_1570 : vector<16xi32>
    %mul3A_1572 = arith.constant 16 : i32
    %mul3A_1573 = vector.broadcast %mul3A_1572 : i32 to vector<16xi32>
    %mul3A_1574 = arith.muli %max3A_1571, %mul3A_1573 : vector<16xi32>
    %add3A_1575 = vector.broadcast %arg1 : i32 to vector<16xi32>
    %add3A_1576 = arith.addi %mul3A_1574, %add3A_1575 : vector<16xi32>
    %gather3A_1577 = tpu.vector_load_idx %arg4[%add3A_1576] : memref<4080xf32, #tpu.memory_space<vmem>>[vector<16xi32>], vector<16xf32>,
    %swap3A_1578 = arith.constant 23203 : index
    %swap3A_1579 = tpu.vector_load %arg5[%swap3A_1578] {strides = array<i32>} : memref<33872xf32, #tpu.memory_space<vmem>>, vector<16xf32>,
    tpu.vector_store %arg5[%swap3A_1578], %gather3A_1577 {strides = array<i32>} : memref<33872xf32, #tpu.memory_space<vmem>>, vector<16xf32>,
    %add3A_1580 = arith.constant 144 : i32
    %add3A_1581 = vector.broadcast %add3A_1580 : i32 to vector<16xi32>
    %add3A_1582 = arith.addi %add3A_1581, %iota3A : vector<16xi32>
    %sub3A_1583 = arith.constant 254 : i32
    %sub3A_1584 = vector.broadcast %sub3A_1583 : i32 to vector<16xi32>
    %sub3A_1585 = arith.subi %sub3A_1584, %add3A_1582 : vector<16xi32>
    %max3A_1586 = arith.constant 0 : i32
    %max3A_1587 = vector.broadcast %max3A_1586 : i32 to vector<16xi32>
    %max3A_1588 = arith.maxsi %sub3A_1585, %max3A_1587 : vector<16xi32>
    %mul3A_1589 = arith.constant 16 : i32
    %mul3A_1590 = vector.broadcast %mul3A_1589 : i32 to vector<16xi32>
    %mul3A_1591 = arith.muli %max3A_1588, %mul3A_1590 : vector<16xi32>
    %add3A_1592 = vector.broadcast %arg1 : i32 to vector<16xi32>
    %add3A_1593 = arith.addi %mul3A_1591, %add3A_1592 : vector<16xi32>
    %gather3A_1594 = tpu.vector_load_idx %arg4[%add3A_1593] : memref<4080xf32, #tpu.memory_space<vmem>>[vector<16xi32>], vector<16xf32>,
    %swap3A_1595 = arith.constant 23219 : index
    %swap3A_1596 = tpu.vector_load %arg5[%swap3A_1595] {strides = array<i32>} : memref<33872xf32, #tpu.memory_space<vmem>>, vector<16xf32>,
    tpu.vector_store %arg5[%swap3A_1595], %gather3A_1594 {strides = array<i32>} : memref<33872xf32, #tpu.memory_space<vmem>>, vector<16xf32>,
    %add3A_1597 = arith.constant 160 : i32
    %add3A_1598 = vector.broadcast %add3A_1597 : i32 to vector<16xi32>
    %add3A_1599 = arith.addi %add3A_1598, %iota3A : vector<16xi32>
    %sub3A_1600 = arith.constant 254 : i32
    %sub3A_1601 = vector.broadcast %sub3A_1600 : i32 to vector<16xi32>
    %sub3A_1602 = arith.subi %sub3A_1601, %add3A_1599 : vector<16xi32>
    %max3A_1603 = arith.constant 0 : i32
    %max3A_1604 = vector.broadcast %max3A_1603 : i32 to vector<16xi32>
    %max3A_1605 = arith.maxsi %sub3A_1602, %max3A_1604 : vector<16xi32>
    %mul3A_1606 = arith.constant 16 : i32
    %mul3A_1607 = vector.broadcast %mul3A_1606 : i32 to vector<16xi32>
    %mul3A_1608 = arith.muli %max3A_1605, %mul3A_1607 : vector<16xi32>
    %add3A_1609 = vector.broadcast %arg1 : i32 to vector<16xi32>
    %add3A_1610 = arith.addi %mul3A_1608, %add3A_1609 : vector<16xi32>
    %gather3A_1611 = tpu.vector_load_idx %arg4[%add3A_1610] : memref<4080xf32, #tpu.memory_space<vmem>>[vector<16xi32>], vector<16xf32>,
    %swap3A_1612 = arith.constant 23235 : index
    %swap3A_1613 = tpu.vector_load %arg5[%swap3A_1612] {strides = array<i32>} : memref<33872xf32, #tpu.memory_space<vmem>>, vector<16xf32>,
    tpu.vector_store %arg5[%swap3A_1612], %gather3A_1611 {strides = array<i32>} : memref<33872xf32, #tpu.memory_space<vmem>>, vector<16xf32>,
    %add3A_1614 = arith.constant 176 : i32
    %add3A_1615 = vector.broadcast %add3A_1614 : i32 to vector<16xi32>
    %add3A_1616 = arith.addi %add3A_1615, %iota3A : vector<16xi32>
    %sub3A_1617 = arith.constant 254 : i32
    %sub3A_1618 = vector.broadcast %sub3A_1617 : i32 to vector<16xi32>
    %sub3A_1619 = arith.subi %sub3A_1618, %add3A_1616 : vector<16xi32>
    %max3A_1620 = arith.constant 0 : i32
    %max3A_1621 = vector.broadcast %max3A_1620 : i32 to vector<16xi32>
    %max3A_1622 = arith.maxsi %sub3A_1619, %max3A_1621 : vector<16xi32>
    %mul3A_1623 = arith.constant 16 : i32
    %mul3A_1624 = vector.broadcast %mul3A_1623 : i32 to vector<16xi32>
    %mul3A_1625 = arith.muli %max3A_1622, %mul3A_1624 : vector<16xi32>
    %add3A_1626 = vector.broadcast %arg1 : i32 to vector<16xi32>
    %add3A_1627 = arith.addi %mul3A_1625, %add3A_1626 : vector<16xi32>
    %gather3A_1628 = tpu.vector_load_idx %arg4[%add3A_1627] : memref<4080xf32, #tpu.memory_space<vmem>>[vector<16xi32>], vector<16xf32>,
    %swap3A_1629 = arith.constant 23251 : index
    %swap3A_1630 = tpu.vector_load %arg5[%swap3A_1629] {strides = array<i32>} : memref<33872xf32, #tpu.memory_space<vmem>>, vector<16xf32>,
    tpu.vector_store %arg5[%swap3A_1629], %gather3A_1628 {strides = array<i32>} : memref<33872xf32, #tpu.memory_space<vmem>>, vector<16xf32>,
    %add3A_1631 = arith.constant 192 : i32
    %add3A_1632 = vector.broadcast %add3A_1631 : i32 to vector<16xi32>
    %add3A_1633 = arith.addi %add3A_1632, %iota3A : vector<16xi32>
    %sub3A_1634 = arith.constant 254 : i32
    %sub3A_1635 = vector.broadcast %sub3A_1634 : i32 to vector<16xi32>
    %sub3A_1636 = arith.subi %sub3A_1635, %add3A_1633 : vector<16xi32>
    %max3A_1637 = arith.constant 0 : i32
    %max3A_1638 = vector.broadcast %max3A_1637 : i32 to vector<16xi32>
    %max3A_1639 = arith.maxsi %sub3A_1636, %max3A_1638 : vector<16xi32>
    %mul3A_1640 = arith.constant 16 : i32
    %mul3A_1641 = vector.broadcast %mul3A_1640 : i32 to vector<16xi32>
    %mul3A_1642 = arith.muli %max3A_1639, %mul3A_1641 : vector<16xi32>
    %add3A_1643 = vector.broadcast %arg1 : i32 to vector<16xi32>
    %add3A_1644 = arith.addi %mul3A_1642, %add3A_1643 : vector<16xi32>
    %gather3A_1645 = tpu.vector_load_idx %arg4[%add3A_1644] : memref<4080xf32, #tpu.memory_space<vmem>>[vector<16xi32>], vector<16xf32>,
    %swap3A_1646 = arith.constant 23267 : index
    %swap3A_1647 = tpu.vector_load %arg5[%swap3A_1646] {strides = array<i32>} : memref<33872xf32, #tpu.memory_space<vmem>>, vector<16xf32>,
    tpu.vector_store %arg5[%swap3A_1646], %gather3A_1645 {strides = array<i32>} : memref<33872xf32, #tpu.memory_space<vmem>>, vector<16xf32>,
    %add3A_1648 = arith.constant 208 : i32
    %add3A_1649 = vector.broadcast %add3A_1648 : i32 to vector<16xi32>
    %add3A_1650 = arith.addi %add3A_1649, %iota3A : vector<16xi32>
    %sub3A_1651 = arith.constant 254 : i32
    %sub3A_1652 = vector.broadcast %sub3A_1651 : i32 to vector<16xi32>
    %sub3A_1653 = arith.subi %sub3A_1652, %add3A_1650 : vector<16xi32>
    %max3A_1654 = arith.constant 0 : i32
    %max3A_1655 = vector.broadcast %max3A_1654 : i32 to vector<16xi32>
    %max3A_1656 = arith.maxsi %sub3A_1653, %max3A_1655 : vector<16xi32>
    %mul3A_1657 = arith.constant 16 : i32
    %mul3A_1658 = vector.broadcast %mul3A_1657 : i32 to vector<16xi32>
    %mul3A_1659 = arith.muli %max3A_1656, %mul3A_1658 : vector<16xi32>
    %add3A_1660 = vector.broadcast %arg1 : i32 to vector<16xi32>
    %add3A_1661 = arith.addi %mul3A_1659, %add3A_1660 : vector<16xi32>
    %gather3A_1662 = tpu.vector_load_idx %arg4[%add3A_1661] : memref<4080xf32, #tpu.memory_space<vmem>>[vector<16xi32>], vector<16xf32>,
    %swap3A_1663 = arith.constant 23283 : index
    %swap3A_1664 = tpu.vector_load %arg5[%swap3A_1663] {strides = array<i32>} : memref<33872xf32, #tpu.memory_space<vmem>>, vector<16xf32>,
    tpu.vector_store %arg5[%swap3A_1663], %gather3A_1662 {strides = array<i32>} : memref<33872xf32, #tpu.memory_space<vmem>>, vector<16xf32>,
    %add3A_1665 = arith.constant 224 : i32
    %add3A_1666 = vector.broadcast %add3A_1665 : i32 to vector<16xi32>
    %add3A_1667 = arith.addi %add3A_1666, %iota3A : vector<16xi32>
    %sub3A_1668 = arith.constant 254 : i32
    %sub3A_1669 = vector.broadcast %sub3A_1668 : i32 to vector<16xi32>
    %sub3A_1670 = arith.subi %sub3A_1669, %add3A_1667 : vector<16xi32>
    %max3A_1671 = arith.constant 0 : i32
    %max3A_1672 = vector.broadcast %max3A_1671 : i32 to vector<16xi32>
    %max3A_1673 = arith.maxsi %sub3A_1670, %max3A_1672 : vector<16xi32>
    %mul3A_1674 = arith.constant 16 : i32
    %mul3A_1675 = vector.broadcast %mul3A_1674 : i32 to vector<16xi32>
    %mul3A_1676 = arith.muli %max3A_1673, %mul3A_1675 : vector<16xi32>
    %add3A_1677 = vector.broadcast %arg1 : i32 to vector<16xi32>
    %add3A_1678 = arith.addi %mul3A_1676, %add3A_1677 : vector<16xi32>
    %gather3A_1679 = tpu.vector_load_idx %arg4[%add3A_1678] : memref<4080xf32, #tpu.memory_space<vmem>>[vector<16xi32>], vector<16xf32>,
    %swap3A_1680 = arith.constant 23299 : index
    %swap3A_1681 = tpu.vector_load %arg5[%swap3A_1680] {strides = array<i32>} : memref<33872xf32, #tpu.memory_space<vmem>>, vector<16xf32>,
    tpu.vector_store %arg5[%swap3A_1680], %gather3A_1679 {strides = array<i32>} : memref<33872xf32, #tpu.memory_space<vmem>>, vector<16xf32>,
    %add3A_1682 = arith.constant 240 : i32
    %add3A_1683 = vector.broadcast %add3A_1682 : i32 to vector<16xi32>
    %add3A_1684 = arith.addi %add3A_1683, %iota3A : vector<16xi32>
    %sub3A_1685 = arith.constant 254 : i32
    %sub3A_1686 = vector.broadcast %sub3A_1685 : i32 to vector<16xi32>
    %sub3A_1687 = arith.subi %sub3A_1686, %add3A_1684 : vector<16xi32>
    %max3A_1688 = arith.constant 0 : i32
    %max3A_1689 = vector.broadcast %max3A_1688 : i32 to vector<16xi32>
    %max3A_1690 = arith.maxsi %sub3A_1687, %max3A_1689 : vector<16xi32>
    %mul3A_1691 = arith.constant 16 : i32
    %mul3A_1692 = vector.broadcast %mul3A_1691 : i32 to vector<16xi32>
    %mul3A_1693 = arith.muli %max3A_1690, %mul3A_1692 : vector<16xi32>
    %add3A_1694 = vector.broadcast %arg1 : i32 to vector<16xi32>
    %add3A_1695 = arith.addi %mul3A_1693, %add3A_1694 : vector<16xi32>
    %gather3A_1696 = tpu.vector_load_idx %arg4[%add3A_1695] : memref<4080xf32, #tpu.memory_space<vmem>>[vector<16xi32>], vector<16xf32>,
    %swap3A_1697 = arith.constant 23315 : index
    %swap3A_1698 = tpu.vector_load %arg5[%swap3A_1697] {strides = array<i32>} : memref<33872xf32, #tpu.memory_space<vmem>>, vector<16xf32>,
    tpu.vector_store %arg5[%swap3A_1697], %gather3A_1696 {strides = array<i32>} : memref<33872xf32, #tpu.memory_space<vmem>>, vector<16xf32>,
    %scan3A_1699 = arith.constant 0 : i32
    %scan3A_1700 = arith.constant 0 : i32
    %scan3A_1701 = arith.constant 16 : i32
    %scan3A_1702 = arith.addi %scan3A_1700, %scan3A_1701 : i32
    %scan3A_1703 = arith.constant 1 : i32
    scf.for %scan3A_2288 = %scan3A_1700 to %scan3A_1702 step %scan3A_1703  : i32 {
      %mul3A_2289 = arith.constant 128 : i32
      %mul3A_2290 = arith.muli %scan3A_2288, %mul3A_2289 : i32
      %add3A_2291 = arith.constant 23331 : i32
      %add3A_2292 = arith.addi %add3A_2291, %mul3A_2290 : i32
      %add3A_2293 = arith.constant 0 : i32
      %add3A_2294 = arith.addi %add3A_2292, %add3A_2293 : i32
      %swap3A_2295 = arith.index_cast %add3A_2294 : i32 to index
      %swap3A_2296 = tpu.vector_load %arg5[%swap3A_2295] {strides = array<i32>} : memref<33872xf32, #tpu.memory_space<vmem>>, vector<16xf32>,
      tpu.vector_store %arg5[%swap3A_2295], %gather3A_4 {strides = array<i32>} : memref<33872xf32, #tpu.memory_space<vmem>>, vector<16xf32>,
      %add3A_2297 = arith.constant 16 : i32
      %add3A_2298 = arith.addi %add3A_2292, %add3A_2297 : i32
      %swap3A_2299 = arith.index_cast %add3A_2298 : i32 to index
      %swap3A_2300 = tpu.vector_load %arg5[%swap3A_2299] {strides = array<i32>} : memref<33872xf32, #tpu.memory_space<vmem>>, vector<16xf32>,
      tpu.vector_store %arg5[%swap3A_2299], %gather3A_4 {strides = array<i32>} : memref<33872xf32, #tpu.memory_space<vmem>>, vector<16xf32>,
      %add3A_2301 = arith.constant 32 : i32
      %add3A_2302 = arith.addi %add3A_2292, %add3A_2301 : i32
      %swap3A_2303 = arith.index_cast %add3A_2302 : i32 to index
      %swap3A_2304 = tpu.vector_load %arg5[%swap3A_2303] {strides = array<i32>} : memref<33872xf32, #tpu.memory_space<vmem>>, vector<16xf32>,
      tpu.vector_store %arg5[%swap3A_2303], %gather3A_4 {strides = array<i32>} : memref<33872xf32, #tpu.memory_space<vmem>>, vector<16xf32>,
      %add3A_2305 = arith.constant 48 : i32
      %add3A_2306 = arith.addi %add3A_2292, %add3A_2305 : i32
      %swap3A_2307 = arith.index_cast %add3A_2306 : i32 to index
      %swap3A_2308 = tpu.vector_load %arg5[%swap3A_2307] {strides = array<i32>} : memref<33872xf32, #tpu.memory_space<vmem>>, vector<16xf32>,
      tpu.vector_store %arg5[%swap3A_2307], %gather3A_4 {strides = array<i32>} : memref<33872xf32, #tpu.memory_space<vmem>>, vector<16xf32>,
      %add3A_2309 = arith.constant 64 : i32
      %add3A_2310 = arith.addi %add3A_2292, %add3A_2309 : i32
      %swap3A_2311 = arith.index_cast %add3A_2310 : i32 to index
      %swap3A_2312 = tpu.vector_load %arg5[%swap3A_2311] {strides = array<i32>} : memref<33872xf32, #tpu.memory_space<vmem>>, vector<16xf32>,
      tpu.vector_store %arg5[%swap3A_2311], %gather3A_4 {strides = array<i32>} : memref<33872xf32, #tpu.memory_space<vmem>>, vector<16xf32>,
      %add3A_2313 = arith.constant 80 : i32
      %add3A_2314 = arith.addi %add3A_2292, %add3A_2313 : i32
      %swap3A_2315 = arith.index_cast %add3A_2314 : i32 to index
      %swap3A_2316 = tpu.vector_load %arg5[%swap3A_2315] {strides = array<i32>} : memref<33872xf32, #tpu.memory_space<vmem>>, vector<16xf32>,
      tpu.vector_store %arg5[%swap3A_2315], %gather3A_4 {strides = array<i32>} : memref<33872xf32, #tpu.memory_space<vmem>>, vector<16xf32>,
      %add3A_2317 = arith.constant 96 : i32
      %add3A_2318 = arith.addi %add3A_2292, %add3A_2317 : i32
      %swap3A_2319 = arith.index_cast %add3A_2318 : i32 to index
      %swap3A_2320 = tpu.vector_load %arg5[%swap3A_2319] {strides = array<i32>} : memref<33872xf32, #tpu.memory_space<vmem>>, vector<16xf32>,
      tpu.vector_store %arg5[%swap3A_2319], %gather3A_4 {strides = array<i32>} : memref<33872xf32, #tpu.memory_space<vmem>>, vector<16xf32>,
      %add3A_2321 = arith.constant 112 : i32
      %add3A_2322 = arith.addi %add3A_2292, %add3A_2321 : i32
      %swap3A_2323 = arith.index_cast %add3A_2322 : i32 to index
      %swap3A_2324 = tpu.vector_load %arg5[%swap3A_2323] {strides = array<i32>} : memref<33872xf32, #tpu.memory_space<vmem>>, vector<16xf32>,
      tpu.vector_store %arg5[%swap3A_2323], %gather3A_4 {strides = array<i32>} : memref<33872xf32, #tpu.memory_space<vmem>>, vector<16xf32>,
    }
    %scan3A_1704 = arith.constant 16 : i32
    %scan3A_1705 = arith.constant 0 : i32
    %scan3A_1706 = arith.constant 0 : i32
    %scan3A_1707 = arith.constant 15 : i32
    %scan3A_1708 = arith.addi %scan3A_1706, %scan3A_1707 : i32
    %scan3A_1709 = arith.constant 1 : i32
    scf.for %scan3A_2288 = %scan3A_1706 to %scan3A_1708 step %scan3A_1709  : i32 {
      %mul3A_2289 = arith.constant 128 : i32
      %mul3A_2290 = arith.muli %scan3A_2288, %mul3A_2289 : i32
      %add3A_2291 = arith.constant 25392 : i32
      %add3A_2292 = arith.addi %add3A_2291, %mul3A_2290 : i32
      %add3A_2293 = arith.constant 0 : i32
      %add3A_2294 = arith.addi %add3A_2292, %add3A_2293 : i32
      %swap3A_2295 = arith.index_cast %add3A_2294 : i32 to index
      %swap3A_2296 = tpu.vector_load %arg5[%swap3A_2295] {strides = array<i32>} : memref<33872xf32, #tpu.memory_space<vmem>>, vector<16xf32>,
      tpu.vector_store %arg5[%swap3A_2295], %gather3A {strides = array<i32>} : memref<33872xf32, #tpu.memory_space<vmem>>, vector<16xf32>,
      %add3A_2297 = arith.constant 16 : i32
      %add3A_2298 = arith.addi %add3A_2292, %add3A_2297 : i32
      %swap3A_2299 = arith.index_cast %add3A_2298 : i32 to index
      %swap3A_2300 = tpu.vector_load %arg5[%swap3A_2299] {strides = array<i32>} : memref<33872xf32, #tpu.memory_space<vmem>>, vector<16xf32>,
      tpu.vector_store %arg5[%swap3A_2299], %gather3A {strides = array<i32>} : memref<33872xf32, #tpu.memory_space<vmem>>, vector<16xf32>,
      %add3A_2301 = arith.constant 32 : i32
      %add3A_2302 = arith.addi %add3A_2292, %add3A_2301 : i32
      %swap3A_2303 = arith.index_cast %add3A_2302 : i32 to index
      %swap3A_2304 = tpu.vector_load %arg5[%swap3A_2303] {strides = array<i32>} : memref<33872xf32, #tpu.memory_space<vmem>>, vector<16xf32>,
      tpu.vector_store %arg5[%swap3A_2303], %gather3A {strides = array<i32>} : memref<33872xf32, #tpu.memory_space<vmem>>, vector<16xf32>,
      %add3A_2305 = arith.constant 48 : i32
      %add3A_2306 = arith.addi %add3A_2292, %add3A_2305 : i32
      %swap3A_2307 = arith.index_cast %add3A_2306 : i32 to index
      %swap3A_2308 = tpu.vector_load %arg5[%swap3A_2307] {strides = array<i32>} : memref<33872xf32, #tpu.memory_space<vmem>>, vector<16xf32>,
      tpu.vector_store %arg5[%swap3A_2307], %gather3A {strides = array<i32>} : memref<33872xf32, #tpu.memory_space<vmem>>, vector<16xf32>,
      %add3A_2309 = arith.constant 64 : i32
      %add3A_2310 = arith.addi %add3A_2292, %add3A_2309 : i32
      %swap3A_2311 = arith.index_cast %add3A_2310 : i32 to index
      %swap3A_2312 = tpu.vector_load %arg5[%swap3A_2311] {strides = array<i32>} : memref<33872xf32, #tpu.memory_space<vmem>>, vector<16xf32>,
      tpu.vector_store %arg5[%swap3A_2311], %gather3A {strides = array<i32>} : memref<33872xf32, #tpu.memory_space<vmem>>, vector<16xf32>,
      %add3A_2313 = arith.constant 80 : i32
      %add3A_2314 = arith.addi %add3A_2292, %add3A_2313 : i32
      %swap3A_2315 = arith.index_cast %add3A_2314 : i32 to index
      %swap3A_2316 = tpu.vector_load %arg5[%swap3A_2315] {strides = array<i32>} : memref<33872xf32, #tpu.memory_space<vmem>>, vector<16xf32>,
      tpu.vector_store %arg5[%swap3A_2315], %gather3A {strides = array<i32>} : memref<33872xf32, #tpu.memory_space<vmem>>, vector<16xf32>,
      %add3A_2317 = arith.constant 96 : i32
      %add3A_2318 = arith.addi %add3A_2292, %add3A_2317 : i32
      %swap3A_2319 = arith.index_cast %add3A_2318 : i32 to index
      %swap3A_2320 = tpu.vector_load %arg5[%swap3A_2319] {strides = array<i32>} : memref<33872xf32, #tpu.memory_space<vmem>>, vector<16xf32>,
      tpu.vector_store %arg5[%swap3A_2319], %gather3A {strides = array<i32>} : memref<33872xf32, #tpu.memory_space<vmem>>, vector<16xf32>,
      %add3A_2321 = arith.constant 112 : i32
      %add3A_2322 = arith.addi %add3A_2292, %add3A_2321 : i32
      %swap3A_2323 = arith.index_cast %add3A_2322 : i32 to index
      %swap3A_2324 = tpu.vector_load %arg5[%swap3A_2323] {strides = array<i32>} : memref<33872xf32, #tpu.memory_space<vmem>>, vector<16xf32>,
      tpu.vector_store %arg5[%swap3A_2323], %gather3A {strides = array<i32>} : memref<33872xf32, #tpu.memory_space<vmem>>, vector<16xf32>,
    }
    %scan3A_1710 = arith.constant 15 : i32
    %add3A_1711 = arith.constant 0 : i32
    %add3A_1712 = vector.broadcast %add3A_1711 : i32 to vector<16xi32>
    %add3A_1713 = arith.addi %add3A_1712, %iota3A : vector<16xi32>
    %sub3A_1714 = arith.constant 254 : i32
    %sub3A_1715 = vector.broadcast %sub3A_1714 : i32 to vector<16xi32>
    %sub3A_1716 = arith.subi %sub3A_1715, %add3A_1713 : vector<16xi32>
    %max3A_1717 = arith.constant 0 : i32
    %max3A_1718 = vector.broadcast %max3A_1717 : i32 to vector<16xi32>
    %max3A_1719 = arith.maxsi %sub3A_1716, %max3A_1718 : vector<16xi32>
    %mul3A_1720 = arith.constant 16 : i32
    %mul3A_1721 = vector.broadcast %mul3A_1720 : i32 to vector<16xi32>
    %mul3A_1722 = arith.muli %max3A_1719, %mul3A_1721 : vector<16xi32>
    %add3A_1723 = vector.broadcast %arg1 : i32 to vector<16xi32>
    %add3A_1724 = arith.addi %mul3A_1722, %add3A_1723 : vector<16xi32>
    %gather3A_1725 = tpu.vector_load_idx %arg4[%add3A_1724] : memref<4080xf32, #tpu.memory_space<vmem>>[vector<16xi32>], vector<16xf32>,
    %swap3A_1726 = arith.constant 27306 : index
    %swap3A_1727 = tpu.vector_load %arg5[%swap3A_1726] {strides = array<i32>} : memref<33872xf32, #tpu.memory_space<vmem>>, vector<16xf32>,
    tpu.vector_store %arg5[%swap3A_1726], %gather3A_1725 {strides = array<i32>} : memref<33872xf32, #tpu.memory_space<vmem>>, vector<16xf32>,
    %add3A_1728 = arith.constant 16 : i32
    %add3A_1729 = vector.broadcast %add3A_1728 : i32 to vector<16xi32>
    %add3A_1730 = arith.addi %add3A_1729, %iota3A : vector<16xi32>
    %sub3A_1731 = arith.constant 254 : i32
    %sub3A_1732 = vector.broadcast %sub3A_1731 : i32 to vector<16xi32>
    %sub3A_1733 = arith.subi %sub3A_1732, %add3A_1730 : vector<16xi32>
    %max3A_1734 = arith.constant 0 : i32
    %max3A_1735 = vector.broadcast %max3A_1734 : i32 to vector<16xi32>
    %max3A_1736 = arith.maxsi %sub3A_1733, %max3A_1735 : vector<16xi32>
    %mul3A_1737 = arith.constant 16 : i32
    %mul3A_1738 = vector.broadcast %mul3A_1737 : i32 to vector<16xi32>
    %mul3A_1739 = arith.muli %max3A_1736, %mul3A_1738 : vector<16xi32>
    %add3A_1740 = vector.broadcast %arg1 : i32 to vector<16xi32>
    %add3A_1741 = arith.addi %mul3A_1739, %add3A_1740 : vector<16xi32>
    %gather3A_1742 = tpu.vector_load_idx %arg4[%add3A_1741] : memref<4080xf32, #tpu.memory_space<vmem>>[vector<16xi32>], vector<16xf32>,
    %swap3A_1743 = arith.constant 27322 : index
    %swap3A_1744 = tpu.vector_load %arg5[%swap3A_1743] {strides = array<i32>} : memref<33872xf32, #tpu.memory_space<vmem>>, vector<16xf32>,
    tpu.vector_store %arg5[%swap3A_1743], %gather3A_1742 {strides = array<i32>} : memref<33872xf32, #tpu.memory_space<vmem>>, vector<16xf32>,
    %add3A_1745 = arith.constant 32 : i32
    %add3A_1746 = vector.broadcast %add3A_1745 : i32 to vector<16xi32>
    %add3A_1747 = arith.addi %add3A_1746, %iota3A : vector<16xi32>
    %sub3A_1748 = arith.constant 254 : i32
    %sub3A_1749 = vector.broadcast %sub3A_1748 : i32 to vector<16xi32>
    %sub3A_1750 = arith.subi %sub3A_1749, %add3A_1747 : vector<16xi32>
    %max3A_1751 = arith.constant 0 : i32
    %max3A_1752 = vector.broadcast %max3A_1751 : i32 to vector<16xi32>
    %max3A_1753 = arith.maxsi %sub3A_1750, %max3A_1752 : vector<16xi32>
    %mul3A_1754 = arith.constant 16 : i32
    %mul3A_1755 = vector.broadcast %mul3A_1754 : i32 to vector<16xi32>
    %mul3A_1756 = arith.muli %max3A_1753, %mul3A_1755 : vector<16xi32>
    %add3A_1757 = vector.broadcast %arg1 : i32 to vector<16xi32>
    %add3A_1758 = arith.addi %mul3A_1756, %add3A_1757 : vector<16xi32>
    %gather3A_1759 = tpu.vector_load_idx %arg4[%add3A_1758] : memref<4080xf32, #tpu.memory_space<vmem>>[vector<16xi32>], vector<16xf32>,
    %swap3A_1760 = arith.constant 27338 : index
    %swap3A_1761 = tpu.vector_load %arg5[%swap3A_1760] {strides = array<i32>} : memref<33872xf32, #tpu.memory_space<vmem>>, vector<16xf32>,
    tpu.vector_store %arg5[%swap3A_1760], %gather3A_1759 {strides = array<i32>} : memref<33872xf32, #tpu.memory_space<vmem>>, vector<16xf32>,
    %add3A_1762 = arith.constant 48 : i32
    %add3A_1763 = vector.broadcast %add3A_1762 : i32 to vector<16xi32>
    %add3A_1764 = arith.addi %add3A_1763, %iota3A : vector<16xi32>
    %sub3A_1765 = arith.constant 254 : i32
    %sub3A_1766 = vector.broadcast %sub3A_1765 : i32 to vector<16xi32>
    %sub3A_1767 = arith.subi %sub3A_1766, %add3A_1764 : vector<16xi32>
    %max3A_1768 = arith.constant 0 : i32
    %max3A_1769 = vector.broadcast %max3A_1768 : i32 to vector<16xi32>
    %max3A_1770 = arith.maxsi %sub3A_1767, %max3A_1769 : vector<16xi32>
    %mul3A_1771 = arith.constant 16 : i32
    %mul3A_1772 = vector.broadcast %mul3A_1771 : i32 to vector<16xi32>
    %mul3A_1773 = arith.muli %max3A_1770, %mul3A_1772 : vector<16xi32>
    %add3A_1774 = vector.broadcast %arg1 : i32 to vector<16xi32>
    %add3A_1775 = arith.addi %mul3A_1773, %add3A_1774 : vector<16xi32>
    %gather3A_1776 = tpu.vector_load_idx %arg4[%add3A_1775] : memref<4080xf32, #tpu.memory_space<vmem>>[vector<16xi32>], vector<16xf32>,
    %swap3A_1777 = arith.constant 27354 : index
    %swap3A_1778 = tpu.vector_load %arg5[%swap3A_1777] {strides = array<i32>} : memref<33872xf32, #tpu.memory_space<vmem>>, vector<16xf32>,
    tpu.vector_store %arg5[%swap3A_1777], %gather3A_1776 {strides = array<i32>} : memref<33872xf32, #tpu.memory_space<vmem>>, vector<16xf32>,
    %add3A_1779 = arith.constant 64 : i32
    %add3A_1780 = vector.broadcast %add3A_1779 : i32 to vector<16xi32>
    %add3A_1781 = arith.addi %add3A_1780, %iota3A : vector<16xi32>
    %sub3A_1782 = arith.constant 254 : i32
    %sub3A_1783 = vector.broadcast %sub3A_1782 : i32 to vector<16xi32>
    %sub3A_1784 = arith.subi %sub3A_1783, %add3A_1781 : vector<16xi32>
    %max3A_1785 = arith.constant 0 : i32
    %max3A_1786 = vector.broadcast %max3A_1785 : i32 to vector<16xi32>
    %max3A_1787 = arith.maxsi %sub3A_1784, %max3A_1786 : vector<16xi32>
    %mul3A_1788 = arith.constant 16 : i32
    %mul3A_1789 = vector.broadcast %mul3A_1788 : i32 to vector<16xi32>
    %mul3A_1790 = arith.muli %max3A_1787, %mul3A_1789 : vector<16xi32>
    %add3A_1791 = vector.broadcast %arg1 : i32 to vector<16xi32>
    %add3A_1792 = arith.addi %mul3A_1790, %add3A_1791 : vector<16xi32>
    %gather3A_1793 = tpu.vector_load_idx %arg4[%add3A_1792] : memref<4080xf32, #tpu.memory_space<vmem>>[vector<16xi32>], vector<16xf32>,
    %swap3A_1794 = arith.constant 27370 : index
    %swap3A_1795 = tpu.vector_load %arg5[%swap3A_1794] {strides = array<i32>} : memref<33872xf32, #tpu.memory_space<vmem>>, vector<16xf32>,
    tpu.vector_store %arg5[%swap3A_1794], %gather3A_1793 {strides = array<i32>} : memref<33872xf32, #tpu.memory_space<vmem>>, vector<16xf32>,
    %add3A_1796 = arith.constant 80 : i32
    %add3A_1797 = vector.broadcast %add3A_1796 : i32 to vector<16xi32>
    %add3A_1798 = arith.addi %add3A_1797, %iota3A : vector<16xi32>
    %sub3A_1799 = arith.constant 254 : i32
    %sub3A_1800 = vector.broadcast %sub3A_1799 : i32 to vector<16xi32>
    %sub3A_1801 = arith.subi %sub3A_1800, %add3A_1798 : vector<16xi32>
    %max3A_1802 = arith.constant 0 : i32
    %max3A_1803 = vector.broadcast %max3A_1802 : i32 to vector<16xi32>
    %max3A_1804 = arith.maxsi %sub3A_1801, %max3A_1803 : vector<16xi32>
    %mul3A_1805 = arith.constant 16 : i32
    %mul3A_1806 = vector.broadcast %mul3A_1805 : i32 to vector<16xi32>
    %mul3A_1807 = arith.muli %max3A_1804, %mul3A_1806 : vector<16xi32>
    %add3A_1808 = vector.broadcast %arg1 : i32 to vector<16xi32>
    %add3A_1809 = arith.addi %mul3A_1807, %add3A_1808 : vector<16xi32>
    %gather3A_1810 = tpu.vector_load_idx %arg4[%add3A_1809] : memref<4080xf32, #tpu.memory_space<vmem>>[vector<16xi32>], vector<16xf32>,
    %swap3A_1811 = arith.constant 27386 : index
    %swap3A_1812 = tpu.vector_load %arg5[%swap3A_1811] {strides = array<i32>} : memref<33872xf32, #tpu.memory_space<vmem>>, vector<16xf32>,
    tpu.vector_store %arg5[%swap3A_1811], %gather3A_1810 {strides = array<i32>} : memref<33872xf32, #tpu.memory_space<vmem>>, vector<16xf32>,
    %add3A_1813 = arith.constant 96 : i32
    %add3A_1814 = vector.broadcast %add3A_1813 : i32 to vector<16xi32>
    %add3A_1815 = arith.addi %add3A_1814, %iota3A : vector<16xi32>
    %sub3A_1816 = arith.constant 254 : i32
    %sub3A_1817 = vector.broadcast %sub3A_1816 : i32 to vector<16xi32>
    %sub3A_1818 = arith.subi %sub3A_1817, %add3A_1815 : vector<16xi32>
    %max3A_1819 = arith.constant 0 : i32
    %max3A_1820 = vector.broadcast %max3A_1819 : i32 to vector<16xi32>
    %max3A_1821 = arith.maxsi %sub3A_1818, %max3A_1820 : vector<16xi32>
    %mul3A_1822 = arith.constant 16 : i32
    %mul3A_1823 = vector.broadcast %mul3A_1822 : i32 to vector<16xi32>
    %mul3A_1824 = arith.muli %max3A_1821, %mul3A_1823 : vector<16xi32>
    %add3A_1825 = vector.broadcast %arg1 : i32 to vector<16xi32>
    %add3A_1826 = arith.addi %mul3A_1824, %add3A_1825 : vector<16xi32>
    %gather3A_1827 = tpu.vector_load_idx %arg4[%add3A_1826] : memref<4080xf32, #tpu.memory_space<vmem>>[vector<16xi32>], vector<16xf32>,
    %swap3A_1828 = arith.constant 27402 : index
    %swap3A_1829 = tpu.vector_load %arg5[%swap3A_1828] {strides = array<i32>} : memref<33872xf32, #tpu.memory_space<vmem>>, vector<16xf32>,
    tpu.vector_store %arg5[%swap3A_1828], %gather3A_1827 {strides = array<i32>} : memref<33872xf32, #tpu.memory_space<vmem>>, vector<16xf32>,
    %add3A_1830 = arith.constant 112 : i32
    %add3A_1831 = vector.broadcast %add3A_1830 : i32 to vector<16xi32>
    %add3A_1832 = arith.addi %add3A_1831, %iota3A : vector<16xi32>
    %sub3A_1833 = arith.constant 254 : i32
    %sub3A_1834 = vector.broadcast %sub3A_1833 : i32 to vector<16xi32>
    %sub3A_1835 = arith.subi %sub3A_1834, %add3A_1832 : vector<16xi32>
    %max3A_1836 = arith.constant 0 : i32
    %max3A_1837 = vector.broadcast %max3A_1836 : i32 to vector<16xi32>
    %max3A_1838 = arith.maxsi %sub3A_1835, %max3A_1837 : vector<16xi32>
    %mul3A_1839 = arith.constant 16 : i32
    %mul3A_1840 = vector.broadcast %mul3A_1839 : i32 to vector<16xi32>
    %mul3A_1841 = arith.muli %max3A_1838, %mul3A_1840 : vector<16xi32>
    %add3A_1842 = vector.broadcast %arg1 : i32 to vector<16xi32>
    %add3A_1843 = arith.addi %mul3A_1841, %add3A_1842 : vector<16xi32>
    %gather3A_1844 = tpu.vector_load_idx %arg4[%add3A_1843] : memref<4080xf32, #tpu.memory_space<vmem>>[vector<16xi32>], vector<16xf32>,
    %swap3A_1845 = arith.constant 27418 : index
    %swap3A_1846 = tpu.vector_load %arg5[%swap3A_1845] {strides = array<i32>} : memref<33872xf32, #tpu.memory_space<vmem>>, vector<16xf32>,
    tpu.vector_store %arg5[%swap3A_1845], %gather3A_1844 {strides = array<i32>} : memref<33872xf32, #tpu.memory_space<vmem>>, vector<16xf32>,
    %add3A_1847 = arith.constant 128 : i32
    %add3A_1848 = vector.broadcast %add3A_1847 : i32 to vector<16xi32>
    %add3A_1849 = arith.addi %add3A_1848, %iota3A : vector<16xi32>
    %sub3A_1850 = arith.constant 254 : i32
    %sub3A_1851 = vector.broadcast %sub3A_1850 : i32 to vector<16xi32>
    %sub3A_1852 = arith.subi %sub3A_1851, %add3A_1849 : vector<16xi32>
    %max3A_1853 = arith.constant 0 : i32
    %max3A_1854 = vector.broadcast %max3A_1853 : i32 to vector<16xi32>
    %max3A_1855 = arith.maxsi %sub3A_1852, %max3A_1854 : vector<16xi32>
    %mul3A_1856 = arith.constant 16 : i32
    %mul3A_1857 = vector.broadcast %mul3A_1856 : i32 to vector<16xi32>
    %mul3A_1858 = arith.muli %max3A_1855, %mul3A_1857 : vector<16xi32>
    %add3A_1859 = vector.broadcast %arg1 : i32 to vector<16xi32>
    %add3A_1860 = arith.addi %mul3A_1858, %add3A_1859 : vector<16xi32>
    %gather3A_1861 = tpu.vector_load_idx %arg4[%add3A_1860] : memref<4080xf32, #tpu.memory_space<vmem>>[vector<16xi32>], vector<16xf32>,
    %swap3A_1862 = arith.constant 27434 : index
    %swap3A_1863 = tpu.vector_load %arg5[%swap3A_1862] {strides = array<i32>} : memref<33872xf32, #tpu.memory_space<vmem>>, vector<16xf32>,
    tpu.vector_store %arg5[%swap3A_1862], %gather3A_1861 {strides = array<i32>} : memref<33872xf32, #tpu.memory_space<vmem>>, vector<16xf32>,
    %add3A_1864 = arith.constant 144 : i32
    %add3A_1865 = vector.broadcast %add3A_1864 : i32 to vector<16xi32>
    %add3A_1866 = arith.addi %add3A_1865, %iota3A : vector<16xi32>
    %sub3A_1867 = arith.constant 254 : i32
    %sub3A_1868 = vector.broadcast %sub3A_1867 : i32 to vector<16xi32>
    %sub3A_1869 = arith.subi %sub3A_1868, %add3A_1866 : vector<16xi32>
    %max3A_1870 = arith.constant 0 : i32
    %max3A_1871 = vector.broadcast %max3A_1870 : i32 to vector<16xi32>
    %max3A_1872 = arith.maxsi %sub3A_1869, %max3A_1871 : vector<16xi32>
    %mul3A_1873 = arith.constant 16 : i32
    %mul3A_1874 = vector.broadcast %mul3A_1873 : i32 to vector<16xi32>
    %mul3A_1875 = arith.muli %max3A_1872, %mul3A_1874 : vector<16xi32>
    %add3A_1876 = vector.broadcast %arg1 : i32 to vector<16xi32>
    %add3A_1877 = arith.addi %mul3A_1875, %add3A_1876 : vector<16xi32>
    %gather3A_1878 = tpu.vector_load_idx %arg4[%add3A_1877] : memref<4080xf32, #tpu.memory_space<vmem>>[vector<16xi32>], vector<16xf32>,
    %swap3A_1879 = arith.constant 27450 : index
    %swap3A_1880 = tpu.vector_load %arg5[%swap3A_1879] {strides = array<i32>} : memref<33872xf32, #tpu.memory_space<vmem>>, vector<16xf32>,
    tpu.vector_store %arg5[%swap3A_1879], %gather3A_1878 {strides = array<i32>} : memref<33872xf32, #tpu.memory_space<vmem>>, vector<16xf32>,
    %add3A_1881 = arith.constant 160 : i32
    %add3A_1882 = vector.broadcast %add3A_1881 : i32 to vector<16xi32>
    %add3A_1883 = arith.addi %add3A_1882, %iota3A : vector<16xi32>
    %sub3A_1884 = arith.constant 254 : i32
    %sub3A_1885 = vector.broadcast %sub3A_1884 : i32 to vector<16xi32>
    %sub3A_1886 = arith.subi %sub3A_1885, %add3A_1883 : vector<16xi32>
    %max3A_1887 = arith.constant 0 : i32
    %max3A_1888 = vector.broadcast %max3A_1887 : i32 to vector<16xi32>
    %max3A_1889 = arith.maxsi %sub3A_1886, %max3A_1888 : vector<16xi32>
    %mul3A_1890 = arith.constant 16 : i32
    %mul3A_1891 = vector.broadcast %mul3A_1890 : i32 to vector<16xi32>
    %mul3A_1892 = arith.muli %max3A_1889, %mul3A_1891 : vector<16xi32>
    %add3A_1893 = vector.broadcast %arg1 : i32 to vector<16xi32>
    %add3A_1894 = arith.addi %mul3A_1892, %add3A_1893 : vector<16xi32>
    %gather3A_1895 = tpu.vector_load_idx %arg4[%add3A_1894] : memref<4080xf32, #tpu.memory_space<vmem>>[vector<16xi32>], vector<16xf32>,
    %swap3A_1896 = arith.constant 27466 : index
    %swap3A_1897 = tpu.vector_load %arg5[%swap3A_1896] {strides = array<i32>} : memref<33872xf32, #tpu.memory_space<vmem>>, vector<16xf32>,
    tpu.vector_store %arg5[%swap3A_1896], %gather3A_1895 {strides = array<i32>} : memref<33872xf32, #tpu.memory_space<vmem>>, vector<16xf32>,
    %add3A_1898 = arith.constant 176 : i32
    %add3A_1899 = vector.broadcast %add3A_1898 : i32 to vector<16xi32>
    %add3A_1900 = arith.addi %add3A_1899, %iota3A : vector<16xi32>
    %sub3A_1901 = arith.constant 254 : i32
    %sub3A_1902 = vector.broadcast %sub3A_1901 : i32 to vector<16xi32>
    %sub3A_1903 = arith.subi %sub3A_1902, %add3A_1900 : vector<16xi32>
    %max3A_1904 = arith.constant 0 : i32
    %max3A_1905 = vector.broadcast %max3A_1904 : i32 to vector<16xi32>
    %max3A_1906 = arith.maxsi %sub3A_1903, %max3A_1905 : vector<16xi32>
    %mul3A_1907 = arith.constant 16 : i32
    %mul3A_1908 = vector.broadcast %mul3A_1907 : i32 to vector<16xi32>
    %mul3A_1909 = arith.muli %max3A_1906, %mul3A_1908 : vector<16xi32>
    %add3A_1910 = vector.broadcast %arg1 : i32 to vector<16xi32>
    %add3A_1911 = arith.addi %mul3A_1909, %add3A_1910 : vector<16xi32>
    %gather3A_1912 = tpu.vector_load_idx %arg4[%add3A_1911] : memref<4080xf32, #tpu.memory_space<vmem>>[vector<16xi32>], vector<16xf32>,
    %swap3A_1913 = arith.constant 27482 : index
    %swap3A_1914 = tpu.vector_load %arg5[%swap3A_1913] {strides = array<i32>} : memref<33872xf32, #tpu.memory_space<vmem>>, vector<16xf32>,
    tpu.vector_store %arg5[%swap3A_1913], %gather3A_1912 {strides = array<i32>} : memref<33872xf32, #tpu.memory_space<vmem>>, vector<16xf32>,
    %add3A_1915 = arith.constant 192 : i32
    %add3A_1916 = vector.broadcast %add3A_1915 : i32 to vector<16xi32>
    %add3A_1917 = arith.addi %add3A_1916, %iota3A : vector<16xi32>
    %sub3A_1918 = arith.constant 254 : i32
    %sub3A_1919 = vector.broadcast %sub3A_1918 : i32 to vector<16xi32>
    %sub3A_1920 = arith.subi %sub3A_1919, %add3A_1917 : vector<16xi32>
    %max3A_1921 = arith.constant 0 : i32
    %max3A_1922 = vector.broadcast %max3A_1921 : i32 to vector<16xi32>
    %max3A_1923 = arith.maxsi %sub3A_1920, %max3A_1922 : vector<16xi32>
    %mul3A_1924 = arith.constant 16 : i32
    %mul3A_1925 = vector.broadcast %mul3A_1924 : i32 to vector<16xi32>
    %mul3A_1926 = arith.muli %max3A_1923, %mul3A_1925 : vector<16xi32>
    %add3A_1927 = vector.broadcast %arg1 : i32 to vector<16xi32>
    %add3A_1928 = arith.addi %mul3A_1926, %add3A_1927 : vector<16xi32>
    %gather3A_1929 = tpu.vector_load_idx %arg4[%add3A_1928] : memref<4080xf32, #tpu.memory_space<vmem>>[vector<16xi32>], vector<16xf32>,
    %swap3A_1930 = arith.constant 27498 : index
    %swap3A_1931 = tpu.vector_load %arg5[%swap3A_1930] {strides = array<i32>} : memref<33872xf32, #tpu.memory_space<vmem>>, vector<16xf32>,
    tpu.vector_store %arg5[%swap3A_1930], %gather3A_1929 {strides = array<i32>} : memref<33872xf32, #tpu.memory_space<vmem>>, vector<16xf32>,
    %add3A_1932 = arith.constant 208 : i32
    %add3A_1933 = vector.broadcast %add3A_1932 : i32 to vector<16xi32>
    %add3A_1934 = arith.addi %add3A_1933, %iota3A : vector<16xi32>
    %sub3A_1935 = arith.constant 254 : i32
    %sub3A_1936 = vector.broadcast %sub3A_1935 : i32 to vector<16xi32>
    %sub3A_1937 = arith.subi %sub3A_1936, %add3A_1934 : vector<16xi32>
    %max3A_1938 = arith.constant 0 : i32
    %max3A_1939 = vector.broadcast %max3A_1938 : i32 to vector<16xi32>
    %max3A_1940 = arith.maxsi %sub3A_1937, %max3A_1939 : vector<16xi32>
    %mul3A_1941 = arith.constant 16 : i32
    %mul3A_1942 = vector.broadcast %mul3A_1941 : i32 to vector<16xi32>
    %mul3A_1943 = arith.muli %max3A_1940, %mul3A_1942 : vector<16xi32>
    %add3A_1944 = vector.broadcast %arg1 : i32 to vector<16xi32>
    %add3A_1945 = arith.addi %mul3A_1943, %add3A_1944 : vector<16xi32>
    %gather3A_1946 = tpu.vector_load_idx %arg4[%add3A_1945] : memref<4080xf32, #tpu.memory_space<vmem>>[vector<16xi32>], vector<16xf32>,
    %swap3A_1947 = arith.constant 27514 : index
    %swap3A_1948 = tpu.vector_load %arg5[%swap3A_1947] {strides = array<i32>} : memref<33872xf32, #tpu.memory_space<vmem>>, vector<16xf32>,
    tpu.vector_store %arg5[%swap3A_1947], %gather3A_1946 {strides = array<i32>} : memref<33872xf32, #tpu.memory_space<vmem>>, vector<16xf32>,
    %add3A_1949 = arith.constant 224 : i32
    %add3A_1950 = vector.broadcast %add3A_1949 : i32 to vector<16xi32>
    %add3A_1951 = arith.addi %add3A_1950, %iota3A : vector<16xi32>
    %sub3A_1952 = arith.constant 254 : i32
    %sub3A_1953 = vector.broadcast %sub3A_1952 : i32 to vector<16xi32>
    %sub3A_1954 = arith.subi %sub3A_1953, %add3A_1951 : vector<16xi32>
    %max3A_1955 = arith.constant 0 : i32
    %max3A_1956 = vector.broadcast %max3A_1955 : i32 to vector<16xi32>
    %max3A_1957 = arith.maxsi %sub3A_1954, %max3A_1956 : vector<16xi32>
    %mul3A_1958 = arith.constant 16 : i32
    %mul3A_1959 = vector.broadcast %mul3A_1958 : i32 to vector<16xi32>
    %mul3A_1960 = arith.muli %max3A_1957, %mul3A_1959 : vector<16xi32>
    %add3A_1961 = vector.broadcast %arg1 : i32 to vector<16xi32>
    %add3A_1962 = arith.addi %mul3A_1960, %add3A_1961 : vector<16xi32>
    %gather3A_1963 = tpu.vector_load_idx %arg4[%add3A_1962] : memref<4080xf32, #tpu.memory_space<vmem>>[vector<16xi32>], vector<16xf32>,
    %swap3A_1964 = arith.constant 27530 : index
    %swap3A_1965 = tpu.vector_load %arg5[%swap3A_1964] {strides = array<i32>} : memref<33872xf32, #tpu.memory_space<vmem>>, vector<16xf32>,
    tpu.vector_store %arg5[%swap3A_1964], %gather3A_1963 {strides = array<i32>} : memref<33872xf32, #tpu.memory_space<vmem>>, vector<16xf32>,
    %add3A_1966 = arith.constant 240 : i32
    %add3A_1967 = vector.broadcast %add3A_1966 : i32 to vector<16xi32>
    %add3A_1968 = arith.addi %add3A_1967, %iota3A : vector<16xi32>
    %sub3A_1969 = arith.constant 254 : i32
    %sub3A_1970 = vector.broadcast %sub3A_1969 : i32 to vector<16xi32>
    %sub3A_1971 = arith.subi %sub3A_1970, %add3A_1968 : vector<16xi32>
    %max3A_1972 = arith.constant 0 : i32
    %max3A_1973 = vector.broadcast %max3A_1972 : i32 to vector<16xi32>
    %max3A_1974 = arith.maxsi %sub3A_1971, %max3A_1973 : vector<16xi32>
    %mul3A_1975 = arith.constant 16 : i32
    %mul3A_1976 = vector.broadcast %mul3A_1975 : i32 to vector<16xi32>
    %mul3A_1977 = arith.muli %max3A_1974, %mul3A_1976 : vector<16xi32>
    %add3A_1978 = vector.broadcast %arg1 : i32 to vector<16xi32>
    %add3A_1979 = arith.addi %mul3A_1977, %add3A_1978 : vector<16xi32>
    %gather3A_1980 = tpu.vector_load_idx %arg4[%add3A_1979] : memref<4080xf32, #tpu.memory_space<vmem>>[vector<16xi32>], vector<16xf32>,
    %swap3A_1981 = arith.constant 27546 : index
    %swap3A_1982 = tpu.vector_load %arg5[%swap3A_1981] {strides = array<i32>} : memref<33872xf32, #tpu.memory_space<vmem>>, vector<16xf32>,
    tpu.vector_store %arg5[%swap3A_1981], %gather3A_1980 {strides = array<i32>} : memref<33872xf32, #tpu.memory_space<vmem>>, vector<16xf32>,
    %scan3A_1983 = arith.constant 0 : i32
    %scan3A_1984 = arith.constant 0 : i32
    %scan3A_1985 = arith.constant 16 : i32
    %scan3A_1986 = arith.addi %scan3A_1984, %scan3A_1985 : i32
    %scan3A_1987 = arith.constant 1 : i32
    scf.for %scan3A_2288 = %scan3A_1984 to %scan3A_1986 step %scan3A_1987  : i32 {
      %mul3A_2289 = arith.constant 128 : i32
      %mul3A_2290 = arith.muli %scan3A_2288, %mul3A_2289 : i32
      %add3A_2291 = arith.constant 27562 : i32
      %add3A_2292 = arith.addi %add3A_2291, %mul3A_2290 : i32
      %add3A_2293 = arith.constant 0 : i32
      %add3A_2294 = arith.addi %add3A_2292, %add3A_2293 : i32
      %swap3A_2295 = arith.index_cast %add3A_2294 : i32 to index
      %swap3A_2296 = tpu.vector_load %arg5[%swap3A_2295] {strides = array<i32>} : memref<33872xf32, #tpu.memory_space<vmem>>, vector<16xf32>,
      tpu.vector_store %arg5[%swap3A_2295], %gather3A_4 {strides = array<i32>} : memref<33872xf32, #tpu.memory_space<vmem>>, vector<16xf32>,
      %add3A_2297 = arith.constant 16 : i32
      %add3A_2298 = arith.addi %add3A_2292, %add3A_2297 : i32
      %swap3A_2299 = arith.index_cast %add3A_2298 : i32 to index
      %swap3A_2300 = tpu.vector_load %arg5[%swap3A_2299] {strides = array<i32>} : memref<33872xf32, #tpu.memory_space<vmem>>, vector<16xf32>,
      tpu.vector_store %arg5[%swap3A_2299], %gather3A_4 {strides = array<i32>} : memref<33872xf32, #tpu.memory_space<vmem>>, vector<16xf32>,
      %add3A_2301 = arith.constant 32 : i32
      %add3A_2302 = arith.addi %add3A_2292, %add3A_2301 : i32
      %swap3A_2303 = arith.index_cast %add3A_2302 : i32 to index
      %swap3A_2304 = tpu.vector_load %arg5[%swap3A_2303] {strides = array<i32>} : memref<33872xf32, #tpu.memory_space<vmem>>, vector<16xf32>,
      tpu.vector_store %arg5[%swap3A_2303], %gather3A_4 {strides = array<i32>} : memref<33872xf32, #tpu.memory_space<vmem>>, vector<16xf32>,
      %add3A_2305 = arith.constant 48 : i32
      %add3A_2306 = arith.addi %add3A_2292, %add3A_2305 : i32
      %swap3A_2307 = arith.index_cast %add3A_2306 : i32 to index
      %swap3A_2308 = tpu.vector_load %arg5[%swap3A_2307] {strides = array<i32>} : memref<33872xf32, #tpu.memory_space<vmem>>, vector<16xf32>,
      tpu.vector_store %arg5[%swap3A_2307], %gather3A_4 {strides = array<i32>} : memref<33872xf32, #tpu.memory_space<vmem>>, vector<16xf32>,
      %add3A_2309 = arith.constant 64 : i32
      %add3A_2310 = arith.addi %add3A_2292, %add3A_2309 : i32
      %swap3A_2311 = arith.index_cast %add3A_2310 : i32 to index
      %swap3A_2312 = tpu.vector_load %arg5[%swap3A_2311] {strides = array<i32>} : memref<33872xf32, #tpu.memory_space<vmem>>, vector<16xf32>,
      tpu.vector_store %arg5[%swap3A_2311], %gather3A_4 {strides = array<i32>} : memref<33872xf32, #tpu.memory_space<vmem>>, vector<16xf32>,
      %add3A_2313 = arith.constant 80 : i32
      %add3A_2314 = arith.addi %add3A_2292, %add3A_2313 : i32
      %swap3A_2315 = arith.index_cast %add3A_2314 : i32 to index
      %swap3A_2316 = tpu.vector_load %arg5[%swap3A_2315] {strides = array<i32>} : memref<33872xf32, #tpu.memory_space<vmem>>, vector<16xf32>,
      tpu.vector_store %arg5[%swap3A_2315], %gather3A_4 {strides = array<i32>} : memref<33872xf32, #tpu.memory_space<vmem>>, vector<16xf32>,
      %add3A_2317 = arith.constant 96 : i32
      %add3A_2318 = arith.addi %add3A_2292, %add3A_2317 : i32
      %swap3A_2319 = arith.index_cast %add3A_2318 : i32 to index
      %swap3A_2320 = tpu.vector_load %arg5[%swap3A_2319] {strides = array<i32>} : memref<33872xf32, #tpu.memory_space<vmem>>, vector<16xf32>,
      tpu.vector_store %arg5[%swap3A_2319], %gather3A_4 {strides = array<i32>} : memref<33872xf32, #tpu.memory_space<vmem>>, vector<16xf32>,
      %add3A_2321 = arith.constant 112 : i32
      %add3A_2322 = arith.addi %add3A_2292, %add3A_2321 : i32
      %swap3A_2323 = arith.index_cast %add3A_2322 : i32 to index
      %swap3A_2324 = tpu.vector_load %arg5[%swap3A_2323] {strides = array<i32>} : memref<33872xf32, #tpu.memory_space<vmem>>, vector<16xf32>,
      tpu.vector_store %arg5[%swap3A_2323], %gather3A_4 {strides = array<i32>} : memref<33872xf32, #tpu.memory_space<vmem>>, vector<16xf32>,
    }
    %scan3A_1988 = arith.constant 16 : i32
    %scan3A_1989 = arith.constant 0 : i32
    %scan3A_1990 = arith.constant 0 : i32
    %scan3A_1991 = arith.constant 15 : i32
    %scan3A_1992 = arith.addi %scan3A_1990, %scan3A_1991 : i32
    %scan3A_1993 = arith.constant 1 : i32
    scf.for %scan3A_2288 = %scan3A_1990 to %scan3A_1992 step %scan3A_1993  : i32 {
      %mul3A_2289 = arith.constant 128 : i32
      %mul3A_2290 = arith.muli %scan3A_2288, %mul3A_2289 : i32
      %add3A_2291 = arith.constant 29624 : i32
      %add3A_2292 = arith.addi %add3A_2291, %mul3A_2290 : i32
      %add3A_2293 = arith.constant 0 : i32
      %add3A_2294 = arith.addi %add3A_2292, %add3A_2293 : i32
      %swap3A_2295 = arith.index_cast %add3A_2294 : i32 to index
      %swap3A_2296 = tpu.vector_load %arg5[%swap3A_2295] {strides = array<i32>} : memref<33872xf32, #tpu.memory_space<vmem>>, vector<16xf32>,
      tpu.vector_store %arg5[%swap3A_2295], %gather3A {strides = array<i32>} : memref<33872xf32, #tpu.memory_space<vmem>>, vector<16xf32>,
      %add3A_2297 = arith.constant 16 : i32
      %add3A_2298 = arith.addi %add3A_2292, %add3A_2297 : i32
      %swap3A_2299 = arith.index_cast %add3A_2298 : i32 to index
      %swap3A_2300 = tpu.vector_load %arg5[%swap3A_2299] {strides = array<i32>} : memref<33872xf32, #tpu.memory_space<vmem>>, vector<16xf32>,
      tpu.vector_store %arg5[%swap3A_2299], %gather3A {strides = array<i32>} : memref<33872xf32, #tpu.memory_space<vmem>>, vector<16xf32>,
      %add3A_2301 = arith.constant 32 : i32
      %add3A_2302 = arith.addi %add3A_2292, %add3A_2301 : i32
      %swap3A_2303 = arith.index_cast %add3A_2302 : i32 to index
      %swap3A_2304 = tpu.vector_load %arg5[%swap3A_2303] {strides = array<i32>} : memref<33872xf32, #tpu.memory_space<vmem>>, vector<16xf32>,
      tpu.vector_store %arg5[%swap3A_2303], %gather3A {strides = array<i32>} : memref<33872xf32, #tpu.memory_space<vmem>>, vector<16xf32>,
      %add3A_2305 = arith.constant 48 : i32
      %add3A_2306 = arith.addi %add3A_2292, %add3A_2305 : i32
      %swap3A_2307 = arith.index_cast %add3A_2306 : i32 to index
      %swap3A_2308 = tpu.vector_load %arg5[%swap3A_2307] {strides = array<i32>} : memref<33872xf32, #tpu.memory_space<vmem>>, vector<16xf32>,
      tpu.vector_store %arg5[%swap3A_2307], %gather3A {strides = array<i32>} : memref<33872xf32, #tpu.memory_space<vmem>>, vector<16xf32>,
      %add3A_2309 = arith.constant 64 : i32
      %add3A_2310 = arith.addi %add3A_2292, %add3A_2309 : i32
      %swap3A_2311 = arith.index_cast %add3A_2310 : i32 to index
      %swap3A_2312 = tpu.vector_load %arg5[%swap3A_2311] {strides = array<i32>} : memref<33872xf32, #tpu.memory_space<vmem>>, vector<16xf32>,
      tpu.vector_store %arg5[%swap3A_2311], %gather3A {strides = array<i32>} : memref<33872xf32, #tpu.memory_space<vmem>>, vector<16xf32>,
      %add3A_2313 = arith.constant 80 : i32
      %add3A_2314 = arith.addi %add3A_2292, %add3A_2313 : i32
      %swap3A_2315 = arith.index_cast %add3A_2314 : i32 to index
      %swap3A_2316 = tpu.vector_load %arg5[%swap3A_2315] {strides = array<i32>} : memref<33872xf32, #tpu.memory_space<vmem>>, vector<16xf32>,
      tpu.vector_store %arg5[%swap3A_2315], %gather3A {strides = array<i32>} : memref<33872xf32, #tpu.memory_space<vmem>>, vector<16xf32>,
      %add3A_2317 = arith.constant 96 : i32
      %add3A_2318 = arith.addi %add3A_2292, %add3A_2317 : i32
      %swap3A_2319 = arith.index_cast %add3A_2318 : i32 to index
      %swap3A_2320 = tpu.vector_load %arg5[%swap3A_2319] {strides = array<i32>} : memref<33872xf32, #tpu.memory_space<vmem>>, vector<16xf32>,
      tpu.vector_store %arg5[%swap3A_2319], %gather3A {strides = array<i32>} : memref<33872xf32, #tpu.memory_space<vmem>>, vector<16xf32>,
      %add3A_2321 = arith.constant 112 : i32
      %add3A_2322 = arith.addi %add3A_2292, %add3A_2321 : i32
      %swap3A_2323 = arith.index_cast %add3A_2322 : i32 to index
      %swap3A_2324 = tpu.vector_load %arg5[%swap3A_2323] {strides = array<i32>} : memref<33872xf32, #tpu.memory_space<vmem>>, vector<16xf32>,
      tpu.vector_store %arg5[%swap3A_2323], %gather3A {strides = array<i32>} : memref<33872xf32, #tpu.memory_space<vmem>>, vector<16xf32>,
    }
    %scan3A_1994 = arith.constant 15 : i32
    %add3A_1995 = arith.constant 0 : i32
    %add3A_1996 = vector.broadcast %add3A_1995 : i32 to vector<16xi32>
    %add3A_1997 = arith.addi %add3A_1996, %iota3A : vector<16xi32>
    %sub3A_1998 = arith.constant 254 : i32
    %sub3A_1999 = vector.broadcast %sub3A_1998 : i32 to vector<16xi32>
    %sub3A_2000 = arith.subi %sub3A_1999, %add3A_1997 : vector<16xi32>
    %max3A_2001 = arith.constant 0 : i32
    %max3A_2002 = vector.broadcast %max3A_2001 : i32 to vector<16xi32>
    %max3A_2003 = arith.maxsi %sub3A_2000, %max3A_2002 : vector<16xi32>
    %mul3A_2004 = arith.constant 16 : i32
    %mul3A_2005 = vector.broadcast %mul3A_2004 : i32 to vector<16xi32>
    %mul3A_2006 = arith.muli %max3A_2003, %mul3A_2005 : vector<16xi32>
    %add3A_2007 = vector.broadcast %arg1 : i32 to vector<16xi32>
    %add3A_2008 = arith.addi %mul3A_2006, %add3A_2007 : vector<16xi32>
    %gather3A_2009 = tpu.vector_load_idx %arg4[%add3A_2008] : memref<4080xf32, #tpu.memory_space<vmem>>[vector<16xi32>], vector<16xf32>,
    %swap3A_2010 = arith.constant 31537 : index
    %swap3A_2011 = tpu.vector_load %arg5[%swap3A_2010] {strides = array<i32>} : memref<33872xf32, #tpu.memory_space<vmem>>, vector<16xf32>,
    tpu.vector_store %arg5[%swap3A_2010], %gather3A_2009 {strides = array<i32>} : memref<33872xf32, #tpu.memory_space<vmem>>, vector<16xf32>,
    %add3A_2012 = arith.constant 16 : i32
    %add3A_2013 = vector.broadcast %add3A_2012 : i32 to vector<16xi32>
    %add3A_2014 = arith.addi %add3A_2013, %iota3A : vector<16xi32>
    %sub3A_2015 = arith.constant 254 : i32
    %sub3A_2016 = vector.broadcast %sub3A_2015 : i32 to vector<16xi32>
    %sub3A_2017 = arith.subi %sub3A_2016, %add3A_2014 : vector<16xi32>
    %max3A_2018 = arith.constant 0 : i32
    %max3A_2019 = vector.broadcast %max3A_2018 : i32 to vector<16xi32>
    %max3A_2020 = arith.maxsi %sub3A_2017, %max3A_2019 : vector<16xi32>
    %mul3A_2021 = arith.constant 16 : i32
    %mul3A_2022 = vector.broadcast %mul3A_2021 : i32 to vector<16xi32>
    %mul3A_2023 = arith.muli %max3A_2020, %mul3A_2022 : vector<16xi32>
    %add3A_2024 = vector.broadcast %arg1 : i32 to vector<16xi32>
    %add3A_2025 = arith.addi %mul3A_2023, %add3A_2024 : vector<16xi32>
    %gather3A_2026 = tpu.vector_load_idx %arg4[%add3A_2025] : memref<4080xf32, #tpu.memory_space<vmem>>[vector<16xi32>], vector<16xf32>,
    %swap3A_2027 = arith.constant 31553 : index
    %swap3A_2028 = tpu.vector_load %arg5[%swap3A_2027] {strides = array<i32>} : memref<33872xf32, #tpu.memory_space<vmem>>, vector<16xf32>,
    tpu.vector_store %arg5[%swap3A_2027], %gather3A_2026 {strides = array<i32>} : memref<33872xf32, #tpu.memory_space<vmem>>, vector<16xf32>,
    %add3A_2029 = arith.constant 32 : i32
    %add3A_2030 = vector.broadcast %add3A_2029 : i32 to vector<16xi32>
    %add3A_2031 = arith.addi %add3A_2030, %iota3A : vector<16xi32>
    %sub3A_2032 = arith.constant 254 : i32
    %sub3A_2033 = vector.broadcast %sub3A_2032 : i32 to vector<16xi32>
    %sub3A_2034 = arith.subi %sub3A_2033, %add3A_2031 : vector<16xi32>
    %max3A_2035 = arith.constant 0 : i32
    %max3A_2036 = vector.broadcast %max3A_2035 : i32 to vector<16xi32>
    %max3A_2037 = arith.maxsi %sub3A_2034, %max3A_2036 : vector<16xi32>
    %mul3A_2038 = arith.constant 16 : i32
    %mul3A_2039 = vector.broadcast %mul3A_2038 : i32 to vector<16xi32>
    %mul3A_2040 = arith.muli %max3A_2037, %mul3A_2039 : vector<16xi32>
    %add3A_2041 = vector.broadcast %arg1 : i32 to vector<16xi32>
    %add3A_2042 = arith.addi %mul3A_2040, %add3A_2041 : vector<16xi32>
    %gather3A_2043 = tpu.vector_load_idx %arg4[%add3A_2042] : memref<4080xf32, #tpu.memory_space<vmem>>[vector<16xi32>], vector<16xf32>,
    %swap3A_2044 = arith.constant 31569 : index
    %swap3A_2045 = tpu.vector_load %arg5[%swap3A_2044] {strides = array<i32>} : memref<33872xf32, #tpu.memory_space<vmem>>, vector<16xf32>,
    tpu.vector_store %arg5[%swap3A_2044], %gather3A_2043 {strides = array<i32>} : memref<33872xf32, #tpu.memory_space<vmem>>, vector<16xf32>,
    %add3A_2046 = arith.constant 48 : i32
    %add3A_2047 = vector.broadcast %add3A_2046 : i32 to vector<16xi32>
    %add3A_2048 = arith.addi %add3A_2047, %iota3A : vector<16xi32>
    %sub3A_2049 = arith.constant 254 : i32
    %sub3A_2050 = vector.broadcast %sub3A_2049 : i32 to vector<16xi32>
    %sub3A_2051 = arith.subi %sub3A_2050, %add3A_2048 : vector<16xi32>
    %max3A_2052 = arith.constant 0 : i32
    %max3A_2053 = vector.broadcast %max3A_2052 : i32 to vector<16xi32>
    %max3A_2054 = arith.maxsi %sub3A_2051, %max3A_2053 : vector<16xi32>
    %mul3A_2055 = arith.constant 16 : i32
    %mul3A_2056 = vector.broadcast %mul3A_2055 : i32 to vector<16xi32>
    %mul3A_2057 = arith.muli %max3A_2054, %mul3A_2056 : vector<16xi32>
    %add3A_2058 = vector.broadcast %arg1 : i32 to vector<16xi32>
    %add3A_2059 = arith.addi %mul3A_2057, %add3A_2058 : vector<16xi32>
    %gather3A_2060 = tpu.vector_load_idx %arg4[%add3A_2059] : memref<4080xf32, #tpu.memory_space<vmem>>[vector<16xi32>], vector<16xf32>,
    %swap3A_2061 = arith.constant 31585 : index
    %swap3A_2062 = tpu.vector_load %arg5[%swap3A_2061] {strides = array<i32>} : memref<33872xf32, #tpu.memory_space<vmem>>, vector<16xf32>,
    tpu.vector_store %arg5[%swap3A_2061], %gather3A_2060 {strides = array<i32>} : memref<33872xf32, #tpu.memory_space<vmem>>, vector<16xf32>,
    %add3A_2063 = arith.constant 64 : i32
    %add3A_2064 = vector.broadcast %add3A_2063 : i32 to vector<16xi32>
    %add3A_2065 = arith.addi %add3A_2064, %iota3A : vector<16xi32>
    %sub3A_2066 = arith.constant 254 : i32
    %sub3A_2067 = vector.broadcast %sub3A_2066 : i32 to vector<16xi32>
    %sub3A_2068 = arith.subi %sub3A_2067, %add3A_2065 : vector<16xi32>
    %max3A_2069 = arith.constant 0 : i32
    %max3A_2070 = vector.broadcast %max3A_2069 : i32 to vector<16xi32>
    %max3A_2071 = arith.maxsi %sub3A_2068, %max3A_2070 : vector<16xi32>
    %mul3A_2072 = arith.constant 16 : i32
    %mul3A_2073 = vector.broadcast %mul3A_2072 : i32 to vector<16xi32>
    %mul3A_2074 = arith.muli %max3A_2071, %mul3A_2073 : vector<16xi32>
    %add3A_2075 = vector.broadcast %arg1 : i32 to vector<16xi32>
    %add3A_2076 = arith.addi %mul3A_2074, %add3A_2075 : vector<16xi32>
    %gather3A_2077 = tpu.vector_load_idx %arg4[%add3A_2076] : memref<4080xf32, #tpu.memory_space<vmem>>[vector<16xi32>], vector<16xf32>,
    %swap3A_2078 = arith.constant 31601 : index
    %swap3A_2079 = tpu.vector_load %arg5[%swap3A_2078] {strides = array<i32>} : memref<33872xf32, #tpu.memory_space<vmem>>, vector<16xf32>,
    tpu.vector_store %arg5[%swap3A_2078], %gather3A_2077 {strides = array<i32>} : memref<33872xf32, #tpu.memory_space<vmem>>, vector<16xf32>,
    %add3A_2080 = arith.constant 80 : i32
    %add3A_2081 = vector.broadcast %add3A_2080 : i32 to vector<16xi32>
    %add3A_2082 = arith.addi %add3A_2081, %iota3A : vector<16xi32>
    %sub3A_2083 = arith.constant 254 : i32
    %sub3A_2084 = vector.broadcast %sub3A_2083 : i32 to vector<16xi32>
    %sub3A_2085 = arith.subi %sub3A_2084, %add3A_2082 : vector<16xi32>
    %max3A_2086 = arith.constant 0 : i32
    %max3A_2087 = vector.broadcast %max3A_2086 : i32 to vector<16xi32>
    %max3A_2088 = arith.maxsi %sub3A_2085, %max3A_2087 : vector<16xi32>
    %mul3A_2089 = arith.constant 16 : i32
    %mul3A_2090 = vector.broadcast %mul3A_2089 : i32 to vector<16xi32>
    %mul3A_2091 = arith.muli %max3A_2088, %mul3A_2090 : vector<16xi32>
    %add3A_2092 = vector.broadcast %arg1 : i32 to vector<16xi32>
    %add3A_2093 = arith.addi %mul3A_2091, %add3A_2092 : vector<16xi32>
    %gather3A_2094 = tpu.vector_load_idx %arg4[%add3A_2093] : memref<4080xf32, #tpu.memory_space<vmem>>[vector<16xi32>], vector<16xf32>,
    %swap3A_2095 = arith.constant 31617 : index
    %swap3A_2096 = tpu.vector_load %arg5[%swap3A_2095] {strides = array<i32>} : memref<33872xf32, #tpu.memory_space<vmem>>, vector<16xf32>,
    tpu.vector_store %arg5[%swap3A_2095], %gather3A_2094 {strides = array<i32>} : memref<33872xf32, #tpu.memory_space<vmem>>, vector<16xf32>,
    %add3A_2097 = arith.constant 96 : i32
    %add3A_2098 = vector.broadcast %add3A_2097 : i32 to vector<16xi32>
    %add3A_2099 = arith.addi %add3A_2098, %iota3A : vector<16xi32>
    %sub3A_2100 = arith.constant 254 : i32
    %sub3A_2101 = vector.broadcast %sub3A_2100 : i32 to vector<16xi32>
    %sub3A_2102 = arith.subi %sub3A_2101, %add3A_2099 : vector<16xi32>
    %max3A_2103 = arith.constant 0 : i32
    %max3A_2104 = vector.broadcast %max3A_2103 : i32 to vector<16xi32>
    %max3A_2105 = arith.maxsi %sub3A_2102, %max3A_2104 : vector<16xi32>
    %mul3A_2106 = arith.constant 16 : i32
    %mul3A_2107 = vector.broadcast %mul3A_2106 : i32 to vector<16xi32>
    %mul3A_2108 = arith.muli %max3A_2105, %mul3A_2107 : vector<16xi32>
    %add3A_2109 = vector.broadcast %arg1 : i32 to vector<16xi32>
    %add3A_2110 = arith.addi %mul3A_2108, %add3A_2109 : vector<16xi32>
    %gather3A_2111 = tpu.vector_load_idx %arg4[%add3A_2110] : memref<4080xf32, #tpu.memory_space<vmem>>[vector<16xi32>], vector<16xf32>,
    %swap3A_2112 = arith.constant 31633 : index
    %swap3A_2113 = tpu.vector_load %arg5[%swap3A_2112] {strides = array<i32>} : memref<33872xf32, #tpu.memory_space<vmem>>, vector<16xf32>,
    tpu.vector_store %arg5[%swap3A_2112], %gather3A_2111 {strides = array<i32>} : memref<33872xf32, #tpu.memory_space<vmem>>, vector<16xf32>,
    %add3A_2114 = arith.constant 112 : i32
    %add3A_2115 = vector.broadcast %add3A_2114 : i32 to vector<16xi32>
    %add3A_2116 = arith.addi %add3A_2115, %iota3A : vector<16xi32>
    %sub3A_2117 = arith.constant 254 : i32
    %sub3A_2118 = vector.broadcast %sub3A_2117 : i32 to vector<16xi32>
    %sub3A_2119 = arith.subi %sub3A_2118, %add3A_2116 : vector<16xi32>
    %max3A_2120 = arith.constant 0 : i32
    %max3A_2121 = vector.broadcast %max3A_2120 : i32 to vector<16xi32>
    %max3A_2122 = arith.maxsi %sub3A_2119, %max3A_2121 : vector<16xi32>
    %mul3A_2123 = arith.constant 16 : i32
    %mul3A_2124 = vector.broadcast %mul3A_2123 : i32 to vector<16xi32>
    %mul3A_2125 = arith.muli %max3A_2122, %mul3A_2124 : vector<16xi32>
    %add3A_2126 = vector.broadcast %arg1 : i32 to vector<16xi32>
    %add3A_2127 = arith.addi %mul3A_2125, %add3A_2126 : vector<16xi32>
    %gather3A_2128 = tpu.vector_load_idx %arg4[%add3A_2127] : memref<4080xf32, #tpu.memory_space<vmem>>[vector<16xi32>], vector<16xf32>,
    %swap3A_2129 = arith.constant 31649 : index
    %swap3A_2130 = tpu.vector_load %arg5[%swap3A_2129] {strides = array<i32>} : memref<33872xf32, #tpu.memory_space<vmem>>, vector<16xf32>,
    tpu.vector_store %arg5[%swap3A_2129], %gather3A_2128 {strides = array<i32>} : memref<33872xf32, #tpu.memory_space<vmem>>, vector<16xf32>,
    %add3A_2131 = arith.constant 128 : i32
    %add3A_2132 = vector.broadcast %add3A_2131 : i32 to vector<16xi32>
    %add3A_2133 = arith.addi %add3A_2132, %iota3A : vector<16xi32>
    %sub3A_2134 = arith.constant 254 : i32
    %sub3A_2135 = vector.broadcast %sub3A_2134 : i32 to vector<16xi32>
    %sub3A_2136 = arith.subi %sub3A_2135, %add3A_2133 : vector<16xi32>
    %max3A_2137 = arith.constant 0 : i32
    %max3A_2138 = vector.broadcast %max3A_2137 : i32 to vector<16xi32>
    %max3A_2139 = arith.maxsi %sub3A_2136, %max3A_2138 : vector<16xi32>
    %mul3A_2140 = arith.constant 16 : i32
    %mul3A_2141 = vector.broadcast %mul3A_2140 : i32 to vector<16xi32>
    %mul3A_2142 = arith.muli %max3A_2139, %mul3A_2141 : vector<16xi32>
    %add3A_2143 = vector.broadcast %arg1 : i32 to vector<16xi32>
    %add3A_2144 = arith.addi %mul3A_2142, %add3A_2143 : vector<16xi32>
    %gather3A_2145 = tpu.vector_load_idx %arg4[%add3A_2144] : memref<4080xf32, #tpu.memory_space<vmem>>[vector<16xi32>], vector<16xf32>,
    %swap3A_2146 = arith.constant 31665 : index
    %swap3A_2147 = tpu.vector_load %arg5[%swap3A_2146] {strides = array<i32>} : memref<33872xf32, #tpu.memory_space<vmem>>, vector<16xf32>,
    tpu.vector_store %arg5[%swap3A_2146], %gather3A_2145 {strides = array<i32>} : memref<33872xf32, #tpu.memory_space<vmem>>, vector<16xf32>,
    %add3A_2148 = arith.constant 144 : i32
    %add3A_2149 = vector.broadcast %add3A_2148 : i32 to vector<16xi32>
    %add3A_2150 = arith.addi %add3A_2149, %iota3A : vector<16xi32>
    %sub3A_2151 = arith.constant 254 : i32
    %sub3A_2152 = vector.broadcast %sub3A_2151 : i32 to vector<16xi32>
    %sub3A_2153 = arith.subi %sub3A_2152, %add3A_2150 : vector<16xi32>
    %max3A_2154 = arith.constant 0 : i32
    %max3A_2155 = vector.broadcast %max3A_2154 : i32 to vector<16xi32>
    %max3A_2156 = arith.maxsi %sub3A_2153, %max3A_2155 : vector<16xi32>
    %mul3A_2157 = arith.constant 16 : i32
    %mul3A_2158 = vector.broadcast %mul3A_2157 : i32 to vector<16xi32>
    %mul3A_2159 = arith.muli %max3A_2156, %mul3A_2158 : vector<16xi32>
    %add3A_2160 = vector.broadcast %arg1 : i32 to vector<16xi32>
    %add3A_2161 = arith.addi %mul3A_2159, %add3A_2160 : vector<16xi32>
    %gather3A_2162 = tpu.vector_load_idx %arg4[%add3A_2161] : memref<4080xf32, #tpu.memory_space<vmem>>[vector<16xi32>], vector<16xf32>,
    %swap3A_2163 = arith.constant 31681 : index
    %swap3A_2164 = tpu.vector_load %arg5[%swap3A_2163] {strides = array<i32>} : memref<33872xf32, #tpu.memory_space<vmem>>, vector<16xf32>,
    tpu.vector_store %arg5[%swap3A_2163], %gather3A_2162 {strides = array<i32>} : memref<33872xf32, #tpu.memory_space<vmem>>, vector<16xf32>,
    %add3A_2165 = arith.constant 160 : i32
    %add3A_2166 = vector.broadcast %add3A_2165 : i32 to vector<16xi32>
    %add3A_2167 = arith.addi %add3A_2166, %iota3A : vector<16xi32>
    %sub3A_2168 = arith.constant 254 : i32
    %sub3A_2169 = vector.broadcast %sub3A_2168 : i32 to vector<16xi32>
    %sub3A_2170 = arith.subi %sub3A_2169, %add3A_2167 : vector<16xi32>
    %max3A_2171 = arith.constant 0 : i32
    %max3A_2172 = vector.broadcast %max3A_2171 : i32 to vector<16xi32>
    %max3A_2173 = arith.maxsi %sub3A_2170, %max3A_2172 : vector<16xi32>
    %mul3A_2174 = arith.constant 16 : i32
    %mul3A_2175 = vector.broadcast %mul3A_2174 : i32 to vector<16xi32>
    %mul3A_2176 = arith.muli %max3A_2173, %mul3A_2175 : vector<16xi32>
    %add3A_2177 = vector.broadcast %arg1 : i32 to vector<16xi32>
    %add3A_2178 = arith.addi %mul3A_2176, %add3A_2177 : vector<16xi32>
    %gather3A_2179 = tpu.vector_load_idx %arg4[%add3A_2178] : memref<4080xf32, #tpu.memory_space<vmem>>[vector<16xi32>], vector<16xf32>,
    %swap3A_2180 = arith.constant 31697 : index
    %swap3A_2181 = tpu.vector_load %arg5[%swap3A_2180] {strides = array<i32>} : memref<33872xf32, #tpu.memory_space<vmem>>, vector<16xf32>,
    tpu.vector_store %arg5[%swap3A_2180], %gather3A_2179 {strides = array<i32>} : memref<33872xf32, #tpu.memory_space<vmem>>, vector<16xf32>,
    %add3A_2182 = arith.constant 176 : i32
    %add3A_2183 = vector.broadcast %add3A_2182 : i32 to vector<16xi32>
    %add3A_2184 = arith.addi %add3A_2183, %iota3A : vector<16xi32>
    %sub3A_2185 = arith.constant 254 : i32
    %sub3A_2186 = vector.broadcast %sub3A_2185 : i32 to vector<16xi32>
    %sub3A_2187 = arith.subi %sub3A_2186, %add3A_2184 : vector<16xi32>
    %max3A_2188 = arith.constant 0 : i32
    %max3A_2189 = vector.broadcast %max3A_2188 : i32 to vector<16xi32>
    %max3A_2190 = arith.maxsi %sub3A_2187, %max3A_2189 : vector<16xi32>
    %mul3A_2191 = arith.constant 16 : i32
    %mul3A_2192 = vector.broadcast %mul3A_2191 : i32 to vector<16xi32>
    %mul3A_2193 = arith.muli %max3A_2190, %mul3A_2192 : vector<16xi32>
    %add3A_2194 = vector.broadcast %arg1 : i32 to vector<16xi32>
    %add3A_2195 = arith.addi %mul3A_2193, %add3A_2194 : vector<16xi32>
    %gather3A_2196 = tpu.vector_load_idx %arg4[%add3A_2195] : memref<4080xf32, #tpu.memory_space<vmem>>[vector<16xi32>], vector<16xf32>,
    %swap3A_2197 = arith.constant 31713 : index
    %swap3A_2198 = tpu.vector_load %arg5[%swap3A_2197] {strides = array<i32>} : memref<33872xf32, #tpu.memory_space<vmem>>, vector<16xf32>,
    tpu.vector_store %arg5[%swap3A_2197], %gather3A_2196 {strides = array<i32>} : memref<33872xf32, #tpu.memory_space<vmem>>, vector<16xf32>,
    %add3A_2199 = arith.constant 192 : i32
    %add3A_2200 = vector.broadcast %add3A_2199 : i32 to vector<16xi32>
    %add3A_2201 = arith.addi %add3A_2200, %iota3A : vector<16xi32>
    %sub3A_2202 = arith.constant 254 : i32
    %sub3A_2203 = vector.broadcast %sub3A_2202 : i32 to vector<16xi32>
    %sub3A_2204 = arith.subi %sub3A_2203, %add3A_2201 : vector<16xi32>
    %max3A_2205 = arith.constant 0 : i32
    %max3A_2206 = vector.broadcast %max3A_2205 : i32 to vector<16xi32>
    %max3A_2207 = arith.maxsi %sub3A_2204, %max3A_2206 : vector<16xi32>
    %mul3A_2208 = arith.constant 16 : i32
    %mul3A_2209 = vector.broadcast %mul3A_2208 : i32 to vector<16xi32>
    %mul3A_2210 = arith.muli %max3A_2207, %mul3A_2209 : vector<16xi32>
    %add3A_2211 = vector.broadcast %arg1 : i32 to vector<16xi32>
    %add3A_2212 = arith.addi %mul3A_2210, %add3A_2211 : vector<16xi32>
    %gather3A_2213 = tpu.vector_load_idx %arg4[%add3A_2212] : memref<4080xf32, #tpu.memory_space<vmem>>[vector<16xi32>], vector<16xf32>,
    %swap3A_2214 = arith.constant 31729 : index
    %swap3A_2215 = tpu.vector_load %arg5[%swap3A_2214] {strides = array<i32>} : memref<33872xf32, #tpu.memory_space<vmem>>, vector<16xf32>,
    tpu.vector_store %arg5[%swap3A_2214], %gather3A_2213 {strides = array<i32>} : memref<33872xf32, #tpu.memory_space<vmem>>, vector<16xf32>,
    %add3A_2216 = arith.constant 208 : i32
    %add3A_2217 = vector.broadcast %add3A_2216 : i32 to vector<16xi32>
    %add3A_2218 = arith.addi %add3A_2217, %iota3A : vector<16xi32>
    %sub3A_2219 = arith.constant 254 : i32
    %sub3A_2220 = vector.broadcast %sub3A_2219 : i32 to vector<16xi32>
    %sub3A_2221 = arith.subi %sub3A_2220, %add3A_2218 : vector<16xi32>
    %max3A_2222 = arith.constant 0 : i32
    %max3A_2223 = vector.broadcast %max3A_2222 : i32 to vector<16xi32>
    %max3A_2224 = arith.maxsi %sub3A_2221, %max3A_2223 : vector<16xi32>
    %mul3A_2225 = arith.constant 16 : i32
    %mul3A_2226 = vector.broadcast %mul3A_2225 : i32 to vector<16xi32>
    %mul3A_2227 = arith.muli %max3A_2224, %mul3A_2226 : vector<16xi32>
    %add3A_2228 = vector.broadcast %arg1 : i32 to vector<16xi32>
    %add3A_2229 = arith.addi %mul3A_2227, %add3A_2228 : vector<16xi32>
    %gather3A_2230 = tpu.vector_load_idx %arg4[%add3A_2229] : memref<4080xf32, #tpu.memory_space<vmem>>[vector<16xi32>], vector<16xf32>,
    %swap3A_2231 = arith.constant 31745 : index
    %swap3A_2232 = tpu.vector_load %arg5[%swap3A_2231] {strides = array<i32>} : memref<33872xf32, #tpu.memory_space<vmem>>, vector<16xf32>,
    tpu.vector_store %arg5[%swap3A_2231], %gather3A_2230 {strides = array<i32>} : memref<33872xf32, #tpu.memory_space<vmem>>, vector<16xf32>,
    %add3A_2233 = arith.constant 224 : i32
    %add3A_2234 = vector.broadcast %add3A_2233 : i32 to vector<16xi32>
    %add3A_2235 = arith.addi %add3A_2234, %iota3A : vector<16xi32>
    %sub3A_2236 = arith.constant 254 : i32
    %sub3A_2237 = vector.broadcast %sub3A_2236 : i32 to vector<16xi32>
    %sub3A_2238 = arith.subi %sub3A_2237, %add3A_2235 : vector<16xi32>
    %max3A_2239 = arith.constant 0 : i32
    %max3A_2240 = vector.broadcast %max3A_2239 : i32 to vector<16xi32>
    %max3A_2241 = arith.maxsi %sub3A_2238, %max3A_2240 : vector<16xi32>
    %mul3A_2242 = arith.constant 16 : i32
    %mul3A_2243 = vector.broadcast %mul3A_2242 : i32 to vector<16xi32>
    %mul3A_2244 = arith.muli %max3A_2241, %mul3A_2243 : vector<16xi32>
    %add3A_2245 = vector.broadcast %arg1 : i32 to vector<16xi32>
    %add3A_2246 = arith.addi %mul3A_2244, %add3A_2245 : vector<16xi32>
    %gather3A_2247 = tpu.vector_load_idx %arg4[%add3A_2246] : memref<4080xf32, #tpu.memory_space<vmem>>[vector<16xi32>], vector<16xf32>,
    %swap3A_2248 = arith.constant 31761 : index
    %swap3A_2249 = tpu.vector_load %arg5[%swap3A_2248] {strides = array<i32>} : memref<33872xf32, #tpu.memory_space<vmem>>, vector<16xf32>,
    tpu.vector_store %arg5[%swap3A_2248], %gather3A_2247 {strides = array<i32>} : memref<33872xf32, #tpu.memory_space<vmem>>, vector<16xf32>,
    %add3A_2250 = arith.constant 240 : i32
    %add3A_2251 = vector.broadcast %add3A_2250 : i32 to vector<16xi32>
    %add3A_2252 = arith.addi %add3A_2251, %iota3A : vector<16xi32>
    %sub3A_2253 = arith.constant 254 : i32
    %sub3A_2254 = vector.broadcast %sub3A_2253 : i32 to vector<16xi32>
    %sub3A_2255 = arith.subi %sub3A_2254, %add3A_2252 : vector<16xi32>
    %max3A_2256 = arith.constant 0 : i32
    %max3A_2257 = vector.broadcast %max3A_2256 : i32 to vector<16xi32>
    %max3A_2258 = arith.maxsi %sub3A_2255, %max3A_2257 : vector<16xi32>
    %mul3A_2259 = arith.constant 16 : i32
    %mul3A_2260 = vector.broadcast %mul3A_2259 : i32 to vector<16xi32>
    %mul3A_2261 = arith.muli %max3A_2258, %mul3A_2260 : vector<16xi32>
    %add3A_2262 = vector.broadcast %arg1 : i32 to vector<16xi32>
    %add3A_2263 = arith.addi %mul3A_2261, %add3A_2262 : vector<16xi32>
    %gather3A_2264 = tpu.vector_load_idx %arg4[%add3A_2263] : memref<4080xf32, #tpu.memory_space<vmem>>[vector<16xi32>], vector<16xf32>,
    %swap3A_2265 = arith.constant 31777 : index
    %swap3A_2266 = tpu.vector_load %arg5[%swap3A_2265] {strides = array<i32>} : memref<33872xf32, #tpu.memory_space<vmem>>, vector<16xf32>,
    tpu.vector_store %arg5[%swap3A_2265], %gather3A_2264 {strides = array<i32>} : memref<33872xf32, #tpu.memory_space<vmem>>, vector<16xf32>,
    %scan3A_2267 = arith.constant 0 : i32
    %scan3A_2268 = arith.constant 0 : i32
    %scan3A_2269 = arith.constant 16 : i32
    %scan3A_2270 = arith.addi %scan3A_2268, %scan3A_2269 : i32
    %scan3A_2271 = arith.constant 1 : i32
    scf.for %scan3A_2288 = %scan3A_2268 to %scan3A_2270 step %scan3A_2271  : i32 {
      %mul3A_2289 = arith.constant 128 : i32
      %mul3A_2290 = arith.muli %scan3A_2288, %mul3A_2289 : i32
      %add3A_2291 = arith.constant 31793 : i32
      %add3A_2292 = arith.addi %add3A_2291, %mul3A_2290 : i32
      %add3A_2293 = arith.constant 0 : i32
      %add3A_2294 = arith.addi %add3A_2292, %add3A_2293 : i32
      %swap3A_2295 = arith.index_cast %add3A_2294 : i32 to index
      %swap3A_2296 = tpu.vector_load %arg5[%swap3A_2295] {strides = array<i32>} : memref<33872xf32, #tpu.memory_space<vmem>>, vector<16xf32>,
      tpu.vector_store %arg5[%swap3A_2295], %gather3A_4 {strides = array<i32>} : memref<33872xf32, #tpu.memory_space<vmem>>, vector<16xf32>,
      %add3A_2297 = arith.constant 16 : i32
      %add3A_2298 = arith.addi %add3A_2292, %add3A_2297 : i32
      %swap3A_2299 = arith.index_cast %add3A_2298 : i32 to index
      %swap3A_2300 = tpu.vector_load %arg5[%swap3A_2299] {strides = array<i32>} : memref<33872xf32, #tpu.memory_space<vmem>>, vector<16xf32>,
      tpu.vector_store %arg5[%swap3A_2299], %gather3A_4 {strides = array<i32>} : memref<33872xf32, #tpu.memory_space<vmem>>, vector<16xf32>,
      %add3A_2301 = arith.constant 32 : i32
      %add3A_2302 = arith.addi %add3A_2292, %add3A_2301 : i32
      %swap3A_2303 = arith.index_cast %add3A_2302 : i32 to index
      %swap3A_2304 = tpu.vector_load %arg5[%swap3A_2303] {strides = array<i32>} : memref<33872xf32, #tpu.memory_space<vmem>>, vector<16xf32>,
      tpu.vector_store %arg5[%swap3A_2303], %gather3A_4 {strides = array<i32>} : memref<33872xf32, #tpu.memory_space<vmem>>, vector<16xf32>,
      %add3A_2305 = arith.constant 48 : i32
      %add3A_2306 = arith.addi %add3A_2292, %add3A_2305 : i32
      %swap3A_2307 = arith.index_cast %add3A_2306 : i32 to index
      %swap3A_2308 = tpu.vector_load %arg5[%swap3A_2307] {strides = array<i32>} : memref<33872xf32, #tpu.memory_space<vmem>>, vector<16xf32>,
      tpu.vector_store %arg5[%swap3A_2307], %gather3A_4 {strides = array<i32>} : memref<33872xf32, #tpu.memory_space<vmem>>, vector<16xf32>,
      %add3A_2309 = arith.constant 64 : i32
      %add3A_2310 = arith.addi %add3A_2292, %add3A_2309 : i32
      %swap3A_2311 = arith.index_cast %add3A_2310 : i32 to index
      %swap3A_2312 = tpu.vector_load %arg5[%swap3A_2311] {strides = array<i32>} : memref<33872xf32, #tpu.memory_space<vmem>>, vector<16xf32>,
      tpu.vector_store %arg5[%swap3A_2311], %gather3A_4 {strides = array<i32>} : memref<33872xf32, #tpu.memory_space<vmem>>, vector<16xf32>,
      %add3A_2313 = arith.constant 80 : i32
      %add3A_2314 = arith.addi %add3A_2292, %add3A_2313 : i32
      %swap3A_2315 = arith.index_cast %add3A_2314 : i32 to index
      %swap3A_2316 = tpu.vector_load %arg5[%swap3A_2315] {strides = array<i32>} : memref<33872xf32, #tpu.memory_space<vmem>>, vector<16xf32>,
      tpu.vector_store %arg5[%swap3A_2315], %gather3A_4 {strides = array<i32>} : memref<33872xf32, #tpu.memory_space<vmem>>, vector<16xf32>,
      %add3A_2317 = arith.constant 96 : i32
      %add3A_2318 = arith.addi %add3A_2292, %add3A_2317 : i32
      %swap3A_2319 = arith.index_cast %add3A_2318 : i32 to index
      %swap3A_2320 = tpu.vector_load %arg5[%swap3A_2319] {strides = array<i32>} : memref<33872xf32, #tpu.memory_space<vmem>>, vector<16xf32>,
      tpu.vector_store %arg5[%swap3A_2319], %gather3A_4 {strides = array<i32>} : memref<33872xf32, #tpu.memory_space<vmem>>, vector<16xf32>,
      %add3A_2321 = arith.constant 112 : i32
      %add3A_2322 = arith.addi %add3A_2292, %add3A_2321 : i32
      %swap3A_2323 = arith.index_cast %add3A_2322 : i32 to index
      %swap3A_2324 = tpu.vector_load %arg5[%swap3A_2323] {strides = array<i32>} : memref<33872xf32, #tpu.memory_space<vmem>>, vector<16xf32>,
      tpu.vector_store %arg5[%swap3A_2323], %gather3A_4 {strides = array<i32>} : memref<33872xf32, #tpu.memory_space<vmem>>, vector<16xf32>,
    }
    %scan3A_2272 = arith.constant 16 : i32
    %run_scoped3A = arith.constant 0 : i32
    "tpu.region"() ({
      %run_scoped3A_2288 = tpu.sem_alloc : memref<!tpu.dma_semaphore, #tpu.memory_space<semaphore_mem>>
      %dma_start3A = arith.constant 0 : i32
      %dma_start3A_2289 = tpu.memref_slice %arg5[%dma_start3A] : memref<33872xf32, #tpu.memory_space<vmem>> -> memref<4224xf32, #tpu.memory_space<vmem>>
      %dma_start3A_2290 = arith.constant 0 : i32
      %dma_start3A_2291 = tpu.memref_slice %arg6[%run_scoped3A, %arg1, %dma_start3A_2290] : memref<8x16x4224xf32, #tpu.memory_space<vmem_shared>> -> memref<1x1x4224xf32, #tpu.memory_space<vmem_shared>>
      %dma_start3A_2292 = tpu.memref_squeeze %dma_start3A_2291 : memref<1x1x4224xf32, #tpu.memory_space<vmem_shared>> -> memref<4224xf32, #tpu.memory_space<vmem_shared>>
      %dma_start3A_2293 = arith.constant 0 : i32
      %dma_start3A_2294 = tpu.memref_slice %arg6[%run_scoped3A, %arg1, %dma_start3A_2293] : memref<8x16x4224xf32, #tpu.memory_space<vmem_shared>> -> memref<1x1x4224xf32, #tpu.memory_space<vmem_shared>>
      %dma_start3A_2295 = tpu.memref_squeeze %dma_start3A_2294 : memref<1x1x4224xf32, #tpu.memory_space<vmem_shared>> -> memref<4224xf32, #tpu.memory_space<vmem_shared>>
      %dma_start3A_2296 = arith.constant 0 : i32
      %dma_start3A_2297 = tpu.memref_slice %arg5[%dma_start3A_2296] : memref<33872xf32, #tpu.memory_space<vmem>> -> memref<4224xf32, #tpu.memory_space<vmem>>
      tpu.enqueue_dma source(%dma_start3A_2297 : memref<4224xf32, #tpu.memory_space<vmem>>) target(%dma_start3A_2295 : memref<4224xf32, #tpu.memory_space<vmem_shared>>) target_semaphore(%run_scoped3A_2288 : memref<!tpu.dma_semaphore, #tpu.memory_space<semaphore_mem>>)
      %dma_wait3A = arith.constant 0 : i32
      %dma_wait3A_2298 = tpu.memref_slice %arg5[%dma_wait3A] : memref<33872xf32, #tpu.memory_space<vmem>> -> memref<4224xf32, #tpu.memory_space<vmem>>
      %dma_wait3A_2299 = arith.constant 0 : i32
      %dma_wait3A_2300 = tpu.memref_slice %arg6[%run_scoped3A, %arg1, %dma_wait3A_2299] : memref<8x16x4224xf32, #tpu.memory_space<vmem_shared>> -> memref<1x1x4224xf32, #tpu.memory_space<vmem_shared>>
      %dma_wait3A_2301 = tpu.memref_squeeze %dma_wait3A_2300 : memref<1x1x4224xf32, #tpu.memory_space<vmem_shared>> -> memref<4224xf32, #tpu.memory_space<vmem_shared>>
      %dma_wait3A_2302 = arith.constant 0 : i32
      %dma_wait3A_2303 = tpu.memref_slice %arg6[%run_scoped3A, %arg1, %dma_wait3A_2302] : memref<8x16x4224xf32, #tpu.memory_space<vmem_shared>> -> memref<1x1x4224xf32, #tpu.memory_space<vmem_shared>>
      %dma_wait3A_2304 = tpu.memref_squeeze %dma_wait3A_2303 : memref<1x1x4224xf32, #tpu.memory_space<vmem_shared>> -> memref<4224xf32, #tpu.memory_space<vmem_shared>>
      %dma_wait3A_2305 = arith.constant 0 : i32
      %dma_wait3A_2306 = tpu.memref_slice %arg5[%dma_wait3A_2305] : memref<33872xf32, #tpu.memory_space<vmem>> -> memref<4224xf32, #tpu.memory_space<vmem>>
      tpu.wait_dma2 semaphore(%run_scoped3A_2288 : memref<!tpu.dma_semaphore, #tpu.memory_space<semaphore_mem>>) src(%dma_wait3A_2306 : memref<4224xf32, #tpu.memory_space<vmem>>) dst(%dma_wait3A_2304 : memref<4224xf32, #tpu.memory_space<vmem_shared>>)
      tpu.yield
    }) : () -> ()
    %run_scoped3A_2273 = arith.constant 1 : i32
    "tpu.region"() ({
      %run_scoped3A_2288 = tpu.sem_alloc : memref<!tpu.dma_semaphore, #tpu.memory_space<semaphore_mem>>
      %dma_start3A = arith.constant 4232 : i32
      %dma_start3A_2289 = tpu.memref_slice %arg5[%dma_start3A] : memref<33872xf32, #tpu.memory_space<vmem>> -> memref<4224xf32, #tpu.memory_space<vmem>>
      %dma_start3A_2290 = arith.constant 0 : i32
      %dma_start3A_2291 = tpu.memref_slice %arg6[%run_scoped3A_2273, %arg1, %dma_start3A_2290] : memref<8x16x4224xf32, #tpu.memory_space<vmem_shared>> -> memref<1x1x4224xf32, #tpu.memory_space<vmem_shared>>
      %dma_start3A_2292 = tpu.memref_squeeze %dma_start3A_2291 : memref<1x1x4224xf32, #tpu.memory_space<vmem_shared>> -> memref<4224xf32, #tpu.memory_space<vmem_shared>>
      %dma_start3A_2293 = arith.constant 0 : i32
      %dma_start3A_2294 = tpu.memref_slice %arg6[%run_scoped3A_2273, %arg1, %dma_start3A_2293] : memref<8x16x4224xf32, #tpu.memory_space<vmem_shared>> -> memref<1x1x4224xf32, #tpu.memory_space<vmem_shared>>
      %dma_start3A_2295 = tpu.memref_squeeze %dma_start3A_2294 : memref<1x1x4224xf32, #tpu.memory_space<vmem_shared>> -> memref<4224xf32, #tpu.memory_space<vmem_shared>>
      %dma_start3A_2296 = arith.constant 4232 : i32
      %dma_start3A_2297 = tpu.memref_slice %arg5[%dma_start3A_2296] : memref<33872xf32, #tpu.memory_space<vmem>> -> memref<4224xf32, #tpu.memory_space<vmem>>
      tpu.enqueue_dma source(%dma_start3A_2297 : memref<4224xf32, #tpu.memory_space<vmem>>) target(%dma_start3A_2295 : memref<4224xf32, #tpu.memory_space<vmem_shared>>) target_semaphore(%run_scoped3A_2288 : memref<!tpu.dma_semaphore, #tpu.memory_space<semaphore_mem>>)
      %dma_wait3A = arith.constant 4232 : i32
      %dma_wait3A_2298 = tpu.memref_slice %arg5[%dma_wait3A] : memref<33872xf32, #tpu.memory_space<vmem>> -> memref<4224xf32, #tpu.memory_space<vmem>>
      %dma_wait3A_2299 = arith.constant 0 : i32
      %dma_wait3A_2300 = tpu.memref_slice %arg6[%run_scoped3A_2273, %arg1, %dma_wait3A_2299] : memref<8x16x4224xf32, #tpu.memory_space<vmem_shared>> -> memref<1x1x4224xf32, #tpu.memory_space<vmem_shared>>
      %dma_wait3A_2301 = tpu.memref_squeeze %dma_wait3A_2300 : memref<1x1x4224xf32, #tpu.memory_space<vmem_shared>> -> memref<4224xf32, #tpu.memory_space<vmem_shared>>
      %dma_wait3A_2302 = arith.constant 0 : i32
      %dma_wait3A_2303 = tpu.memref_slice %arg6[%run_scoped3A_2273, %arg1, %dma_wait3A_2302] : memref<8x16x4224xf32, #tpu.memory_space<vmem_shared>> -> memref<1x1x4224xf32, #tpu.memory_space<vmem_shared>>
      %dma_wait3A_2304 = tpu.memref_squeeze %dma_wait3A_2303 : memref<1x1x4224xf32, #tpu.memory_space<vmem_shared>> -> memref<4224xf32, #tpu.memory_space<vmem_shared>>
      %dma_wait3A_2305 = arith.constant 4232 : i32
      %dma_wait3A_2306 = tpu.memref_slice %arg5[%dma_wait3A_2305] : memref<33872xf32, #tpu.memory_space<vmem>> -> memref<4224xf32, #tpu.memory_space<vmem>>
      tpu.wait_dma2 semaphore(%run_scoped3A_2288 : memref<!tpu.dma_semaphore, #tpu.memory_space<semaphore_mem>>) src(%dma_wait3A_2306 : memref<4224xf32, #tpu.memory_space<vmem>>) dst(%dma_wait3A_2304 : memref<4224xf32, #tpu.memory_space<vmem_shared>>)
      tpu.yield
    }) : () -> ()
    %run_scoped3A_2274 = arith.constant 2 : i32
    "tpu.region"() ({
      %run_scoped3A_2288 = tpu.sem_alloc : memref<!tpu.dma_semaphore, #tpu.memory_space<semaphore_mem>>
      %dma_start3A = arith.constant 8464 : i32
      %dma_start3A_2289 = tpu.memref_slice %arg5[%dma_start3A] : memref<33872xf32, #tpu.memory_space<vmem>> -> memref<4224xf32, #tpu.memory_space<vmem>>
      %dma_start3A_2290 = arith.constant 0 : i32
      %dma_start3A_2291 = tpu.memref_slice %arg6[%run_scoped3A_2274, %arg1, %dma_start3A_2290] : memref<8x16x4224xf32, #tpu.memory_space<vmem_shared>> -> memref<1x1x4224xf32, #tpu.memory_space<vmem_shared>>
      %dma_start3A_2292 = tpu.memref_squeeze %dma_start3A_2291 : memref<1x1x4224xf32, #tpu.memory_space<vmem_shared>> -> memref<4224xf32, #tpu.memory_space<vmem_shared>>
      %dma_start3A_2293 = arith.constant 0 : i32
      %dma_start3A_2294 = tpu.memref_slice %arg6[%run_scoped3A_2274, %arg1, %dma_start3A_2293] : memref<8x16x4224xf32, #tpu.memory_space<vmem_shared>> -> memref<1x1x4224xf32, #tpu.memory_space<vmem_shared>>
      %dma_start3A_2295 = tpu.memref_squeeze %dma_start3A_2294 : memref<1x1x4224xf32, #tpu.memory_space<vmem_shared>> -> memref<4224xf32, #tpu.memory_space<vmem_shared>>
      %dma_start3A_2296 = arith.constant 8464 : i32
      %dma_start3A_2297 = tpu.memref_slice %arg5[%dma_start3A_2296] : memref<33872xf32, #tpu.memory_space<vmem>> -> memref<4224xf32, #tpu.memory_space<vmem>>
      tpu.enqueue_dma source(%dma_start3A_2297 : memref<4224xf32, #tpu.memory_space<vmem>>) target(%dma_start3A_2295 : memref<4224xf32, #tpu.memory_space<vmem_shared>>) target_semaphore(%run_scoped3A_2288 : memref<!tpu.dma_semaphore, #tpu.memory_space<semaphore_mem>>)
      %dma_wait3A = arith.constant 8464 : i32
      %dma_wait3A_2298 = tpu.memref_slice %arg5[%dma_wait3A] : memref<33872xf32, #tpu.memory_space<vmem>> -> memref<4224xf32, #tpu.memory_space<vmem>>
      %dma_wait3A_2299 = arith.constant 0 : i32
      %dma_wait3A_2300 = tpu.memref_slice %arg6[%run_scoped3A_2274, %arg1, %dma_wait3A_2299] : memref<8x16x4224xf32, #tpu.memory_space<vmem_shared>> -> memref<1x1x4224xf32, #tpu.memory_space<vmem_shared>>
      %dma_wait3A_2301 = tpu.memref_squeeze %dma_wait3A_2300 : memref<1x1x4224xf32, #tpu.memory_space<vmem_shared>> -> memref<4224xf32, #tpu.memory_space<vmem_shared>>
      %dma_wait3A_2302 = arith.constant 0 : i32
      %dma_wait3A_2303 = tpu.memref_slice %arg6[%run_scoped3A_2274, %arg1, %dma_wait3A_2302] : memref<8x16x4224xf32, #tpu.memory_space<vmem_shared>> -> memref<1x1x4224xf32, #tpu.memory_space<vmem_shared>>
      %dma_wait3A_2304 = tpu.memref_squeeze %dma_wait3A_2303 : memref<1x1x4224xf32, #tpu.memory_space<vmem_shared>> -> memref<4224xf32, #tpu.memory_space<vmem_shared>>
      %dma_wait3A_2305 = arith.constant 8464 : i32
      %dma_wait3A_2306 = tpu.memref_slice %arg5[%dma_wait3A_2305] : memref<33872xf32, #tpu.memory_space<vmem>> -> memref<4224xf32, #tpu.memory_space<vmem>>
      tpu.wait_dma2 semaphore(%run_scoped3A_2288 : memref<!tpu.dma_semaphore, #tpu.memory_space<semaphore_mem>>) src(%dma_wait3A_2306 : memref<4224xf32, #tpu.memory_space<vmem>>) dst(%dma_wait3A_2304 : memref<4224xf32, #tpu.memory_space<vmem_shared>>)
      tpu.yield
    }) : () -> ()
    %run_scoped3A_2275 = arith.constant 3 : i32
    "tpu.region"() ({
      %run_scoped3A_2288 = tpu.sem_alloc : memref<!tpu.dma_semaphore, #tpu.memory_space<semaphore_mem>>
      %dma_start3A = arith.constant 12696 : i32
      %dma_start3A_2289 = tpu.memref_slice %arg5[%dma_start3A] : memref<33872xf32, #tpu.memory_space<vmem>> -> memref<4224xf32, #tpu.memory_space<vmem>>
      %dma_start3A_2290 = arith.constant 0 : i32
      %dma_start3A_2291 = tpu.memref_slice %arg6[%run_scoped3A_2275, %arg1, %dma_start3A_2290] : memref<8x16x4224xf32, #tpu.memory_space<vmem_shared>> -> memref<1x1x4224xf32, #tpu.memory_space<vmem_shared>>
      %dma_start3A_2292 = tpu.memref_squeeze %dma_start3A_2291 : memref<1x1x4224xf32, #tpu.memory_space<vmem_shared>> -> memref<4224xf32, #tpu.memory_space<vmem_shared>>
      %dma_start3A_2293 = arith.constant 0 : i32
      %dma_start3A_2294 = tpu.memref_slice %arg6[%run_scoped3A_2275, %arg1, %dma_start3A_2293] : memref<8x16x4224xf32, #tpu.memory_space<vmem_shared>> -> memref<1x1x4224xf32, #tpu.memory_space<vmem_shared>>
      %dma_start3A_2295 = tpu.memref_squeeze %dma_start3A_2294 : memref<1x1x4224xf32, #tpu.memory_space<vmem_shared>> -> memref<4224xf32, #tpu.memory_space<vmem_shared>>
      %dma_start3A_2296 = arith.constant 12696 : i32
      %dma_start3A_2297 = tpu.memref_slice %arg5[%dma_start3A_2296] : memref<33872xf32, #tpu.memory_space<vmem>> -> memref<4224xf32, #tpu.memory_space<vmem>>
      tpu.enqueue_dma source(%dma_start3A_2297 : memref<4224xf32, #tpu.memory_space<vmem>>) target(%dma_start3A_2295 : memref<4224xf32, #tpu.memory_space<vmem_shared>>) target_semaphore(%run_scoped3A_2288 : memref<!tpu.dma_semaphore, #tpu.memory_space<semaphore_mem>>)
      %dma_wait3A = arith.constant 12696 : i32
      %dma_wait3A_2298 = tpu.memref_slice %arg5[%dma_wait3A] : memref<33872xf32, #tpu.memory_space<vmem>> -> memref<4224xf32, #tpu.memory_space<vmem>>
      %dma_wait3A_2299 = arith.constant 0 : i32
      %dma_wait3A_2300 = tpu.memref_slice %arg6[%run_scoped3A_2275, %arg1, %dma_wait3A_2299] : memref<8x16x4224xf32, #tpu.memory_space<vmem_shared>> -> memref<1x1x4224xf32, #tpu.memory_space<vmem_shared>>
      %dma_wait3A_2301 = tpu.memref_squeeze %dma_wait3A_2300 : memref<1x1x4224xf32, #tpu.memory_space<vmem_shared>> -> memref<4224xf32, #tpu.memory_space<vmem_shared>>
      %dma_wait3A_2302 = arith.constant 0 : i32
      %dma_wait3A_2303 = tpu.memref_slice %arg6[%run_scoped3A_2275, %arg1, %dma_wait3A_2302] : memref<8x16x4224xf32, #tpu.memory_space<vmem_shared>> -> memref<1x1x4224xf32, #tpu.memory_space<vmem_shared>>
      %dma_wait3A_2304 = tpu.memref_squeeze %dma_wait3A_2303 : memref<1x1x4224xf32, #tpu.memory_space<vmem_shared>> -> memref<4224xf32, #tpu.memory_space<vmem_shared>>
      %dma_wait3A_2305 = arith.constant 12696 : i32
      %dma_wait3A_2306 = tpu.memref_slice %arg5[%dma_wait3A_2305] : memref<33872xf32, #tpu.memory_space<vmem>> -> memref<4224xf32, #tpu.memory_space<vmem>>
      tpu.wait_dma2 semaphore(%run_scoped3A_2288 : memref<!tpu.dma_semaphore, #tpu.memory_space<semaphore_mem>>) src(%dma_wait3A_2306 : memref<4224xf32, #tpu.memory_space<vmem>>) dst(%dma_wait3A_2304 : memref<4224xf32, #tpu.memory_space<vmem_shared>>)
      tpu.yield
    }) : () -> ()
    %run_scoped3A_2276 = arith.constant 4 : i32
    "tpu.region"() ({
      %run_scoped3A_2288 = tpu.sem_alloc : memref<!tpu.dma_semaphore, #tpu.memory_space<semaphore_mem>>
      %dma_start3A = arith.constant 16928 : i32
      %dma_start3A_2289 = tpu.memref_slice %arg5[%dma_start3A] : memref<33872xf32, #tpu.memory_space<vmem>> -> memref<4224xf32, #tpu.memory_space<vmem>>
      %dma_start3A_2290 = arith.constant 0 : i32
      %dma_start3A_2291 = tpu.memref_slice %arg6[%run_scoped3A_2276, %arg1, %dma_start3A_2290] : memref<8x16x4224xf32, #tpu.memory_space<vmem_shared>> -> memref<1x1x4224xf32, #tpu.memory_space<vmem_shared>>
      %dma_start3A_2292 = tpu.memref_squeeze %dma_start3A_2291 : memref<1x1x4224xf32, #tpu.memory_space<vmem_shared>> -> memref<4224xf32, #tpu.memory_space<vmem_shared>>
      %dma_start3A_2293 = arith.constant 0 : i32
      %dma_start3A_2294 = tpu.memref_slice %arg6[%run_scoped3A_2276, %arg1, %dma_start3A_2293] : memref<8x16x4224xf32, #tpu.memory_space<vmem_shared>> -> memref<1x1x4224xf32, #tpu.memory_space<vmem_shared>>
      %dma_start3A_2295 = tpu.memref_squeeze %dma_start3A_2294 : memref<1x1x4224xf32, #tpu.memory_space<vmem_shared>> -> memref<4224xf32, #tpu.memory_space<vmem_shared>>
      %dma_start3A_2296 = arith.constant 16928 : i32
      %dma_start3A_2297 = tpu.memref_slice %arg5[%dma_start3A_2296] : memref<33872xf32, #tpu.memory_space<vmem>> -> memref<4224xf32, #tpu.memory_space<vmem>>
      tpu.enqueue_dma source(%dma_start3A_2297 : memref<4224xf32, #tpu.memory_space<vmem>>) target(%dma_start3A_2295 : memref<4224xf32, #tpu.memory_space<vmem_shared>>) target_semaphore(%run_scoped3A_2288 : memref<!tpu.dma_semaphore, #tpu.memory_space<semaphore_mem>>)
      %dma_wait3A = arith.constant 16928 : i32
      %dma_wait3A_2298 = tpu.memref_slice %arg5[%dma_wait3A] : memref<33872xf32, #tpu.memory_space<vmem>> -> memref<4224xf32, #tpu.memory_space<vmem>>
      %dma_wait3A_2299 = arith.constant 0 : i32
      %dma_wait3A_2300 = tpu.memref_slice %arg6[%run_scoped3A_2276, %arg1, %dma_wait3A_2299] : memref<8x16x4224xf32, #tpu.memory_space<vmem_shared>> -> memref<1x1x4224xf32, #tpu.memory_space<vmem_shared>>
      %dma_wait3A_2301 = tpu.memref_squeeze %dma_wait3A_2300 : memref<1x1x4224xf32, #tpu.memory_space<vmem_shared>> -> memref<4224xf32, #tpu.memory_space<vmem_shared>>
      %dma_wait3A_2302 = arith.constant 0 : i32
      %dma_wait3A_2303 = tpu.memref_slice %arg6[%run_scoped3A_2276, %arg1, %dma_wait3A_2302] : memref<8x16x4224xf32, #tpu.memory_space<vmem_shared>> -> memref<1x1x4224xf32, #tpu.memory_space<vmem_shared>>
      %dma_wait3A_2304 = tpu.memref_squeeze %dma_wait3A_2303 : memref<1x1x4224xf32, #tpu.memory_space<vmem_shared>> -> memref<4224xf32, #tpu.memory_space<vmem_shared>>
      %dma_wait3A_2305 = arith.constant 16928 : i32
      %dma_wait3A_2306 = tpu.memref_slice %arg5[%dma_wait3A_2305] : memref<33872xf32, #tpu.memory_space<vmem>> -> memref<4224xf32, #tpu.memory_space<vmem>>
      tpu.wait_dma2 semaphore(%run_scoped3A_2288 : memref<!tpu.dma_semaphore, #tpu.memory_space<semaphore_mem>>) src(%dma_wait3A_2306 : memref<4224xf32, #tpu.memory_space<vmem>>) dst(%dma_wait3A_2304 : memref<4224xf32, #tpu.memory_space<vmem_shared>>)
      tpu.yield
    }) : () -> ()
    %run_scoped3A_2277 = arith.constant 5 : i32
    "tpu.region"() ({
      %run_scoped3A_2288 = tpu.sem_alloc : memref<!tpu.dma_semaphore, #tpu.memory_space<semaphore_mem>>
      %dma_start3A = arith.constant 21160 : i32
      %dma_start3A_2289 = tpu.memref_slice %arg5[%dma_start3A] : memref<33872xf32, #tpu.memory_space<vmem>> -> memref<4224xf32, #tpu.memory_space<vmem>>
      %dma_start3A_2290 = arith.constant 0 : i32
      %dma_start3A_2291 = tpu.memref_slice %arg6[%run_scoped3A_2277, %arg1, %dma_start3A_2290] : memref<8x16x4224xf32, #tpu.memory_space<vmem_shared>> -> memref<1x1x4224xf32, #tpu.memory_space<vmem_shared>>
      %dma_start3A_2292 = tpu.memref_squeeze %dma_start3A_2291 : memref<1x1x4224xf32, #tpu.memory_space<vmem_shared>> -> memref<4224xf32, #tpu.memory_space<vmem_shared>>
      %dma_start3A_2293 = arith.constant 0 : i32
      %dma_start3A_2294 = tpu.memref_slice %arg6[%run_scoped3A_2277, %arg1, %dma_start3A_2293] : memref<8x16x4224xf32, #tpu.memory_space<vmem_shared>> -> memref<1x1x4224xf32, #tpu.memory_space<vmem_shared>>
      %dma_start3A_2295 = tpu.memref_squeeze %dma_start3A_2294 : memref<1x1x4224xf32, #tpu.memory_space<vmem_shared>> -> memref<4224xf32, #tpu.memory_space<vmem_shared>>
      %dma_start3A_2296 = arith.constant 21160 : i32
      %dma_start3A_2297 = tpu.memref_slice %arg5[%dma_start3A_2296] : memref<33872xf32, #tpu.memory_space<vmem>> -> memref<4224xf32, #tpu.memory_space<vmem>>
      tpu.enqueue_dma source(%dma_start3A_2297 : memref<4224xf32, #tpu.memory_space<vmem>>) target(%dma_start3A_2295 : memref<4224xf32, #tpu.memory_space<vmem_shared>>) target_semaphore(%run_scoped3A_2288 : memref<!tpu.dma_semaphore, #tpu.memory_space<semaphore_mem>>)
      %dma_wait3A = arith.constant 21160 : i32
      %dma_wait3A_2298 = tpu.memref_slice %arg5[%dma_wait3A] : memref<33872xf32, #tpu.memory_space<vmem>> -> memref<4224xf32, #tpu.memory_space<vmem>>
      %dma_wait3A_2299 = arith.constant 0 : i32
      %dma_wait3A_2300 = tpu.memref_slice %arg6[%run_scoped3A_2277, %arg1, %dma_wait3A_2299] : memref<8x16x4224xf32, #tpu.memory_space<vmem_shared>> -> memref<1x1x4224xf32, #tpu.memory_space<vmem_shared>>
      %dma_wait3A_2301 = tpu.memref_squeeze %dma_wait3A_2300 : memref<1x1x4224xf32, #tpu.memory_space<vmem_shared>> -> memref<4224xf32, #tpu.memory_space<vmem_shared>>
      %dma_wait3A_2302 = arith.constant 0 : i32
      %dma_wait3A_2303 = tpu.memref_slice %arg6[%run_scoped3A_2277, %arg1, %dma_wait3A_2302] : memref<8x16x4224xf32, #tpu.memory_space<vmem_shared>> -> memref<1x1x4224xf32, #tpu.memory_space<vmem_shared>>
      %dma_wait3A_2304 = tpu.memref_squeeze %dma_wait3A_2303 : memref<1x1x4224xf32, #tpu.memory_space<vmem_shared>> -> memref<4224xf32, #tpu.memory_space<vmem_shared>>
      %dma_wait3A_2305 = arith.constant 21160 : i32
      %dma_wait3A_2306 = tpu.memref_slice %arg5[%dma_wait3A_2305] : memref<33872xf32, #tpu.memory_space<vmem>> -> memref<4224xf32, #tpu.memory_space<vmem>>
      tpu.wait_dma2 semaphore(%run_scoped3A_2288 : memref<!tpu.dma_semaphore, #tpu.memory_space<semaphore_mem>>) src(%dma_wait3A_2306 : memref<4224xf32, #tpu.memory_space<vmem>>) dst(%dma_wait3A_2304 : memref<4224xf32, #tpu.memory_space<vmem_shared>>)
      tpu.yield
    }) : () -> ()
    %run_scoped3A_2278 = arith.constant 6 : i32
    "tpu.region"() ({
      %run_scoped3A_2288 = tpu.sem_alloc : memref<!tpu.dma_semaphore, #tpu.memory_space<semaphore_mem>>
      %dma_start3A = arith.constant 25392 : i32
      %dma_start3A_2289 = tpu.memref_slice %arg5[%dma_start3A] : memref<33872xf32, #tpu.memory_space<vmem>> -> memref<4224xf32, #tpu.memory_space<vmem>>
      %dma_start3A_2290 = arith.constant 0 : i32
      %dma_start3A_2291 = tpu.memref_slice %arg6[%run_scoped3A_2278, %arg1, %dma_start3A_2290] : memref<8x16x4224xf32, #tpu.memory_space<vmem_shared>> -> memref<1x1x4224xf32, #tpu.memory_space<vmem_shared>>
      %dma_start3A_2292 = tpu.memref_squeeze %dma_start3A_2291 : memref<1x1x4224xf32, #tpu.memory_space<vmem_shared>> -> memref<4224xf32, #tpu.memory_space<vmem_shared>>
      %dma_start3A_2293 = arith.constant 0 : i32
      %dma_start3A_2294 = tpu.memref_slice %arg6[%run_scoped3A_2278, %arg1, %dma_start3A_2293] : memref<8x16x4224xf32, #tpu.memory_space<vmem_shared>> -> memref<1x1x4224xf32, #tpu.memory_space<vmem_shared>>
      %dma_start3A_2295 = tpu.memref_squeeze %dma_start3A_2294 : memref<1x1x4224xf32, #tpu.memory_space<vmem_shared>> -> memref<4224xf32, #tpu.memory_space<vmem_shared>>
      %dma_start3A_2296 = arith.constant 25392 : i32
      %dma_start3A_2297 = tpu.memref_slice %arg5[%dma_start3A_2296] : memref<33872xf32, #tpu.memory_space<vmem>> -> memref<4224xf32, #tpu.memory_space<vmem>>
      tpu.enqueue_dma source(%dma_start3A_2297 : memref<4224xf32, #tpu.memory_space<vmem>>) target(%dma_start3A_2295 : memref<4224xf32, #tpu.memory_space<vmem_shared>>) target_semaphore(%run_scoped3A_2288 : memref<!tpu.dma_semaphore, #tpu.memory_space<semaphore_mem>>)
      %dma_wait3A = arith.constant 25392 : i32
      %dma_wait3A_2298 = tpu.memref_slice %arg5[%dma_wait3A] : memref<33872xf32, #tpu.memory_space<vmem>> -> memref<4224xf32, #tpu.memory_space<vmem>>
      %dma_wait3A_2299 = arith.constant 0 : i32
      %dma_wait3A_2300 = tpu.memref_slice %arg6[%run_scoped3A_2278, %arg1, %dma_wait3A_2299] : memref<8x16x4224xf32, #tpu.memory_space<vmem_shared>> -> memref<1x1x4224xf32, #tpu.memory_space<vmem_shared>>
      %dma_wait3A_2301 = tpu.memref_squeeze %dma_wait3A_2300 : memref<1x1x4224xf32, #tpu.memory_space<vmem_shared>> -> memref<4224xf32, #tpu.memory_space<vmem_shared>>
      %dma_wait3A_2302 = arith.constant 0 : i32
      %dma_wait3A_2303 = tpu.memref_slice %arg6[%run_scoped3A_2278, %arg1, %dma_wait3A_2302] : memref<8x16x4224xf32, #tpu.memory_space<vmem_shared>> -> memref<1x1x4224xf32, #tpu.memory_space<vmem_shared>>
      %dma_wait3A_2304 = tpu.memref_squeeze %dma_wait3A_2303 : memref<1x1x4224xf32, #tpu.memory_space<vmem_shared>> -> memref<4224xf32, #tpu.memory_space<vmem_shared>>
      %dma_wait3A_2305 = arith.constant 25392 : i32
      %dma_wait3A_2306 = tpu.memref_slice %arg5[%dma_wait3A_2305] : memref<33872xf32, #tpu.memory_space<vmem>> -> memref<4224xf32, #tpu.memory_space<vmem>>
      tpu.wait_dma2 semaphore(%run_scoped3A_2288 : memref<!tpu.dma_semaphore, #tpu.memory_space<semaphore_mem>>) src(%dma_wait3A_2306 : memref<4224xf32, #tpu.memory_space<vmem>>) dst(%dma_wait3A_2304 : memref<4224xf32, #tpu.memory_space<vmem_shared>>)
      tpu.yield
    }) : () -> ()
    %run_scoped3A_2279 = arith.constant 7 : i32
    "tpu.region"() ({
      %run_scoped3A_2288 = tpu.sem_alloc : memref<!tpu.dma_semaphore, #tpu.memory_space<semaphore_mem>>
      %dma_start3A = arith.constant 29624 : i32
      %dma_start3A_2289 = tpu.memref_slice %arg5[%dma_start3A] : memref<33872xf32, #tpu.memory_space<vmem>> -> memref<4224xf32, #tpu.memory_space<vmem>>
      %dma_start3A_2290 = arith.constant 0 : i32
      %dma_start3A_2291 = tpu.memref_slice %arg6[%run_scoped3A_2279, %arg1, %dma_start3A_2290] : memref<8x16x4224xf32, #tpu.memory_space<vmem_shared>> -> memref<1x1x4224xf32, #tpu.memory_space<vmem_shared>>
      %dma_start3A_2292 = tpu.memref_squeeze %dma_start3A_2291 : memref<1x1x4224xf32, #tpu.memory_space<vmem_shared>> -> memref<4224xf32, #tpu.memory_space<vmem_shared>>
      %dma_start3A_2293 = arith.constant 0 : i32
      %dma_start3A_2294 = tpu.memref_slice %arg6[%run_scoped3A_2279, %arg1, %dma_start3A_2293] : memref<8x16x4224xf32, #tpu.memory_space<vmem_shared>> -> memref<1x1x4224xf32, #tpu.memory_space<vmem_shared>>
      %dma_start3A_2295 = tpu.memref_squeeze %dma_start3A_2294 : memref<1x1x4224xf32, #tpu.memory_space<vmem_shared>> -> memref<4224xf32, #tpu.memory_space<vmem_shared>>
      %dma_start3A_2296 = arith.constant 29624 : i32
      %dma_start3A_2297 = tpu.memref_slice %arg5[%dma_start3A_2296] : memref<33872xf32, #tpu.memory_space<vmem>> -> memref<4224xf32, #tpu.memory_space<vmem>>
      tpu.enqueue_dma source(%dma_start3A_2297 : memref<4224xf32, #tpu.memory_space<vmem>>) target(%dma_start3A_2295 : memref<4224xf32, #tpu.memory_space<vmem_shared>>) target_semaphore(%run_scoped3A_2288 : memref<!tpu.dma_semaphore, #tpu.memory_space<semaphore_mem>>)
      %dma_wait3A = arith.constant 29624 : i32
      %dma_wait3A_2298 = tpu.memref_slice %arg5[%dma_wait3A] : memref<33872xf32, #tpu.memory_space<vmem>> -> memref<4224xf32, #tpu.memory_space<vmem>>
      %dma_wait3A_2299 = arith.constant 0 : i32
      %dma_wait3A_2300 = tpu.memref_slice %arg6[%run_scoped3A_2279, %arg1, %dma_wait3A_2299] : memref<8x16x4224xf32, #tpu.memory_space<vmem_shared>> -> memref<1x1x4224xf32, #tpu.memory_space<vmem_shared>>
      %dma_wait3A_2301 = tpu.memref_squeeze %dma_wait3A_2300 : memref<1x1x4224xf32, #tpu.memory_space<vmem_shared>> -> memref<4224xf32, #tpu.memory_space<vmem_shared>>
      %dma_wait3A_2302 = arith.constant 0 : i32
      %dma_wait3A_2303 = tpu.memref_slice %arg6[%run_scoped3A_2279, %arg1, %dma_wait3A_2302] : memref<8x16x4224xf32, #tpu.memory_space<vmem_shared>> -> memref<1x1x4224xf32, #tpu.memory_space<vmem_shared>>
      %dma_wait3A_2304 = tpu.memref_squeeze %dma_wait3A_2303 : memref<1x1x4224xf32, #tpu.memory_space<vmem_shared>> -> memref<4224xf32, #tpu.memory_space<vmem_shared>>
      %dma_wait3A_2305 = arith.constant 29624 : i32
      %dma_wait3A_2306 = tpu.memref_slice %arg5[%dma_wait3A_2305] : memref<33872xf32, #tpu.memory_space<vmem>> -> memref<4224xf32, #tpu.memory_space<vmem>>
      tpu.wait_dma2 semaphore(%run_scoped3A_2288 : memref<!tpu.dma_semaphore, #tpu.memory_space<semaphore_mem>>) src(%dma_wait3A_2306 : memref<4224xf32, #tpu.memory_space<vmem>>) dst(%dma_wait3A_2304 : memref<4224xf32, #tpu.memory_space<vmem_shared>>)
      tpu.yield
    }) : () -> ()
    %barrier3A = arith.constant 0 : index
    tpu.barrier barrier_id(%barrier3A)
    %mul3A_2280 = arith.constant 64 : i32
    %mul3A_2281 = arith.muli %add3A, %mul3A_2280 : i32
    %scan3A_2282 = arith.constant 0 : i32
    %scan3A_2283 = arith.constant 0 : i32
    %scan3A_2284 = arith.constant 64 : i32
    %scan3A_2285 = arith.addi %scan3A_2283, %scan3A_2284 : i32
    %scan3A_2286 = arith.constant 1 : i32
    scf.for %scan3A_2288 = %scan3A_2283 to %scan3A_2285 step %scan3A_2286  : i32 {
      %add3A_2289 = arith.addi %mul3A_2281, %scan3A_2288 : i32
      %sub3A_2290 = arith.constant 2047 : i32
      %sub3A_2291 = arith.subi %sub3A_2290, %add3A_2289 : i32
      %and3A = arith.constant 7 : i32
      %and3A_2292 = arith.andi %sub3A_2291, %and3A : i32
      %sub3A_2293 = arith.subi %sub3A_2291, %and3A_2292 : i32
      %add3A_2294 = arith.constant 0 : i32
      %add3A_2295 = arith.addi %sub3A_2293, %add3A_2294 : i32
      %multiple_of3A = tpu.assume_multiple %add3A_2295, 8 : i32
      %dma_start3A = arith.constant 0 : i32
      %dma_start3A_2296 = arith.constant 0 : i32
      %dma_start3A_2297 = tpu.memref_slice %arg3[%add3A_2289, %dma_start3A, %dma_start3A_2296] : memref<2048x256x128xf32, #tpu.memory_space<hbm>> -> memref<1x8x128xf32, #tpu.memory_space<hbm>>
      %dma_start3A_2298 = tpu.memref_squeeze %dma_start3A_2297 : memref<1x8x128xf32, #tpu.memory_space<hbm>> -> memref<8x128xf32, #tpu.memory_space<hbm>>
      %dma_start3A_2299 = arith.constant 0 : i32
      %dma_start3A_2300 = tpu.memref_slice %arg6[%and3A_2292, %dma_start3A_2299, %multiple_of3A] : memref<8x16x4224xf32, #tpu.memory_space<vmem_shared>> -> memref<1x8x128xf32, #tpu.memory_space<vmem_shared>>
      %dma_start3A_2301 = tpu.memref_squeeze %dma_start3A_2300 : memref<1x8x128xf32, #tpu.memory_space<vmem_shared>> -> memref<8x128xf32, #tpu.memory_space<vmem_shared>>
      tpu.enqueue_dma source(%dma_start3A_2301 : memref<8x128xf32, #tpu.memory_space<vmem_shared>>) target(%dma_start3A_2298 : memref<8x128xf32, #tpu.memory_space<hbm>>) target_semaphore(%arg7 : memref<!tpu.dma_semaphore, #tpu.memory_space<semaphore_mem>>)
      %add3A_2302 = arith.constant 128 : i32
      %add3A_2303 = arith.addi %sub3A_2293, %add3A_2302 : i32
      %multiple_of3A_2304 = tpu.assume_multiple %add3A_2303, 8 : i32
      %dma_start3A_2305 = arith.constant 8 : i32
      %dma_start3A_2306 = arith.constant 0 : i32
      %dma_start3A_2307 = tpu.memref_slice %arg3[%add3A_2289, %dma_start3A_2305, %dma_start3A_2306] : memref<2048x256x128xf32, #tpu.memory_space<hbm>> -> memref<1x8x128xf32, #tpu.memory_space<hbm>>
      %dma_start3A_2308 = tpu.memref_squeeze %dma_start3A_2307 : memref<1x8x128xf32, #tpu.memory_space<hbm>> -> memref<8x128xf32, #tpu.memory_space<hbm>>
      %dma_start3A_2309 = arith.constant 0 : i32
      %dma_start3A_2310 = tpu.memref_slice %arg6[%and3A_2292, %dma_start3A_2309, %multiple_of3A_2304] : memref<8x16x4224xf32, #tpu.memory_space<vmem_shared>> -> memref<1x8x128xf32, #tpu.memory_space<vmem_shared>>
      %dma_start3A_2311 = tpu.memref_squeeze %dma_start3A_2310 : memref<1x8x128xf32, #tpu.memory_space<vmem_shared>> -> memref<8x128xf32, #tpu.memory_space<vmem_shared>>
      tpu.enqueue_dma source(%dma_start3A_2311 : memref<8x128xf32, #tpu.memory_space<vmem_shared>>) target(%dma_start3A_2308 : memref<8x128xf32, #tpu.memory_space<hbm>>) target_semaphore(%arg7 : memref<!tpu.dma_semaphore, #tpu.memory_space<semaphore_mem>>)
      %add3A_2312 = arith.constant 256 : i32
      %add3A_2313 = arith.addi %sub3A_2293, %add3A_2312 : i32
      %multiple_of3A_2314 = tpu.assume_multiple %add3A_2313, 8 : i32
      %dma_start3A_2315 = arith.constant 16 : i32
      %dma_start3A_2316 = arith.constant 0 : i32
      %dma_start3A_2317 = tpu.memref_slice %arg3[%add3A_2289, %dma_start3A_2315, %dma_start3A_2316] : memref<2048x256x128xf32, #tpu.memory_space<hbm>> -> memref<1x8x128xf32, #tpu.memory_space<hbm>>
      %dma_start3A_2318 = tpu.memref_squeeze %dma_start3A_2317 : memref<1x8x128xf32, #tpu.memory_space<hbm>> -> memref<8x128xf32, #tpu.memory_space<hbm>>
      %dma_start3A_2319 = arith.constant 0 : i32
      %dma_start3A_2320 = tpu.memref_slice %arg6[%and3A_2292, %dma_start3A_2319, %multiple_of3A_2314] : memref<8x16x4224xf32, #tpu.memory_space<vmem_shared>> -> memref<1x8x128xf32, #tpu.memory_space<vmem_shared>>
      %dma_start3A_2321 = tpu.memref_squeeze %dma_start3A_2320 : memref<1x8x128xf32, #tpu.memory_space<vmem_shared>> -> memref<8x128xf32, #tpu.memory_space<vmem_shared>>
      tpu.enqueue_dma source(%dma_start3A_2321 : memref<8x128xf32, #tpu.memory_space<vmem_shared>>) target(%dma_start3A_2318 : memref<8x128xf32, #tpu.memory_space<hbm>>) target_semaphore(%arg7 : memref<!tpu.dma_semaphore, #tpu.memory_space<semaphore_mem>>)
      %add3A_2322 = arith.constant 384 : i32
      %add3A_2323 = arith.addi %sub3A_2293, %add3A_2322 : i32
      %multiple_of3A_2324 = tpu.assume_multiple %add3A_2323, 8 : i32
      %dma_start3A_2325 = arith.constant 24 : i32
      %dma_start3A_2326 = arith.constant 0 : i32
      %dma_start3A_2327 = tpu.memref_slice %arg3[%add3A_2289, %dma_start3A_2325, %dma_start3A_2326] : memref<2048x256x128xf32, #tpu.memory_space<hbm>> -> memref<1x8x128xf32, #tpu.memory_space<hbm>>
      %dma_start3A_2328 = tpu.memref_squeeze %dma_start3A_2327 : memref<1x8x128xf32, #tpu.memory_space<hbm>> -> memref<8x128xf32, #tpu.memory_space<hbm>>
      %dma_start3A_2329 = arith.constant 0 : i32
      %dma_start3A_2330 = tpu.memref_slice %arg6[%and3A_2292, %dma_start3A_2329, %multiple_of3A_2324] : memref<8x16x4224xf32, #tpu.memory_space<vmem_shared>> -> memref<1x8x128xf32, #tpu.memory_space<vmem_shared>>
      %dma_start3A_2331 = tpu.memref_squeeze %dma_start3A_2330 : memref<1x8x128xf32, #tpu.memory_space<vmem_shared>> -> memref<8x128xf32, #tpu.memory_space<vmem_shared>>
      tpu.enqueue_dma source(%dma_start3A_2331 : memref<8x128xf32, #tpu.memory_space<vmem_shared>>) target(%dma_start3A_2328 : memref<8x128xf32, #tpu.memory_space<hbm>>) target_semaphore(%arg7 : memref<!tpu.dma_semaphore, #tpu.memory_space<semaphore_mem>>)
      %add3A_2332 = arith.constant 512 : i32
      %add3A_2333 = arith.addi %sub3A_2293, %add3A_2332 : i32
      %multiple_of3A_2334 = tpu.assume_multiple %add3A_2333, 8 : i32
      %dma_start3A_2335 = arith.constant 32 : i32
      %dma_start3A_2336 = arith.constant 0 : i32
      %dma_start3A_2337 = tpu.memref_slice %arg3[%add3A_2289, %dma_start3A_2335, %dma_start3A_2336] : memref<2048x256x128xf32, #tpu.memory_space<hbm>> -> memref<1x8x128xf32, #tpu.memory_space<hbm>>
      %dma_start3A_2338 = tpu.memref_squeeze %dma_start3A_2337 : memref<1x8x128xf32, #tpu.memory_space<hbm>> -> memref<8x128xf32, #tpu.memory_space<hbm>>
      %dma_start3A_2339 = arith.constant 0 : i32
      %dma_start3A_2340 = tpu.memref_slice %arg6[%and3A_2292, %dma_start3A_2339, %multiple_of3A_2334] : memref<8x16x4224xf32, #tpu.memory_space<vmem_shared>> -> memref<1x8x128xf32, #tpu.memory_space<vmem_shared>>
      %dma_start3A_2341 = tpu.memref_squeeze %dma_start3A_2340 : memref<1x8x128xf32, #tpu.memory_space<vmem_shared>> -> memref<8x128xf32, #tpu.memory_space<vmem_shared>>
      tpu.enqueue_dma source(%dma_start3A_2341 : memref<8x128xf32, #tpu.memory_space<vmem_shared>>) target(%dma_start3A_2338 : memref<8x128xf32, #tpu.memory_space<hbm>>) target_semaphore(%arg7 : memref<!tpu.dma_semaphore, #tpu.memory_space<semaphore_mem>>)
      %add3A_2342 = arith.constant 640 : i32
      %add3A_2343 = arith.addi %sub3A_2293, %add3A_2342 : i32
      %multiple_of3A_2344 = tpu.assume_multiple %add3A_2343, 8 : i32
      %dma_start3A_2345 = arith.constant 40 : i32
      %dma_start3A_2346 = arith.constant 0 : i32
      %dma_start3A_2347 = tpu.memref_slice %arg3[%add3A_2289, %dma_start3A_2345, %dma_start3A_2346] : memref<2048x256x128xf32, #tpu.memory_space<hbm>> -> memref<1x8x128xf32, #tpu.memory_space<hbm>>
      %dma_start3A_2348 = tpu.memref_squeeze %dma_start3A_2347 : memref<1x8x128xf32, #tpu.memory_space<hbm>> -> memref<8x128xf32, #tpu.memory_space<hbm>>
      %dma_start3A_2349 = arith.constant 0 : i32
      %dma_start3A_2350 = tpu.memref_slice %arg6[%and3A_2292, %dma_start3A_2349, %multiple_of3A_2344] : memref<8x16x4224xf32, #tpu.memory_space<vmem_shared>> -> memref<1x8x128xf32, #tpu.memory_space<vmem_shared>>
      %dma_start3A_2351 = tpu.memref_squeeze %dma_start3A_2350 : memref<1x8x128xf32, #tpu.memory_space<vmem_shared>> -> memref<8x128xf32, #tpu.memory_space<vmem_shared>>
      tpu.enqueue_dma source(%dma_start3A_2351 : memref<8x128xf32, #tpu.memory_space<vmem_shared>>) target(%dma_start3A_2348 : memref<8x128xf32, #tpu.memory_space<hbm>>) target_semaphore(%arg7 : memref<!tpu.dma_semaphore, #tpu.memory_space<semaphore_mem>>)
      %add3A_2352 = arith.constant 768 : i32
      %add3A_2353 = arith.addi %sub3A_2293, %add3A_2352 : i32
      %multiple_of3A_2354 = tpu.assume_multiple %add3A_2353, 8 : i32
      %dma_start3A_2355 = arith.constant 48 : i32
      %dma_start3A_2356 = arith.constant 0 : i32
      %dma_start3A_2357 = tpu.memref_slice %arg3[%add3A_2289, %dma_start3A_2355, %dma_start3A_2356] : memref<2048x256x128xf32, #tpu.memory_space<hbm>> -> memref<1x8x128xf32, #tpu.memory_space<hbm>>
      %dma_start3A_2358 = tpu.memref_squeeze %dma_start3A_2357 : memref<1x8x128xf32, #tpu.memory_space<hbm>> -> memref<8x128xf32, #tpu.memory_space<hbm>>
      %dma_start3A_2359 = arith.constant 0 : i32
      %dma_start3A_2360 = tpu.memref_slice %arg6[%and3A_2292, %dma_start3A_2359, %multiple_of3A_2354] : memref<8x16x4224xf32, #tpu.memory_space<vmem_shared>> -> memref<1x8x128xf32, #tpu.memory_space<vmem_shared>>
      %dma_start3A_2361 = tpu.memref_squeeze %dma_start3A_2360 : memref<1x8x128xf32, #tpu.memory_space<vmem_shared>> -> memref<8x128xf32, #tpu.memory_space<vmem_shared>>
      tpu.enqueue_dma source(%dma_start3A_2361 : memref<8x128xf32, #tpu.memory_space<vmem_shared>>) target(%dma_start3A_2358 : memref<8x128xf32, #tpu.memory_space<hbm>>) target_semaphore(%arg7 : memref<!tpu.dma_semaphore, #tpu.memory_space<semaphore_mem>>)
      %add3A_2362 = arith.constant 896 : i32
      %add3A_2363 = arith.addi %sub3A_2293, %add3A_2362 : i32
      %multiple_of3A_2364 = tpu.assume_multiple %add3A_2363, 8 : i32
      %dma_start3A_2365 = arith.constant 56 : i32
      %dma_start3A_2366 = arith.constant 0 : i32
      %dma_start3A_2367 = tpu.memref_slice %arg3[%add3A_2289, %dma_start3A_2365, %dma_start3A_2366] : memref<2048x256x128xf32, #tpu.memory_space<hbm>> -> memref<1x8x128xf32, #tpu.memory_space<hbm>>
      %dma_start3A_2368 = tpu.memref_squeeze %dma_start3A_2367 : memref<1x8x128xf32, #tpu.memory_space<hbm>> -> memref<8x128xf32, #tpu.memory_space<hbm>>
      %dma_start3A_2369 = arith.constant 0 : i32
      %dma_start3A_2370 = tpu.memref_slice %arg6[%and3A_2292, %dma_start3A_2369, %multiple_of3A_2364] : memref<8x16x4224xf32, #tpu.memory_space<vmem_shared>> -> memref<1x8x128xf32, #tpu.memory_space<vmem_shared>>
      %dma_start3A_2371 = tpu.memref_squeeze %dma_start3A_2370 : memref<1x8x128xf32, #tpu.memory_space<vmem_shared>> -> memref<8x128xf32, #tpu.memory_space<vmem_shared>>
      tpu.enqueue_dma source(%dma_start3A_2371 : memref<8x128xf32, #tpu.memory_space<vmem_shared>>) target(%dma_start3A_2368 : memref<8x128xf32, #tpu.memory_space<hbm>>) target_semaphore(%arg7 : memref<!tpu.dma_semaphore, #tpu.memory_space<semaphore_mem>>)
      %add3A_2372 = arith.constant 1024 : i32
      %add3A_2373 = arith.addi %sub3A_2293, %add3A_2372 : i32
      %multiple_of3A_2374 = tpu.assume_multiple %add3A_2373, 8 : i32
      %dma_start3A_2375 = arith.constant 64 : i32
      %dma_start3A_2376 = arith.constant 0 : i32
      %dma_start3A_2377 = tpu.memref_slice %arg3[%add3A_2289, %dma_start3A_2375, %dma_start3A_2376] : memref<2048x256x128xf32, #tpu.memory_space<hbm>> -> memref<1x8x128xf32, #tpu.memory_space<hbm>>
      %dma_start3A_2378 = tpu.memref_squeeze %dma_start3A_2377 : memref<1x8x128xf32, #tpu.memory_space<hbm>> -> memref<8x128xf32, #tpu.memory_space<hbm>>
      %dma_start3A_2379 = arith.constant 0 : i32
      %dma_start3A_2380 = tpu.memref_slice %arg6[%and3A_2292, %dma_start3A_2379, %multiple_of3A_2374] : memref<8x16x4224xf32, #tpu.memory_space<vmem_shared>> -> memref<1x8x128xf32, #tpu.memory_space<vmem_shared>>
      %dma_start3A_2381 = tpu.memref_squeeze %dma_start3A_2380 : memref<1x8x128xf32, #tpu.memory_space<vmem_shared>> -> memref<8x128xf32, #tpu.memory_space<vmem_shared>>
      tpu.enqueue_dma source(%dma_start3A_2381 : memref<8x128xf32, #tpu.memory_space<vmem_shared>>) target(%dma_start3A_2378 : memref<8x128xf32, #tpu.memory_space<hbm>>) target_semaphore(%arg7 : memref<!tpu.dma_semaphore, #tpu.memory_space<semaphore_mem>>)
      %add3A_2382 = arith.constant 1152 : i32
      %add3A_2383 = arith.addi %sub3A_2293, %add3A_2382 : i32
      %multiple_of3A_2384 = tpu.assume_multiple %add3A_2383, 8 : i32
      %dma_start3A_2385 = arith.constant 72 : i32
      %dma_start3A_2386 = arith.constant 0 : i32
      %dma_start3A_2387 = tpu.memref_slice %arg3[%add3A_2289, %dma_start3A_2385, %dma_start3A_2386] : memref<2048x256x128xf32, #tpu.memory_space<hbm>> -> memref<1x8x128xf32, #tpu.memory_space<hbm>>
      %dma_start3A_2388 = tpu.memref_squeeze %dma_start3A_2387 : memref<1x8x128xf32, #tpu.memory_space<hbm>> -> memref<8x128xf32, #tpu.memory_space<hbm>>
      %dma_start3A_2389 = arith.constant 0 : i32
      %dma_start3A_2390 = tpu.memref_slice %arg6[%and3A_2292, %dma_start3A_2389, %multiple_of3A_2384] : memref<8x16x4224xf32, #tpu.memory_space<vmem_shared>> -> memref<1x8x128xf32, #tpu.memory_space<vmem_shared>>
      %dma_start3A_2391 = tpu.memref_squeeze %dma_start3A_2390 : memref<1x8x128xf32, #tpu.memory_space<vmem_shared>> -> memref<8x128xf32, #tpu.memory_space<vmem_shared>>
      tpu.enqueue_dma source(%dma_start3A_2391 : memref<8x128xf32, #tpu.memory_space<vmem_shared>>) target(%dma_start3A_2388 : memref<8x128xf32, #tpu.memory_space<hbm>>) target_semaphore(%arg7 : memref<!tpu.dma_semaphore, #tpu.memory_space<semaphore_mem>>)
      %add3A_2392 = arith.constant 1280 : i32
      %add3A_2393 = arith.addi %sub3A_2293, %add3A_2392 : i32
      %multiple_of3A_2394 = tpu.assume_multiple %add3A_2393, 8 : i32
      %dma_start3A_2395 = arith.constant 80 : i32
      %dma_start3A_2396 = arith.constant 0 : i32
      %dma_start3A_2397 = tpu.memref_slice %arg3[%add3A_2289, %dma_start3A_2395, %dma_start3A_2396] : memref<2048x256x128xf32, #tpu.memory_space<hbm>> -> memref<1x8x128xf32, #tpu.memory_space<hbm>>
      %dma_start3A_2398 = tpu.memref_squeeze %dma_start3A_2397 : memref<1x8x128xf32, #tpu.memory_space<hbm>> -> memref<8x128xf32, #tpu.memory_space<hbm>>
      %dma_start3A_2399 = arith.constant 0 : i32
      %dma_start3A_2400 = tpu.memref_slice %arg6[%and3A_2292, %dma_start3A_2399, %multiple_of3A_2394] : memref<8x16x4224xf32, #tpu.memory_space<vmem_shared>> -> memref<1x8x128xf32, #tpu.memory_space<vmem_shared>>
      %dma_start3A_2401 = tpu.memref_squeeze %dma_start3A_2400 : memref<1x8x128xf32, #tpu.memory_space<vmem_shared>> -> memref<8x128xf32, #tpu.memory_space<vmem_shared>>
      tpu.enqueue_dma source(%dma_start3A_2401 : memref<8x128xf32, #tpu.memory_space<vmem_shared>>) target(%dma_start3A_2398 : memref<8x128xf32, #tpu.memory_space<hbm>>) target_semaphore(%arg7 : memref<!tpu.dma_semaphore, #tpu.memory_space<semaphore_mem>>)
      %add3A_2402 = arith.constant 1408 : i32
      %add3A_2403 = arith.addi %sub3A_2293, %add3A_2402 : i32
      %multiple_of3A_2404 = tpu.assume_multiple %add3A_2403, 8 : i32
      %dma_start3A_2405 = arith.constant 88 : i32
      %dma_start3A_2406 = arith.constant 0 : i32
      %dma_start3A_2407 = tpu.memref_slice %arg3[%add3A_2289, %dma_start3A_2405, %dma_start3A_2406] : memref<2048x256x128xf32, #tpu.memory_space<hbm>> -> memref<1x8x128xf32, #tpu.memory_space<hbm>>
      %dma_start3A_2408 = tpu.memref_squeeze %dma_start3A_2407 : memref<1x8x128xf32, #tpu.memory_space<hbm>> -> memref<8x128xf32, #tpu.memory_space<hbm>>
      %dma_start3A_2409 = arith.constant 0 : i32
      %dma_start3A_2410 = tpu.memref_slice %arg6[%and3A_2292, %dma_start3A_2409, %multiple_of3A_2404] : memref<8x16x4224xf32, #tpu.memory_space<vmem_shared>> -> memref<1x8x128xf32, #tpu.memory_space<vmem_shared>>
      %dma_start3A_2411 = tpu.memref_squeeze %dma_start3A_2410 : memref<1x8x128xf32, #tpu.memory_space<vmem_shared>> -> memref<8x128xf32, #tpu.memory_space<vmem_shared>>
      tpu.enqueue_dma source(%dma_start3A_2411 : memref<8x128xf32, #tpu.memory_space<vmem_shared>>) target(%dma_start3A_2408 : memref<8x128xf32, #tpu.memory_space<hbm>>) target_semaphore(%arg7 : memref<!tpu.dma_semaphore, #tpu.memory_space<semaphore_mem>>)
      %add3A_2412 = arith.constant 1536 : i32
      %add3A_2413 = arith.addi %sub3A_2293, %add3A_2412 : i32
      %multiple_of3A_2414 = tpu.assume_multiple %add3A_2413, 8 : i32
      %dma_start3A_2415 = arith.constant 96 : i32
      %dma_start3A_2416 = arith.constant 0 : i32
      %dma_start3A_2417 = tpu.memref_slice %arg3[%add3A_2289, %dma_start3A_2415, %dma_start3A_2416] : memref<2048x256x128xf32, #tpu.memory_space<hbm>> -> memref<1x8x128xf32, #tpu.memory_space<hbm>>
      %dma_start3A_2418 = tpu.memref_squeeze %dma_start3A_2417 : memref<1x8x128xf32, #tpu.memory_space<hbm>> -> memref<8x128xf32, #tpu.memory_space<hbm>>
      %dma_start3A_2419 = arith.constant 0 : i32
      %dma_start3A_2420 = tpu.memref_slice %arg6[%and3A_2292, %dma_start3A_2419, %multiple_of3A_2414] : memref<8x16x4224xf32, #tpu.memory_space<vmem_shared>> -> memref<1x8x128xf32, #tpu.memory_space<vmem_shared>>
      %dma_start3A_2421 = tpu.memref_squeeze %dma_start3A_2420 : memref<1x8x128xf32, #tpu.memory_space<vmem_shared>> -> memref<8x128xf32, #tpu.memory_space<vmem_shared>>
      tpu.enqueue_dma source(%dma_start3A_2421 : memref<8x128xf32, #tpu.memory_space<vmem_shared>>) target(%dma_start3A_2418 : memref<8x128xf32, #tpu.memory_space<hbm>>) target_semaphore(%arg7 : memref<!tpu.dma_semaphore, #tpu.memory_space<semaphore_mem>>)
      %add3A_2422 = arith.constant 1664 : i32
      %add3A_2423 = arith.addi %sub3A_2293, %add3A_2422 : i32
      %multiple_of3A_2424 = tpu.assume_multiple %add3A_2423, 8 : i32
      %dma_start3A_2425 = arith.constant 104 : i32
      %dma_start3A_2426 = arith.constant 0 : i32
      %dma_start3A_2427 = tpu.memref_slice %arg3[%add3A_2289, %dma_start3A_2425, %dma_start3A_2426] : memref<2048x256x128xf32, #tpu.memory_space<hbm>> -> memref<1x8x128xf32, #tpu.memory_space<hbm>>
      %dma_start3A_2428 = tpu.memref_squeeze %dma_start3A_2427 : memref<1x8x128xf32, #tpu.memory_space<hbm>> -> memref<8x128xf32, #tpu.memory_space<hbm>>
      %dma_start3A_2429 = arith.constant 0 : i32
      %dma_start3A_2430 = tpu.memref_slice %arg6[%and3A_2292, %dma_start3A_2429, %multiple_of3A_2424] : memref<8x16x4224xf32, #tpu.memory_space<vmem_shared>> -> memref<1x8x128xf32, #tpu.memory_space<vmem_shared>>
      %dma_start3A_2431 = tpu.memref_squeeze %dma_start3A_2430 : memref<1x8x128xf32, #tpu.memory_space<vmem_shared>> -> memref<8x128xf32, #tpu.memory_space<vmem_shared>>
      tpu.enqueue_dma source(%dma_start3A_2431 : memref<8x128xf32, #tpu.memory_space<vmem_shared>>) target(%dma_start3A_2428 : memref<8x128xf32, #tpu.memory_space<hbm>>) target_semaphore(%arg7 : memref<!tpu.dma_semaphore, #tpu.memory_space<semaphore_mem>>)
      %add3A_2432 = arith.constant 1792 : i32
      %add3A_2433 = arith.addi %sub3A_2293, %add3A_2432 : i32
      %multiple_of3A_2434 = tpu.assume_multiple %add3A_2433, 8 : i32
      %dma_start3A_2435 = arith.constant 112 : i32
      %dma_start3A_2436 = arith.constant 0 : i32
      %dma_start3A_2437 = tpu.memref_slice %arg3[%add3A_2289, %dma_start3A_2435, %dma_start3A_2436] : memref<2048x256x128xf32, #tpu.memory_space<hbm>> -> memref<1x8x128xf32, #tpu.memory_space<hbm>>
      %dma_start3A_2438 = tpu.memref_squeeze %dma_start3A_2437 : memref<1x8x128xf32, #tpu.memory_space<hbm>> -> memref<8x128xf32, #tpu.memory_space<hbm>>
      %dma_start3A_2439 = arith.constant 0 : i32
      %dma_start3A_2440 = tpu.memref_slice %arg6[%and3A_2292, %dma_start3A_2439, %multiple_of3A_2434] : memref<8x16x4224xf32, #tpu.memory_space<vmem_shared>> -> memref<1x8x128xf32, #tpu.memory_space<vmem_shared>>
      %dma_start3A_2441 = tpu.memref_squeeze %dma_start3A_2440 : memref<1x8x128xf32, #tpu.memory_space<vmem_shared>> -> memref<8x128xf32, #tpu.memory_space<vmem_shared>>
      tpu.enqueue_dma source(%dma_start3A_2441 : memref<8x128xf32, #tpu.memory_space<vmem_shared>>) target(%dma_start3A_2438 : memref<8x128xf32, #tpu.memory_space<hbm>>) target_semaphore(%arg7 : memref<!tpu.dma_semaphore, #tpu.memory_space<semaphore_mem>>)
      %add3A_2442 = arith.constant 1920 : i32
      %add3A_2443 = arith.addi %sub3A_2293, %add3A_2442 : i32
      %multiple_of3A_2444 = tpu.assume_multiple %add3A_2443, 8 : i32
      %dma_start3A_2445 = arith.constant 120 : i32
      %dma_start3A_2446 = arith.constant 0 : i32
      %dma_start3A_2447 = tpu.memref_slice %arg3[%add3A_2289, %dma_start3A_2445, %dma_start3A_2446] : memref<2048x256x128xf32, #tpu.memory_space<hbm>> -> memref<1x8x128xf32, #tpu.memory_space<hbm>>
      %dma_start3A_2448 = tpu.memref_squeeze %dma_start3A_2447 : memref<1x8x128xf32, #tpu.memory_space<hbm>> -> memref<8x128xf32, #tpu.memory_space<hbm>>
      %dma_start3A_2449 = arith.constant 0 : i32
      %dma_start3A_2450 = tpu.memref_slice %arg6[%and3A_2292, %dma_start3A_2449, %multiple_of3A_2444] : memref<8x16x4224xf32, #tpu.memory_space<vmem_shared>> -> memref<1x8x128xf32, #tpu.memory_space<vmem_shared>>
      %dma_start3A_2451 = tpu.memref_squeeze %dma_start3A_2450 : memref<1x8x128xf32, #tpu.memory_space<vmem_shared>> -> memref<8x128xf32, #tpu.memory_space<vmem_shared>>
      tpu.enqueue_dma source(%dma_start3A_2451 : memref<8x128xf32, #tpu.memory_space<vmem_shared>>) target(%dma_start3A_2448 : memref<8x128xf32, #tpu.memory_space<hbm>>) target_semaphore(%arg7 : memref<!tpu.dma_semaphore, #tpu.memory_space<semaphore_mem>>)
      %add3A_2452 = arith.constant 0 : i32
      %add3A_2453 = arith.addi %sub3A_2293, %add3A_2452 : i32
      %multiple_of3A_2454 = tpu.assume_multiple %add3A_2453, 8 : i32
      %dma_start3A_2455 = arith.constant 128 : i32
      %dma_start3A_2456 = arith.constant 0 : i32
      %dma_start3A_2457 = tpu.memref_slice %arg3[%add3A_2289, %dma_start3A_2455, %dma_start3A_2456] : memref<2048x256x128xf32, #tpu.memory_space<hbm>> -> memref<1x8x128xf32, #tpu.memory_space<hbm>>
      %dma_start3A_2458 = tpu.memref_squeeze %dma_start3A_2457 : memref<1x8x128xf32, #tpu.memory_space<hbm>> -> memref<8x128xf32, #tpu.memory_space<hbm>>
      %dma_start3A_2459 = arith.constant 8 : i32
      %dma_start3A_2460 = tpu.memref_slice %arg6[%and3A_2292, %dma_start3A_2459, %multiple_of3A_2454] : memref<8x16x4224xf32, #tpu.memory_space<vmem_shared>> -> memref<1x8x128xf32, #tpu.memory_space<vmem_shared>>
      %dma_start3A_2461 = tpu.memref_squeeze %dma_start3A_2460 : memref<1x8x128xf32, #tpu.memory_space<vmem_shared>> -> memref<8x128xf32, #tpu.memory_space<vmem_shared>>
      tpu.enqueue_dma source(%dma_start3A_2461 : memref<8x128xf32, #tpu.memory_space<vmem_shared>>) target(%dma_start3A_2458 : memref<8x128xf32, #tpu.memory_space<hbm>>) target_semaphore(%arg7 : memref<!tpu.dma_semaphore, #tpu.memory_space<semaphore_mem>>)
      %add3A_2462 = arith.constant 128 : i32
      %add3A_2463 = arith.addi %sub3A_2293, %add3A_2462 : i32
      %multiple_of3A_2464 = tpu.assume_multiple %add3A_2463, 8 : i32
      %dma_start3A_2465 = arith.constant 136 : i32
      %dma_start3A_2466 = arith.constant 0 : i32
      %dma_start3A_2467 = tpu.memref_slice %arg3[%add3A_2289, %dma_start3A_2465, %dma_start3A_2466] : memref<2048x256x128xf32, #tpu.memory_space<hbm>> -> memref<1x8x128xf32, #tpu.memory_space<hbm>>
      %dma_start3A_2468 = tpu.memref_squeeze %dma_start3A_2467 : memref<1x8x128xf32, #tpu.memory_space<hbm>> -> memref<8x128xf32, #tpu.memory_space<hbm>>
      %dma_start3A_2469 = arith.constant 8 : i32
      %dma_start3A_2470 = tpu.memref_slice %arg6[%and3A_2292, %dma_start3A_2469, %multiple_of3A_2464] : memref<8x16x4224xf32, #tpu.memory_space<vmem_shared>> -> memref<1x8x128xf32, #tpu.memory_space<vmem_shared>>
      %dma_start3A_2471 = tpu.memref_squeeze %dma_start3A_2470 : memref<1x8x128xf32, #tpu.memory_space<vmem_shared>> -> memref<8x128xf32, #tpu.memory_space<vmem_shared>>
      tpu.enqueue_dma source(%dma_start3A_2471 : memref<8x128xf32, #tpu.memory_space<vmem_shared>>) target(%dma_start3A_2468 : memref<8x128xf32, #tpu.memory_space<hbm>>) target_semaphore(%arg7 : memref<!tpu.dma_semaphore, #tpu.memory_space<semaphore_mem>>)
      %add3A_2472 = arith.constant 256 : i32
      %add3A_2473 = arith.addi %sub3A_2293, %add3A_2472 : i32
      %multiple_of3A_2474 = tpu.assume_multiple %add3A_2473, 8 : i32
      %dma_start3A_2475 = arith.constant 144 : i32
      %dma_start3A_2476 = arith.constant 0 : i32
      %dma_start3A_2477 = tpu.memref_slice %arg3[%add3A_2289, %dma_start3A_2475, %dma_start3A_2476] : memref<2048x256x128xf32, #tpu.memory_space<hbm>> -> memref<1x8x128xf32, #tpu.memory_space<hbm>>
      %dma_start3A_2478 = tpu.memref_squeeze %dma_start3A_2477 : memref<1x8x128xf32, #tpu.memory_space<hbm>> -> memref<8x128xf32, #tpu.memory_space<hbm>>
      %dma_start3A_2479 = arith.constant 8 : i32
      %dma_start3A_2480 = tpu.memref_slice %arg6[%and3A_2292, %dma_start3A_2479, %multiple_of3A_2474] : memref<8x16x4224xf32, #tpu.memory_space<vmem_shared>> -> memref<1x8x128xf32, #tpu.memory_space<vmem_shared>>
      %dma_start3A_2481 = tpu.memref_squeeze %dma_start3A_2480 : memref<1x8x128xf32, #tpu.memory_space<vmem_shared>> -> memref<8x128xf32, #tpu.memory_space<vmem_shared>>
      tpu.enqueue_dma source(%dma_start3A_2481 : memref<8x128xf32, #tpu.memory_space<vmem_shared>>) target(%dma_start3A_2478 : memref<8x128xf32, #tpu.memory_space<hbm>>) target_semaphore(%arg7 : memref<!tpu.dma_semaphore, #tpu.memory_space<semaphore_mem>>)
      %add3A_2482 = arith.constant 384 : i32
      %add3A_2483 = arith.addi %sub3A_2293, %add3A_2482 : i32
      %multiple_of3A_2484 = tpu.assume_multiple %add3A_2483, 8 : i32
      %dma_start3A_2485 = arith.constant 152 : i32
      %dma_start3A_2486 = arith.constant 0 : i32
      %dma_start3A_2487 = tpu.memref_slice %arg3[%add3A_2289, %dma_start3A_2485, %dma_start3A_2486] : memref<2048x256x128xf32, #tpu.memory_space<hbm>> -> memref<1x8x128xf32, #tpu.memory_space<hbm>>
      %dma_start3A_2488 = tpu.memref_squeeze %dma_start3A_2487 : memref<1x8x128xf32, #tpu.memory_space<hbm>> -> memref<8x128xf32, #tpu.memory_space<hbm>>
      %dma_start3A_2489 = arith.constant 8 : i32
      %dma_start3A_2490 = tpu.memref_slice %arg6[%and3A_2292, %dma_start3A_2489, %multiple_of3A_2484] : memref<8x16x4224xf32, #tpu.memory_space<vmem_shared>> -> memref<1x8x128xf32, #tpu.memory_space<vmem_shared>>
      %dma_start3A_2491 = tpu.memref_squeeze %dma_start3A_2490 : memref<1x8x128xf32, #tpu.memory_space<vmem_shared>> -> memref<8x128xf32, #tpu.memory_space<vmem_shared>>
      tpu.enqueue_dma source(%dma_start3A_2491 : memref<8x128xf32, #tpu.memory_space<vmem_shared>>) target(%dma_start3A_2488 : memref<8x128xf32, #tpu.memory_space<hbm>>) target_semaphore(%arg7 : memref<!tpu.dma_semaphore, #tpu.memory_space<semaphore_mem>>)
      %add3A_2492 = arith.constant 512 : i32
      %add3A_2493 = arith.addi %sub3A_2293, %add3A_2492 : i32
      %multiple_of3A_2494 = tpu.assume_multiple %add3A_2493, 8 : i32
      %dma_start3A_2495 = arith.constant 160 : i32
      %dma_start3A_2496 = arith.constant 0 : i32
      %dma_start3A_2497 = tpu.memref_slice %arg3[%add3A_2289, %dma_start3A_2495, %dma_start3A_2496] : memref<2048x256x128xf32, #tpu.memory_space<hbm>> -> memref<1x8x128xf32, #tpu.memory_space<hbm>>
      %dma_start3A_2498 = tpu.memref_squeeze %dma_start3A_2497 : memref<1x8x128xf32, #tpu.memory_space<hbm>> -> memref<8x128xf32, #tpu.memory_space<hbm>>
      %dma_start3A_2499 = arith.constant 8 : i32
      %dma_start3A_2500 = tpu.memref_slice %arg6[%and3A_2292, %dma_start3A_2499, %multiple_of3A_2494] : memref<8x16x4224xf32, #tpu.memory_space<vmem_shared>> -> memref<1x8x128xf32, #tpu.memory_space<vmem_shared>>
      %dma_start3A_2501 = tpu.memref_squeeze %dma_start3A_2500 : memref<1x8x128xf32, #tpu.memory_space<vmem_shared>> -> memref<8x128xf32, #tpu.memory_space<vmem_shared>>
      tpu.enqueue_dma source(%dma_start3A_2501 : memref<8x128xf32, #tpu.memory_space<vmem_shared>>) target(%dma_start3A_2498 : memref<8x128xf32, #tpu.memory_space<hbm>>) target_semaphore(%arg7 : memref<!tpu.dma_semaphore, #tpu.memory_space<semaphore_mem>>)
      %add3A_2502 = arith.constant 640 : i32
      %add3A_2503 = arith.addi %sub3A_2293, %add3A_2502 : i32
      %multiple_of3A_2504 = tpu.assume_multiple %add3A_2503, 8 : i32
      %dma_start3A_2505 = arith.constant 168 : i32
      %dma_start3A_2506 = arith.constant 0 : i32
      %dma_start3A_2507 = tpu.memref_slice %arg3[%add3A_2289, %dma_start3A_2505, %dma_start3A_2506] : memref<2048x256x128xf32, #tpu.memory_space<hbm>> -> memref<1x8x128xf32, #tpu.memory_space<hbm>>
      %dma_start3A_2508 = tpu.memref_squeeze %dma_start3A_2507 : memref<1x8x128xf32, #tpu.memory_space<hbm>> -> memref<8x128xf32, #tpu.memory_space<hbm>>
      %dma_start3A_2509 = arith.constant 8 : i32
      %dma_start3A_2510 = tpu.memref_slice %arg6[%and3A_2292, %dma_start3A_2509, %multiple_of3A_2504] : memref<8x16x4224xf32, #tpu.memory_space<vmem_shared>> -> memref<1x8x128xf32, #tpu.memory_space<vmem_shared>>
      %dma_start3A_2511 = tpu.memref_squeeze %dma_start3A_2510 : memref<1x8x128xf32, #tpu.memory_space<vmem_shared>> -> memref<8x128xf32, #tpu.memory_space<vmem_shared>>
      tpu.enqueue_dma source(%dma_start3A_2511 : memref<8x128xf32, #tpu.memory_space<vmem_shared>>) target(%dma_start3A_2508 : memref<8x128xf32, #tpu.memory_space<hbm>>) target_semaphore(%arg7 : memref<!tpu.dma_semaphore, #tpu.memory_space<semaphore_mem>>)
      %add3A_2512 = arith.constant 768 : i32
      %add3A_2513 = arith.addi %sub3A_2293, %add3A_2512 : i32
      %multiple_of3A_2514 = tpu.assume_multiple %add3A_2513, 8 : i32
      %dma_start3A_2515 = arith.constant 176 : i32
      %dma_start3A_2516 = arith.constant 0 : i32
      %dma_start3A_2517 = tpu.memref_slice %arg3[%add3A_2289, %dma_start3A_2515, %dma_start3A_2516] : memref<2048x256x128xf32, #tpu.memory_space<hbm>> -> memref<1x8x128xf32, #tpu.memory_space<hbm>>
      %dma_start3A_2518 = tpu.memref_squeeze %dma_start3A_2517 : memref<1x8x128xf32, #tpu.memory_space<hbm>> -> memref<8x128xf32, #tpu.memory_space<hbm>>
      %dma_start3A_2519 = arith.constant 8 : i32
      %dma_start3A_2520 = tpu.memref_slice %arg6[%and3A_2292, %dma_start3A_2519, %multiple_of3A_2514] : memref<8x16x4224xf32, #tpu.memory_space<vmem_shared>> -> memref<1x8x128xf32, #tpu.memory_space<vmem_shared>>
      %dma_start3A_2521 = tpu.memref_squeeze %dma_start3A_2520 : memref<1x8x128xf32, #tpu.memory_space<vmem_shared>> -> memref<8x128xf32, #tpu.memory_space<vmem_shared>>
      tpu.enqueue_dma source(%dma_start3A_2521 : memref<8x128xf32, #tpu.memory_space<vmem_shared>>) target(%dma_start3A_2518 : memref<8x128xf32, #tpu.memory_space<hbm>>) target_semaphore(%arg7 : memref<!tpu.dma_semaphore, #tpu.memory_space<semaphore_mem>>)
      %add3A_2522 = arith.constant 896 : i32
      %add3A_2523 = arith.addi %sub3A_2293, %add3A_2522 : i32
      %multiple_of3A_2524 = tpu.assume_multiple %add3A_2523, 8 : i32
      %dma_start3A_2525 = arith.constant 184 : i32
      %dma_start3A_2526 = arith.constant 0 : i32
      %dma_start3A_2527 = tpu.memref_slice %arg3[%add3A_2289, %dma_start3A_2525, %dma_start3A_2526] : memref<2048x256x128xf32, #tpu.memory_space<hbm>> -> memref<1x8x128xf32, #tpu.memory_space<hbm>>
      %dma_start3A_2528 = tpu.memref_squeeze %dma_start3A_2527 : memref<1x8x128xf32, #tpu.memory_space<hbm>> -> memref<8x128xf32, #tpu.memory_space<hbm>>
      %dma_start3A_2529 = arith.constant 8 : i32
      %dma_start3A_2530 = tpu.memref_slice %arg6[%and3A_2292, %dma_start3A_2529, %multiple_of3A_2524] : memref<8x16x4224xf32, #tpu.memory_space<vmem_shared>> -> memref<1x8x128xf32, #tpu.memory_space<vmem_shared>>
      %dma_start3A_2531 = tpu.memref_squeeze %dma_start3A_2530 : memref<1x8x128xf32, #tpu.memory_space<vmem_shared>> -> memref<8x128xf32, #tpu.memory_space<vmem_shared>>
      tpu.enqueue_dma source(%dma_start3A_2531 : memref<8x128xf32, #tpu.memory_space<vmem_shared>>) target(%dma_start3A_2528 : memref<8x128xf32, #tpu.memory_space<hbm>>) target_semaphore(%arg7 : memref<!tpu.dma_semaphore, #tpu.memory_space<semaphore_mem>>)
      %add3A_2532 = arith.constant 1024 : i32
      %add3A_2533 = arith.addi %sub3A_2293, %add3A_2532 : i32
      %multiple_of3A_2534 = tpu.assume_multiple %add3A_2533, 8 : i32
      %dma_start3A_2535 = arith.constant 192 : i32
      %dma_start3A_2536 = arith.constant 0 : i32
      %dma_start3A_2537 = tpu.memref_slice %arg3[%add3A_2289, %dma_start3A_2535, %dma_start3A_2536] : memref<2048x256x128xf32, #tpu.memory_space<hbm>> -> memref<1x8x128xf32, #tpu.memory_space<hbm>>
      %dma_start3A_2538 = tpu.memref_squeeze %dma_start3A_2537 : memref<1x8x128xf32, #tpu.memory_space<hbm>> -> memref<8x128xf32, #tpu.memory_space<hbm>>
      %dma_start3A_2539 = arith.constant 8 : i32
      %dma_start3A_2540 = tpu.memref_slice %arg6[%and3A_2292, %dma_start3A_2539, %multiple_of3A_2534] : memref<8x16x4224xf32, #tpu.memory_space<vmem_shared>> -> memref<1x8x128xf32, #tpu.memory_space<vmem_shared>>
      %dma_start3A_2541 = tpu.memref_squeeze %dma_start3A_2540 : memref<1x8x128xf32, #tpu.memory_space<vmem_shared>> -> memref<8x128xf32, #tpu.memory_space<vmem_shared>>
      tpu.enqueue_dma source(%dma_start3A_2541 : memref<8x128xf32, #tpu.memory_space<vmem_shared>>) target(%dma_start3A_2538 : memref<8x128xf32, #tpu.memory_space<hbm>>) target_semaphore(%arg7 : memref<!tpu.dma_semaphore, #tpu.memory_space<semaphore_mem>>)
      %add3A_2542 = arith.constant 1152 : i32
      %add3A_2543 = arith.addi %sub3A_2293, %add3A_2542 : i32
      %multiple_of3A_2544 = tpu.assume_multiple %add3A_2543, 8 : i32
      %dma_start3A_2545 = arith.constant 200 : i32
      %dma_start3A_2546 = arith.constant 0 : i32
      %dma_start3A_2547 = tpu.memref_slice %arg3[%add3A_2289, %dma_start3A_2545, %dma_start3A_2546] : memref<2048x256x128xf32, #tpu.memory_space<hbm>> -> memref<1x8x128xf32, #tpu.memory_space<hbm>>
      %dma_start3A_2548 = tpu.memref_squeeze %dma_start3A_2547 : memref<1x8x128xf32, #tpu.memory_space<hbm>> -> memref<8x128xf32, #tpu.memory_space<hbm>>
      %dma_start3A_2549 = arith.constant 8 : i32
      %dma_start3A_2550 = tpu.memref_slice %arg6[%and3A_2292, %dma_start3A_2549, %multiple_of3A_2544] : memref<8x16x4224xf32, #tpu.memory_space<vmem_shared>> -> memref<1x8x128xf32, #tpu.memory_space<vmem_shared>>
      %dma_start3A_2551 = tpu.memref_squeeze %dma_start3A_2550 : memref<1x8x128xf32, #tpu.memory_space<vmem_shared>> -> memref<8x128xf32, #tpu.memory_space<vmem_shared>>
      tpu.enqueue_dma source(%dma_start3A_2551 : memref<8x128xf32, #tpu.memory_space<vmem_shared>>) target(%dma_start3A_2548 : memref<8x128xf32, #tpu.memory_space<hbm>>) target_semaphore(%arg7 : memref<!tpu.dma_semaphore, #tpu.memory_space<semaphore_mem>>)
      %add3A_2552 = arith.constant 1280 : i32
      %add3A_2553 = arith.addi %sub3A_2293, %add3A_2552 : i32
      %multiple_of3A_2554 = tpu.assume_multiple %add3A_2553, 8 : i32
      %dma_start3A_2555 = arith.constant 208 : i32
      %dma_start3A_2556 = arith.constant 0 : i32
      %dma_start3A_2557 = tpu.memref_slice %arg3[%add3A_2289, %dma_start3A_2555, %dma_start3A_2556] : memref<2048x256x128xf32, #tpu.memory_space<hbm>> -> memref<1x8x128xf32, #tpu.memory_space<hbm>>
      %dma_start3A_2558 = tpu.memref_squeeze %dma_start3A_2557 : memref<1x8x128xf32, #tpu.memory_space<hbm>> -> memref<8x128xf32, #tpu.memory_space<hbm>>
      %dma_start3A_2559 = arith.constant 8 : i32
      %dma_start3A_2560 = tpu.memref_slice %arg6[%and3A_2292, %dma_start3A_2559, %multiple_of3A_2554] : memref<8x16x4224xf32, #tpu.memory_space<vmem_shared>> -> memref<1x8x128xf32, #tpu.memory_space<vmem_shared>>
      %dma_start3A_2561 = tpu.memref_squeeze %dma_start3A_2560 : memref<1x8x128xf32, #tpu.memory_space<vmem_shared>> -> memref<8x128xf32, #tpu.memory_space<vmem_shared>>
      tpu.enqueue_dma source(%dma_start3A_2561 : memref<8x128xf32, #tpu.memory_space<vmem_shared>>) target(%dma_start3A_2558 : memref<8x128xf32, #tpu.memory_space<hbm>>) target_semaphore(%arg7 : memref<!tpu.dma_semaphore, #tpu.memory_space<semaphore_mem>>)
      %add3A_2562 = arith.constant 1408 : i32
      %add3A_2563 = arith.addi %sub3A_2293, %add3A_2562 : i32
      %multiple_of3A_2564 = tpu.assume_multiple %add3A_2563, 8 : i32
      %dma_start3A_2565 = arith.constant 216 : i32
      %dma_start3A_2566 = arith.constant 0 : i32
      %dma_start3A_2567 = tpu.memref_slice %arg3[%add3A_2289, %dma_start3A_2565, %dma_start3A_2566] : memref<2048x256x128xf32, #tpu.memory_space<hbm>> -> memref<1x8x128xf32, #tpu.memory_space<hbm>>
      %dma_start3A_2568 = tpu.memref_squeeze %dma_start3A_2567 : memref<1x8x128xf32, #tpu.memory_space<hbm>> -> memref<8x128xf32, #tpu.memory_space<hbm>>
      %dma_start3A_2569 = arith.constant 8 : i32
      %dma_start3A_2570 = tpu.memref_slice %arg6[%and3A_2292, %dma_start3A_2569, %multiple_of3A_2564] : memref<8x16x4224xf32, #tpu.memory_space<vmem_shared>> -> memref<1x8x128xf32, #tpu.memory_space<vmem_shared>>
      %dma_start3A_2571 = tpu.memref_squeeze %dma_start3A_2570 : memref<1x8x128xf32, #tpu.memory_space<vmem_shared>> -> memref<8x128xf32, #tpu.memory_space<vmem_shared>>
      tpu.enqueue_dma source(%dma_start3A_2571 : memref<8x128xf32, #tpu.memory_space<vmem_shared>>) target(%dma_start3A_2568 : memref<8x128xf32, #tpu.memory_space<hbm>>) target_semaphore(%arg7 : memref<!tpu.dma_semaphore, #tpu.memory_space<semaphore_mem>>)
      %add3A_2572 = arith.constant 1536 : i32
      %add3A_2573 = arith.addi %sub3A_2293, %add3A_2572 : i32
      %multiple_of3A_2574 = tpu.assume_multiple %add3A_2573, 8 : i32
      %dma_start3A_2575 = arith.constant 224 : i32
      %dma_start3A_2576 = arith.constant 0 : i32
      %dma_start3A_2577 = tpu.memref_slice %arg3[%add3A_2289, %dma_start3A_2575, %dma_start3A_2576] : memref<2048x256x128xf32, #tpu.memory_space<hbm>> -> memref<1x8x128xf32, #tpu.memory_space<hbm>>
      %dma_start3A_2578 = tpu.memref_squeeze %dma_start3A_2577 : memref<1x8x128xf32, #tpu.memory_space<hbm>> -> memref<8x128xf32, #tpu.memory_space<hbm>>
      %dma_start3A_2579 = arith.constant 8 : i32
      %dma_start3A_2580 = tpu.memref_slice %arg6[%and3A_2292, %dma_start3A_2579, %multiple_of3A_2574] : memref<8x16x4224xf32, #tpu.memory_space<vmem_shared>> -> memref<1x8x128xf32, #tpu.memory_space<vmem_shared>>
      %dma_start3A_2581 = tpu.memref_squeeze %dma_start3A_2580 : memref<1x8x128xf32, #tpu.memory_space<vmem_shared>> -> memref<8x128xf32, #tpu.memory_space<vmem_shared>>
      tpu.enqueue_dma source(%dma_start3A_2581 : memref<8x128xf32, #tpu.memory_space<vmem_shared>>) target(%dma_start3A_2578 : memref<8x128xf32, #tpu.memory_space<hbm>>) target_semaphore(%arg7 : memref<!tpu.dma_semaphore, #tpu.memory_space<semaphore_mem>>)
      %add3A_2582 = arith.constant 1664 : i32
      %add3A_2583 = arith.addi %sub3A_2293, %add3A_2582 : i32
      %multiple_of3A_2584 = tpu.assume_multiple %add3A_2583, 8 : i32
      %dma_start3A_2585 = arith.constant 232 : i32
      %dma_start3A_2586 = arith.constant 0 : i32
      %dma_start3A_2587 = tpu.memref_slice %arg3[%add3A_2289, %dma_start3A_2585, %dma_start3A_2586] : memref<2048x256x128xf32, #tpu.memory_space<hbm>> -> memref<1x8x128xf32, #tpu.memory_space<hbm>>
      %dma_start3A_2588 = tpu.memref_squeeze %dma_start3A_2587 : memref<1x8x128xf32, #tpu.memory_space<hbm>> -> memref<8x128xf32, #tpu.memory_space<hbm>>
      %dma_start3A_2589 = arith.constant 8 : i32
      %dma_start3A_2590 = tpu.memref_slice %arg6[%and3A_2292, %dma_start3A_2589, %multiple_of3A_2584] : memref<8x16x4224xf32, #tpu.memory_space<vmem_shared>> -> memref<1x8x128xf32, #tpu.memory_space<vmem_shared>>
      %dma_start3A_2591 = tpu.memref_squeeze %dma_start3A_2590 : memref<1x8x128xf32, #tpu.memory_space<vmem_shared>> -> memref<8x128xf32, #tpu.memory_space<vmem_shared>>
      tpu.enqueue_dma source(%dma_start3A_2591 : memref<8x128xf32, #tpu.memory_space<vmem_shared>>) target(%dma_start3A_2588 : memref<8x128xf32, #tpu.memory_space<hbm>>) target_semaphore(%arg7 : memref<!tpu.dma_semaphore, #tpu.memory_space<semaphore_mem>>)
      %add3A_2592 = arith.constant 1792 : i32
      %add3A_2593 = arith.addi %sub3A_2293, %add3A_2592 : i32
      %multiple_of3A_2594 = tpu.assume_multiple %add3A_2593, 8 : i32
      %dma_start3A_2595 = arith.constant 240 : i32
      %dma_start3A_2596 = arith.constant 0 : i32
      %dma_start3A_2597 = tpu.memref_slice %arg3[%add3A_2289, %dma_start3A_2595, %dma_start3A_2596] : memref<2048x256x128xf32, #tpu.memory_space<hbm>> -> memref<1x8x128xf32, #tpu.memory_space<hbm>>
      %dma_start3A_2598 = tpu.memref_squeeze %dma_start3A_2597 : memref<1x8x128xf32, #tpu.memory_space<hbm>> -> memref<8x128xf32, #tpu.memory_space<hbm>>
      %dma_start3A_2599 = arith.constant 8 : i32
      %dma_start3A_2600 = tpu.memref_slice %arg6[%and3A_2292, %dma_start3A_2599, %multiple_of3A_2594] : memref<8x16x4224xf32, #tpu.memory_space<vmem_shared>> -> memref<1x8x128xf32, #tpu.memory_space<vmem_shared>>
      %dma_start3A_2601 = tpu.memref_squeeze %dma_start3A_2600 : memref<1x8x128xf32, #tpu.memory_space<vmem_shared>> -> memref<8x128xf32, #tpu.memory_space<vmem_shared>>
      tpu.enqueue_dma source(%dma_start3A_2601 : memref<8x128xf32, #tpu.memory_space<vmem_shared>>) target(%dma_start3A_2598 : memref<8x128xf32, #tpu.memory_space<hbm>>) target_semaphore(%arg7 : memref<!tpu.dma_semaphore, #tpu.memory_space<semaphore_mem>>)
      %add3A_2602 = arith.constant 1920 : i32
      %add3A_2603 = arith.addi %sub3A_2293, %add3A_2602 : i32
      %multiple_of3A_2604 = tpu.assume_multiple %add3A_2603, 8 : i32
      %dma_start3A_2605 = arith.constant 248 : i32
      %dma_start3A_2606 = arith.constant 0 : i32
      %dma_start3A_2607 = tpu.memref_slice %arg3[%add3A_2289, %dma_start3A_2605, %dma_start3A_2606] : memref<2048x256x128xf32, #tpu.memory_space<hbm>> -> memref<1x8x128xf32, #tpu.memory_space<hbm>>
      %dma_start3A_2608 = tpu.memref_squeeze %dma_start3A_2607 : memref<1x8x128xf32, #tpu.memory_space<hbm>> -> memref<8x128xf32, #tpu.memory_space<hbm>>
      %dma_start3A_2609 = arith.constant 8 : i32
      %dma_start3A_2610 = tpu.memref_slice %arg6[%and3A_2292, %dma_start3A_2609, %multiple_of3A_2604] : memref<8x16x4224xf32, #tpu.memory_space<vmem_shared>> -> memref<1x8x128xf32, #tpu.memory_space<vmem_shared>>
      %dma_start3A_2611 = tpu.memref_squeeze %dma_start3A_2610 : memref<1x8x128xf32, #tpu.memory_space<vmem_shared>> -> memref<8x128xf32, #tpu.memory_space<vmem_shared>>
      tpu.enqueue_dma source(%dma_start3A_2611 : memref<8x128xf32, #tpu.memory_space<vmem_shared>>) target(%dma_start3A_2608 : memref<8x128xf32, #tpu.memory_space<hbm>>) target_semaphore(%arg7 : memref<!tpu.dma_semaphore, #tpu.memory_space<semaphore_mem>>)
      %dma_wait3A = arith.constant 0 : i32
      %dma_wait3A_2612 = arith.constant 0 : i32
      %dma_wait3A_2613 = tpu.memref_slice %arg3[%add3A_2289, %dma_wait3A, %dma_wait3A_2612] : memref<2048x256x128xf32, #tpu.memory_space<hbm>> -> memref<1x8x128xf32, #tpu.memory_space<hbm>>
      %dma_wait3A_2614 = tpu.memref_squeeze %dma_wait3A_2613 : memref<1x8x128xf32, #tpu.memory_space<hbm>> -> memref<8x128xf32, #tpu.memory_space<hbm>>
      %dma_wait3A_2615 = arith.constant 0 : i32
      %dma_wait3A_2616 = tpu.memref_slice %arg6[%and3A_2292, %dma_wait3A_2615, %multiple_of3A] : memref<8x16x4224xf32, #tpu.memory_space<vmem_shared>> -> memref<1x8x128xf32, #tpu.memory_space<vmem_shared>>
      %dma_wait3A_2617 = tpu.memref_squeeze %dma_wait3A_2616 : memref<1x8x128xf32, #tpu.memory_space<vmem_shared>> -> memref<8x128xf32, #tpu.memory_space<vmem_shared>>
      tpu.wait_dma2 semaphore(%arg7 : memref<!tpu.dma_semaphore, #tpu.memory_space<semaphore_mem>>) src(%dma_wait3A_2617 : memref<8x128xf32, #tpu.memory_space<vmem_shared>>) dst(%dma_wait3A_2614 : memref<8x128xf32, #tpu.memory_space<hbm>>)
      %dma_wait3A_2618 = arith.constant 8 : i32
      %dma_wait3A_2619 = arith.constant 0 : i32
      %dma_wait3A_2620 = tpu.memref_slice %arg3[%add3A_2289, %dma_wait3A_2618, %dma_wait3A_2619] : memref<2048x256x128xf32, #tpu.memory_space<hbm>> -> memref<1x8x128xf32, #tpu.memory_space<hbm>>
      %dma_wait3A_2621 = tpu.memref_squeeze %dma_wait3A_2620 : memref<1x8x128xf32, #tpu.memory_space<hbm>> -> memref<8x128xf32, #tpu.memory_space<hbm>>
      %dma_wait3A_2622 = arith.constant 0 : i32
      %dma_wait3A_2623 = tpu.memref_slice %arg6[%and3A_2292, %dma_wait3A_2622, %multiple_of3A_2304] : memref<8x16x4224xf32, #tpu.memory_space<vmem_shared>> -> memref<1x8x128xf32, #tpu.memory_space<vmem_shared>>
      %dma_wait3A_2624 = tpu.memref_squeeze %dma_wait3A_2623 : memref<1x8x128xf32, #tpu.memory_space<vmem_shared>> -> memref<8x128xf32, #tpu.memory_space<vmem_shared>>
      tpu.wait_dma2 semaphore(%arg7 : memref<!tpu.dma_semaphore, #tpu.memory_space<semaphore_mem>>) src(%dma_wait3A_2624 : memref<8x128xf32, #tpu.memory_space<vmem_shared>>) dst(%dma_wait3A_2621 : memref<8x128xf32, #tpu.memory_space<hbm>>)
      %dma_wait3A_2625 = arith.constant 16 : i32
      %dma_wait3A_2626 = arith.constant 0 : i32
      %dma_wait3A_2627 = tpu.memref_slice %arg3[%add3A_2289, %dma_wait3A_2625, %dma_wait3A_2626] : memref<2048x256x128xf32, #tpu.memory_space<hbm>> -> memref<1x8x128xf32, #tpu.memory_space<hbm>>
      %dma_wait3A_2628 = tpu.memref_squeeze %dma_wait3A_2627 : memref<1x8x128xf32, #tpu.memory_space<hbm>> -> memref<8x128xf32, #tpu.memory_space<hbm>>
      %dma_wait3A_2629 = arith.constant 0 : i32
      %dma_wait3A_2630 = tpu.memref_slice %arg6[%and3A_2292, %dma_wait3A_2629, %multiple_of3A_2314] : memref<8x16x4224xf32, #tpu.memory_space<vmem_shared>> -> memref<1x8x128xf32, #tpu.memory_space<vmem_shared>>
      %dma_wait3A_2631 = tpu.memref_squeeze %dma_wait3A_2630 : memref<1x8x128xf32, #tpu.memory_space<vmem_shared>> -> memref<8x128xf32, #tpu.memory_space<vmem_shared>>
      tpu.wait_dma2 semaphore(%arg7 : memref<!tpu.dma_semaphore, #tpu.memory_space<semaphore_mem>>) src(%dma_wait3A_2631 : memref<8x128xf32, #tpu.memory_space<vmem_shared>>) dst(%dma_wait3A_2628 : memref<8x128xf32, #tpu.memory_space<hbm>>)
      %dma_wait3A_2632 = arith.constant 24 : i32
      %dma_wait3A_2633 = arith.constant 0 : i32
      %dma_wait3A_2634 = tpu.memref_slice %arg3[%add3A_2289, %dma_wait3A_2632, %dma_wait3A_2633] : memref<2048x256x128xf32, #tpu.memory_space<hbm>> -> memref<1x8x128xf32, #tpu.memory_space<hbm>>
      %dma_wait3A_2635 = tpu.memref_squeeze %dma_wait3A_2634 : memref<1x8x128xf32, #tpu.memory_space<hbm>> -> memref<8x128xf32, #tpu.memory_space<hbm>>
      %dma_wait3A_2636 = arith.constant 0 : i32
      %dma_wait3A_2637 = tpu.memref_slice %arg6[%and3A_2292, %dma_wait3A_2636, %multiple_of3A_2324] : memref<8x16x4224xf32, #tpu.memory_space<vmem_shared>> -> memref<1x8x128xf32, #tpu.memory_space<vmem_shared>>
      %dma_wait3A_2638 = tpu.memref_squeeze %dma_wait3A_2637 : memref<1x8x128xf32, #tpu.memory_space<vmem_shared>> -> memref<8x128xf32, #tpu.memory_space<vmem_shared>>
      tpu.wait_dma2 semaphore(%arg7 : memref<!tpu.dma_semaphore, #tpu.memory_space<semaphore_mem>>) src(%dma_wait3A_2638 : memref<8x128xf32, #tpu.memory_space<vmem_shared>>) dst(%dma_wait3A_2635 : memref<8x128xf32, #tpu.memory_space<hbm>>)
      %dma_wait3A_2639 = arith.constant 32 : i32
      %dma_wait3A_2640 = arith.constant 0 : i32
      %dma_wait3A_2641 = tpu.memref_slice %arg3[%add3A_2289, %dma_wait3A_2639, %dma_wait3A_2640] : memref<2048x256x128xf32, #tpu.memory_space<hbm>> -> memref<1x8x128xf32, #tpu.memory_space<hbm>>
      %dma_wait3A_2642 = tpu.memref_squeeze %dma_wait3A_2641 : memref<1x8x128xf32, #tpu.memory_space<hbm>> -> memref<8x128xf32, #tpu.memory_space<hbm>>
      %dma_wait3A_2643 = arith.constant 0 : i32
      %dma_wait3A_2644 = tpu.memref_slice %arg6[%and3A_2292, %dma_wait3A_2643, %multiple_of3A_2334] : memref<8x16x4224xf32, #tpu.memory_space<vmem_shared>> -> memref<1x8x128xf32, #tpu.memory_space<vmem_shared>>
      %dma_wait3A_2645 = tpu.memref_squeeze %dma_wait3A_2644 : memref<1x8x128xf32, #tpu.memory_space<vmem_shared>> -> memref<8x128xf32, #tpu.memory_space<vmem_shared>>
      tpu.wait_dma2 semaphore(%arg7 : memref<!tpu.dma_semaphore, #tpu.memory_space<semaphore_mem>>) src(%dma_wait3A_2645 : memref<8x128xf32, #tpu.memory_space<vmem_shared>>) dst(%dma_wait3A_2642 : memref<8x128xf32, #tpu.memory_space<hbm>>)
      %dma_wait3A_2646 = arith.constant 40 : i32
      %dma_wait3A_2647 = arith.constant 0 : i32
      %dma_wait3A_2648 = tpu.memref_slice %arg3[%add3A_2289, %dma_wait3A_2646, %dma_wait3A_2647] : memref<2048x256x128xf32, #tpu.memory_space<hbm>> -> memref<1x8x128xf32, #tpu.memory_space<hbm>>
      %dma_wait3A_2649 = tpu.memref_squeeze %dma_wait3A_2648 : memref<1x8x128xf32, #tpu.memory_space<hbm>> -> memref<8x128xf32, #tpu.memory_space<hbm>>
      %dma_wait3A_2650 = arith.constant 0 : i32
      %dma_wait3A_2651 = tpu.memref_slice %arg6[%and3A_2292, %dma_wait3A_2650, %multiple_of3A_2344] : memref<8x16x4224xf32, #tpu.memory_space<vmem_shared>> -> memref<1x8x128xf32, #tpu.memory_space<vmem_shared>>
      %dma_wait3A_2652 = tpu.memref_squeeze %dma_wait3A_2651 : memref<1x8x128xf32, #tpu.memory_space<vmem_shared>> -> memref<8x128xf32, #tpu.memory_space<vmem_shared>>
      tpu.wait_dma2 semaphore(%arg7 : memref<!tpu.dma_semaphore, #tpu.memory_space<semaphore_mem>>) src(%dma_wait3A_2652 : memref<8x128xf32, #tpu.memory_space<vmem_shared>>) dst(%dma_wait3A_2649 : memref<8x128xf32, #tpu.memory_space<hbm>>)
      %dma_wait3A_2653 = arith.constant 48 : i32
      %dma_wait3A_2654 = arith.constant 0 : i32
      %dma_wait3A_2655 = tpu.memref_slice %arg3[%add3A_2289, %dma_wait3A_2653, %dma_wait3A_2654] : memref<2048x256x128xf32, #tpu.memory_space<hbm>> -> memref<1x8x128xf32, #tpu.memory_space<hbm>>
      %dma_wait3A_2656 = tpu.memref_squeeze %dma_wait3A_2655 : memref<1x8x128xf32, #tpu.memory_space<hbm>> -> memref<8x128xf32, #tpu.memory_space<hbm>>
      %dma_wait3A_2657 = arith.constant 0 : i32
      %dma_wait3A_2658 = tpu.memref_slice %arg6[%and3A_2292, %dma_wait3A_2657, %multiple_of3A_2354] : memref<8x16x4224xf32, #tpu.memory_space<vmem_shared>> -> memref<1x8x128xf32, #tpu.memory_space<vmem_shared>>
      %dma_wait3A_2659 = tpu.memref_squeeze %dma_wait3A_2658 : memref<1x8x128xf32, #tpu.memory_space<vmem_shared>> -> memref<8x128xf32, #tpu.memory_space<vmem_shared>>
      tpu.wait_dma2 semaphore(%arg7 : memref<!tpu.dma_semaphore, #tpu.memory_space<semaphore_mem>>) src(%dma_wait3A_2659 : memref<8x128xf32, #tpu.memory_space<vmem_shared>>) dst(%dma_wait3A_2656 : memref<8x128xf32, #tpu.memory_space<hbm>>)
      %dma_wait3A_2660 = arith.constant 56 : i32
      %dma_wait3A_2661 = arith.constant 0 : i32
      %dma_wait3A_2662 = tpu.memref_slice %arg3[%add3A_2289, %dma_wait3A_2660, %dma_wait3A_2661] : memref<2048x256x128xf32, #tpu.memory_space<hbm>> -> memref<1x8x128xf32, #tpu.memory_space<hbm>>
      %dma_wait3A_2663 = tpu.memref_squeeze %dma_wait3A_2662 : memref<1x8x128xf32, #tpu.memory_space<hbm>> -> memref<8x128xf32, #tpu.memory_space<hbm>>
      %dma_wait3A_2664 = arith.constant 0 : i32
      %dma_wait3A_2665 = tpu.memref_slice %arg6[%and3A_2292, %dma_wait3A_2664, %multiple_of3A_2364] : memref<8x16x4224xf32, #tpu.memory_space<vmem_shared>> -> memref<1x8x128xf32, #tpu.memory_space<vmem_shared>>
      %dma_wait3A_2666 = tpu.memref_squeeze %dma_wait3A_2665 : memref<1x8x128xf32, #tpu.memory_space<vmem_shared>> -> memref<8x128xf32, #tpu.memory_space<vmem_shared>>
      tpu.wait_dma2 semaphore(%arg7 : memref<!tpu.dma_semaphore, #tpu.memory_space<semaphore_mem>>) src(%dma_wait3A_2666 : memref<8x128xf32, #tpu.memory_space<vmem_shared>>) dst(%dma_wait3A_2663 : memref<8x128xf32, #tpu.memory_space<hbm>>)
      %dma_wait3A_2667 = arith.constant 64 : i32
      %dma_wait3A_2668 = arith.constant 0 : i32
      %dma_wait3A_2669 = tpu.memref_slice %arg3[%add3A_2289, %dma_wait3A_2667, %dma_wait3A_2668] : memref<2048x256x128xf32, #tpu.memory_space<hbm>> -> memref<1x8x128xf32, #tpu.memory_space<hbm>>
      %dma_wait3A_2670 = tpu.memref_squeeze %dma_wait3A_2669 : memref<1x8x128xf32, #tpu.memory_space<hbm>> -> memref<8x128xf32, #tpu.memory_space<hbm>>
      %dma_wait3A_2671 = arith.constant 0 : i32
      %dma_wait3A_2672 = tpu.memref_slice %arg6[%and3A_2292, %dma_wait3A_2671, %multiple_of3A_2374] : memref<8x16x4224xf32, #tpu.memory_space<vmem_shared>> -> memref<1x8x128xf32, #tpu.memory_space<vmem_shared>>
      %dma_wait3A_2673 = tpu.memref_squeeze %dma_wait3A_2672 : memref<1x8x128xf32, #tpu.memory_space<vmem_shared>> -> memref<8x128xf32, #tpu.memory_space<vmem_shared>>
      tpu.wait_dma2 semaphore(%arg7 : memref<!tpu.dma_semaphore, #tpu.memory_space<semaphore_mem>>) src(%dma_wait3A_2673 : memref<8x128xf32, #tpu.memory_space<vmem_shared>>) dst(%dma_wait3A_2670 : memref<8x128xf32, #tpu.memory_space<hbm>>)
      %dma_wait3A_2674 = arith.constant 72 : i32
      %dma_wait3A_2675 = arith.constant 0 : i32
      %dma_wait3A_2676 = tpu.memref_slice %arg3[%add3A_2289, %dma_wait3A_2674, %dma_wait3A_2675] : memref<2048x256x128xf32, #tpu.memory_space<hbm>> -> memref<1x8x128xf32, #tpu.memory_space<hbm>>
      %dma_wait3A_2677 = tpu.memref_squeeze %dma_wait3A_2676 : memref<1x8x128xf32, #tpu.memory_space<hbm>> -> memref<8x128xf32, #tpu.memory_space<hbm>>
      %dma_wait3A_2678 = arith.constant 0 : i32
      %dma_wait3A_2679 = tpu.memref_slice %arg6[%and3A_2292, %dma_wait3A_2678, %multiple_of3A_2384] : memref<8x16x4224xf32, #tpu.memory_space<vmem_shared>> -> memref<1x8x128xf32, #tpu.memory_space<vmem_shared>>
      %dma_wait3A_2680 = tpu.memref_squeeze %dma_wait3A_2679 : memref<1x8x128xf32, #tpu.memory_space<vmem_shared>> -> memref<8x128xf32, #tpu.memory_space<vmem_shared>>
      tpu.wait_dma2 semaphore(%arg7 : memref<!tpu.dma_semaphore, #tpu.memory_space<semaphore_mem>>) src(%dma_wait3A_2680 : memref<8x128xf32, #tpu.memory_space<vmem_shared>>) dst(%dma_wait3A_2677 : memref<8x128xf32, #tpu.memory_space<hbm>>)
      %dma_wait3A_2681 = arith.constant 80 : i32
      %dma_wait3A_2682 = arith.constant 0 : i32
      %dma_wait3A_2683 = tpu.memref_slice %arg3[%add3A_2289, %dma_wait3A_2681, %dma_wait3A_2682] : memref<2048x256x128xf32, #tpu.memory_space<hbm>> -> memref<1x8x128xf32, #tpu.memory_space<hbm>>
      %dma_wait3A_2684 = tpu.memref_squeeze %dma_wait3A_2683 : memref<1x8x128xf32, #tpu.memory_space<hbm>> -> memref<8x128xf32, #tpu.memory_space<hbm>>
      %dma_wait3A_2685 = arith.constant 0 : i32
      %dma_wait3A_2686 = tpu.memref_slice %arg6[%and3A_2292, %dma_wait3A_2685, %multiple_of3A_2394] : memref<8x16x4224xf32, #tpu.memory_space<vmem_shared>> -> memref<1x8x128xf32, #tpu.memory_space<vmem_shared>>
      %dma_wait3A_2687 = tpu.memref_squeeze %dma_wait3A_2686 : memref<1x8x128xf32, #tpu.memory_space<vmem_shared>> -> memref<8x128xf32, #tpu.memory_space<vmem_shared>>
      tpu.wait_dma2 semaphore(%arg7 : memref<!tpu.dma_semaphore, #tpu.memory_space<semaphore_mem>>) src(%dma_wait3A_2687 : memref<8x128xf32, #tpu.memory_space<vmem_shared>>) dst(%dma_wait3A_2684 : memref<8x128xf32, #tpu.memory_space<hbm>>)
      %dma_wait3A_2688 = arith.constant 88 : i32
      %dma_wait3A_2689 = arith.constant 0 : i32
      %dma_wait3A_2690 = tpu.memref_slice %arg3[%add3A_2289, %dma_wait3A_2688, %dma_wait3A_2689] : memref<2048x256x128xf32, #tpu.memory_space<hbm>> -> memref<1x8x128xf32, #tpu.memory_space<hbm>>
      %dma_wait3A_2691 = tpu.memref_squeeze %dma_wait3A_2690 : memref<1x8x128xf32, #tpu.memory_space<hbm>> -> memref<8x128xf32, #tpu.memory_space<hbm>>
      %dma_wait3A_2692 = arith.constant 0 : i32
      %dma_wait3A_2693 = tpu.memref_slice %arg6[%and3A_2292, %dma_wait3A_2692, %multiple_of3A_2404] : memref<8x16x4224xf32, #tpu.memory_space<vmem_shared>> -> memref<1x8x128xf32, #tpu.memory_space<vmem_shared>>
      %dma_wait3A_2694 = tpu.memref_squeeze %dma_wait3A_2693 : memref<1x8x128xf32, #tpu.memory_space<vmem_shared>> -> memref<8x128xf32, #tpu.memory_space<vmem_shared>>
      tpu.wait_dma2 semaphore(%arg7 : memref<!tpu.dma_semaphore, #tpu.memory_space<semaphore_mem>>) src(%dma_wait3A_2694 : memref<8x128xf32, #tpu.memory_space<vmem_shared>>) dst(%dma_wait3A_2691 : memref<8x128xf32, #tpu.memory_space<hbm>>)
      %dma_wait3A_2695 = arith.constant 96 : i32
      %dma_wait3A_2696 = arith.constant 0 : i32
      %dma_wait3A_2697 = tpu.memref_slice %arg3[%add3A_2289, %dma_wait3A_2695, %dma_wait3A_2696] : memref<2048x256x128xf32, #tpu.memory_space<hbm>> -> memref<1x8x128xf32, #tpu.memory_space<hbm>>
      %dma_wait3A_2698 = tpu.memref_squeeze %dma_wait3A_2697 : memref<1x8x128xf32, #tpu.memory_space<hbm>> -> memref<8x128xf32, #tpu.memory_space<hbm>>
      %dma_wait3A_2699 = arith.constant 0 : i32
      %dma_wait3A_2700 = tpu.memref_slice %arg6[%and3A_2292, %dma_wait3A_2699, %multiple_of3A_2414] : memref<8x16x4224xf32, #tpu.memory_space<vmem_shared>> -> memref<1x8x128xf32, #tpu.memory_space<vmem_shared>>
      %dma_wait3A_2701 = tpu.memref_squeeze %dma_wait3A_2700 : memref<1x8x128xf32, #tpu.memory_space<vmem_shared>> -> memref<8x128xf32, #tpu.memory_space<vmem_shared>>
      tpu.wait_dma2 semaphore(%arg7 : memref<!tpu.dma_semaphore, #tpu.memory_space<semaphore_mem>>) src(%dma_wait3A_2701 : memref<8x128xf32, #tpu.memory_space<vmem_shared>>) dst(%dma_wait3A_2698 : memref<8x128xf32, #tpu.memory_space<hbm>>)
      %dma_wait3A_2702 = arith.constant 104 : i32
      %dma_wait3A_2703 = arith.constant 0 : i32
      %dma_wait3A_2704 = tpu.memref_slice %arg3[%add3A_2289, %dma_wait3A_2702, %dma_wait3A_2703] : memref<2048x256x128xf32, #tpu.memory_space<hbm>> -> memref<1x8x128xf32, #tpu.memory_space<hbm>>
      %dma_wait3A_2705 = tpu.memref_squeeze %dma_wait3A_2704 : memref<1x8x128xf32, #tpu.memory_space<hbm>> -> memref<8x128xf32, #tpu.memory_space<hbm>>
      %dma_wait3A_2706 = arith.constant 0 : i32
      %dma_wait3A_2707 = tpu.memref_slice %arg6[%and3A_2292, %dma_wait3A_2706, %multiple_of3A_2424] : memref<8x16x4224xf32, #tpu.memory_space<vmem_shared>> -> memref<1x8x128xf32, #tpu.memory_space<vmem_shared>>
      %dma_wait3A_2708 = tpu.memref_squeeze %dma_wait3A_2707 : memref<1x8x128xf32, #tpu.memory_space<vmem_shared>> -> memref<8x128xf32, #tpu.memory_space<vmem_shared>>
      tpu.wait_dma2 semaphore(%arg7 : memref<!tpu.dma_semaphore, #tpu.memory_space<semaphore_mem>>) src(%dma_wait3A_2708 : memref<8x128xf32, #tpu.memory_space<vmem_shared>>) dst(%dma_wait3A_2705 : memref<8x128xf32, #tpu.memory_space<hbm>>)
      %dma_wait3A_2709 = arith.constant 112 : i32
      %dma_wait3A_2710 = arith.constant 0 : i32
      %dma_wait3A_2711 = tpu.memref_slice %arg3[%add3A_2289, %dma_wait3A_2709, %dma_wait3A_2710] : memref<2048x256x128xf32, #tpu.memory_space<hbm>> -> memref<1x8x128xf32, #tpu.memory_space<hbm>>
      %dma_wait3A_2712 = tpu.memref_squeeze %dma_wait3A_2711 : memref<1x8x128xf32, #tpu.memory_space<hbm>> -> memref<8x128xf32, #tpu.memory_space<hbm>>
      %dma_wait3A_2713 = arith.constant 0 : i32
      %dma_wait3A_2714 = tpu.memref_slice %arg6[%and3A_2292, %dma_wait3A_2713, %multiple_of3A_2434] : memref<8x16x4224xf32, #tpu.memory_space<vmem_shared>> -> memref<1x8x128xf32, #tpu.memory_space<vmem_shared>>
      %dma_wait3A_2715 = tpu.memref_squeeze %dma_wait3A_2714 : memref<1x8x128xf32, #tpu.memory_space<vmem_shared>> -> memref<8x128xf32, #tpu.memory_space<vmem_shared>>
      tpu.wait_dma2 semaphore(%arg7 : memref<!tpu.dma_semaphore, #tpu.memory_space<semaphore_mem>>) src(%dma_wait3A_2715 : memref<8x128xf32, #tpu.memory_space<vmem_shared>>) dst(%dma_wait3A_2712 : memref<8x128xf32, #tpu.memory_space<hbm>>)
      %dma_wait3A_2716 = arith.constant 120 : i32
      %dma_wait3A_2717 = arith.constant 0 : i32
      %dma_wait3A_2718 = tpu.memref_slice %arg3[%add3A_2289, %dma_wait3A_2716, %dma_wait3A_2717] : memref<2048x256x128xf32, #tpu.memory_space<hbm>> -> memref<1x8x128xf32, #tpu.memory_space<hbm>>
      %dma_wait3A_2719 = tpu.memref_squeeze %dma_wait3A_2718 : memref<1x8x128xf32, #tpu.memory_space<hbm>> -> memref<8x128xf32, #tpu.memory_space<hbm>>
      %dma_wait3A_2720 = arith.constant 0 : i32
      %dma_wait3A_2721 = tpu.memref_slice %arg6[%and3A_2292, %dma_wait3A_2720, %multiple_of3A_2444] : memref<8x16x4224xf32, #tpu.memory_space<vmem_shared>> -> memref<1x8x128xf32, #tpu.memory_space<vmem_shared>>
      %dma_wait3A_2722 = tpu.memref_squeeze %dma_wait3A_2721 : memref<1x8x128xf32, #tpu.memory_space<vmem_shared>> -> memref<8x128xf32, #tpu.memory_space<vmem_shared>>
      tpu.wait_dma2 semaphore(%arg7 : memref<!tpu.dma_semaphore, #tpu.memory_space<semaphore_mem>>) src(%dma_wait3A_2722 : memref<8x128xf32, #tpu.memory_space<vmem_shared>>) dst(%dma_wait3A_2719 : memref<8x128xf32, #tpu.memory_space<hbm>>)
      %dma_wait3A_2723 = arith.constant 128 : i32
      %dma_wait3A_2724 = arith.constant 0 : i32
      %dma_wait3A_2725 = tpu.memref_slice %arg3[%add3A_2289, %dma_wait3A_2723, %dma_wait3A_2724] : memref<2048x256x128xf32, #tpu.memory_space<hbm>> -> memref<1x8x128xf32, #tpu.memory_space<hbm>>
      %dma_wait3A_2726 = tpu.memref_squeeze %dma_wait3A_2725 : memref<1x8x128xf32, #tpu.memory_space<hbm>> -> memref<8x128xf32, #tpu.memory_space<hbm>>
      %dma_wait3A_2727 = arith.constant 8 : i32
      %dma_wait3A_2728 = tpu.memref_slice %arg6[%and3A_2292, %dma_wait3A_2727, %multiple_of3A_2454] : memref<8x16x4224xf32, #tpu.memory_space<vmem_shared>> -> memref<1x8x128xf32, #tpu.memory_space<vmem_shared>>
      %dma_wait3A_2729 = tpu.memref_squeeze %dma_wait3A_2728 : memref<1x8x128xf32, #tpu.memory_space<vmem_shared>> -> memref<8x128xf32, #tpu.memory_space<vmem_shared>>
      tpu.wait_dma2 semaphore(%arg7 : memref<!tpu.dma_semaphore, #tpu.memory_space<semaphore_mem>>) src(%dma_wait3A_2729 : memref<8x128xf32, #tpu.memory_space<vmem_shared>>) dst(%dma_wait3A_2726 : memref<8x128xf32, #tpu.memory_space<hbm>>)
      %dma_wait3A_2730 = arith.constant 136 : i32
      %dma_wait3A_2731 = arith.constant 0 : i32
      %dma_wait3A_2732 = tpu.memref_slice %arg3[%add3A_2289, %dma_wait3A_2730, %dma_wait3A_2731] : memref<2048x256x128xf32, #tpu.memory_space<hbm>> -> memref<1x8x128xf32, #tpu.memory_space<hbm>>
      %dma_wait3A_2733 = tpu.memref_squeeze %dma_wait3A_2732 : memref<1x8x128xf32, #tpu.memory_space<hbm>> -> memref<8x128xf32, #tpu.memory_space<hbm>>
      %dma_wait3A_2734 = arith.constant 8 : i32
      %dma_wait3A_2735 = tpu.memref_slice %arg6[%and3A_2292, %dma_wait3A_2734, %multiple_of3A_2464] : memref<8x16x4224xf32, #tpu.memory_space<vmem_shared>> -> memref<1x8x128xf32, #tpu.memory_space<vmem_shared>>
      %dma_wait3A_2736 = tpu.memref_squeeze %dma_wait3A_2735 : memref<1x8x128xf32, #tpu.memory_space<vmem_shared>> -> memref<8x128xf32, #tpu.memory_space<vmem_shared>>
      tpu.wait_dma2 semaphore(%arg7 : memref<!tpu.dma_semaphore, #tpu.memory_space<semaphore_mem>>) src(%dma_wait3A_2736 : memref<8x128xf32, #tpu.memory_space<vmem_shared>>) dst(%dma_wait3A_2733 : memref<8x128xf32, #tpu.memory_space<hbm>>)
      %dma_wait3A_2737 = arith.constant 144 : i32
      %dma_wait3A_2738 = arith.constant 0 : i32
      %dma_wait3A_2739 = tpu.memref_slice %arg3[%add3A_2289, %dma_wait3A_2737, %dma_wait3A_2738] : memref<2048x256x128xf32, #tpu.memory_space<hbm>> -> memref<1x8x128xf32, #tpu.memory_space<hbm>>
      %dma_wait3A_2740 = tpu.memref_squeeze %dma_wait3A_2739 : memref<1x8x128xf32, #tpu.memory_space<hbm>> -> memref<8x128xf32, #tpu.memory_space<hbm>>
      %dma_wait3A_2741 = arith.constant 8 : i32
      %dma_wait3A_2742 = tpu.memref_slice %arg6[%and3A_2292, %dma_wait3A_2741, %multiple_of3A_2474] : memref<8x16x4224xf32, #tpu.memory_space<vmem_shared>> -> memref<1x8x128xf32, #tpu.memory_space<vmem_shared>>
      %dma_wait3A_2743 = tpu.memref_squeeze %dma_wait3A_2742 : memref<1x8x128xf32, #tpu.memory_space<vmem_shared>> -> memref<8x128xf32, #tpu.memory_space<vmem_shared>>
      tpu.wait_dma2 semaphore(%arg7 : memref<!tpu.dma_semaphore, #tpu.memory_space<semaphore_mem>>) src(%dma_wait3A_2743 : memref<8x128xf32, #tpu.memory_space<vmem_shared>>) dst(%dma_wait3A_2740 : memref<8x128xf32, #tpu.memory_space<hbm>>)
      %dma_wait3A_2744 = arith.constant 152 : i32
      %dma_wait3A_2745 = arith.constant 0 : i32
      %dma_wait3A_2746 = tpu.memref_slice %arg3[%add3A_2289, %dma_wait3A_2744, %dma_wait3A_2745] : memref<2048x256x128xf32, #tpu.memory_space<hbm>> -> memref<1x8x128xf32, #tpu.memory_space<hbm>>
      %dma_wait3A_2747 = tpu.memref_squeeze %dma_wait3A_2746 : memref<1x8x128xf32, #tpu.memory_space<hbm>> -> memref<8x128xf32, #tpu.memory_space<hbm>>
      %dma_wait3A_2748 = arith.constant 8 : i32
      %dma_wait3A_2749 = tpu.memref_slice %arg6[%and3A_2292, %dma_wait3A_2748, %multiple_of3A_2484] : memref<8x16x4224xf32, #tpu.memory_space<vmem_shared>> -> memref<1x8x128xf32, #tpu.memory_space<vmem_shared>>
      %dma_wait3A_2750 = tpu.memref_squeeze %dma_wait3A_2749 : memref<1x8x128xf32, #tpu.memory_space<vmem_shared>> -> memref<8x128xf32, #tpu.memory_space<vmem_shared>>
      tpu.wait_dma2 semaphore(%arg7 : memref<!tpu.dma_semaphore, #tpu.memory_space<semaphore_mem>>) src(%dma_wait3A_2750 : memref<8x128xf32, #tpu.memory_space<vmem_shared>>) dst(%dma_wait3A_2747 : memref<8x128xf32, #tpu.memory_space<hbm>>)
      %dma_wait3A_2751 = arith.constant 160 : i32
      %dma_wait3A_2752 = arith.constant 0 : i32
      %dma_wait3A_2753 = tpu.memref_slice %arg3[%add3A_2289, %dma_wait3A_2751, %dma_wait3A_2752] : memref<2048x256x128xf32, #tpu.memory_space<hbm>> -> memref<1x8x128xf32, #tpu.memory_space<hbm>>
      %dma_wait3A_2754 = tpu.memref_squeeze %dma_wait3A_2753 : memref<1x8x128xf32, #tpu.memory_space<hbm>> -> memref<8x128xf32, #tpu.memory_space<hbm>>
      %dma_wait3A_2755 = arith.constant 8 : i32
      %dma_wait3A_2756 = tpu.memref_slice %arg6[%and3A_2292, %dma_wait3A_2755, %multiple_of3A_2494] : memref<8x16x4224xf32, #tpu.memory_space<vmem_shared>> -> memref<1x8x128xf32, #tpu.memory_space<vmem_shared>>
      %dma_wait3A_2757 = tpu.memref_squeeze %dma_wait3A_2756 : memref<1x8x128xf32, #tpu.memory_space<vmem_shared>> -> memref<8x128xf32, #tpu.memory_space<vmem_shared>>
      tpu.wait_dma2 semaphore(%arg7 : memref<!tpu.dma_semaphore, #tpu.memory_space<semaphore_mem>>) src(%dma_wait3A_2757 : memref<8x128xf32, #tpu.memory_space<vmem_shared>>) dst(%dma_wait3A_2754 : memref<8x128xf32, #tpu.memory_space<hbm>>)
      %dma_wait3A_2758 = arith.constant 168 : i32
      %dma_wait3A_2759 = arith.constant 0 : i32
      %dma_wait3A_2760 = tpu.memref_slice %arg3[%add3A_2289, %dma_wait3A_2758, %dma_wait3A_2759] : memref<2048x256x128xf32, #tpu.memory_space<hbm>> -> memref<1x8x128xf32, #tpu.memory_space<hbm>>
      %dma_wait3A_2761 = tpu.memref_squeeze %dma_wait3A_2760 : memref<1x8x128xf32, #tpu.memory_space<hbm>> -> memref<8x128xf32, #tpu.memory_space<hbm>>
      %dma_wait3A_2762 = arith.constant 8 : i32
      %dma_wait3A_2763 = tpu.memref_slice %arg6[%and3A_2292, %dma_wait3A_2762, %multiple_of3A_2504] : memref<8x16x4224xf32, #tpu.memory_space<vmem_shared>> -> memref<1x8x128xf32, #tpu.memory_space<vmem_shared>>
      %dma_wait3A_2764 = tpu.memref_squeeze %dma_wait3A_2763 : memref<1x8x128xf32, #tpu.memory_space<vmem_shared>> -> memref<8x128xf32, #tpu.memory_space<vmem_shared>>
      tpu.wait_dma2 semaphore(%arg7 : memref<!tpu.dma_semaphore, #tpu.memory_space<semaphore_mem>>) src(%dma_wait3A_2764 : memref<8x128xf32, #tpu.memory_space<vmem_shared>>) dst(%dma_wait3A_2761 : memref<8x128xf32, #tpu.memory_space<hbm>>)
      %dma_wait3A_2765 = arith.constant 176 : i32
      %dma_wait3A_2766 = arith.constant 0 : i32
      %dma_wait3A_2767 = tpu.memref_slice %arg3[%add3A_2289, %dma_wait3A_2765, %dma_wait3A_2766] : memref<2048x256x128xf32, #tpu.memory_space<hbm>> -> memref<1x8x128xf32, #tpu.memory_space<hbm>>
      %dma_wait3A_2768 = tpu.memref_squeeze %dma_wait3A_2767 : memref<1x8x128xf32, #tpu.memory_space<hbm>> -> memref<8x128xf32, #tpu.memory_space<hbm>>
      %dma_wait3A_2769 = arith.constant 8 : i32
      %dma_wait3A_2770 = tpu.memref_slice %arg6[%and3A_2292, %dma_wait3A_2769, %multiple_of3A_2514] : memref<8x16x4224xf32, #tpu.memory_space<vmem_shared>> -> memref<1x8x128xf32, #tpu.memory_space<vmem_shared>>
      %dma_wait3A_2771 = tpu.memref_squeeze %dma_wait3A_2770 : memref<1x8x128xf32, #tpu.memory_space<vmem_shared>> -> memref<8x128xf32, #tpu.memory_space<vmem_shared>>
      tpu.wait_dma2 semaphore(%arg7 : memref<!tpu.dma_semaphore, #tpu.memory_space<semaphore_mem>>) src(%dma_wait3A_2771 : memref<8x128xf32, #tpu.memory_space<vmem_shared>>) dst(%dma_wait3A_2768 : memref<8x128xf32, #tpu.memory_space<hbm>>)
      %dma_wait3A_2772 = arith.constant 184 : i32
      %dma_wait3A_2773 = arith.constant 0 : i32
      %dma_wait3A_2774 = tpu.memref_slice %arg3[%add3A_2289, %dma_wait3A_2772, %dma_wait3A_2773] : memref<2048x256x128xf32, #tpu.memory_space<hbm>> -> memref<1x8x128xf32, #tpu.memory_space<hbm>>
      %dma_wait3A_2775 = tpu.memref_squeeze %dma_wait3A_2774 : memref<1x8x128xf32, #tpu.memory_space<hbm>> -> memref<8x128xf32, #tpu.memory_space<hbm>>
      %dma_wait3A_2776 = arith.constant 8 : i32
      %dma_wait3A_2777 = tpu.memref_slice %arg6[%and3A_2292, %dma_wait3A_2776, %multiple_of3A_2524] : memref<8x16x4224xf32, #tpu.memory_space<vmem_shared>> -> memref<1x8x128xf32, #tpu.memory_space<vmem_shared>>
      %dma_wait3A_2778 = tpu.memref_squeeze %dma_wait3A_2777 : memref<1x8x128xf32, #tpu.memory_space<vmem_shared>> -> memref<8x128xf32, #tpu.memory_space<vmem_shared>>
      tpu.wait_dma2 semaphore(%arg7 : memref<!tpu.dma_semaphore, #tpu.memory_space<semaphore_mem>>) src(%dma_wait3A_2778 : memref<8x128xf32, #tpu.memory_space<vmem_shared>>) dst(%dma_wait3A_2775 : memref<8x128xf32, #tpu.memory_space<hbm>>)
      %dma_wait3A_2779 = arith.constant 192 : i32
      %dma_wait3A_2780 = arith.constant 0 : i32
      %dma_wait3A_2781 = tpu.memref_slice %arg3[%add3A_2289, %dma_wait3A_2779, %dma_wait3A_2780] : memref<2048x256x128xf32, #tpu.memory_space<hbm>> -> memref<1x8x128xf32, #tpu.memory_space<hbm>>
      %dma_wait3A_2782 = tpu.memref_squeeze %dma_wait3A_2781 : memref<1x8x128xf32, #tpu.memory_space<hbm>> -> memref<8x128xf32, #tpu.memory_space<hbm>>
      %dma_wait3A_2783 = arith.constant 8 : i32
      %dma_wait3A_2784 = tpu.memref_slice %arg6[%and3A_2292, %dma_wait3A_2783, %multiple_of3A_2534] : memref<8x16x4224xf32, #tpu.memory_space<vmem_shared>> -> memref<1x8x128xf32, #tpu.memory_space<vmem_shared>>
      %dma_wait3A_2785 = tpu.memref_squeeze %dma_wait3A_2784 : memref<1x8x128xf32, #tpu.memory_space<vmem_shared>> -> memref<8x128xf32, #tpu.memory_space<vmem_shared>>
      tpu.wait_dma2 semaphore(%arg7 : memref<!tpu.dma_semaphore, #tpu.memory_space<semaphore_mem>>) src(%dma_wait3A_2785 : memref<8x128xf32, #tpu.memory_space<vmem_shared>>) dst(%dma_wait3A_2782 : memref<8x128xf32, #tpu.memory_space<hbm>>)
      %dma_wait3A_2786 = arith.constant 200 : i32
      %dma_wait3A_2787 = arith.constant 0 : i32
      %dma_wait3A_2788 = tpu.memref_slice %arg3[%add3A_2289, %dma_wait3A_2786, %dma_wait3A_2787] : memref<2048x256x128xf32, #tpu.memory_space<hbm>> -> memref<1x8x128xf32, #tpu.memory_space<hbm>>
      %dma_wait3A_2789 = tpu.memref_squeeze %dma_wait3A_2788 : memref<1x8x128xf32, #tpu.memory_space<hbm>> -> memref<8x128xf32, #tpu.memory_space<hbm>>
      %dma_wait3A_2790 = arith.constant 8 : i32
      %dma_wait3A_2791 = tpu.memref_slice %arg6[%and3A_2292, %dma_wait3A_2790, %multiple_of3A_2544] : memref<8x16x4224xf32, #tpu.memory_space<vmem_shared>> -> memref<1x8x128xf32, #tpu.memory_space<vmem_shared>>
      %dma_wait3A_2792 = tpu.memref_squeeze %dma_wait3A_2791 : memref<1x8x128xf32, #tpu.memory_space<vmem_shared>> -> memref<8x128xf32, #tpu.memory_space<vmem_shared>>
      tpu.wait_dma2 semaphore(%arg7 : memref<!tpu.dma_semaphore, #tpu.memory_space<semaphore_mem>>) src(%dma_wait3A_2792 : memref<8x128xf32, #tpu.memory_space<vmem_shared>>) dst(%dma_wait3A_2789 : memref<8x128xf32, #tpu.memory_space<hbm>>)
      %dma_wait3A_2793 = arith.constant 208 : i32
      %dma_wait3A_2794 = arith.constant 0 : i32
      %dma_wait3A_2795 = tpu.memref_slice %arg3[%add3A_2289, %dma_wait3A_2793, %dma_wait3A_2794] : memref<2048x256x128xf32, #tpu.memory_space<hbm>> -> memref<1x8x128xf32, #tpu.memory_space<hbm>>
      %dma_wait3A_2796 = tpu.memref_squeeze %dma_wait3A_2795 : memref<1x8x128xf32, #tpu.memory_space<hbm>> -> memref<8x128xf32, #tpu.memory_space<hbm>>
      %dma_wait3A_2797 = arith.constant 8 : i32
      %dma_wait3A_2798 = tpu.memref_slice %arg6[%and3A_2292, %dma_wait3A_2797, %multiple_of3A_2554] : memref<8x16x4224xf32, #tpu.memory_space<vmem_shared>> -> memref<1x8x128xf32, #tpu.memory_space<vmem_shared>>
      %dma_wait3A_2799 = tpu.memref_squeeze %dma_wait3A_2798 : memref<1x8x128xf32, #tpu.memory_space<vmem_shared>> -> memref<8x128xf32, #tpu.memory_space<vmem_shared>>
      tpu.wait_dma2 semaphore(%arg7 : memref<!tpu.dma_semaphore, #tpu.memory_space<semaphore_mem>>) src(%dma_wait3A_2799 : memref<8x128xf32, #tpu.memory_space<vmem_shared>>) dst(%dma_wait3A_2796 : memref<8x128xf32, #tpu.memory_space<hbm>>)
      %dma_wait3A_2800 = arith.constant 216 : i32
      %dma_wait3A_2801 = arith.constant 0 : i32
      %dma_wait3A_2802 = tpu.memref_slice %arg3[%add3A_2289, %dma_wait3A_2800, %dma_wait3A_2801] : memref<2048x256x128xf32, #tpu.memory_space<hbm>> -> memref<1x8x128xf32, #tpu.memory_space<hbm>>
      %dma_wait3A_2803 = tpu.memref_squeeze %dma_wait3A_2802 : memref<1x8x128xf32, #tpu.memory_space<hbm>> -> memref<8x128xf32, #tpu.memory_space<hbm>>
      %dma_wait3A_2804 = arith.constant 8 : i32
      %dma_wait3A_2805 = tpu.memref_slice %arg6[%and3A_2292, %dma_wait3A_2804, %multiple_of3A_2564] : memref<8x16x4224xf32, #tpu.memory_space<vmem_shared>> -> memref<1x8x128xf32, #tpu.memory_space<vmem_shared>>
      %dma_wait3A_2806 = tpu.memref_squeeze %dma_wait3A_2805 : memref<1x8x128xf32, #tpu.memory_space<vmem_shared>> -> memref<8x128xf32, #tpu.memory_space<vmem_shared>>
      tpu.wait_dma2 semaphore(%arg7 : memref<!tpu.dma_semaphore, #tpu.memory_space<semaphore_mem>>) src(%dma_wait3A_2806 : memref<8x128xf32, #tpu.memory_space<vmem_shared>>) dst(%dma_wait3A_2803 : memref<8x128xf32, #tpu.memory_space<hbm>>)
      %dma_wait3A_2807 = arith.constant 224 : i32
      %dma_wait3A_2808 = arith.constant 0 : i32
      %dma_wait3A_2809 = tpu.memref_slice %arg3[%add3A_2289, %dma_wait3A_2807, %dma_wait3A_2808] : memref<2048x256x128xf32, #tpu.memory_space<hbm>> -> memref<1x8x128xf32, #tpu.memory_space<hbm>>
      %dma_wait3A_2810 = tpu.memref_squeeze %dma_wait3A_2809 : memref<1x8x128xf32, #tpu.memory_space<hbm>> -> memref<8x128xf32, #tpu.memory_space<hbm>>
      %dma_wait3A_2811 = arith.constant 8 : i32
      %dma_wait3A_2812 = tpu.memref_slice %arg6[%and3A_2292, %dma_wait3A_2811, %multiple_of3A_2574] : memref<8x16x4224xf32, #tpu.memory_space<vmem_shared>> -> memref<1x8x128xf32, #tpu.memory_space<vmem_shared>>
      %dma_wait3A_2813 = tpu.memref_squeeze %dma_wait3A_2812 : memref<1x8x128xf32, #tpu.memory_space<vmem_shared>> -> memref<8x128xf32, #tpu.memory_space<vmem_shared>>
      tpu.wait_dma2 semaphore(%arg7 : memref<!tpu.dma_semaphore, #tpu.memory_space<semaphore_mem>>) src(%dma_wait3A_2813 : memref<8x128xf32, #tpu.memory_space<vmem_shared>>) dst(%dma_wait3A_2810 : memref<8x128xf32, #tpu.memory_space<hbm>>)
      %dma_wait3A_2814 = arith.constant 232 : i32
      %dma_wait3A_2815 = arith.constant 0 : i32
      %dma_wait3A_2816 = tpu.memref_slice %arg3[%add3A_2289, %dma_wait3A_2814, %dma_wait3A_2815] : memref<2048x256x128xf32, #tpu.memory_space<hbm>> -> memref<1x8x128xf32, #tpu.memory_space<hbm>>
      %dma_wait3A_2817 = tpu.memref_squeeze %dma_wait3A_2816 : memref<1x8x128xf32, #tpu.memory_space<hbm>> -> memref<8x128xf32, #tpu.memory_space<hbm>>
      %dma_wait3A_2818 = arith.constant 8 : i32
      %dma_wait3A_2819 = tpu.memref_slice %arg6[%and3A_2292, %dma_wait3A_2818, %multiple_of3A_2584] : memref<8x16x4224xf32, #tpu.memory_space<vmem_shared>> -> memref<1x8x128xf32, #tpu.memory_space<vmem_shared>>
      %dma_wait3A_2820 = tpu.memref_squeeze %dma_wait3A_2819 : memref<1x8x128xf32, #tpu.memory_space<vmem_shared>> -> memref<8x128xf32, #tpu.memory_space<vmem_shared>>
      tpu.wait_dma2 semaphore(%arg7 : memref<!tpu.dma_semaphore, #tpu.memory_space<semaphore_mem>>) src(%dma_wait3A_2820 : memref<8x128xf32, #tpu.memory_space<vmem_shared>>) dst(%dma_wait3A_2817 : memref<8x128xf32, #tpu.memory_space<hbm>>)
      %dma_wait3A_2821 = arith.constant 240 : i32
      %dma_wait3A_2822 = arith.constant 0 : i32
      %dma_wait3A_2823 = tpu.memref_slice %arg3[%add3A_2289, %dma_wait3A_2821, %dma_wait3A_2822] : memref<2048x256x128xf32, #tpu.memory_space<hbm>> -> memref<1x8x128xf32, #tpu.memory_space<hbm>>
      %dma_wait3A_2824 = tpu.memref_squeeze %dma_wait3A_2823 : memref<1x8x128xf32, #tpu.memory_space<hbm>> -> memref<8x128xf32, #tpu.memory_space<hbm>>
      %dma_wait3A_2825 = arith.constant 8 : i32
      %dma_wait3A_2826 = tpu.memref_slice %arg6[%and3A_2292, %dma_wait3A_2825, %multiple_of3A_2594] : memref<8x16x4224xf32, #tpu.memory_space<vmem_shared>> -> memref<1x8x128xf32, #tpu.memory_space<vmem_shared>>
      %dma_wait3A_2827 = tpu.memref_squeeze %dma_wait3A_2826 : memref<1x8x128xf32, #tpu.memory_space<vmem_shared>> -> memref<8x128xf32, #tpu.memory_space<vmem_shared>>
      tpu.wait_dma2 semaphore(%arg7 : memref<!tpu.dma_semaphore, #tpu.memory_space<semaphore_mem>>) src(%dma_wait3A_2827 : memref<8x128xf32, #tpu.memory_space<vmem_shared>>) dst(%dma_wait3A_2824 : memref<8x128xf32, #tpu.memory_space<hbm>>)
      %dma_wait3A_2828 = arith.constant 248 : i32
      %dma_wait3A_2829 = arith.constant 0 : i32
      %dma_wait3A_2830 = tpu.memref_slice %arg3[%add3A_2289, %dma_wait3A_2828, %dma_wait3A_2829] : memref<2048x256x128xf32, #tpu.memory_space<hbm>> -> memref<1x8x128xf32, #tpu.memory_space<hbm>>
      %dma_wait3A_2831 = tpu.memref_squeeze %dma_wait3A_2830 : memref<1x8x128xf32, #tpu.memory_space<hbm>> -> memref<8x128xf32, #tpu.memory_space<hbm>>
      %dma_wait3A_2832 = arith.constant 8 : i32
      %dma_wait3A_2833 = tpu.memref_slice %arg6[%and3A_2292, %dma_wait3A_2832, %multiple_of3A_2604] : memref<8x16x4224xf32, #tpu.memory_space<vmem_shared>> -> memref<1x8x128xf32, #tpu.memory_space<vmem_shared>>
      %dma_wait3A_2834 = tpu.memref_squeeze %dma_wait3A_2833 : memref<1x8x128xf32, #tpu.memory_space<vmem_shared>> -> memref<8x128xf32, #tpu.memory_space<vmem_shared>>
      tpu.wait_dma2 semaphore(%arg7 : memref<!tpu.dma_semaphore, #tpu.memory_space<semaphore_mem>>) src(%dma_wait3A_2834 : memref<8x128xf32, #tpu.memory_space<vmem_shared>>) dst(%dma_wait3A_2831 : memref<8x128xf32, #tpu.memory_space<hbm>>)
    }
    %scan3A_2287 = arith.constant 64 : i32
    return
  }
}

</mosaic_0001>

<sc_bundles>
// kernel: kernel.3.cloned.1.call-start
scs
__scs_entry_jumppad:
0x0: {  	(pc) =	sbr.rel $0x88, $3  }
0x1: {  	(tag) =	ssettag $0x0;
	lr =	simm.s32 $0x1  }
0x2: {  	[smem:$0x3FA0] =	sst lr;
	_ =	strace $0xD0000000  }
0x3: {  	_ = 	snop  }
0x4: {  	_ = 	snop  }
0x5: {  	_ = 	snop  }
0x6: {  	_ = 	snop  }
0x7: {  	_ = 	snop  }
__scs_overlays_trampoline_lowered:
0x8: {  	[smem:$0x3FAF] =	sst s0  }
0x9: {  	[smem:$0x3FB0] =	sst s1  }
0xa: {  	[smem:$0x3FB1] =	sst s2  }
0xb: {  	[smem:$0x3FB2] =	sst s3  }
0xc: {  	[smem:$0x3FB3] =	sst s4  }
0xd: {  	[smem:$0x3FB4] =	sst s5  }
0xe: {  	[smem:$0x3FB5] =	sst s6  }
0xf: {  	[smem:$0x3FB6] =	sst s7  }
0x10: {  	[smem:$0x3FB7] =	sst s8  }
0x11: {  	[smem:$0x3FB8] =	sst s9;
	s0 =	simm.s32 @!p0 $0x0  }
0x12: {  	s1 =	sld [smem:$0x3F9E];
	s0 =	simm.s32 @p0 $0x1  }
0x13: {  	[smem:$0x3FB9] =	sst s0;
	s0 =	simm.s32 @!p1 $0x0  }
0x14: {  	s2 =	sld [smem:$0x3F9D];
	s0 =	simm.s32 @p1 $0x1  }
0x15: {  	[smem:$0x3FBA] =	sst s0;
	s0 =	simm.s32 @!p2 $0x0  }
0x16: {  	s3 =	sld [smem:$0x3FDB];
	s0 =	simm.s32 @p2 $0x1  }
0x17: {  	s4 =	simm.s32 $0x1BF5;
	[smem:$0x3FBC] =	sst s0  }
0x18: {  	s0 =	sld [smem:$0x3F9F];
	_ =	swait.ge [sflag:s4], $0x0  }
0x19: {  	s7 =	sld [smem:$0x3FA0]  }
0x1a: {  	s8 =	sadd.s32 $0xFFFFE003, lr  }
0x1b: {  	s9 =	sadd.s32 $0xFFFFFEF7, lr;
	s5 =	simm.s32 $0xFFFFFFFF;
	p2 =	slt.u32 s8, $0xFFFFF086  }
0x1c: {  	p1 =	slt.u32 s9, $0xF7A;
	s5 =	simm.s32 @!p2 $0x0  }
0x1d: {  	s5 =	simm.s32 @p1 $0x1;
	p0 =	seq.s32 s7, s2  }
0x1e: {  	s7 =	smul.u32 @!p0 $0xF7A, s2;
	p2 =	seq.s32 @!p0 s5, $0x0  }
0x1f: {  	s9 =	smul.u32 $0xF7A, s1;
	s8 =	simm.s32 @!p0 $0x1BF5;
	p2 =	por !p2, p0  }
0x20: {  	[sflag:s8] =	ssyncset.s32 @!p0 $0xFFFFF086;
	s6 =	sadd.s32 @!p0 s3, s7;
	s7 =	simm.s32 @!p0 $0x108  }
0x21: {  	s3 =	sadd.s32 s3, s9;
	s6 =	sadd.s32 @!p0 $0x88, s6;
	s7 =	simm.s32 @p2 $0x1082  }
0x22: {  	[simem:s7], [sflag:s8] =	dma.local @!p0 [hbm:s6], $0xF7A  }
0x23: {  	s9 =	sor.u32 $0xD0000000, s2;
	s6 =	simm.s32 $0x108;
	_ =	swait.ge @!p0 [sflag:s8], $0x0  }
0x24: {  	s3 =	sadd.s32 $0x88, s3;
	s6 =	simm.s32 @!p1 $0x1082;
	[sflag:s4] =	ssyncset.s32 $0xFFFFF086  }
0x25: {  	[simem:s6], [sflag:s4] =	dma.local [hbm:s3], $0xF7A  }
0x26: {  	[smem:$0x3FA0] =	sst s1;
	(tag) =	ssettag s2;
	_ =	strace s9  }
0x27: {  	s1 =	sld [smem:$0x3FB0]  }
0x28: {  	s2 =	sld [smem:$0x3FB1]  }
0x29: {  	s4 =	sld [smem:$0x3FB3]  }
0x2a: {  	p0 =	seq.s32 s5, $0x0;
	s5 =	sld [smem:$0x3FB4]  }
0x2b: {  	s6 =	sld [smem:$0x3FB5]  }
0x2c: {  	s7 =	sld [smem:$0x3FB6]  }
0x2d: {  	s3 =	simm.s32 $0x108;
	s8 =	sld [smem:$0x3FB7]  }
0x2e: {  	s3 =	simm.s32 @!p0 $0x1082;
	s9 =	sld [smem:$0x3FB8]  }
0x2f: {  	lr =	sadd.s32 s0, s3;
	s0 =	sld [smem:$0x3FAF]  }
0x30: {  	s3 =	sld [smem:$0x3FB2]  }
0x31: {  	[smem:$0x3FBB] =	sst s10  }
0x32: {  	s10 =	sld [smem:$0x3FB9];
	_ =	sdelay $0x3  }
0x33: {  	p0 =	seq.s32 s10, $0x1;
	s10 =	sld [smem:$0x3FBB];
	_ =	sdelay $0x3  }
0x34: {  	[smem:$0x3FBB] =	sst s10  }
0x35: {  	s10 =	sld [smem:$0x3FBA];
	_ =	sdelay $0x3  }
0x36: {  	p1 =	seq.s32 s10, $0x1;
	s10 =	sld [smem:$0x3FBB];
	_ =	sdelay $0x3  }
0x37: {  	[smem:$0x3FBB] =	sst s10  }
0x38: {  	s10 =	sld [smem:$0x3FBC]  }
0x39: {  	_ = 	snop;
	(pc) =	sbr.ind lr, $3  }
0x3a: {  	_ = 	snop  }
0x3b: {  	_ = 	snop  }
0x3c: {  	p2 =	seq.s32 s10, $0x1;
	s10 =	sld [smem:$0x3FBB]  }
0x3d: {  	_ =	shalt  }
0x3e: {  	_ =	shalt  }
0x3f: {  	_ =	shalt  }
0x40: {  	_ =	shalt  }
0x41: {  	_ =	shalt  }
0x42: {  	_ =	shalt  }
0x43: {  	_ =	shalt  }
0x44: {  	_ =	shalt  }
0x45: {  	_ =	shalt  }
0x46: {  	_ =	shalt  }
0x47: {  	_ =	shalt  }
0x48: {  	_ =	shalt  }
0x49: {  	_ =	shalt  }
0x4a: {  	_ =	shalt  }
0x4b: {  	_ =	shalt  }
0x4c: {  	_ =	shalt  }
0x4d: {  	_ =	shalt  }
0x4e: {  	_ =	shalt  }
0x4f: {  	_ =	shalt  }
0x50: {  	_ =	shalt  }
0x51: {  	_ =	shalt  }
0x52: {  	_ =	shalt  }
0x53: {  	_ =	shalt  }
0x54: {  	_ =	shalt  }
0x55: {  	_ =	shalt  }
0x56: {  	_ =	shalt  }
0x57: {  	_ =	shalt  }
0x58: {  	_ =	shalt  }
0x59: {  	_ =	shalt  }
0x5a: {  	_ =	shalt  }
0x5b: {  	_ =	shalt  }
0x5c: {  	_ =	shalt  }
0x5d: {  	_ =	shalt  }
0x5e: {  	_ =	shalt  }
0x5f: {  	_ =	shalt  }
0x60: {  	_ =	shalt  }
0x61: {  	_ =	shalt  }
0x62: {  	_ =	shalt  }
0x63: {  	_ =	shalt  }
0x64: {  	_ =	shalt  }
0x65: {  	_ =	shalt  }
0x66: {  	_ =	shalt  }
0x67: {  	_ =	shalt  }
0x68: {  	_ =	shalt  }
0x69: {  	_ =	shalt  }
0x6a: {  	_ =	shalt  }
0x6b: {  	_ =	shalt  }
0x6c: {  	_ =	shalt  }
0x6d: {  	_ =	shalt  }
0x6e: {  	_ =	shalt  }
0x6f: {  	_ =	shalt  }
0x70: {  	_ =	shalt  }
0x71: {  	_ =	shalt  }
0x72: {  	_ =	shalt  }
0x73: {  	_ =	shalt  }
0x74: {  	_ =	shalt  }
0x75: {  	_ =	shalt  }
0x76: {  	_ =	shalt  }
0x77: {  	_ =	shalt  }
0x78: {  	_ =	shalt  }
0x79: {  	_ =	shalt  }
0x7a: {  	_ =	shalt  }
0x7b: {  	_ =	shalt  }
0x7c: {  	_ =	shalt  }
0x7d: {  	_ =	shalt  }
0x7e: {  	_ =	shalt  }
0x7f: {  	_ =	shalt  }
0x80: {  	_ =	shalt  }
0x81: {  	_ =	shalt  }
0x82: {  	_ =	shalt  }
0x83: {  	_ =	shalt  }
0x84: {  	_ =	shalt  }
0x85: {  	_ =	shalt  }
0x86: {  	_ =	shalt  }
0x87: {  	_ =	shalt  }
.Lfunc_end0:
.L_simem_size_0:
called_computation_lowered:
.L_overlay_start_0:
0x88: {  	s2 =	sld [smem:$0x3FD9]  }
0x89: {  	s3 =	sld [smem:$0x3FFE];
	_ =	sdelay $0x1  }
0x8a: {  	s1 =	srdreg.scid  }
0x8b: {  	s0 =	sand.u32 $0x1, s1  }
0x8c: {  	s17 =	sshll.u32 s0, $0xA;
	s2 =	sadd.s32 s3, s2  }
0x8d: {  	s2 =	sadd.s32 s2, s17  }
0x8e: {  	[smem:$0x3FC7] =	sst s2  }
0x8f: {  	_ = 	snop  }
0x90: {  	s2 =	sld [smem:$0x3FD0];
	(tm) =	ssettm $0x1  }
0x91: {  	s18 =	sld [smem:$0x3FFB];
	_ =	sdelay $0x3  }
0x92: {  	_ =	strace s18  }
0x93: {  	s3 =	sld [smem:$0x3FFC];
	_ =	sdelay $0x3  }
0x94: {  	_ =	strace s3  }
0x95: {  	s3 =	sld [smem:$0x3FFD];
	_ =	sdelay $0x3  }
0x96: {  	_ =	strace s3  }
0x97: {  	_ =	strace $0x8FFFFFFF  }
0x98: {  	s19 =	sld [smem:$0x3FDB];
	_ =	sdelay $0x1  }
0x99: {  	s4 =	simm.s32 $_scs_section_size  }
0x9a: {  	s5 =	simm.s32 $_size__tile_overlayer_lowered;
	s6 =	simm.s32 $_tile_overlayer_lowered  }
0x9b: {  	s22 =	simm.s32 $0x1BFF;
	s21 =	sshll.u32 s6, $0x1;
	s3 =	sadd.s32 s4, s19  }
0x9c: {  	s7 =	simm.s32 $0x0;
	s20 =	sshll.u32 s5, $0x1;
	s5 =	sadd.s32 s21, s3  }
0x9d: {  	[timem:s7], [sflag:s22] =	dma.local [hbm:s5], s20  }
0x9e: {  	_ =	swait.ge [sflag:s22], s20  }
0x9f: {  	s4 =	ssub.s32 $0x0, s20;
	[sflag:s22] =	ssyncset.done $0x0  }
0xa0: {  	[sflag:s22] =	ssyncadd.s32 s4;
	_ =	sdelay $0x1  }
0xa1: {  	s23 =	simm.s32 $0x1B8B  }
0xa2: {  	_ =	swait.ge [sflag:s23], $0x1  }
0xa3: {  	[sflag:s23] =	ssyncset.done $0x0  }
0xa4: {  	s25 =	simm.s32 $0x1B8E;
	s24 =	sld [smem:$0x3FFE];
	[sflag:s23] =	ssyncadd.s32 $0xFFFFFFFF  }
0xa5: {  	s26 =	simm.s32 $execute0_lowered;
	[smem:$0x3FD2] =	sst s25  }
0xa6: {  	s5 =	sshll.u32 s26, $0x1;
	_ =	strace $0x80000046;
	[dreg:$0x1] =	wrdreg $0xFFFFFFFF  }
0xa7: {  	s28 =	simm.s32 $_size_execute0_lowered;
	s3 =	sadd.s32 s3, s5;
	[dreg:$0x0] =	wrdreg $0x0  }
0xa8: {  	s5 =	sshll.u32 s28, $0x1;
	[dreg:$0x2] =	wrdreg s3  }
0xa9: {  	[dreg:$0x3] =	wrdreg s5  }
0xaa: {  	[dreg:$0x4] =	wrdreg $0xC0  }
0xab: {  	_ =	task [dreg:s7], $0x5FFFF  }
0xac: {  	[dreg:$0x1] =	wrdreg $0xFFFFFFFF  }
0xad: {  	[dreg:$0x0] =	wrdreg $0x60  }
0xae: {  	[dreg:$0x2] =	wrdreg s24  }
0xaf: {  	[dreg:$0x3] =	wrdreg s2  }
0xb0: {  	[dreg:$0x4] =	wrdreg $0x94400  }
0xb1: {  	[dreg:$0x5] =	wrdreg $0x9  }
0xb2: {  	_ =	task.clear_ibuf [dreg:s7], $0x6FFFF;
	_ =	strace $0x90000046  }
0xb3: {  	s29 =	simm.s32 $0x9;
	_ =	strace $0x80000048  }
0xb4: {  	_ =	swait.ge [sflag:s29], $0x1  }
0xb5: {  	[sflag:s29] =	ssyncadd.s32 $0xFFFFFFFF  }
0xb6: {  	_ =	strace $0x90000048  }
0xb7: {  	_ =	sfence  }
0xb8: {  	s30 =	sld [smem:$0x0];
	_ =	sdelay $0x2  }
0xb9: {  	s31 =	sshll.u32 s1, $0xD;
	s1 =	sshrl.u32 s1, $0x2  }
0xba: {  	s3 =	sand.u32 $0x4000, s31;
	s1 =	sadd.s32 s1, s30  }
0xbb: {  	s0 =	sor.u32 s3, s0;
	s1 =	sshll.u32 s1, $0x11  }
0xbc: {  	s0 =	sor.u32 s1, s0  }
0xbd: {  	s0 =	sadd.s32 $0x8F2B, s0  }
0xbe: {  	[sflag:s0] =	ssyncadd.remote.s32 $0x1  }
0xbf: {  	_ =	sfence.sel $0xFFFF  }
0xc0: {  	[dreg:$0x0] =	wrdreg $0xFFFFFFFF;
	(pc) =	sbr.abs _section_cstart, $3  }
0xc1: {  	[dreg:$0x1] =	wrdreg $0xFFFFFFFF  }
0xc2: {  	_ =	task.clear_ibuf [dreg:s7], $0x2FFFF;
	_ =	strace $0x9FFFFFFF  }
0xc3: {  	(tm) =	ssettm $0x7FFFFFFF  }
tec
execute0_lowered:
.L_overlay_start_1:
0x0: {  	(tag) =	ssettag $0x1  }
0x1: {  	s0 =	rddreg [dreg:$0x0]  }
0x2: {  	s6 =	stileid.u32;
	s1 =	rddreg [dreg:$0x1]  }
0x3: {  	s21 =	rddreg [dreg:$0x2];
	s17 =	srdreg.scid  }
0x4: {  	v0 =	vlaneseq.u32;
	s4 =	simm.s32 $0x0;
	v10 =	vimm.s32 $0x30405060;
	v16 =	vimm.s32 $0x708090A0;
	s2 =	sor.u32 $0xFE0, s6;
	s3 =	smul.u32 $0x4200, s6  }
0x5: {  	v13 =	vimm.s32 $0x1020;
	vm0 =	vcmask $0x1F10;
	v15 =	vmul.u32 $0xFFFFFFF0, v0;
	[smem:$0x7FF] =	sst s4;
	s0 =	sadd.s32 $0x400, s0;
	s29 =	sshll.u32 s6, $0x13  }
0x6: {  	v1 =	vmov s6;
	v14 =	vunpack.c.0.s8.s32 v10;
	v0 =	vmov s2;
	s2 =	sand.u32 $0x1, s17;
	_ =	strace $0x80000047;
	[smem:$0x7F3] =	sst s0  }
0x7: {  	v10 =	vimm.s32 $0xB0C0D0E0;
	v13 =	vunpack.c.0.s8.s32 v13;
	v16 =	vunpack.c.0.s8.s32 v16;
	s1 =	sadd.s32 s29, s1;
	s18 =	ssub.s32 $0x2, s2;
	s3 =	sshrl.u32 s3, $0x2  }
0x8: {  	v17 =	vunpack.c.0.s8.s32 v10;
	v2 =	vadd.s32 $0xFE0, v15;
	v3 =	vadd.s32 $0xEE0, v15;
	s30 =	sshll.u32 s2, $0x6;
	s2 =	sshll.u32 s2, $0x12;
	s3 =	sadd.s32 s3, s21  }
0x9: {  	v4 =	vadd.s32 $0xDE0, v15;
	v5 =	vadd.s32 $0xCE0, v15;
	v6 =	vadd.s32 $0xBE0, v15;
	s1 =	sadd.s32 s2, s1;
	[smem:$0x7FA] =	sst s3  }
0xa: {  	v7 =	vadd.s32 $0xAE0, v15;
	v8 =	vadd.s32 $0x9E0, v15;
	v9 =	vadd.s32 $0x8E0, v15;
	s20 =	sadd.s32 $0x10800, s3;
	[dreg:$0x4] =	wrdreg s1  }
0xb: {  	v11 =	vadd.s32 $0x7E0, v15;
	v12 =	vadd.s32 $0x6E0, v15;
	v13 =	vsel vm0, v13, v14;
	s22 =	sadd.s32 $0x21000, s3;
	[smem:$0x7F4] =	sst s20  }
0xc: {  	v2 =	vor.u32 s6, v2;
	v3 =	vor.u32 s6, v3;
	v4 =	vor.u32 s6, v4;
	s23 =	sadd.s32 $0x31800, s3;
	[smem:$0x7F5] =	sst s22  }
0xd: {  	s28 =	sshll.u32 s6, $0x7;
	v5 =	vor.u32 s6, v5;
	v6 =	vor.u32 s6, v6;
	v7 =	vor.u32 s6, v7;
	s24 =	sadd.s32 $0x42000, s3;
	[smem:$0x7F6] =	sst s23  }
0xe: {  	s5 =	sshrl.u32 s18, $0x1;
	v8 =	vor.u32 s6, v8;
	v9 =	vor.u32 s6, v9;
	v10 =	vor.u32 s6, v11;
	s25 =	sadd.s32 $0x52800, s3;
	[smem:$0x7F7] =	sst s24  }
0xf: {  	v11 =	vor.u32 s6, v12;
	s31 =	sor.u32 s28, s30;
	v12 =	vadd.s32 $0x5E0, v15;
	v14 =	vsel vm0, v16, v17;
	s26 =	sadd.s32 $0x63000, s3;
	[smem:$0x7F8] =	sst s25  }
0x10: {  	v16 =	vadd.s32 $0x4E0, v15;
	v17 =	vadd.s32 $0x3E0, v15;
	s19 =	ssub.s32 s18, s5;
	s3 =	sadd.s32 $0x73800, s3;
	v18 =	vcombine.low v14, v13;
	[smem:$0x7F9] =	sst s26  }
0x11: {  	s2 =	simm.s32 $0x2;
	v12 =	vor.u32 s6, v12;
	v13 =	vor.u32 s6, v16;
	v14 =	vor.u32 s6, v17;
	[smem:$0x7FB] =	sst s3;
	s0 =	smax.u32 s19, $0x1  }
0x12: {  	v16 =	vadd.s32 $0x2E0, v15;
	v17 =	vadd.s32 $0x1E0, v15;
	s1 =	simm.s32 $0x0;
	[smem:$0x7FC] =	sst s0;
	s0 =	ssub.s32 $0x0, s31;
	v18 =	vand.u32 $0xFF, v18  }
0x13: {  	s24 =	simm.s32 $0x1;
	v15 =	vor.u32 s6, v16;
	v16 =	vor.u32 s6, v17;
	s23 =	simm.s32 $0x210;
	[smem:$0x7FD] =	sst s0;
	v17 =	vor.u32 s6, v18  }
.LBB2_1:
0x14: {  	s31 =	sld [smem:$0x7F3];
	_ =	sdelay $0x1  }
0x15: {  	[smem:$0x7F2] =	sst s1;
	s0 =	simm.s32 $0x0  }
0x16: {  	[tilespmem:s0], [sflag:$0x2] =	stream.linear.gather [hbm4b:s31+s0], $0xFF0, $0x38;
	[tilespmem:$0x11840] =	vst v63  }
0x17: {  	_ =	swait.ge [sflag:s2], $0xFF0  }
0x18: {  	[sflag:s2] =	ssyncset.done $0x0  }
0x19: {  	[sflag:s2] =	ssyncadd.s32 $0xFFFFF010  }
0x1a: {  	v19 =	vld.idx.msk [tilespmem:v0+s0+$0x0], $0xffff  }
0x1b: {  	v18 =	vld.idx.msk [tilespmem:v1+s0+$0x0], $0xffff;
	_ =	sdelay $0x3  }
0x1c: {  	s1 =	simm.s32 $0x200;
	s0 =	simm.s32 $0x0  }
.LBB2_2:
0x1d: {  	p0 =	sne.s32 s1, $0x1C00;
	[tilespmem:s0+$0x1060] =	vst v19  }
0x1e: {  	[tilespmem:s0+$0xFF0] =	vst v19  }
0x1f: {  	[tilespmem:s0+$0x1000] =	vst v19  }
.Ltmp0:
0x20: {  	[tilespmem:s0+$0x1010] =	vst v19;
	(pc) =	sbr.rel @p0 .LBB2_2-.Ltmp0, $4  }
0x21: {  	[tilespmem:s0+$0x1020] =	vst v19  }
0x22: {  	[tilespmem:s0+$0x1030] =	vst v19  }
0x23: {  	[tilespmem:s0+$0x1040] =	vst v19  }
0x24: {  	[tilespmem:s0+$0x1050] =	vst v19;
	s0 =	sshra.s32 s1, $0x2;
	s1 =	sadd.s32 $0x200, s1  }
0x25: {  	[tilespmem:s0+$0x1060] =	vst v19  }
0x26: {  	[tilespmem:s0+$0xFF0] =	vst v19  }
0x27: {  	[tilespmem:s0+$0x1000] =	vst v19  }
0x28: {  	[tilespmem:s0+$0x1010] =	vst v19  }
0x29: {  	[tilespmem:s0+$0x1020] =	vst v19  }
0x2a: {  	[tilespmem:s0+$0x1030] =	vst v19  }
0x2b: {  	[tilespmem:s0+$0x1040] =	vst v19  }
0x2c: {  	[tilespmem:s0+$0x1050] =	vst v19;
	s31 =	simm.s32 $0x0  }
0x2d: {  	v20 =	vld.idx.msk [tilespmem:v2+s31+$0x0], $0xffff;
	_ =	sdelay $0x4  }
0x2e: {  	[tilespmem:$0x1770] =	vst v20  }
0x2f: {  	v20 =	vld.idx.msk [tilespmem:v3+s31+$0x0], $0xffff;
	_ =	sdelay $0x4  }
0x30: {  	[tilespmem:$0x1780] =	vst v20  }
0x31: {  	v20 =	vld.idx.msk [tilespmem:v4+s31+$0x0], $0xffff;
	_ =	sdelay $0x4  }
0x32: {  	[tilespmem:$0x1790] =	vst v20  }
0x33: {  	v20 =	vld.idx.msk [tilespmem:v5+s31+$0x0], $0xffff;
	_ =	sdelay $0x4  }
0x34: {  	[tilespmem:$0x17A0] =	vst v20  }
0x35: {  	v20 =	vld.idx.msk [tilespmem:v6+s31+$0x0], $0xffff;
	_ =	sdelay $0x4  }
0x36: {  	[tilespmem:$0x17B0] =	vst v20  }
0x37: {  	v20 =	vld.idx.msk [tilespmem:v7+s31+$0x0], $0xffff;
	_ =	sdelay $0x4  }
0x38: {  	[tilespmem:$0x17C0] =	vst v20  }
0x39: {  	v20 =	vld.idx.msk [tilespmem:v8+s31+$0x0], $0xffff;
	_ =	sdelay $0x4  }
0x3a: {  	[tilespmem:$0x17D0] =	vst v20  }
0x3b: {  	v20 =	vld.idx.msk [tilespmem:v9+s31+$0x0], $0xffff;
	_ =	sdelay $0x4  }
0x3c: {  	[tilespmem:$0x17E0] =	vst v20  }
0x3d: {  	v20 =	vld.idx.msk [tilespmem:v10+s31+$0x0], $0xffff;
	_ =	sdelay $0x4  }
0x3e: {  	[tilespmem:$0x17F0] =	vst v20  }
0x3f: {  	v20 =	vld.idx.msk [tilespmem:v11+s31+$0x0], $0xffff;
	_ =	sdelay $0x4  }
0x40: {  	[tilespmem:$0x1800] =	vst v20  }
0x41: {  	v20 =	vld.idx.msk [tilespmem:v12+s31+$0x0], $0xffff;
	_ =	sdelay $0x4  }
0x42: {  	[tilespmem:$0x1810] =	vst v20  }
0x43: {  	v20 =	vld.idx.msk [tilespmem:v13+s31+$0x0], $0xffff;
	_ =	sdelay $0x4  }
0x44: {  	[tilespmem:$0x1820] =	vst v20  }
0x45: {  	v20 =	vld.idx.msk [tilespmem:v14+s31+$0x0], $0xffff;
	_ =	sdelay $0x4  }
0x46: {  	[tilespmem:$0x1830] =	vst v20  }
0x47: {  	v20 =	vld.idx.msk [tilespmem:v15+s31+$0x0], $0xffff;
	_ =	sdelay $0x4  }
0x48: {  	[tilespmem:$0x1840] =	vst v20  }
0x49: {  	v20 =	vld.idx.msk [tilespmem:v16+s31+$0x0], $0xffff;
	_ =	sdelay $0x4  }
0x4a: {  	[tilespmem:$0x1850] =	vst v20  }
0x4b: {  	v20 =	vld.idx.msk [tilespmem:v17+s31+$0x0], $0xffff;
	_ =	sdelay $0x4  }
0x4c: {  	s0 =	simm.s32 $0x0;
	s1 =	simm.s32 $0x200;
	[tilespmem:$0x1860] =	vst v20  }
.LBB2_4:
0x4d: {  	p0 =	sne.s32 s1, $0x1E00;
	[tilespmem:s0+$0x18E0] =	vst v18  }
0x4e: {  	[tilespmem:s0+$0x1870] =	vst v18  }
0x4f: {  	[tilespmem:s0+$0x1880] =	vst v18  }
.Ltmp1:
0x50: {  	[tilespmem:s0+$0x1890] =	vst v18;
	(pc) =	sbr.rel @p0 .LBB2_4-.Ltmp1, $4  }
0x51: {  	[tilespmem:s0+$0x18A0] =	vst v18  }
0x52: {  	[tilespmem:s0+$0x18B0] =	vst v18  }
0x53: {  	[tilespmem:s0+$0x18C0] =	vst v18  }
0x54: {  	[tilespmem:s0+$0x18D0] =	vst v18;
	s0 =	sshra.s32 s1, $0x2;
	s1 =	sadd.s32 $0x200, s1  }
0x55: {  	[tilespmem:s0+$0x18E0] =	vst v18  }
0x56: {  	[tilespmem:s0+$0x1870] =	vst v18  }
0x57: {  	[tilespmem:s0+$0x1880] =	vst v18  }
0x58: {  	[tilespmem:s0+$0x1890] =	vst v18  }
0x59: {  	[tilespmem:s0+$0x18A0] =	vst v18  }
0x5a: {  	[tilespmem:s0+$0x18B0] =	vst v18  }
0x5b: {  	[tilespmem:s0+$0x18C0] =	vst v18  }
0x5c: {  	[tilespmem:s0+$0x18D0] =	vst v18;
	s0 =	simm.s32 $0x0;
	s1 =	simm.s32 $0x200  }
.LBB2_6:
0x5d: {  	p0 =	sne.s32 s1, $0x1C00;
	[tilespmem:s0+$0x20E8] =	vst v19  }
0x5e: {  	[tilespmem:s0+$0x2078] =	vst v19  }
0x5f: {  	[tilespmem:s0+$0x2088] =	vst v19  }
.Ltmp2:
0x60: {  	[tilespmem:s0+$0x2098] =	vst v19;
	(pc) =	sbr.rel @p0 .LBB2_6-.Ltmp2, $4  }
0x61: {  	[tilespmem:s0+$0x20A8] =	vst v19  }
0x62: {  	[tilespmem:s0+$0x20B8] =	vst v19  }
0x63: {  	[tilespmem:s0+$0x20C8] =	vst v19  }
0x64: {  	[tilespmem:s0+$0x20D8] =	vst v19;
	s0 =	sshra.s32 s1, $0x2;
	s1 =	sadd.s32 $0x200, s1  }
0x65: {  	[tilespmem:s0+$0x20E8] =	vst v19  }
0x66: {  	[tilespmem:s0+$0x2078] =	vst v19  }
0x67: {  	[tilespmem:s0+$0x2088] =	vst v19  }
0x68: {  	[tilespmem:s0+$0x2098] =	vst v19  }
0x69: {  	[tilespmem:s0+$0x20A8] =	vst v19  }
0x6a: {  	[tilespmem:s0+$0x20B8] =	vst v19  }
0x6b: {  	[tilespmem:s0+$0x20C8] =	vst v19  }
0x6c: {  	[tilespmem:s0+$0x20D8] =	vst v19;
	s31 =	simm.s32 $0x0  }
0x6d: {  	v20 =	vld.idx.msk [tilespmem:v2+s31+$0x0], $0xffff;
	_ =	sdelay $0x4  }
0x6e: {  	[tilespmem:$0x27F7] =	vst v20  }
0x6f: {  	v20 =	vld.idx.msk [tilespmem:v3+s31+$0x0], $0xffff;
	_ =	sdelay $0x4  }
0x70: {  	[tilespmem:$0x2807] =	vst v20  }
0x71: {  	v20 =	vld.idx.msk [tilespmem:v4+s31+$0x0], $0xffff;
	_ =	sdelay $0x4  }
0x72: {  	[tilespmem:$0x2817] =	vst v20  }
0x73: {  	v20 =	vld.idx.msk [tilespmem:v5+s31+$0x0], $0xffff;
	_ =	sdelay $0x4  }
0x74: {  	[tilespmem:$0x2827] =	vst v20  }
0x75: {  	v20 =	vld.idx.msk [tilespmem:v6+s31+$0x0], $0xffff;
	_ =	sdelay $0x4  }
0x76: {  	[tilespmem:$0x2837] =	vst v20  }
0x77: {  	v20 =	vld.idx.msk [tilespmem:v7+s31+$0x0], $0xffff;
	_ =	sdelay $0x4  }
0x78: {  	[tilespmem:$0x2847] =	vst v20  }
0x79: {  	v20 =	vld.idx.msk [tilespmem:v8+s31+$0x0], $0xffff;
	_ =	sdelay $0x4  }
0x7a: {  	[tilespmem:$0x2857] =	vst v20  }
0x7b: {  	v20 =	vld.idx.msk [tilespmem:v9+s31+$0x0], $0xffff;
	_ =	sdelay $0x4  }
0x7c: {  	[tilespmem:$0x2867] =	vst v20  }
0x7d: {  	v20 =	vld.idx.msk [tilespmem:v10+s31+$0x0], $0xffff;
	_ =	sdelay $0x4  }
0x7e: {  	[tilespmem:$0x2877] =	vst v20  }
0x7f: {  	v20 =	vld.idx.msk [tilespmem:v11+s31+$0x0], $0xffff;
	_ =	sdelay $0x4  }
0x80: {  	[tilespmem:$0x2887] =	vst v20  }
0x81: {  	v20 =	vld.idx.msk [tilespmem:v12+s31+$0x0], $0xffff;
	_ =	sdelay $0x4  }
0x82: {  	[tilespmem:$0x2897] =	vst v20  }
0x83: {  	v20 =	vld.idx.msk [tilespmem:v13+s31+$0x0], $0xffff;
	_ =	sdelay $0x4  }
0x84: {  	[tilespmem:$0x28A7] =	vst v20  }
0x85: {  	v20 =	vld.idx.msk [tilespmem:v14+s31+$0x0], $0xffff;
	_ =	sdelay $0x4  }
0x86: {  	[tilespmem:$0x28B7] =	vst v20  }
0x87: {  	v20 =	vld.idx.msk [tilespmem:v15+s31+$0x0], $0xffff;
	_ =	sdelay $0x4  }
0x88: {  	[tilespmem:$0x28C7] =	vst v20  }
0x89: {  	v20 =	vld.idx.msk [tilespmem:v16+s31+$0x0], $0xffff;
	_ =	sdelay $0x4  }
0x8a: {  	[tilespmem:$0x28D7] =	vst v20  }
0x8b: {  	v20 =	vld.idx.msk [tilespmem:v17+s31+$0x0], $0xffff;
	_ =	sdelay $0x4  }
0x8c: {  	s0 =	simm.s32 $0x0;
	s1 =	simm.s32 $0x200;
	[tilespmem:$0x28E7] =	vst v20  }
.LBB2_8:
0x8d: {  	p0 =	sne.s32 s1, $0x1E00;
	[tilespmem:s0+$0x2967] =	vst v18  }
0x8e: {  	[tilespmem:s0+$0x28F7] =	vst v18  }
0x8f: {  	[tilespmem:s0+$0x2907] =	vst v18  }
.Ltmp3:
0x90: {  	[tilespmem:s0+$0x2917] =	vst v18;
	(pc) =	sbr.rel @p0 .LBB2_8-.Ltmp3, $4  }
0x91: {  	[tilespmem:s0+$0x2927] =	vst v18  }
0x92: {  	[tilespmem:s0+$0x2937] =	vst v18  }
0x93: {  	[tilespmem:s0+$0x2947] =	vst v18  }
0x94: {  	[tilespmem:s0+$0x2957] =	vst v18;
	s0 =	sshra.s32 s1, $0x2;
	s1 =	sadd.s32 $0x200, s1  }
0x95: {  	[tilespmem:s0+$0x2967] =	vst v18  }
0x96: {  	[tilespmem:s0+$0x28F7] =	vst v18  }
0x97: {  	[tilespmem:s0+$0x2907] =	vst v18  }
0x98: {  	[tilespmem:s0+$0x2917] =	vst v18  }
0x99: {  	[tilespmem:s0+$0x2927] =	vst v18  }
0x9a: {  	[tilespmem:s0+$0x2937] =	vst v18  }
0x9b: {  	[tilespmem:s0+$0x2947] =	vst v18  }
0x9c: {  	[tilespmem:s0+$0x2957] =	vst v18;
	s0 =	simm.s32 $0x0;
	s1 =	simm.s32 $0x200  }
.LBB2_10:
0x9d: {  	p0 =	sne.s32 s1, $0x1C00;
	[tilespmem:s0+$0x3170] =	vst v19  }
0x9e: {  	[tilespmem:s0+$0x3100] =	vst v19  }
0x9f: {  	[tilespmem:s0+$0x3110] =	vst v19  }
.Ltmp4:
0xa0: {  	[tilespmem:s0+$0x3120] =	vst v19;
	(pc) =	sbr.rel @p0 .LBB2_10-.Ltmp4, $4  }
0xa1: {  	[tilespmem:s0+$0x3130] =	vst v19  }
0xa2: {  	[tilespmem:s0+$0x3140] =	vst v19  }
0xa3: {  	[tilespmem:s0+$0x3150] =	vst v19  }
0xa4: {  	[tilespmem:s0+$0x3160] =	vst v19;
	s0 =	sshra.s32 s1, $0x2;
	s1 =	sadd.s32 $0x200, s1  }
0xa5: {  	[tilespmem:s0+$0x3170] =	vst v19  }
0xa6: {  	[tilespmem:s0+$0x3100] =	vst v19  }
0xa7: {  	[tilespmem:s0+$0x3110] =	vst v19  }
0xa8: {  	[tilespmem:s0+$0x3120] =	vst v19  }
0xa9: {  	[tilespmem:s0+$0x3130] =	vst v19  }
0xaa: {  	[tilespmem:s0+$0x3140] =	vst v19  }
0xab: {  	[tilespmem:s0+$0x3150] =	vst v19  }
0xac: {  	[tilespmem:s0+$0x3160] =	vst v19;
	s31 =	simm.s32 $0x0  }
0xad: {  	v20 =	vld.idx.msk [tilespmem:v2+s31+$0x0], $0xffff;
	_ =	sdelay $0x4  }
0xae: {  	[tilespmem:$0x387E] =	vst v20  }
0xaf: {  	v20 =	vld.idx.msk [tilespmem:v3+s31+$0x0], $0xffff;
	_ =	sdelay $0x4  }
0xb0: {  	[tilespmem:$0x388E] =	vst v20  }
0xb1: {  	v20 =	vld.idx.msk [tilespmem:v4+s31+$0x0], $0xffff;
	_ =	sdelay $0x4  }
0xb2: {  	[tilespmem:$0x389E] =	vst v20  }
0xb3: {  	v20 =	vld.idx.msk [tilespmem:v5+s31+$0x0], $0xffff;
	_ =	sdelay $0x4  }
0xb4: {  	[tilespmem:$0x38AE] =	vst v20  }
0xb5: {  	v20 =	vld.idx.msk [tilespmem:v6+s31+$0x0], $0xffff;
	_ =	sdelay $0x4  }
0xb6: {  	[tilespmem:$0x38BE] =	vst v20  }
0xb7: {  	v20 =	vld.idx.msk [tilespmem:v7+s31+$0x0], $0xffff;
	_ =	sdelay $0x4  }
0xb8: {  	[tilespmem:$0x38CE] =	vst v20  }
0xb9: {  	v20 =	vld.idx.msk [tilespmem:v8+s31+$0x0], $0xffff;
	_ =	sdelay $0x4  }
0xba: {  	[tilespmem:$0x38DE] =	vst v20  }
0xbb: {  	v20 =	vld.idx.msk [tilespmem:v9+s31+$0x0], $0xffff;
	_ =	sdelay $0x4  }
0xbc: {  	[tilespmem:$0x38EE] =	vst v20  }
0xbd: {  	v20 =	vld.idx.msk [tilespmem:v10+s31+$0x0], $0xffff;
	_ =	sdelay $0x4  }
0xbe: {  	[tilespmem:$0x38FE] =	vst v20  }
0xbf: {  	v20 =	vld.idx.msk [tilespmem:v11+s31+$0x0], $0xffff;
	_ =	sdelay $0x4  }
0xc0: {  	[tilespmem:$0x390E] =	vst v20  }
0xc1: {  	v20 =	vld.idx.msk [tilespmem:v12+s31+$0x0], $0xffff;
	_ =	sdelay $0x4  }
0xc2: {  	[tilespmem:$0x391E] =	vst v20  }
0xc3: {  	v20 =	vld.idx.msk [tilespmem:v13+s31+$0x0], $0xffff;
	_ =	sdelay $0x4  }
0xc4: {  	[tilespmem:$0x392E] =	vst v20  }
0xc5: {  	v20 =	vld.idx.msk [tilespmem:v14+s31+$0x0], $0xffff;
	_ =	sdelay $0x4  }
0xc6: {  	[tilespmem:$0x393E] =	vst v20  }
0xc7: {  	v20 =	vld.idx.msk [tilespmem:v15+s31+$0x0], $0xffff;
	_ =	sdelay $0x4  }
0xc8: {  	[tilespmem:$0x394E] =	vst v20  }
0xc9: {  	v20 =	vld.idx.msk [tilespmem:v16+s31+$0x0], $0xffff;
	_ =	sdelay $0x4  }
0xca: {  	[tilespmem:$0x395E] =	vst v20  }
0xcb: {  	v20 =	vld.idx.msk [tilespmem:v17+s31+$0x0], $0xffff;
	_ =	sdelay $0x4  }
0xcc: {  	s0 =	simm.s32 $0x0;
	s1 =	simm.s32 $0x200;
	[tilespmem:$0x396E] =	vst v20  }
.LBB2_12:
0xcd: {  	p0 =	sne.s32 s1, $0x1E00;
	[tilespmem:s0+$0x39EE] =	vst v18  }
0xce: {  	[tilespmem:s0+$0x397E] =	vst v18  }
0xcf: {  	[tilespmem:s0+$0x398E] =	vst v18  }
.Ltmp5:
0xd0: {  	[tilespmem:s0+$0x399E] =	vst v18;
	(pc) =	sbr.rel @p0 .LBB2_12-.Ltmp5, $4  }
0xd1: {  	[tilespmem:s0+$0x39AE] =	vst v18  }
0xd2: {  	[tilespmem:s0+$0x39BE] =	vst v18  }
0xd3: {  	[tilespmem:s0+$0x39CE] =	vst v18  }
0xd4: {  	[tilespmem:s0+$0x39DE] =	vst v18;
	s0 =	sshra.s32 s1, $0x2;
	s1 =	sadd.s32 $0x200, s1  }
0xd5: {  	[tilespmem:s0+$0x39EE] =	vst v18  }
0xd6: {  	[tilespmem:s0+$0x397E] =	vst v18  }
0xd7: {  	[tilespmem:s0+$0x398E] =	vst v18  }
0xd8: {  	[tilespmem:s0+$0x399E] =	vst v18  }
0xd9: {  	[tilespmem:s0+$0x39AE] =	vst v18  }
0xda: {  	[tilespmem:s0+$0x39BE] =	vst v18  }
0xdb: {  	[tilespmem:s0+$0x39CE] =	vst v18  }
0xdc: {  	[tilespmem:s0+$0x39DE] =	vst v18;
	s0 =	simm.s32 $0x0;
	s1 =	simm.s32 $0x200  }
.LBB2_14:
0xdd: {  	p0 =	sne.s32 s1, $0x1C00;
	[tilespmem:s0+$0x41F8] =	vst v19  }
0xde: {  	[tilespmem:s0+$0x4188] =	vst v19  }
0xdf: {  	[tilespmem:s0+$0x4198] =	vst v19  }
.Ltmp6:
0xe0: {  	[tilespmem:s0+$0x41A8] =	vst v19;
	(pc) =	sbr.rel @p0 .LBB2_14-.Ltmp6, $4  }
0xe1: {  	[tilespmem:s0+$0x41B8] =	vst v19  }
0xe2: {  	[tilespmem:s0+$0x41C8] =	vst v19  }
0xe3: {  	[tilespmem:s0+$0x41D8] =	vst v19  }
0xe4: {  	[tilespmem:s0+$0x41E8] =	vst v19;
	s0 =	sshra.s32 s1, $0x2;
	s1 =	sadd.s32 $0x200, s1  }
0xe5: {  	[tilespmem:s0+$0x41F8] =	vst v19  }
0xe6: {  	[tilespmem:s0+$0x4188] =	vst v19  }
0xe7: {  	[tilespmem:s0+$0x4198] =	vst v19  }
0xe8: {  	[tilespmem:s0+$0x41A8] =	vst v19  }
0xe9: {  	[tilespmem:s0+$0x41B8] =	vst v19  }
0xea: {  	[tilespmem:s0+$0x41C8] =	vst v19  }
0xeb: {  	[tilespmem:s0+$0x41D8] =	vst v19  }
0xec: {  	[tilespmem:s0+$0x41E8] =	vst v19;
	s31 =	simm.s32 $0x0  }
0xed: {  	v20 =	vld.idx.msk [tilespmem:v2+s31+$0x0], $0xffff;
	_ =	sdelay $0x4  }
0xee: {  	[tilespmem:$0x4905] =	vst v20  }
0xef: {  	v20 =	vld.idx.msk [tilespmem:v3+s31+$0x0], $0xffff;
	_ =	sdelay $0x4  }
0xf0: {  	[tilespmem:$0x4915] =	vst v20  }
0xf1: {  	v20 =	vld.idx.msk [tilespmem:v4+s31+$0x0], $0xffff;
	_ =	sdelay $0x4  }
0xf2: {  	[tilespmem:$0x4925] =	vst v20  }
0xf3: {  	v20 =	vld.idx.msk [tilespmem:v5+s31+$0x0], $0xffff;
	_ =	sdelay $0x4  }
0xf4: {  	[tilespmem:$0x4935] =	vst v20  }
0xf5: {  	v20 =	vld.idx.msk [tilespmem:v6+s31+$0x0], $0xffff;
	_ =	sdelay $0x4  }
0xf6: {  	[tilespmem:$0x4945] =	vst v20  }
0xf7: {  	v20 =	vld.idx.msk [tilespmem:v7+s31+$0x0], $0xffff;
	_ =	sdelay $0x4  }
0xf8: {  	[tilespmem:$0x4955] =	vst v20  }
0xf9: {  	v20 =	vld.idx.msk [tilespmem:v8+s31+$0x0], $0xffff;
	_ =	sdelay $0x4  }
0xfa: {  	[tilespmem:$0x4965] =	vst v20  }
0xfb: {  	v20 =	vld.idx.msk [tilespmem:v9+s31+$0x0], $0xffff;
	_ =	sdelay $0x4  }
0xfc: {  	[tilespmem:$0x4975] =	vst v20  }
0xfd: {  	v20 =	vld.idx.msk [tilespmem:v10+s31+$0x0], $0xffff;
	_ =	sdelay $0x4  }
0xfe: {  	[tilespmem:$0x4985] =	vst v20  }
0xff: {  	v20 =	vld.idx.msk [tilespmem:v11+s31+$0x0], $0xffff;
	_ =	sdelay $0x4  }
0x100: {  	[tilespmem:$0x4995] =	vst v20  }
0x101: {  	v20 =	vld.idx.msk [tilespmem:v12+s31+$0x0], $0xffff;
	_ =	sdelay $0x4  }
0x102: {  	[tilespmem:$0x49A5] =	vst v20  }
0x103: {  	v20 =	vld.idx.msk [tilespmem:v13+s31+$0x0], $0xffff;
	_ =	sdelay $0x4  }
0x104: {  	[tilespmem:$0x49B5] =	vst v20  }
0x105: {  	v20 =	vld.idx.msk [tilespmem:v14+s31+$0x0], $0xffff;
	_ =	sdelay $0x4  }
0x106: {  	[tilespmem:$0x49C5] =	vst v20  }
0x107: {  	v20 =	vld.idx.msk [tilespmem:v15+s31+$0x0], $0xffff;
	_ =	sdelay $0x4  }
0x108: {  	[tilespmem:$0x49D5] =	vst v20  }
0x109: {  	v20 =	vld.idx.msk [tilespmem:v16+s31+$0x0], $0xffff;
	_ =	sdelay $0x4  }
0x10a: {  	[tilespmem:$0x49E5] =	vst v20  }
0x10b: {  	v20 =	vld.idx.msk [tilespmem:v17+s31+$0x0], $0xffff;
	_ =	sdelay $0x4  }
0x10c: {  	s0 =	simm.s32 $0x0;
	s1 =	simm.s32 $0x200;
	[tilespmem:$0x49F5] =	vst v20  }
.LBB2_16:
0x10d: {  	p0 =	sne.s32 s1, $0x1E00;
	[tilespmem:s0+$0x4A75] =	vst v18  }
0x10e: {  	[tilespmem:s0+$0x4A05] =	vst v18  }
0x10f: {  	[tilespmem:s0+$0x4A15] =	vst v18  }
.Ltmp7:
0x110: {  	[tilespmem:s0+$0x4A25] =	vst v18;
	(pc) =	sbr.rel @p0 .LBB2_16-.Ltmp7, $4  }
0x111: {  	[tilespmem:s0+$0x4A35] =	vst v18  }
0x112: {  	[tilespmem:s0+$0x4A45] =	vst v18  }
0x113: {  	[tilespmem:s0+$0x4A55] =	vst v18  }
0x114: {  	[tilespmem:s0+$0x4A65] =	vst v18;
	s0 =	sshra.s32 s1, $0x2;
	s1 =	sadd.s32 $0x200, s1  }
0x115: {  	[tilespmem:s0+$0x4A75] =	vst v18  }
0x116: {  	[tilespmem:s0+$0x4A05] =	vst v18  }
0x117: {  	[tilespmem:s0+$0x4A15] =	vst v18  }
0x118: {  	[tilespmem:s0+$0x4A25] =	vst v18  }
0x119: {  	[tilespmem:s0+$0x4A35] =	vst v18  }
0x11a: {  	[tilespmem:s0+$0x4A45] =	vst v18  }
0x11b: {  	[tilespmem:s0+$0x4A55] =	vst v18  }
0x11c: {  	[tilespmem:s0+$0x4A65] =	vst v18;
	s0 =	simm.s32 $0x0;
	s1 =	simm.s32 $0x200  }
.LBB2_18:
0x11d: {  	p0 =	sne.s32 s1, $0x1C00;
	[tilespmem:s0+$0x5280] =	vst v19  }
0x11e: {  	[tilespmem:s0+$0x5210] =	vst v19  }
0x11f: {  	[tilespmem:s0+$0x5220] =	vst v19  }
.Ltmp8:
0x120: {  	[tilespmem:s0+$0x5230] =	vst v19;
	(pc) =	sbr.rel @p0 .LBB2_18-.Ltmp8, $4  }
0x121: {  	[tilespmem:s0+$0x5240] =	vst v19  }
0x122: {  	[tilespmem:s0+$0x5250] =	vst v19  }
0x123: {  	[tilespmem:s0+$0x5260] =	vst v19  }
0x124: {  	[tilespmem:s0+$0x5270] =	vst v19;
	s0 =	sshra.s32 s1, $0x2;
	s1 =	sadd.s32 $0x200, s1  }
0x125: {  	[tilespmem:s0+$0x5280] =	vst v19  }
0x126: {  	[tilespmem:s0+$0x5210] =	vst v19  }
0x127: {  	[tilespmem:s0+$0x5220] =	vst v19  }
0x128: {  	[tilespmem:s0+$0x5230] =	vst v19  }
0x129: {  	[tilespmem:s0+$0x5240] =	vst v19  }
0x12a: {  	[tilespmem:s0+$0x5250] =	vst v19  }
0x12b: {  	[tilespmem:s0+$0x5260] =	vst v19  }
0x12c: {  	[tilespmem:s0+$0x5270] =	vst v19;
	s31 =	simm.s32 $0x0  }
0x12d: {  	v20 =	vld.idx.msk [tilespmem:v2+s31+$0x0], $0xffff;
	_ =	sdelay $0x4  }
0x12e: {  	[tilespmem:$0x598C] =	vst v20  }
0x12f: {  	v20 =	vld.idx.msk [tilespmem:v3+s31+$0x0], $0xffff;
	_ =	sdelay $0x4  }
0x130: {  	[tilespmem:$0x599C] =	vst v20  }
0x131: {  	v20 =	vld.idx.msk [tilespmem:v4+s31+$0x0], $0xffff;
	_ =	sdelay $0x4  }
0x132: {  	[tilespmem:$0x59AC] =	vst v20  }
0x133: {  	v20 =	vld.idx.msk [tilespmem:v5+s31+$0x0], $0xffff;
	_ =	sdelay $0x4  }
0x134: {  	[tilespmem:$0x59BC] =	vst v20  }
0x135: {  	v20 =	vld.idx.msk [tilespmem:v6+s31+$0x0], $0xffff;
	_ =	sdelay $0x4  }
0x136: {  	[tilespmem:$0x59CC] =	vst v20  }
0x137: {  	v20 =	vld.idx.msk [tilespmem:v7+s31+$0x0], $0xffff;
	_ =	sdelay $0x4  }
0x138: {  	[tilespmem:$0x59DC] =	vst v20  }
0x139: {  	v20 =	vld.idx.msk [tilespmem:v8+s31+$0x0], $0xffff;
	_ =	sdelay $0x4  }
0x13a: {  	[tilespmem:$0x59EC] =	vst v20  }
0x13b: {  	v20 =	vld.idx.msk [tilespmem:v9+s31+$0x0], $0xffff;
	_ =	sdelay $0x4  }
0x13c: {  	[tilespmem:$0x59FC] =	vst v20  }
0x13d: {  	v20 =	vld.idx.msk [tilespmem:v10+s31+$0x0], $0xffff;
	_ =	sdelay $0x4  }
0x13e: {  	[tilespmem:$0x5A0C] =	vst v20  }
0x13f: {  	v20 =	vld.idx.msk [tilespmem:v11+s31+$0x0], $0xffff;
	_ =	sdelay $0x4  }
0x140: {  	[tilespmem:$0x5A1C] =	vst v20  }
0x141: {  	v20 =	vld.idx.msk [tilespmem:v12+s31+$0x0], $0xffff;
	_ =	sdelay $0x4  }
0x142: {  	[tilespmem:$0x5A2C] =	vst v20  }
0x143: {  	v20 =	vld.idx.msk [tilespmem:v13+s31+$0x0], $0xffff;
	_ =	sdelay $0x4  }
0x144: {  	[tilespmem:$0x5A3C] =	vst v20  }
0x145: {  	v20 =	vld.idx.msk [tilespmem:v14+s31+$0x0], $0xffff;
	_ =	sdelay $0x4  }
0x146: {  	[tilespmem:$0x5A4C] =	vst v20  }
0x147: {  	v20 =	vld.idx.msk [tilespmem:v15+s31+$0x0], $0xffff;
	_ =	sdelay $0x4  }
0x148: {  	[tilespmem:$0x5A5C] =	vst v20  }
0x149: {  	v20 =	vld.idx.msk [tilespmem:v16+s31+$0x0], $0xffff;
	_ =	sdelay $0x4  }
0x14a: {  	[tilespmem:$0x5A6C] =	vst v20  }
0x14b: {  	v20 =	vld.idx.msk [tilespmem:v17+s31+$0x0], $0xffff;
	_ =	sdelay $0x4  }
0x14c: {  	s0 =	simm.s32 $0x0;
	s1 =	simm.s32 $0x200;
	[tilespmem:$0x5A7C] =	vst v20  }
.LBB2_20:
0x14d: {  	p0 =	sne.s32 s1, $0x1E00;
	[tilespmem:s0+$0x5AFC] =	vst v18  }
0x14e: {  	[tilespmem:s0+$0x5A8C] =	vst v18  }
0x14f: {  	[tilespmem:s0+$0x5A9C] =	vst v18  }
.Ltmp9:
0x150: {  	[tilespmem:s0+$0x5AAC] =	vst v18;
	(pc) =	sbr.rel @p0 .LBB2_20-.Ltmp9, $4  }
0x151: {  	[tilespmem:s0+$0x5ABC] =	vst v18  }
0x152: {  	[tilespmem:s0+$0x5ACC] =	vst v18  }
0x153: {  	[tilespmem:s0+$0x5ADC] =	vst v18  }
0x154: {  	[tilespmem:s0+$0x5AEC] =	vst v18;
	s0 =	sshra.s32 s1, $0x2;
	s1 =	sadd.s32 $0x200, s1  }
0x155: {  	[tilespmem:s0+$0x5AFC] =	vst v18  }
0x156: {  	[tilespmem:s0+$0x5A8C] =	vst v18  }
0x157: {  	[tilespmem:s0+$0x5A9C] =	vst v18  }
0x158: {  	[tilespmem:s0+$0x5AAC] =	vst v18  }
0x159: {  	[tilespmem:s0+$0x5ABC] =	vst v18  }
0x15a: {  	[tilespmem:s0+$0x5ACC] =	vst v18  }
0x15b: {  	[tilespmem:s0+$0x5ADC] =	vst v18  }
0x15c: {  	[tilespmem:s0+$0x5AEC] =	vst v18;
	s0 =	simm.s32 $0x0;
	s1 =	simm.s32 $0x200  }
.LBB2_22:
0x15d: {  	p0 =	sne.s32 s1, $0x1C00;
	[tilespmem:s0+$0x6308] =	vst v19  }
0x15e: {  	[tilespmem:s0+$0x6298] =	vst v19  }
0x15f: {  	[tilespmem:s0+$0x62A8] =	vst v19  }
.Ltmp10:
0x160: {  	[tilespmem:s0+$0x62B8] =	vst v19;
	(pc) =	sbr.rel @p0 .LBB2_22-.Ltmp10, $4  }
0x161: {  	[tilespmem:s0+$0x62C8] =	vst v19  }
0x162: {  	[tilespmem:s0+$0x62D8] =	vst v19  }
0x163: {  	[tilespmem:s0+$0x62E8] =	vst v19  }
0x164: {  	[tilespmem:s0+$0x62F8] =	vst v19;
	s0 =	sshra.s32 s1, $0x2;
	s1 =	sadd.s32 $0x200, s1  }
0x165: {  	[tilespmem:s0+$0x6308] =	vst v19  }
0x166: {  	[tilespmem:s0+$0x6298] =	vst v19  }
0x167: {  	[tilespmem:s0+$0x62A8] =	vst v19  }
0x168: {  	[tilespmem:s0+$0x62B8] =	vst v19  }
0x169: {  	[tilespmem:s0+$0x62C8] =	vst v19  }
0x16a: {  	[tilespmem:s0+$0x62D8] =	vst v19  }
0x16b: {  	[tilespmem:s0+$0x62E8] =	vst v19  }
0x16c: {  	[tilespmem:s0+$0x62F8] =	vst v19;
	s31 =	simm.s32 $0x0  }
0x16d: {  	v20 =	vld.idx.msk [tilespmem:v2+s31+$0x0], $0xffff;
	_ =	sdelay $0x4  }
0x16e: {  	[tilespmem:$0x6A13] =	vst v20  }
0x16f: {  	v20 =	vld.idx.msk [tilespmem:v3+s31+$0x0], $0xffff;
	_ =	sdelay $0x4  }
0x170: {  	[tilespmem:$0x6A23] =	vst v20  }
0x171: {  	v20 =	vld.idx.msk [tilespmem:v4+s31+$0x0], $0xffff;
	_ =	sdelay $0x4  }
0x172: {  	[tilespmem:$0x6A33] =	vst v20  }
0x173: {  	v20 =	vld.idx.msk [tilespmem:v5+s31+$0x0], $0xffff;
	_ =	sdelay $0x4  }
0x174: {  	[tilespmem:$0x6A43] =	vst v20  }
0x175: {  	v20 =	vld.idx.msk [tilespmem:v6+s31+$0x0], $0xffff;
	_ =	sdelay $0x4  }
0x176: {  	[tilespmem:$0x6A53] =	vst v20  }
0x177: {  	v20 =	vld.idx.msk [tilespmem:v7+s31+$0x0], $0xffff;
	_ =	sdelay $0x4  }
0x178: {  	[tilespmem:$0x6A63] =	vst v20  }
0x179: {  	v20 =	vld.idx.msk [tilespmem:v8+s31+$0x0], $0xffff;
	_ =	sdelay $0x4  }
0x17a: {  	[tilespmem:$0x6A73] =	vst v20  }
0x17b: {  	v20 =	vld.idx.msk [tilespmem:v9+s31+$0x0], $0xffff;
	_ =	sdelay $0x4  }
0x17c: {  	[tilespmem:$0x6A83] =	vst v20  }
0x17d: {  	v20 =	vld.idx.msk [tilespmem:v10+s31+$0x0], $0xffff;
	_ =	sdelay $0x4  }
0x17e: {  	[tilespmem:$0x6A93] =	vst v20  }
0x17f: {  	v20 =	vld.idx.msk [tilespmem:v11+s31+$0x0], $0xffff;
	_ =	sdelay $0x4  }
0x180: {  	[tilespmem:$0x6AA3] =	vst v20  }
0x181: {  	v20 =	vld.idx.msk [tilespmem:v12+s31+$0x0], $0xffff;
	_ =	sdelay $0x4  }
0x182: {  	[tilespmem:$0x6AB3] =	vst v20  }
0x183: {  	v20 =	vld.idx.msk [tilespmem:v13+s31+$0x0], $0xffff;
	_ =	sdelay $0x4  }
0x184: {  	[tilespmem:$0x6AC3] =	vst v20  }
0x185: {  	v20 =	vld.idx.msk [tilespmem:v14+s31+$0x0], $0xffff;
	_ =	sdelay $0x4  }
0x186: {  	[tilespmem:$0x6AD3] =	vst v20  }
0x187: {  	v20 =	vld.idx.msk [tilespmem:v15+s31+$0x0], $0xffff;
	_ =	sdelay $0x4  }
0x188: {  	[tilespmem:$0x6AE3] =	vst v20  }
0x189: {  	v20 =	vld.idx.msk [tilespmem:v16+s31+$0x0], $0xffff;
	_ =	sdelay $0x4  }
0x18a: {  	[tilespmem:$0x6AF3] =	vst v20  }
0x18b: {  	v20 =	vld.idx.msk [tilespmem:v17+s31+$0x0], $0xffff;
	_ =	sdelay $0x4  }
0x18c: {  	s0 =	simm.s32 $0x0;
	s1 =	simm.s32 $0x200;
	[tilespmem:$0x6B03] =	vst v20  }
.LBB2_24:
0x18d: {  	p0 =	sne.s32 s1, $0x1E00;
	[tilespmem:s0+$0x6B83] =	vst v18  }
0x18e: {  	[tilespmem:s0+$0x6B13] =	vst v18  }
0x18f: {  	[tilespmem:s0+$0x6B23] =	vst v18  }
.Ltmp11:
0x190: {  	[tilespmem:s0+$0x6B33] =	vst v18;
	(pc) =	sbr.rel @p0 .LBB2_24-.Ltmp11, $4  }
0x191: {  	[tilespmem:s0+$0x6B43] =	vst v18  }
0x192: {  	[tilespmem:s0+$0x6B53] =	vst v18  }
0x193: {  	[tilespmem:s0+$0x6B63] =	vst v18  }
0x194: {  	[tilespmem:s0+$0x6B73] =	vst v18;
	s0 =	sshra.s32 s1, $0x2;
	s1 =	sadd.s32 $0x200, s1  }
0x195: {  	[tilespmem:s0+$0x6B83] =	vst v18  }
0x196: {  	[tilespmem:s0+$0x6B13] =	vst v18  }
0x197: {  	[tilespmem:s0+$0x6B23] =	vst v18  }
0x198: {  	[tilespmem:s0+$0x6B33] =	vst v18  }
0x199: {  	[tilespmem:s0+$0x6B43] =	vst v18  }
0x19a: {  	[tilespmem:s0+$0x6B53] =	vst v18  }
0x19b: {  	[tilespmem:s0+$0x6B63] =	vst v18  }
0x19c: {  	[tilespmem:s0+$0x6B73] =	vst v18;
	s0 =	simm.s32 $0x0;
	s1 =	simm.s32 $0x200  }
.LBB2_26:
0x19d: {  	p0 =	sne.s32 s1, $0x1C00;
	[tilespmem:s0+$0x7390] =	vst v19  }
0x19e: {  	[tilespmem:s0+$0x7320] =	vst v19  }
0x19f: {  	[tilespmem:s0+$0x7330] =	vst v19  }
.Ltmp12:
0x1a0: {  	[tilespmem:s0+$0x7340] =	vst v19;
	(pc) =	sbr.rel @p0 .LBB2_26-.Ltmp12, $4  }
0x1a1: {  	[tilespmem:s0+$0x7350] =	vst v19  }
0x1a2: {  	[tilespmem:s0+$0x7360] =	vst v19  }
0x1a3: {  	[tilespmem:s0+$0x7370] =	vst v19  }
0x1a4: {  	[tilespmem:s0+$0x7380] =	vst v19;
	s0 =	sshra.s32 s1, $0x2;
	s1 =	sadd.s32 $0x200, s1  }
0x1a5: {  	[tilespmem:s0+$0x7390] =	vst v19  }
0x1a6: {  	[tilespmem:s0+$0x7320] =	vst v19  }
0x1a7: {  	[tilespmem:s0+$0x7330] =	vst v19  }
0x1a8: {  	[tilespmem:s0+$0x7340] =	vst v19  }
0x1a9: {  	[tilespmem:s0+$0x7350] =	vst v19  }
0x1aa: {  	[tilespmem:s0+$0x7360] =	vst v19  }
0x1ab: {  	[tilespmem:s0+$0x7370] =	vst v19  }
0x1ac: {  	[tilespmem:s0+$0x7380] =	vst v19;
	s31 =	simm.s32 $0x0  }
0x1ad: {  	v20 =	vld.idx.msk [tilespmem:v2+s31+$0x0], $0xffff;
	_ =	sdelay $0x4  }
0x1ae: {  	[tilespmem:$0x7A9A] =	vst v20  }
0x1af: {  	v20 =	vld.idx.msk [tilespmem:v3+s31+$0x0], $0xffff;
	_ =	sdelay $0x4  }
0x1b0: {  	[tilespmem:$0x7AAA] =	vst v20  }
0x1b1: {  	v20 =	vld.idx.msk [tilespmem:v4+s31+$0x0], $0xffff;
	_ =	sdelay $0x4  }
0x1b2: {  	[tilespmem:$0x7ABA] =	vst v20  }
0x1b3: {  	v20 =	vld.idx.msk [tilespmem:v5+s31+$0x0], $0xffff;
	_ =	sdelay $0x4  }
0x1b4: {  	[tilespmem:$0x7ACA] =	vst v20  }
0x1b5: {  	v20 =	vld.idx.msk [tilespmem:v6+s31+$0x0], $0xffff;
	_ =	sdelay $0x4  }
0x1b6: {  	[tilespmem:$0x7ADA] =	vst v20  }
0x1b7: {  	v20 =	vld.idx.msk [tilespmem:v7+s31+$0x0], $0xffff;
	_ =	sdelay $0x4  }
0x1b8: {  	[tilespmem:$0x7AEA] =	vst v20  }
0x1b9: {  	v20 =	vld.idx.msk [tilespmem:v8+s31+$0x0], $0xffff;
	_ =	sdelay $0x4  }
0x1ba: {  	[tilespmem:$0x7AFA] =	vst v20  }
0x1bb: {  	v20 =	vld.idx.msk [tilespmem:v9+s31+$0x0], $0xffff;
	_ =	sdelay $0x4  }
0x1bc: {  	[tilespmem:$0x7B0A] =	vst v20  }
0x1bd: {  	v20 =	vld.idx.msk [tilespmem:v10+s31+$0x0], $0xffff;
	_ =	sdelay $0x4  }
0x1be: {  	[tilespmem:$0x7B1A] =	vst v20  }
0x1bf: {  	v20 =	vld.idx.msk [tilespmem:v11+s31+$0x0], $0xffff;
	_ =	sdelay $0x4  }
0x1c0: {  	[tilespmem:$0x7B2A] =	vst v20  }
0x1c1: {  	v20 =	vld.idx.msk [tilespmem:v12+s31+$0x0], $0xffff;
	_ =	sdelay $0x4  }
0x1c2: {  	[tilespmem:$0x7B3A] =	vst v20  }
0x1c3: {  	v20 =	vld.idx.msk [tilespmem:v13+s31+$0x0], $0xffff;
	_ =	sdelay $0x4  }
0x1c4: {  	[tilespmem:$0x7B4A] =	vst v20  }
0x1c5: {  	v20 =	vld.idx.msk [tilespmem:v14+s31+$0x0], $0xffff;
	_ =	sdelay $0x4  }
0x1c6: {  	[tilespmem:$0x7B5A] =	vst v20  }
0x1c7: {  	v20 =	vld.idx.msk [tilespmem:v15+s31+$0x0], $0xffff;
	_ =	sdelay $0x4  }
0x1c8: {  	[tilespmem:$0x7B6A] =	vst v20  }
0x1c9: {  	v20 =	vld.idx.msk [tilespmem:v16+s31+$0x0], $0xffff;
	_ =	sdelay $0x4  }
0x1ca: {  	[tilespmem:$0x7B7A] =	vst v20  }
0x1cb: {  	v20 =	vld.idx.msk [tilespmem:v17+s31+$0x0], $0xffff;
	_ =	sdelay $0x4  }
0x1cc: {  	s0 =	simm.s32 $0x0;
	s1 =	simm.s32 $0x200;
	[tilespmem:$0x7B8A] =	vst v20  }
.LBB2_28:
0x1cd: {  	p0 =	sne.s32 s1, $0x1E00;
	[tilespmem:s0+$0x7C0A] =	vst v18  }
0x1ce: {  	[tilespmem:s0+$0x7B9A] =	vst v18  }
0x1cf: {  	[tilespmem:s0+$0x7BAA] =	vst v18  }
.Ltmp13:
0x1d0: {  	[tilespmem:s0+$0x7BBA] =	vst v18;
	(pc) =	sbr.rel @p0 .LBB2_28-.Ltmp13, $4  }
0x1d1: {  	[tilespmem:s0+$0x7BCA] =	vst v18  }
0x1d2: {  	[tilespmem:s0+$0x7BDA] =	vst v18  }
0x1d3: {  	[tilespmem:s0+$0x7BEA] =	vst v18  }
0x1d4: {  	[tilespmem:s0+$0x7BFA] =	vst v18;
	s0 =	sshra.s32 s1, $0x2;
	s1 =	sadd.s32 $0x200, s1  }
0x1d5: {  	[tilespmem:s0+$0x7C0A] =	vst v18  }
0x1d6: {  	[tilespmem:s0+$0x7B9A] =	vst v18  }
0x1d7: {  	[tilespmem:s0+$0x7BAA] =	vst v18  }
0x1d8: {  	[tilespmem:s0+$0x7BBA] =	vst v18  }
0x1d9: {  	[tilespmem:s0+$0x7BCA] =	vst v18  }
0x1da: {  	[tilespmem:s0+$0x7BDA] =	vst v18  }
0x1db: {  	[tilespmem:s0+$0x7BEA] =	vst v18  }
0x1dc: {  	[tilespmem:s0+$0x7BFA] =	vst v18;
	s0 =	simm.s32 $0x0;
	s1 =	simm.s32 $0x200  }
.LBB2_30:
0x1dd: {  	p0 =	sne.s32 s1, $0x1C00;
	[tilespmem:s0+$0x8418] =	vst v19  }
0x1de: {  	[tilespmem:s0+$0x83A8] =	vst v19  }
0x1df: {  	[tilespmem:s0+$0x83B8] =	vst v19  }
.Ltmp14:
0x1e0: {  	[tilespmem:s0+$0x83C8] =	vst v19;
	(pc) =	sbr.rel @p0 .LBB2_30-.Ltmp14, $4  }
0x1e1: {  	[tilespmem:s0+$0x83D8] =	vst v19  }
0x1e2: {  	[tilespmem:s0+$0x83E8] =	vst v19  }
0x1e3: {  	[tilespmem:s0+$0x83F8] =	vst v19  }
0x1e4: {  	[tilespmem:s0+$0x8408] =	vst v19;
	s0 =	sshra.s32 s1, $0x2;
	s1 =	sadd.s32 $0x200, s1  }
0x1e5: {  	[tilespmem:s0+$0x8418] =	vst v19  }
0x1e6: {  	[tilespmem:s0+$0x83A8] =	vst v19  }
0x1e7: {  	[tilespmem:s0+$0x83B8] =	vst v19  }
0x1e8: {  	[tilespmem:s0+$0x83C8] =	vst v19  }
0x1e9: {  	[tilespmem:s0+$0x83D8] =	vst v19  }
0x1ea: {  	[tilespmem:s0+$0x83E8] =	vst v19  }
0x1eb: {  	[tilespmem:s0+$0x83F8] =	vst v19  }
0x1ec: {  	[tilespmem:s0+$0x8408] =	vst v19;
	s31 =	simm.s32 $0x0  }
0x1ed: {  	v19 =	vld.idx.msk [tilespmem:v2+s31+$0x0], $0xffff;
	_ =	sdelay $0x4  }
0x1ee: {  	[tilespmem:$0x8B21] =	vst v19  }
0x1ef: {  	v19 =	vld.idx.msk [tilespmem:v3+s31+$0x0], $0xffff;
	_ =	sdelay $0x4  }
0x1f0: {  	[tilespmem:$0x8B31] =	vst v19  }
0x1f1: {  	v19 =	vld.idx.msk [tilespmem:v4+s31+$0x0], $0xffff;
	_ =	sdelay $0x4  }
0x1f2: {  	[tilespmem:$0x8B41] =	vst v19  }
0x1f3: {  	v19 =	vld.idx.msk [tilespmem:v5+s31+$0x0], $0xffff;
	_ =	sdelay $0x4  }
0x1f4: {  	[tilespmem:$0x8B51] =	vst v19  }
0x1f5: {  	v19 =	vld.idx.msk [tilespmem:v6+s31+$0x0], $0xffff;
	_ =	sdelay $0x4  }
0x1f6: {  	[tilespmem:$0x8B61] =	vst v19  }
0x1f7: {  	v19 =	vld.idx.msk [tilespmem:v7+s31+$0x0], $0xffff;
	_ =	sdelay $0x4  }
0x1f8: {  	[tilespmem:$0x8B71] =	vst v19  }
0x1f9: {  	v19 =	vld.idx.msk [tilespmem:v8+s31+$0x0], $0xffff;
	_ =	sdelay $0x4  }
0x1fa: {  	[tilespmem:$0x8B81] =	vst v19  }
0x1fb: {  	v19 =	vld.idx.msk [tilespmem:v9+s31+$0x0], $0xffff;
	_ =	sdelay $0x4  }
0x1fc: {  	[tilespmem:$0x8B91] =	vst v19  }
0x1fd: {  	v19 =	vld.idx.msk [tilespmem:v10+s31+$0x0], $0xffff;
	_ =	sdelay $0x4  }
0x1fe: {  	[tilespmem:$0x8BA1] =	vst v19  }
0x1ff: {  	v19 =	vld.idx.msk [tilespmem:v11+s31+$0x0], $0xffff;
	_ =	sdelay $0x4  }
0x200: {  	[tilespmem:$0x8BB1] =	vst v19  }
0x201: {  	v19 =	vld.idx.msk [tilespmem:v12+s31+$0x0], $0xffff;
	_ =	sdelay $0x4  }
0x202: {  	[tilespmem:$0x8BC1] =	vst v19  }
0x203: {  	v19 =	vld.idx.msk [tilespmem:v13+s31+$0x0], $0xffff;
	_ =	sdelay $0x4  }
0x204: {  	[tilespmem:$0x8BD1] =	vst v19  }
0x205: {  	v19 =	vld.idx.msk [tilespmem:v14+s31+$0x0], $0xffff;
	_ =	sdelay $0x4  }
0x206: {  	[tilespmem:$0x8BE1] =	vst v19  }
0x207: {  	v19 =	vld.idx.msk [tilespmem:v15+s31+$0x0], $0xffff;
	_ =	sdelay $0x4  }
0x208: {  	[tilespmem:$0x8BF1] =	vst v19  }
0x209: {  	v19 =	vld.idx.msk [tilespmem:v16+s31+$0x0], $0xffff;
	_ =	sdelay $0x4  }
0x20a: {  	[tilespmem:$0x8C01] =	vst v19  }
0x20b: {  	v19 =	vld.idx.msk [tilespmem:v17+s31+$0x0], $0xffff;
	_ =	sdelay $0x4  }
0x20c: {  	s0 =	simm.s32 $0x0;
	s1 =	simm.s32 $0x200;
	[tilespmem:$0x8C11] =	vst v19  }
.LBB2_32:
0x20d: {  	p0 =	sne.s32 s1, $0x1E00;
	[tilespmem:s0+$0x8C91] =	vst v18  }
0x20e: {  	[tilespmem:s0+$0x8C21] =	vst v18  }
0x20f: {  	[tilespmem:s0+$0x8C31] =	vst v18  }
.Ltmp15:
0x210: {  	[tilespmem:s0+$0x8C41] =	vst v18;
	(pc) =	sbr.rel @p0 .LBB2_32-.Ltmp15, $4  }
0x211: {  	[tilespmem:s0+$0x8C51] =	vst v18  }
0x212: {  	[tilespmem:s0+$0x8C61] =	vst v18  }
0x213: {  	[tilespmem:s0+$0x8C71] =	vst v18  }
0x214: {  	[tilespmem:s0+$0x8C81] =	vst v18;
	s0 =	sshra.s32 s1, $0x2;
	s1 =	sadd.s32 $0x200, s1  }
0x215: {  	[tilespmem:s0+$0x8C91] =	vst v18  }
0x216: {  	[tilespmem:s0+$0x8C21] =	vst v18  }
0x217: {  	[tilespmem:s0+$0x8C31] =	vst v18  }
0x218: {  	[tilespmem:s0+$0x8C41] =	vst v18  }
0x219: {  	[tilespmem:s0+$0x8C51] =	vst v18  }
0x21a: {  	[tilespmem:s0+$0x8C61] =	vst v18;
	s5 =	sld [smem:$0x7FA]  }
0x21b: {  	[tilespmem:s0+$0x8C71] =	vst v18  }
0x21c: {  	[tilespmem:s0+$0x8C81] =	vst v18;
	s1 =	simm.s32 $0xFF0  }
0x21d: {  	[spmem:s5] =	stream.linear.scatter [tilespmem:s1], [sflag:$0x2], $0x1080, $0x38;
	[tilespmem:$0x11840] =	vst v63  }
0x21e: {  	_ =	swait.ge [sflag:s2], $0x1080  }
0x21f: {  	s6 =	sld [smem:$0x7F4]  }
0x220: {  	[sflag:s2] =	ssyncset.done $0x0  }
0x221: {  	s7 =	simm.s32 $0x2078;
	[sflag:s2] =	ssyncadd.s32 $0xFFFFEF80  }
0x222: {  	[spmem:s6] =	stream.linear.scatter [tilespmem:s7], [sflag:$0x2], $0x1080, $0x38;
	[tilespmem:$0x11840] =	vst v63  }
0x223: {  	_ =	swait.ge [sflag:s2], $0x1080  }
0x224: {  	s8 =	sld [smem:$0x7F5]  }
0x225: {  	[sflag:s2] =	ssyncset.done $0x0  }
0x226: {  	s9 =	simm.s32 $0x3100;
	[sflag:s2] =	ssyncadd.s32 $0xFFFFEF80  }
0x227: {  	[spmem:s8] =	stream.linear.scatter [tilespmem:s9], [sflag:$0x2], $0x1080, $0x38;
	[tilespmem:$0x11840] =	vst v63  }
0x228: {  	_ =	swait.ge [sflag:s2], $0x1080  }
0x229: {  	s10 =	sld [smem:$0x7F6]  }
0x22a: {  	[sflag:s2] =	ssyncset.done $0x0  }
0x22b: {  	s11 =	simm.s32 $0x4188;
	[sflag:s2] =	ssyncadd.s32 $0xFFFFEF80  }
0x22c: {  	[spmem:s10] =	stream.linear.scatter [tilespmem:s11], [sflag:$0x2], $0x1080, $0x38;
	[tilespmem:$0x11840] =	vst v63  }
0x22d: {  	_ =	swait.ge [sflag:s2], $0x1080  }
0x22e: {  	s12 =	sld [smem:$0x7F7]  }
0x22f: {  	[sflag:s2] =	ssyncset.done $0x0  }
0x230: {  	s13 =	simm.s32 $0x5210;
	[sflag:s2] =	ssyncadd.s32 $0xFFFFEF80  }
0x231: {  	[spmem:s12] =	stream.linear.scatter [tilespmem:s13], [sflag:$0x2], $0x1080, $0x38;
	[tilespmem:$0x11840] =	vst v63  }
0x232: {  	_ =	swait.ge [sflag:s2], $0x1080  }
0x233: {  	s14 =	sld [smem:$0x7F8]  }
0x234: {  	[sflag:s2] =	ssyncset.done $0x0  }
0x235: {  	s15 =	simm.s32 $0x6298;
	[sflag:s2] =	ssyncadd.s32 $0xFFFFEF80  }
0x236: {  	[spmem:s14] =	stream.linear.scatter [tilespmem:s15], [sflag:$0x2], $0x1080, $0x38;
	[tilespmem:$0x11840] =	vst v63  }
0x237: {  	_ =	swait.ge [sflag:s2], $0x1080  }
0x238: {  	s16 =	sld [smem:$0x7F9]  }
0x239: {  	[sflag:s2] =	ssyncset.done $0x0  }
0x23a: {  	s17 =	simm.s32 $0x7320;
	[sflag:s2] =	ssyncadd.s32 $0xFFFFEF80  }
0x23b: {  	[spmem:s16] =	stream.linear.scatter [tilespmem:s17], [sflag:$0x2], $0x1080, $0x38;
	[tilespmem:$0x11840] =	vst v63  }
0x23c: {  	_ =	swait.ge [sflag:s2], $0x1080  }
0x23d: {  	s18 =	sld [smem:$0x7FB]  }
0x23e: {  	[sflag:s2] =	ssyncset.done $0x0  }
0x23f: {  	s19 =	simm.s32 $0x83A8;
	[sflag:s2] =	ssyncadd.s32 $0xFFFFEF80  }
0x240: {  	[spmem:s18] =	stream.linear.scatter [tilespmem:s19], [sflag:$0x2], $0x1080, $0x38;
	[tilespmem:$0x11840] =	vst v63  }
0x241: {  	_ =	swait.ge [sflag:s2], $0x1080  }
0x242: {  	[sflag:s2] =	ssyncset.done $0x0  }
0x243: {  	[sflag:s2] =	ssyncadd.s32 $0xFFFFEF80  }
0x244: {  	[bflag:$0x0] =	sbarrier.arrive $0xFFFF  }
0x245: {  	s20 =	stileid.u32;
	s31 =	sld [smem:$0x7FD]  }
0x246: {  	s0 =	sshll.u32 s20, $0x6  }
0x247: {  	s29 =	sor.u32 $0x1C01, s0;
	s16 =	rddreg [dreg:$0x4]  }
0x248: {  	s5 =	sadd.s32 $0xA7F, s31;
	s1 =	sadd.s32 $0xBFF, s31;
	s4 =	sadd.s32 $0xDFF, s31  }
0x249: {  	s7 =	sadd.s32 $0xCFF, s31;
	s22 =	sadd.s32 $0x7FF, s31;
	s8 =	sadd.s32 $0xD7F, s31  }
0x24a: {  	s9 =	sadd.s32 $0xB7F, s31;
	s10 =	sadd.s32 $0xC7F, s31;
	s11 =	sadd.s32 $0x9FF, s31  }
0x24b: {  	s12 =	sadd.s32 $0xAFF, s31;
	s14 =	sadd.s32 $0xE7F, s31;
	s13 =	sadd.s32 $0x8FF, s31  }
0x24c: {  	s15 =	sadd.s32 $0x97F, s31;
	s17 =	sadd.s32 $0x87F, s31;
	s3 =	sand.u32 $0x7, s22  }
0x24d: {  	s2 =	sand.u32 $0x7F8, s22;
	s25 =	sand.u32 $0xFF8, s17;
	s18 =	sand.u32 $0xFF8, s4  }
0x24e: {  	s28 =	sand.u32 $0xFF8, s13;
	s30 =	sand.u32 $0xFF8, s15;
	s19 =	sand.u32 $0xFF8, s8  }
0x24f: {  	s20 =	sand.u32 $0xFF8, s7;
	s15 =	sand.u32 $0xFF8, s12;
	s3 =	smul.u32 $0x42000, s3  }
0x250: {  	s8 =	sand.u32 $0xFF8, s9;
	s9 =	sand.u32 $0xFF8, s10;
	s10 =	sand.u32 $0xFF8, s1  }
0x251: {  	s1 =	sadd.s32 $0x0, s16;
	s5 =	sand.u32 $0xFF8, s5;
	s3 =	sshrl.u32 s3, $0x2  }
0x252: {  	s22 =	simm.s32 $0x10;
	s11 =	sand.u32 $0xFF8, s11;
	s6 =	sadd.s32 s3, s21  }
0x253: {  	s16 =	sadd.s32 $0x80, s1;
	s3 =	sadd.s32 s2, s6;
	s2 =	sadd.s32 s25, s6  }
0x254: {  	s4 =	sadd.s32 s28, s6;
	s0 =	sadd.s32 s15, s6;
	s7 =	sadd.s32 s30, s6  }
0x255: {  	s30 =	sadd.s32 $0x180, s1;
	s15 =	sadd.s32 s11, s6;
	s12 =	sadd.s32 s5, s6  }
0x256: {  	s8 =	sadd.s32 s8, s6;
	s5 =	sadd.s32 s9, s6;
	s9 =	sadd.s32 s20, s6  }
0x257: {  	s26 =	sshrl.u32 s3, $0x3;
	s25 =	sshrl.u32 s2, $0x3;
	s28 =	sshrl.u32 s4, $0x3  }
0x258: {  	s13 =	sshrl.u32 s7, $0x3;
	s17 =	sshrl.u32 s15, $0x3;
	s11 =	sshrl.u32 s8, $0x3  }
0x259: {  	s3 =	sadd.s32 $0x8400, s3;
	s2 =	sadd.s32 $0x8400, s2;
	s7 =	sadd.s32 $0x8400, s7  }
0x25a: {  	[hbm:s1@s22], [sflag:s29] =	dma.strided [spmem:s26@s23], $0x80, s24, $0x10   }
0x25b: {  	s26 =	sadd.s32 $0x100, s1;
	s3 =	sshrl.u32 s3, $0x3;
	s2 =	sshrl.u32 s2, $0x3  }
0x25c: {  	[hbm:s16@s22], [sflag:s29] =	dma.strided [spmem:s25@s23], $0x80, s24, $0x10   }
0x25d: {  	[hbm:s26@s22], [sflag:s29] =	dma.strided [spmem:s28@s23], $0x80, s24, $0x10   }
0x25e: {  	s16 =	sadd.s32 $0x200, s1;
	s25 =	sshrl.u32 s12, $0x3;
	s26 =	sadd.s32 $0x280, s1  }
0x25f: {  	[hbm:s30@s22], [sflag:s29] =	dma.strided [spmem:s13@s23], $0x80, s24, $0x10   }
0x260: {  	s28 =	sshrl.u32 s0, $0x3;
	s0 =	sadd.s32 $0x8400, s0;
	s30 =	sadd.s32 $0x300, s1  }
0x261: {  	s13 =	sadd.s32 s10, s6;
	s10 =	sadd.s32 s19, s6;
	s19 =	sadd.s32 $0x580, s1  }
0x262: {  	[hbm:s16@s22], [sflag:s29] =	dma.strided [spmem:s17@s23], $0x80, s24, $0x10   }
0x263: {  	s0 =	sshrl.u32 s0, $0x3;
	s16 =	sadd.s32 $0x380, s1;
	s17 =	sshrl.u32 s13, $0x3  }
0x264: {  	[hbm:s26@s22], [sflag:s29] =	dma.strided [spmem:s25@s23], $0x80, s24, $0x10   }
0x265: {  	[hbm:s30@s22], [sflag:s29] =	dma.strided [spmem:s28@s23], $0x80, s24, $0x10   }
0x266: {  	s25 =	sadd.s32 $0x400, s1;
	s26 =	sshrl.u32 s5, $0x3;
	s28 =	sadd.s32 $0x480, s1  }
0x267: {  	[hbm:s16@s22], [sflag:s29] =	dma.strided [spmem:s11@s23], $0x80, s24, $0x10   }
0x268: {  	s30 =	sshrl.u32 s9, $0x3;
	s11 =	sand.u32 $0xFF8, s14;
	s16 =	sadd.s32 $0x500, s1  }
0x269: {  	[hbm:s25@s22], [sflag:s29] =	dma.strided [spmem:s17@s23], $0x80, s24, $0x10   }
0x26a: {  	s14 =	sadd.s32 s18, s6;
	s18 =	sadd.s32 $0xF7F, s31;
	s17 =	sshrl.u32 s10, $0x3  }
0x26b: {  	[hbm:s28@s22], [sflag:s29] =	dma.strided [spmem:s26@s23], $0x80, s24, $0x10   }
0x26c: {  	s11 =	sadd.s32 s11, s6;
	s20 =	sshrl.u32 s14, $0x3;
	s26 =	sadd.s32 $0xEFF, s31  }
0x26d: {  	[hbm:s16@s22], [sflag:s29] =	dma.strided [spmem:s30@s23], $0x80, s24, $0x10   }
0x26e: {  	s25 =	sadd.s32 $0x600, s1;
	s28 =	sshrl.u32 s11, $0x3;
	s16 =	sand.u32 $0xFF8, s26  }
0x26f: {  	[hbm:s19@s22], [sflag:s29] =	dma.strided [spmem:s17@s23], $0x80, s24, $0x10   }
0x270: {  	s30 =	sadd.s32 $0x680, s1;
	s17 =	sand.u32 $0xFF8, s18;
	s16 =	sadd.s32 s16, s6  }
0x271: {  	[hbm:s25@s22], [sflag:s29] =	dma.strided [spmem:s20@s23], $0x80, s24, $0x10   }
0x272: {  	s19 =	sshrl.u32 s16, $0x3;
	s6 =	sadd.s32 s17, s6;
	s20 =	sadd.s32 $0x700, s1  }
0x273: {  	[hbm:s30@s22], [sflag:s29] =	dma.strided [spmem:s28@s23], $0x80, s24, $0x10   }
0x274: {  	s25 =	sadd.s32 $0x780, s1;
	s26 =	sshrl.u32 s6, $0x3;
	s28 =	sadd.s32 $0x800, s1  }
0x275: {  	[hbm:s20@s22], [sflag:s29] =	dma.strided [spmem:s19@s23], $0x80, s24, $0x10   }
0x276: {  	[hbm:s25@s22], [sflag:s29] =	dma.strided [spmem:s26@s23], $0x80, s24, $0x10   }
0x277: {  	[hbm:s28@s22], [sflag:s29] =	dma.strided [spmem:s3@s23], $0x80, s24, $0x10   }
0x278: {  	s18 =	sadd.s32 $0x8400, s15;
	s30 =	sadd.s32 $0x880, s1;
	s3 =	sadd.s32 $0x8400, s4  }
0x279: {  	[hbm:s30@s22], [sflag:s29] =	dma.strided [spmem:s2@s23], $0x80, s24, $0x10   }
0x27a: {  	s15 =	sadd.s32 $0x8400, s10;
	s4 =	sadd.s32 $0x900, s1;
	s2 =	sshrl.u32 s3, $0x3  }
0x27b: {  	[hbm:s4@s22], [sflag:s29] =	dma.strided [spmem:s2@s23], $0x80, s24, $0x10   }
0x27c: {  	s17 =	sadd.s32 $0x980, s1;
	s19 =	sadd.s32 $0xA00, s1;
	s2 =	sshrl.u32 s7, $0x3  }
0x27d: {  	[hbm:s17@s22], [sflag:s29] =	dma.strided [spmem:s2@s23], $0x80, s24, $0x10   }
0x27e: {  	s20 =	sadd.s32 $0x8400, s12;
	s25 =	sadd.s32 $0xA80, s1;
	s2 =	sshrl.u32 s18, $0x3  }
0x27f: {  	[hbm:s19@s22], [sflag:s29] =	dma.strided [spmem:s2@s23], $0x80, s24, $0x10   }
0x280: {  	s26 =	sadd.s32 $0xB00, s1;
	s28 =	sadd.s32 $0x8400, s8;
	s2 =	sshrl.u32 s20, $0x3  }
0x281: {  	[hbm:s25@s22], [sflag:s29] =	dma.strided [spmem:s2@s23], $0x80, s24, $0x10   }
0x282: {  	[hbm:s26@s22], [sflag:s29] =	dma.strided [spmem:s0@s23], $0x80, s24, $0x10   }
0x283: {  	s30 =	sadd.s32 $0xB80, s1;
	s3 =	sadd.s32 $0x8400, s13;
	s0 =	sshrl.u32 s28, $0x3  }
0x284: {  	[hbm:s30@s22], [sflag:s29] =	dma.strided [spmem:s0@s23], $0x80, s24, $0x10   }
0x285: {  	s4 =	sadd.s32 $0xC00, s1;
	s7 =	sadd.s32 $0x8400, s5;
	s0 =	sshrl.u32 s3, $0x3  }
0x286: {  	[hbm:s4@s22], [sflag:s29] =	dma.strided [spmem:s0@s23], $0x80, s24, $0x10   }
0x287: {  	s12 =	sadd.s32 $0x8400, s9;
	s8 =	sadd.s32 $0xC80, s1;
	s0 =	sshrl.u32 s7, $0x3  }
0x288: {  	[hbm:s8@s22], [sflag:s29] =	dma.strided [spmem:s0@s23], $0x80, s24, $0x10   }
0x289: {  	s13 =	sadd.s32 $0xD00, s1;
	s17 =	sadd.s32 $0xD80, s1;
	s0 =	sshrl.u32 s12, $0x3  }
0x28a: {  	[hbm:s13@s22], [sflag:s29] =	dma.strided [spmem:s0@s23], $0x80, s24, $0x10   }
0x28b: {  	s18 =	sadd.s32 $0x8400, s14;
	s19 =	sadd.s32 $0xE00, s1;
	s0 =	sshrl.u32 s15, $0x3  }
0x28c: {  	[hbm:s17@s22], [sflag:s29] =	dma.strided [spmem:s0@s23], $0x80, s24, $0x10   }
0x28d: {  	s20 =	sadd.s32 $0x8400, s11;
	s25 =	sadd.s32 $0xE80, s1;
	s0 =	sshrl.u32 s18, $0x3  }
0x28e: {  	[hbm:s19@s22], [sflag:s29] =	dma.strided [spmem:s0@s23], $0x80, s24, $0x10   }
0x28f: {  	s26 =	sadd.s32 $0x8400, s16;
	s22 =	simm.s32 $0x10;
	s0 =	sshrl.u32 s20, $0x3  }
0x290: {  	[hbm:s25@s22], [sflag:s29] =	dma.strided [spmem:s0@s23], $0x80, s24, $0x10   }
0x291: {  	s28 =	sadd.s32 $0xF00, s1;
	s30 =	sadd.s32 $0x8400, s6;
	s0 =	sshrl.u32 s26, $0x3  }
0x292: {  	[hbm:s28@s22], [sflag:s29] =	dma.strided [spmem:s0@s23], $0x80, s24, $0x10   }
0x293: {  	s1 =	sadd.s32 $0xF80, s1;
	s0 =	sshrl.u32 s30, $0x3  }
0x294: {  	[hbm:s1@s22], [sflag:s29] =	dma.strided [spmem:s0@s23], $0x80, s24, $0x10   }
0x295: {  	_ =	swait.ge [sflag:s24], $0x80  }
0x296: {  	[sflag:s24] =	ssyncset.done $0x0  }
0x297: {  	[sflag:s24] =	ssyncadd.s32 $0xFFFFFF80  }
0x298: {  	_ =	swait.ge [sflag:s24], $0x80  }
0x299: {  	[sflag:s24] =	ssyncset.done $0x0  }
0x29a: {  	[sflag:s24] =	ssyncadd.s32 $0xFFFFFF80  }
0x29b: {  	_ =	swait.ge [sflag:s24], $0x80  }
0x29c: {  	[sflag:s24] =	ssyncset.done $0x0  }
0x29d: {  	[sflag:s24] =	ssyncadd.s32 $0xFFFFFF80  }
0x29e: {  	_ =	swait.ge [sflag:s24], $0x80  }
0x29f: {  	[sflag:s24] =	ssyncset.done $0x0  }
0x2a0: {  	[sflag:s24] =	ssyncadd.s32 $0xFFFFFF80  }
0x2a1: {  	_ =	swait.ge [sflag:s24], $0x80  }
0x2a2: {  	[sflag:s24] =	ssyncset.done $0x0  }
0x2a3: {  	[sflag:s24] =	ssyncadd.s32 $0xFFFFFF80  }
0x2a4: {  	_ =	swait.ge [sflag:s24], $0x80  }
0x2a5: {  	[sflag:s24] =	ssyncset.done $0x0  }
0x2a6: {  	[sflag:s24] =	ssyncadd.s32 $0xFFFFFF80  }
0x2a7: {  	_ =	swait.ge [sflag:s24], $0x80  }
0x2a8: {  	[sflag:s24] =	ssyncset.done $0x0  }
0x2a9: {  	[sflag:s24] =	ssyncadd.s32 $0xFFFFFF80  }
0x2aa: {  	_ =	swait.ge [sflag:s24], $0x80  }
0x2ab: {  	[sflag:s24] =	ssyncset.done $0x0  }
0x2ac: {  	[sflag:s24] =	ssyncadd.s32 $0xFFFFFF80  }
0x2ad: {  	_ =	swait.ge [sflag:s24], $0x80  }
0x2ae: {  	[sflag:s24] =	ssyncset.done $0x0  }
0x2af: {  	[sflag:s24] =	ssyncadd.s32 $0xFFFFFF80  }
0x2b0: {  	_ =	swait.ge [sflag:s24], $0x80  }
0x2b1: {  	[sflag:s24] =	ssyncset.done $0x0  }
0x2b2: {  	[sflag:s24] =	ssyncadd.s32 $0xFFFFFF80  }
0x2b3: {  	_ =	swait.ge [sflag:s24], $0x80  }
0x2b4: {  	[sflag:s24] =	ssyncset.done $0x0  }
0x2b5: {  	[sflag:s24] =	ssyncadd.s32 $0xFFFFFF80  }
0x2b6: {  	_ =	swait.ge [sflag:s24], $0x80  }
0x2b7: {  	[sflag:s24] =	ssyncset.done $0x0  }
0x2b8: {  	[sflag:s24] =	ssyncadd.s32 $0xFFFFFF80  }
0x2b9: {  	_ =	swait.ge [sflag:s24], $0x80  }
0x2ba: {  	[sflag:s24] =	ssyncset.done $0x0  }
0x2bb: {  	[sflag:s24] =	ssyncadd.s32 $0xFFFFFF80  }
0x2bc: {  	_ =	swait.ge [sflag:s24], $0x80  }
0x2bd: {  	[sflag:s24] =	ssyncset.done $0x0  }
0x2be: {  	[sflag:s24] =	ssyncadd.s32 $0xFFFFFF80  }
0x2bf: {  	_ =	swait.ge [sflag:s24], $0x80  }
0x2c0: {  	[sflag:s24] =	ssyncset.done $0x0  }
0x2c1: {  	[sflag:s24] =	ssyncadd.s32 $0xFFFFFF80  }
0x2c2: {  	_ =	swait.ge [sflag:s24], $0x80  }
0x2c3: {  	[sflag:s24] =	ssyncset.done $0x0  }
0x2c4: {  	[sflag:s24] =	ssyncadd.s32 $0xFFFFFF80  }
0x2c5: {  	_ =	swait.ge [sflag:s24], $0x80  }
0x2c6: {  	[sflag:s24] =	ssyncset.done $0x0  }
0x2c7: {  	[sflag:s24] =	ssyncadd.s32 $0xFFFFFF80  }
0x2c8: {  	_ =	swait.ge [sflag:s24], $0x80  }
0x2c9: {  	[sflag:s24] =	ssyncset.done $0x0  }
0x2ca: {  	[sflag:s24] =	ssyncadd.s32 $0xFFFFFF80  }
0x2cb: {  	_ =	swait.ge [sflag:s24], $0x80  }
0x2cc: {  	[sflag:s24] =	ssyncset.done $0x0  }
0x2cd: {  	[sflag:s24] =	ssyncadd.s32 $0xFFFFFF80  }
0x2ce: {  	_ =	swait.ge [sflag:s24], $0x80  }
0x2cf: {  	[sflag:s24] =	ssyncset.done $0x0  }
0x2d0: {  	s0 =	simm.s32 $0x1000;
	[sflag:s24] =	ssyncadd.s32 $0xFFFFFF80  }
.LBB2_34:
0x2d1: {  	s17 =	sadd.s32 $0x1000, s0  }
0x2d2: {  	[dreg:$0x5] =	wrdreg s17  }
0x2d3: {  	_ =	swait.ge [sflag:s24], $0x80  }
0x2d4: {  	[sflag:s24] =	ssyncset.done $0x0  }
0x2d5: {  	[sflag:s24] =	ssyncadd.s32 $0xFFFFFF80  }
0x2d6: {  	_ =	swait.ge [sflag:s24], $0x80  }
0x2d7: {  	[sflag:s24] =	ssyncset.done $0x0  }
0x2d8: {  	[sflag:s24] =	ssyncadd.s32 $0xFFFFFF80  }
0x2d9: {  	_ =	swait.ge [sflag:s24], $0x80  }
0x2da: {  	[sflag:s24] =	ssyncset.done $0x0  }
0x2db: {  	[sflag:s24] =	ssyncadd.s32 $0xFFFFFF80  }
0x2dc: {  	_ =	swait.ge [sflag:s24], $0x80  }
0x2dd: {  	p0 =	sne.s32 s0, $0x3F000;
	[sflag:s24] =	ssyncset.done $0x0  }
0x2de: {  	s31 =	sadd.s32 $0xFFFFFFFF, s31;
	s20 =	smov.u32 s0;
	[sflag:s24] =	ssyncadd.s32 $0xFFFFFF80  }
0x2df: {  	s0 =	sadd.s32 $0xA7F, s31;
	s2 =	sadd.s32 $0xEFF, s31;
	_ =	swait.ge [sflag:s24], $0x80  }
0x2e0: {  	s5 =	sadd.s32 $0xBFF, s31;
	s3 =	sadd.s32 $0xDFF, s31;
	[sflag:s24] =	ssyncset.done $0x0  }
0x2e1: {  	s7 =	sadd.s32 $0xCFF, s31;
	s8 =	sadd.s32 $0xD7F, s31;
	[sflag:s24] =	ssyncadd.s32 $0xFFFFFF80  }
0x2e2: {  	s9 =	sadd.s32 $0xB7F, s31;
	s11 =	sadd.s32 $0xC7F, s31;
	_ =	swait.ge [sflag:s24], $0x80  }
0x2e3: {  	s12 =	sadd.s32 $0xAFF, s31;
	s6 =	sadd.s32 $0x7FF, s31;
	[sflag:s24] =	ssyncset.done $0x0  }
0x2e4: {  	s13 =	sadd.s32 $0xE7F, s31;
	s14 =	sadd.s32 $0x8FF, s31;
	[sflag:s24] =	ssyncadd.s32 $0xFFFFFF80  }
0x2e5: {  	s15 =	sadd.s32 $0x97F, s31;
	s17 =	sadd.s32 $0xF7F, s31;
	_ =	swait.ge [sflag:s24], $0x80  }
0x2e6: {  	s18 =	sadd.s32 $0x87F, s31;
	s10 =	sand.u32 $0x7, s6;
	[sflag:s24] =	ssyncset.done $0x0  }
0x2e7: {  	s19 =	sand.u32 $0x7F8, s6;
	s18 =	sand.u32 $0xFF8, s18;
	[sflag:s24] =	ssyncadd.s32 $0xFFFFFF80  }
0x2e8: {  	s2 =	sand.u32 $0xFF8, s2;
	s15 =	sand.u32 $0xFF8, s15;
	_ =	swait.ge [sflag:s24], $0x80  }
0x2e9: {  	s23 =	sand.u32 $0xFF8, s8;
	s7 =	sand.u32 $0xFF8, s7;
	[sflag:s24] =	ssyncset.done $0x0  }
0x2ea: {  	s17 =	sand.u32 $0xFF8, s17;
	s25 =	sand.u32 $0xFF8, s12;
	[sflag:s24] =	ssyncadd.s32 $0xFFFFFF80  }
0x2eb: {  	s26 =	sand.u32 $0xFF8, s9;
	s10 =	smul.u32 $0x42000, s10;
	_ =	swait.ge [sflag:s24], $0x80  }
0x2ec: {  	s28 =	sand.u32 $0xFF8, s11;
	s5 =	sand.u32 $0xFF8, s5;
	[sflag:s24] =	ssyncset.done $0x0  }
0x2ed: {  	s11 =	sand.u32 $0xFF8, s13;
	s10 =	sshrl.u32 s10, $0x2;
	[sflag:s24] =	ssyncadd.s32 $0xFFFFFF80  }
0x2ee: {  	s0 =	sand.u32 $0xFF8, s0;
	s6 =	sadd.s32 s10, s21;
	_ =	swait.ge [sflag:s24], $0x80  }
0x2ef: {  	s21 =	sand.u32 $0xFF8, s14;
	s19 =	sadd.s32 s19, s6;
	[sflag:s24] =	ssyncset.done $0x0  }
0x2f0: {  	s22 =	sadd.s32 s18, s6;
	s18 =	sand.u32 $0xFF8, s3;
	[sflag:s24] =	ssyncadd.s32 $0xFFFFFF80  }
0x2f1: {  	s3 =	sadd.s32 s25, s6;
	s12 =	sadd.s32 s26, s6;
	_ =	swait.ge [sflag:s24], $0x80  }
0x2f2: {  	s8 =	sadd.s32 s28, s6;
	s13 =	sadd.s32 s23, s6;
	[sflag:s24] =	ssyncset.done $0x0  }
0x2f3: {  	s2 =	sadd.s32 s2, s6;
	s1 =	sshrl.u32 s19, $0x3;
	[sflag:s24] =	ssyncadd.s32 $0xFFFFFF80  }
0x2f4: {  	s23 =	sshrl.u32 s13, $0x3;
	_ =	swait.ge [sflag:s24], $0x80;
	[dreg:$0x7] =	wrdreg s1  }
0x2f5: {  	s19 =	sadd.s32 $0x8400, s19;
	s25 =	sshrl.u32 s2, $0x3;
	[dreg:$0x9] =	wrdreg s23  }
0x2f6: {  	s7 =	sadd.s32 s7, s6;
	s26 =	sshrl.u32 s19, $0x3;
	[dreg:$0xa] =	wrdreg s25  }
0x2f7: {  	s9 =	sadd.s32 s11, s6;
	s2 =	sadd.s32 $0x8400, s2;
	[dreg:$0xb] =	wrdreg s26  }
0x2f8: {  	s14 =	sadd.s32 s17, s6;
	s17 =	sshrl.u32 s9, $0x3;
	[dreg:$0x1c] =	wrdreg s2  }
0x2f9: {  	s5 =	sadd.s32 s5, s6;
	s28 =	sadd.s32 $0x8400, s22;
	[dreg:$0x10] =	wrdreg s17  }
0x2fa: {  	s1 =	sadd.s32 s21, s6;
	s21 =	sshrl.u32 s12, $0x3;
	s16 =	rddreg [dreg:$0x4]  }
0x2fb: {  	s0 =	sadd.s32 s0, s6;
	s25 =	sshrl.u32 s28, $0x3;
	[dreg:$0xc] =	wrdreg s21  }
0x2fc: {  	s10 =	sadd.s32 $0x8400, s0;
	s17 =	sshrl.u32 s7, $0x3;
	[dreg:$0x11] =	wrdreg s25  }
0x2fd: {  	s0 =	sshrl.u32 s0, $0x3;
	s12 =	sadd.s32 $0x8400, s12;
	[dreg:$0x18] =	wrdreg s17  }
0x2fe: {  	s30 =	sadd.s32 $0x8400, s1;
	s12 =	sshrl.u32 s12, $0x3;
	[smem:$0x7E4] =	sst s0  }
0x2ff: {  	s25 =	sshrl.u32 s3, $0x3;
	s3 =	sadd.s32 $0x8400, s3;
	[dreg:$0x14] =	wrdreg s30  }
0x300: {  	s11 =	sadd.s32 s20, s16;
	s30 =	sadd.s32 s15, s6;
	[dreg:$0x8] =	wrdreg s12  }
0x301: {  	s20 =	sadd.s32 $0x8400, s7;
	s15 =	sshrl.u32 s5, $0x3;
	[smem:$0x7E5] =	sst s25  }
0x302: {  	s16 =	sadd.s32 $0x8400, s9;
	s7 =	sshrl.u32 s3, $0x3;
	[dreg:$0x1a] =	wrdreg s15  }
0x303: {  	s23 =	sshrl.u32 s16, $0x3;
	[dreg:$0x15] =	wrdreg s7  }
0x304: {  	s28 =	sadd.s32 $0xA80, s11;
	[dreg:$0x6] =	wrdreg s23  }
0x305: {  	s12 =	sadd.s32 $0x180, s11;
	[dreg:$0xf] =	wrdreg s28  }
0x306: {  	s16 =	sshrl.u32 s10, $0x3;
	[smem:$0x7E3] =	sst s12  }
0x307: {  	s26 =	sadd.s32 $0x8400, s5;
	s5 =	sadd.s32 $0x800, s11;
	[dreg:$0x12] =	wrdreg s16  }
0x308: {  	s9 =	sadd.s32 $0x680, s11;
	[dreg:$0x1b] =	wrdreg s5  }
0x309: {  	s10 =	sadd.s32 $0x700, s11;
	[smem:$0x7E9] =	sst s9  }
0x30a: {  	s4 =	sadd.s32 $0x9FF, s31;
	s15 =	sadd.s32 $0x600, s11;
	[smem:$0x7EA] =	sst s10  }
0x30b: {  	s21 =	sadd.s32 $0x8400, s30;
	s7 =	sadd.s32 $0xE00, s11;
	[smem:$0x7E8] =	sst s15  }
0x30c: {  	s18 =	sadd.s32 s18, s6;
	s2 =	sshrl.u32 s21, $0x3;
	[dreg:$0x1e] =	wrdreg s7  }
0x30d: {  	s22 =	sshrl.u32 s22, $0x3;
	s23 =	sshrl.u32 s18, $0x3;
	[dreg:$0xe] =	wrdreg s2  }
0x30e: {  	s19 =	sadd.s32 $0x8400, s8;
	s28 =	sadd.s32 $0x880, s11;
	[dreg:$0x17] =	wrdreg s23  }
0x30f: {  	[sflag:s24] =	ssyncset.done $0x0;
	s12 =	sadd.s32 $0x500, s11;
	[dreg:$0x16] =	wrdreg s28  }
0x310: {  	s17 =	sshrl.u32 s8, $0x3;
	s16 =	sadd.s32 $0xB80, s11;
	[smem:$0x7E6] =	sst s12  }
0x311: {  	s21 =	sadd.s32 $0x8400, s18;
	s18 =	sadd.s32 $0xD80, s11;
	[dreg:$0x1f] =	wrdreg s16  }
0x312: {  	[sflag:s24] =	ssyncadd.s32 $0xFFFFFF80;
	s5 =	sshrl.u32 s20, $0x3;
	[dreg:$0x19] =	wrdreg s18  }
0x313: {  	s25 =	sadd.s32 $0x400, s11;
	s3 =	sadd.s32 $0x80, s11;
	[smem:$0x7EC] =	sst s5  }
0x314: {  	s15 =	sadd.s32 $0x380, s11;
	s20 =	sadd.s32 $0xD00, s11;
	s18 =	rddreg [dreg:$0x14]  }
0x315: {  	s9 =	sadd.s32 $0x200, s11;
	s10 =	sadd.s32 $0x280, s11;
	[smem:$0x7ED] =	sst s20  }
0x316: {  	s7 =	sadd.s32 $0x480, s11;
	s2 =	sshrl.u32 s26, $0x3;
	s20 =	rddreg [dreg:$0x7]  }
0x317: {  	s23 =	sand.u32 $0xFF8, s4;
	s26 =	sadd.s32 $0x980, s11;
	[dreg:$0xd] =	wrdreg s2  }
0x318: {  	s4 =	sadd.s32 $0x780, s11;
	s28 =	sadd.s32 $0x300, s11;
	[dreg:$0x13] =	wrdreg s26  }
0x319: {  	s16 =	sadd.s32 $0x900, s11;
	s12 =	sshrl.u32 s21, $0x3;
	[dreg:$0x1d] =	wrdreg s4  }
0x31a: {  	s2 =	sadd.s32 $0x8400, s13;
	s13 =	sadd.s32 $0x580, s11;
	[smem:$0x7EF] =	sst s12  }
0x31b: {  	s4 =	sadd.s32 $0x100, s11;
	s26 =	sadd.s32 $0xB00, s11;
	[smem:$0x7E7] =	sst s13  }
0x31c: {  	s12 =	sshrl.u32 s18, $0x3;
	s18 =	sadd.s32 $0xC80, s11;
	[smem:$0x7EB] =	sst s26  }
0x31d: {  	s26 =	sadd.s32 s23, s6;
	s8 =	sshrl.u32 s2, $0x3;
	s13 =	sadd.s32 $0xE80, s11  }
0x31e: {  	s2 =	sshrl.u32 s1, $0x3;
	s1 =	sshrl.u32 s30, $0x3;
	[smem:$0x7EE] =	sst s8  }
0x31f: {  	s30 =	sadd.s32 $0xC00, s11;
	s6 =	sadd.s32 $0xA00, s11;
	[smem:$0x7F0] =	sst s13  }
0x320: {  	s8 =	sshrl.u32 s14, $0x3;
	s21 =	sadd.s32 $0x8400, s26;
	s14 =	sadd.s32 $0x8400, s14  }
0x321: {  	s13 =	sshrl.u32 s19, $0x3;
	s19 =	sadd.s32 $0xF00, s11;
	s0 =	sshrl.u32 s26, $0x3  }
0x322: {  	s26 =	rddreg [dreg:$0x1c];
	s23 =	sshrl.u32 s14, $0x3;
	s5 =	sshrl.u32 s21, $0x3  }
0x323: {  	s21 =	simm.s32 $0x210;
	[smem:$0x7F1] =	sst s23;
	s23 =	simm.s32 $0x10  }
0x324: {  	[hbm:s11@s23], [sflag:s29] =	dma.strided [spmem:s20@s21], $0x80, s24, $0x10   }
0x325: {  	s14 =	sadd.s32 $0xF80, s11;
	s23 =	simm.s32 $0x210;
	s11 =	simm.s32 $0x10  }
0x326: {  	[hbm:s3@s11], [sflag:s29] =	dma.strided [spmem:s22@s23], $0x80, s24, $0x10   }
0x327: {  	[hbm:s4@s11], [sflag:s29] =	dma.strided [spmem:s2@s23], $0x80, s24, $0x10   }
0x328: {  	s2 =	sld [smem:$0x7E3];
	_ =	sdelay $0x2  }
0x329: {  	[hbm:s2@s11], [sflag:s29] =	dma.strided [spmem:s1@s23], $0x80, s24, $0x10   }
0x32a: {  	[hbm:s9@s11], [sflag:s29] =	dma.strided [spmem:s0@s23], $0x80, s24, $0x10   }
0x32b: {  	s4 =	sld [smem:$0x7E4];
	_ =	sdelay $0x1  }
0x32c: {  	s0 =	rddreg [dreg:$0x5]  }
0x32d: {  	[hbm:s10@s11], [sflag:s29] =	dma.strided [spmem:s4@s23], $0x80, s24, $0x10   }
0x32e: {  	s1 =	sld [smem:$0x7E5];
	_ =	sdelay $0x2  }
0x32f: {  	[hbm:s28@s11], [sflag:s29] =	dma.strided [spmem:s1@s23], $0x80, s24, $0x10   }
0x330: {  	s1 =	rddreg [dreg:$0xc]  }
0x331: {  	[hbm:s15@s11], [sflag:s29] =	dma.strided [spmem:s1@s23], $0x80, s24, $0x10   }
0x332: {  	s1 =	rddreg [dreg:$0x1a]  }
0x333: {  	[hbm:s25@s11], [sflag:s29] =	dma.strided [spmem:s1@s23], $0x80, s24, $0x10   }
0x334: {  	[hbm:s7@s11], [sflag:s29] =	dma.strided [spmem:s17@s23], $0x80, s24, $0x10   }
0x335: {  	s10 =	sld [smem:$0x7E6];
	_ =	sdelay $0x1  }
0x336: {  	s9 =	rddreg [dreg:$0x18]  }
0x337: {  	[hbm:s10@s11], [sflag:s29] =	dma.strided [spmem:s9@s23], $0x80, s24, $0x10   }
0x338: {  	s2 =	sld [smem:$0x7E7];
	_ =	sdelay $0x1  }
0x339: {  	s1 =	rddreg [dreg:$0x9]  }
0x33a: {  	[hbm:s2@s11], [sflag:s29] =	dma.strided [spmem:s1@s23], $0x80, s24, $0x10   }
0x33b: {  	s2 =	sld [smem:$0x7E8];
	_ =	sdelay $0x1  }
0x33c: {  	s1 =	rddreg [dreg:$0x17]  }
0x33d: {  	[hbm:s2@s11], [sflag:s29] =	dma.strided [spmem:s1@s23], $0x80, s24, $0x10   }
0x33e: {  	s2 =	sld [smem:$0x7E9];
	_ =	sdelay $0x1  }
0x33f: {  	s1 =	rddreg [dreg:$0x10]  }
0x340: {  	[hbm:s2@s11], [sflag:s29] =	dma.strided [spmem:s1@s23], $0x80, s24, $0x10   }
0x341: {  	s2 =	sld [smem:$0x7EA];
	_ =	sdelay $0x1  }
0x342: {  	s1 =	rddreg [dreg:$0xa]  }
0x343: {  	[hbm:s2@s11], [sflag:s29] =	dma.strided [spmem:s1@s23], $0x80, s24, $0x10   }
0x344: {  	s1 =	rddreg [dreg:$0x1d]  }
0x345: {  	[hbm:s1@s11], [sflag:s29] =	dma.strided [spmem:s8@s23], $0x80, s24, $0x10   }
0x346: {  	s1 =	rddreg [dreg:$0xb]  }
0x347: {  	s15 =	rddreg [dreg:$0x1b]  }
0x348: {  	[hbm:s15@s11], [sflag:s29] =	dma.strided [spmem:s1@s23], $0x80, s24, $0x10   }
0x349: {  	s1 =	rddreg [dreg:$0x11]  }
0x34a: {  	s2 =	rddreg [dreg:$0x16]  }
0x34b: {  	[hbm:s2@s11], [sflag:s29] =	dma.strided [spmem:s1@s23], $0x80, s24, $0x10   }
0x34c: {  	[hbm:s16@s11], [sflag:s29] =	dma.strided [spmem:s12@s23], $0x80, s24, $0x10   }
0x34d: {  	s17 =	rddreg [dreg:$0xe]  }
0x34e: {  	s20 =	rddreg [dreg:$0x13]  }
0x34f: {  	[hbm:s20@s11], [sflag:s29] =	dma.strided [spmem:s17@s23], $0x80, s24, $0x10   }
0x350: {  	[hbm:s6@s11], [sflag:s29] =	dma.strided [spmem:s5@s23], $0x80, s24, $0x10   }
0x351: {  	s21 =	rddreg [dreg:$0xf]  }
0x352: {  	s22 =	rddreg [dreg:$0x12]  }
0x353: {  	[hbm:s21@s11], [sflag:s29] =	dma.strided [spmem:s22@s23], $0x80, s24, $0x10   }
0x354: {  	s2 =	sld [smem:$0x7EB];
	_ =	sdelay $0x1  }
0x355: {  	s1 =	rddreg [dreg:$0x15]  }
0x356: {  	[hbm:s2@s11], [sflag:s29] =	dma.strided [spmem:s1@s23], $0x80, s24, $0x10   }
0x357: {  	s1 =	rddreg [dreg:$0x8]  }
0x358: {  	s2 =	rddreg [dreg:$0x1f]  }
0x359: {  	[hbm:s2@s11], [sflag:s29] =	dma.strided [spmem:s1@s23], $0x80, s24, $0x10   }
0x35a: {  	s1 =	rddreg [dreg:$0xd]  }
0x35b: {  	[hbm:s30@s11], [sflag:s29] =	dma.strided [spmem:s1@s23], $0x80, s24, $0x10   }
0x35c: {  	[hbm:s18@s11], [sflag:s29] =	dma.strided [spmem:s13@s23], $0x80, s24, $0x10   }
0x35d: {  	s25 =	sld [smem:$0x7EC]  }
0x35e: {  	s28 =	sld [smem:$0x7ED];
	_ =	sdelay $0x2  }
0x35f: {  	[hbm:s28@s11], [sflag:s29] =	dma.strided [spmem:s25@s23], $0x80, s24, $0x10   }
0x360: {  	s2 =	sld [smem:$0x7EE]  }
0x361: {  	s21 =	rddreg [dreg:$0x2]  }
0x362: {  	s1 =	rddreg [dreg:$0x19]  }
0x363: {  	[hbm:s1@s11], [sflag:s29] =	dma.strided [spmem:s2@s23], $0x80, s24, $0x10   }
0x364: {  	s2 =	sld [smem:$0x7EF];
	_ =	sdelay $0x1  }
0x365: {  	s1 =	rddreg [dreg:$0x1e]  }
0x366: {  	[hbm:s1@s11], [sflag:s29] =	dma.strided [spmem:s2@s23], $0x80, s24, $0x10   }
0x367: {  	s2 =	sld [smem:$0x7F0];
	_ =	sdelay $0x1  }
0x368: {  	s26 =	sshrl.u32 s26, $0x3;
	s1 =	rddreg [dreg:$0x6]  }
0x369: {  	[hbm:s2@s11], [sflag:s29] =	dma.strided [spmem:s1@s23], $0x80, s24, $0x10   }
0x36a: {  	[hbm:s19@s11], [sflag:s29] =	dma.strided [spmem:s26@s23], $0x80, s24, $0x10   }
0x36b: {  	s30 =	sld [smem:$0x7F1];
	_ =	sdelay $0x2  }
0x36c: {  	[hbm:s14@s11], [sflag:s29] =	dma.strided [spmem:s30@s23], $0x80, s24, $0x10   }
0x36d: {  	_ =	swait.ge [sflag:s24], $0x80  }
0x36e: {  	[sflag:s24] =	ssyncset.done $0x0  }
0x36f: {  	[sflag:s24] =	ssyncadd.s32 $0xFFFFFF80  }
0x370: {  	_ =	swait.ge [sflag:s24], $0x80  }
0x371: {  	[sflag:s24] =	ssyncset.done $0x0  }
0x372: {  	[sflag:s24] =	ssyncadd.s32 $0xFFFFFF80  }
0x373: {  	_ =	swait.ge [sflag:s24], $0x80  }
0x374: {  	[sflag:s24] =	ssyncset.done $0x0  }
0x375: {  	[sflag:s24] =	ssyncadd.s32 $0xFFFFFF80  }
0x376: {  	_ =	swait.ge [sflag:s24], $0x80  }
0x377: {  	[sflag:s24] =	ssyncset.done $0x0  }
0x378: {  	[sflag:s24] =	ssyncadd.s32 $0xFFFFFF80  }
0x379: {  	_ =	swait.ge [sflag:s24], $0x80  }
0x37a: {  	[sflag:s24] =	ssyncset.done $0x0  }
0x37b: {  	[sflag:s24] =	ssyncadd.s32 $0xFFFFFF80  }
0x37c: {  	_ =	swait.ge [sflag:s24], $0x80  }
0x37d: {  	[sflag:s24] =	ssyncset.done $0x0  }
0x37e: {  	[sflag:s24] =	ssyncadd.s32 $0xFFFFFF80  }
0x37f: {  	_ =	swait.ge [sflag:s24], $0x80  }
0x380: {  	[sflag:s24] =	ssyncset.done $0x0  }
0x381: {  	[sflag:s24] =	ssyncadd.s32 $0xFFFFFF80  }
0x382: {  	_ =	swait.ge [sflag:s24], $0x80  }
0x383: {  	[sflag:s24] =	ssyncset.done $0x0  }
0x384: {  	[sflag:s24] =	ssyncadd.s32 $0xFFFFFF80  }
0x385: {  	_ =	swait.ge [sflag:s24], $0x80  }
0x386: {  	[sflag:s24] =	ssyncset.done $0x0  }
0x387: {  	[sflag:s24] =	ssyncadd.s32 $0xFFFFFF80  }
0x388: {  	_ =	swait.ge [sflag:s24], $0x80  }
0x389: {  	[sflag:s24] =	ssyncset.done $0x0  }
0x38a: {  	[sflag:s24] =	ssyncadd.s32 $0xFFFFFF80  }
0x38b: {  	_ =	swait.ge [sflag:s24], $0x80  }
0x38c: {  	[sflag:s24] =	ssyncset.done $0x0  }
0x38d: {  	[sflag:s24] =	ssyncadd.s32 $0xFFFFFF80  }
0x38e: {  	_ =	swait.ge [sflag:s24], $0x80  }
0x38f: {  	[sflag:s24] =	ssyncset.done $0x0  }
0x390: {  	[sflag:s24] =	ssyncadd.s32 $0xFFFFFF80  }
0x391: {  	_ =	swait.ge [sflag:s24], $0x80  }
0x392: {  	[sflag:s24] =	ssyncset.done $0x0  }
0x393: {  	[sflag:s24] =	ssyncadd.s32 $0xFFFFFF80  }
0x394: {  	_ =	swait.ge [sflag:s24], $0x80  }
0x395: {  	[sflag:s24] =	ssyncset.done $0x0  }
0x396: {  	[sflag:s24] =	ssyncadd.s32 $0xFFFFFF80  }
0x397: {  	_ =	swait.ge [sflag:s24], $0x80  }
0x398: {  	[sflag:s24] =	ssyncset.done $0x0  }
0x399: {  	[sflag:s24] =	ssyncadd.s32 $0xFFFFFF80  }
0x39a: {  	_ =	swait.ge [sflag:s24], $0x80  }
0x39b: {  	[sflag:s24] =	ssyncset.done $0x0  }
0x39c: {  	[sflag:s24] =	ssyncadd.s32 $0xFFFFFF80  }
0x39d: {  	_ =	swait.ge [sflag:s24], $0x80  }
0x39e: {  	[sflag:s24] =	ssyncset.done $0x0  }
0x39f: {  	[sflag:s24] =	ssyncadd.s32 $0xFFFFFF80  }
0x3a0: {  	_ =	swait.ge [sflag:s24], $0x80  }
0x3a1: {  	[sflag:s24] =	ssyncset.done $0x0  }
0x3a2: {  	[sflag:s24] =	ssyncadd.s32 $0xFFFFFF80  }
0x3a3: {  	_ =	swait.ge [sflag:s24], $0x80  }
.Ltmp16:
0x3a4: {  	[sflag:s24] =	ssyncset.done $0x0;
	(pc) =	sbr.rel @p0 .LBB2_34-.Ltmp16, $4  }
0x3a5: {  	[sflag:s24] =	ssyncadd.s32 $0xFFFFFF80  }
0x3a6: {  	_ =	swait.ge [sflag:s24], $0x80  }
0x3a7: {  	[sflag:s24] =	ssyncset.done $0x0  }
0x3a8: {  	[sflag:s24] =	ssyncadd.s32 $0xFFFFFF80  }
0x3a9: {  	_ =	swait.ge [sflag:s24], $0x80  }
0x3aa: {  	[sflag:s24] =	ssyncset.done $0x0  }
0x3ab: {  	[sflag:s24] =	ssyncadd.s32 $0xFFFFFF80  }
0x3ac: {  	_ =	swait.ge [sflag:s24], $0x80  }
0x3ad: {  	[sflag:s24] =	ssyncset.done $0x0  }
0x3ae: {  	[sflag:s24] =	ssyncadd.s32 $0xFFFFFF80  }
0x3af: {  	_ =	swait.ge [sflag:s24], $0x80  }
0x3b0: {  	[sflag:s24] =	ssyncset.done $0x0  }
0x3b1: {  	[sflag:s24] =	ssyncadd.s32 $0xFFFFFF80  }
0x3b2: {  	_ =	swait.ge [sflag:s24], $0x80  }
0x3b3: {  	[sflag:s24] =	ssyncset.done $0x0  }
0x3b4: {  	[sflag:s24] =	ssyncadd.s32 $0xFFFFFF80  }
0x3b5: {  	_ =	swait.ge [sflag:s24], $0x80  }
0x3b6: {  	[sflag:s24] =	ssyncset.done $0x0  }
0x3b7: {  	[sflag:s24] =	ssyncadd.s32 $0xFFFFFF80  }
0x3b8: {  	_ =	swait.ge [sflag:s24], $0x80  }
0x3b9: {  	[sflag:s24] =	ssyncset.done $0x0  }
0x3ba: {  	[sflag:s24] =	ssyncadd.s32 $0xFFFFFF80  }
0x3bb: {  	_ =	swait.ge [sflag:s24], $0x80  }
0x3bc: {  	[sflag:s24] =	ssyncset.done $0x0  }
0x3bd: {  	[sflag:s24] =	ssyncadd.s32 $0xFFFFFF80  }
0x3be: {  	_ =	swait.ge [sflag:s24], $0x80  }
0x3bf: {  	[sflag:s24] =	ssyncset.done $0x0  }
0x3c0: {  	[sflag:s24] =	ssyncadd.s32 $0xFFFFFF80  }
0x3c1: {  	_ =	swait.ge [sflag:s24], $0x80  }
0x3c2: {  	[sflag:s24] =	ssyncset.done $0x0  }
0x3c3: {  	[sflag:s24] =	ssyncadd.s32 $0xFFFFFF80  }
0x3c4: {  	_ =	swait.ge [sflag:s24], $0x80  }
0x3c5: {  	[sflag:s24] =	ssyncset.done $0x0  }
0x3c6: {  	[sflag:s24] =	ssyncadd.s32 $0xFFFFFF80  }
0x3c7: {  	_ =	swait.ge [sflag:s24], $0x80  }
0x3c8: {  	[sflag:s24] =	ssyncset.done $0x0  }
0x3c9: {  	[sflag:s24] =	ssyncadd.s32 $0xFFFFFF80  }
0x3ca: {  	_ =	swait.ge [sflag:s24], $0x80  }
0x3cb: {  	s1 =	sld [smem:$0x7F2]  }
0x3cc: {  	s0 =	sld [smem:$0x7FC];
	_ =	sdelay $0x1  }
0x3cd: {  	s1 =	sadd.s32 $0x1, s1  }
0x3ce: {  	p0 =	sne.s32 s1, s0  }
.Ltmp17:
0x3cf: {  	_ = 	snop;
	(pc) =	sbr.rel @p0 .LBB2_1-.Ltmp17, $3  }
0x3d0: {  	_ =	sdelay $0x1  }
0x3d1: {  	[sflag:s24] =	ssyncset.done $0x0  }
0x3d2: {  	s2 =	simm.s32 $0x2;
	[sflag:s24] =	ssyncadd.s32 $0xFFFFFF80  }
0x3d3: {  	_ =	sfence.sel $0x180000  }
0x3d4: {  	[bflag:$0x0] =	sbarrier.arrive $0xFFFF  }
0x3d5: {  	_ =	strace $0x90000047  }
0x3d6: {  	s0 =	stileid.u32;
	[bflag:$0x2] =	sbarrier.arrive $0xFFFF  }
0x3d7: {  	p0 =	sne.s32 s0, $0x0;
	s0 =	rddreg [dreg:$0x3]  }
0x3d8: {  	s0 =	sadd.s32 @!p0 $0x100000, s0  }
0x3d9: {  	[sflag:s0] =	ssyncadd.tile.s32 @!p0 $0x1;
	_ =	shalt  }
.Lfunc_end2:
_tile_overlayer_lowered:
.L_overlay_start_2:
0x3da: {  	(tag) =	ssettag $0x2  }
0x3db: {  	s0 =	rddreg [dreg:$0x0];
	s2 =	stileid.u32  }
0x3dc: {  	s1 =	rddreg [dreg:$0x1];
	p0 =	sne.s32 s2, $0x0  }
0x3dd: {  	s3 =	rddreg [dreg:$0x2];
	[bflag:$0x3] =	sbarrier.arrive $0xFFFF;
	s2 =	simm.s32 @!p0 $0x1C02  }
0x3de: {  	[timem:s3], [sflag:s2] =	dma.local @!p0 [hbm:s0], s1  }
0x3df: {  	s0 =	simm.s32 @!p0 $0x2  }
0x3e0: {  	_ =	swait.ge @!p0 [sflag:s0], s1  }
0x3e1: {  	s1 =	ssub.s32 @!p0 $0x0, s1;
	[sflag:s0] =	ssyncset.done @!p0 $0x0  }
0x3e2: {  	[sflag:s0] =	ssyncadd.s32 @!p0 s1  }
0x3e3: {  	[bflag:$0x3] =	sbarrier.arrive $0xFFFF  }
0x3e4: {  	_ =	shalt  }

</sc_bundles>
